<compile_context>
chip_gen: v7x
topology: tpu7x:2x2x1
jax: 0.10.2.dev20260603
libtpu: 0.0.44.dev20260713+nightly
codegen_flags: <defaults>
</compile_context>

<pallas_src>
import functools

import jax
import jax.numpy as jnp
from jax import lax
from jax.experimental import pallas as pl
from jax.experimental.pallas import tpu as pltpu
from jax.experimental.pallas import tpu_sc as plsc

NUM_NODES = 1100000
NUM_FILLER = 100000
NUM_MOVABLE = 800000
NUM_PHYS = NUM_NODES - NUM_FILLER
NBX = 512
NBY = 512
NBINS = NBX * NBY
XL, XH, YL, YH = 0.0, 1000.0, 0.0, 1000.0
BSX = (XH - XL) / NBX
BSY = (YH - YL) / NBY
UNIT_PIN_CAP = 4.0
PIN_STRETCH = 1.4142135623730951
MAX_RATE = 2.0
MIN_RATE = 1.0 / MAX_RATE
CAP = BSX * BSY * UNIT_PIN_CAP
INV_CAP = 1.0 / CAP
SMINX = BSX * PIN_STRETCH
SMINY = BSY * PIN_STRETCH

NC = 2
NS = 16
NW = NC * NS

TN1 = 32768
NP_PAD = NW * TN1
C1 = 2048
NSUB1 = TN1 // C1
ST1 = C1 // 16

TM = 25600
NM_PAD = NW * TM
C2 = 1280
NSUB2 = TM // C2
ST2 = C2 // 16

MSLICE = NBINS // NS
USLICE = 4096
INV_BSX = 1.0 / BSX
INV_BSY = 1.0 / BSY


def _axis_terms(qmin, qmax, inv_bs, bs):
    bl = jnp.clip((qmin * inv_bs).astype(jnp.int32), 0, NBX - 1)
    bh = jnp.clip((qmax * inv_bs).astype(jnp.int32), 0, NBX - 1)
    blo0 = bl.astype(jnp.float32) * bs
    blo1 = blo0 + bs
    blo2 = blo1 + bs
    ov0 = jnp.minimum(qmax, blo1) - jnp.maximum(qmin, blo0)
    ov1 = jnp.minimum(qmax - blo1, bs)
    ov2 = qmax - blo2
    b1 = bl + 1
    return ((ov0, ov1, ov2), (None, bh > bl, bh > b1), (bl, b1, bl + 2))


def _mand(a, b):
    if a is None:
        return b
    if b is None:
        return a
    return a & b


def _in_copies(hbm_refs, wid, base, cn, bufs, sem):
    return [
        pltpu.make_async_copy(h.at[wid, pl.ds(base, cn)], b, sem)
        for h, b in zip(hbm_refs, bufs)
    ]


def _scatter_body(x_h, y_h, sx_h, sy_h, lo_h, hi_h, out_h,
                  xb0, yb0, sxb0, syb0, lob0, hib0,
                  xb1, yb1, sxb1, syb1, lob1, hib1,
                  idx0, val0, idx1, val1, zb, mapsh,
                  sem_in0, sem_in1, sem_sc0, sem_sc1):
    c = lax.axis_index("c")
    s = lax.axis_index("s")
    wid = c * NS + s
    hbm = (x_h, y_h, sx_h, sy_h, lo_h, hi_h)
    insets = ((xb0, yb0, sxb0, syb0, lob0, hib0),
              (xb1, yb1, sxb1, syb1, lob1, hib1))
    sem_in = (sem_in0, sem_in1)
    idxs = (idx0, idx1)
    vals = (val0, val1)
    sem_sc = (sem_sc0, sem_sc1)

    for cp in _in_copies(hbm, wid, 0, C1, insets[0], sem_in[0]):
        cp.start()

    def zstep(i, _):
        zb[pl.ds(i * 16, 16)] = jnp.zeros((16,), jnp.float32)
        return _
    lax.fori_loop(0, C1 // 16, zstep, None)
    for j in range(MSLICE // C1):
        pltpu.sync_copy(zb, mapsh.at[pl.ds(s * MSLICE + j * C1, C1)])
    plsc.subcore_barrier()

    def scat_copy(b):
        return pltpu.make_async_copy(
            vals[b], mapsh.at[plsc.Indices(idxs[b], ignored_value=-1)],
            sem_sc[b])

    def compute(bufs, idxb, valb):
        xb, yb, sxb, syb, lob, hib = bufs

        def step(i, _):
            sl = pl.ds(i * 16, 16)
            x = xb[sl]
            y = yb[sl]
            sx = sxb[sl]
            sy = syb[sl]
            w = (hib[sl] - lob[sl]).astype(jnp.float32)
            half_sx = 0.5 * jnp.maximum(SMINX, sx)
            half_sy = 0.5 * jnp.maximum(SMINY, sy)
            cx = x + 0.5 * sx
            cy = y + 0.5 * sy
            xmin = cx - half_sx
            xmax = cx + half_sx
            ymin = cy - half_sy
            ymax = cy + half_sy
            dens = w / (4.0 * (half_sx * half_sy))
            oxs, vxs, bxs = _axis_terms(xmin, xmax, INV_BSX, BSX)
            oys, vys, bys = _axis_terms(ymin, ymax, INV_BSY, BSY)
            oxd = [ox * dens for ox in oxs]
            off = i * 16
            neg1 = jnp.full((16,), -1, jnp.int32)
            for kx in range(3):
                colx = bxs[kx] * NBY
                for ky in range(3):
                    plane = kx * 3 + ky
                    psl = pl.ds(plane * C1 + off, 16)
                    m = _mand(vxs[kx], vys[ky])
                    raw = colx + bys[ky]
                    idxb[psl] = raw if m is None else jnp.where(m, raw, neg1)
                    valb[psl] = oxd[kx] * oys[ky]
            return _
        lax.fori_loop(0, ST1, step, None)

    def pair(p, _):
        for b in (0, 1):
            g = 2 * p + b
            o = 1 - b

            @pl.when(g + 1 < NSUB1)
            def _prefetch():
                for cp in _in_copies(hbm, wid, (g + 1) * C1, C1,
                                     insets[o], sem_in[o]):
                    cp.start()

            for cp in _in_copies(hbm, wid, g * C1, C1, insets[b], sem_in[b]):
                cp.wait()

            @pl.when(g >= 2)
            def _drain():
                scat_copy(b).wait()

            compute(insets[b], idxs[b], vals[b])
            scat_copy(b).start(add=True)
        return _
    lax.fori_loop(0, NSUB1 // 2, pair, None)
    scat_copy(0).wait()
    scat_copy(1).wait()

    plsc.subcore_barrier()
    pltpu.sync_copy(mapsh.at[pl.ds(s * MSLICE, MSLICE)],
                    out_h.at[c, pl.ds(s * MSLICE, MSLICE)])


_scatter_kernel = functools.partial(
    pl.kernel,
    out_type=jax.ShapeDtypeStruct((NC, NBINS), jnp.float32),
    mesh=plsc.VectorSubcoreMesh(core_axis_name="c", subcore_axis_name="s"),
    scratch_types=[
        pltpu.VMEM((C1,), jnp.float32),
        pltpu.VMEM((C1,), jnp.float32),
        pltpu.VMEM((C1,), jnp.float32),
        pltpu.VMEM((C1,), jnp.float32),
        pltpu.VMEM((C1,), jnp.int32),
        pltpu.VMEM((C1,), jnp.int32),
        pltpu.VMEM((C1,), jnp.float32),
        pltpu.VMEM((C1,), jnp.float32),
        pltpu.VMEM((C1,), jnp.float32),
        pltpu.VMEM((C1,), jnp.float32),
        pltpu.VMEM((C1,), jnp.int32),
        pltpu.VMEM((C1,), jnp.int32),
        pltpu.VMEM((9 * C1,), jnp.int32),
        pltpu.VMEM((9 * C1,), jnp.float32),
        pltpu.VMEM((9 * C1,), jnp.int32),
        pltpu.VMEM((9 * C1,), jnp.float32),
        pltpu.VMEM((C1,), jnp.float32),
        pltpu.VMEM_SHARED((NBINS,), jnp.float32),
        pltpu.SemaphoreType.DMA,
        pltpu.SemaphoreType.DMA,
        pltpu.SemaphoreType.DMA,
        pltpu.SemaphoreType.DMA,
    ],
)(_scatter_body)


def _gather_body(pm_h, x_h, y_h, sx_h, sy_h, out_h,
                 m0, m1, m2, m3,
                 xb0, yb0, sxb0, syb0,
                 xb1, yb1, sxb1, syb1,
                 idx0, wb0, ub0, ob0,
                 idx1, wb1, ub1, ob1,
                 utilsh,
                 sem_in0, sem_in1, sem_g0, sem_g1, sem_st0, sem_st1,
                 sem_m0, sem_m1):
    c = lax.axis_index("c")
    s = lax.axis_index("s")
    wid = c * NS + s
    hbm = (x_h, y_h, sx_h, sy_h)
    insets = ((xb0, yb0, sxb0, syb0), (xb1, yb1, sxb1, syb1))
    sem_in = (sem_in0, sem_in1)
    idxs = (idx0, idx1)
    wbs = (wb0, wb1)
    ubs = (ub0, ub1)
    obs = (ob0, ob1)
    sem_g = (sem_g0, sem_g1)
    sem_st = (sem_st0, sem_st1)

    for cp in _in_copies(hbm, wid, 0, C2, insets[0], sem_in[0]):
        cp.start()

    msets = ((m0, m1), (m2, m3))
    sem_m = (sem_m0, sem_m1)
    NH = MSLICE // USLICE

    def mcopies(b, h):
        off = s * MSLICE + h * USLICE
        return [
            pltpu.make_async_copy(pm_h.at[k, pl.ds(off, USLICE)],
                                  msets[b][k], sem_m[b])
            for k in range(2)
        ]

    for cp in mcopies(0, 0):
        cp.start()
    for h in range(NH):
        b = h % 2
        if h + 1 < NH:
            for cp in mcopies(1 - b, h + 1):
                cp.start()
        for cp in mcopies(b, h):
            cp.wait()
        ma, mb = msets[b]

        def ustep(i, _):
            sl = pl.ds(i * 16, 16)
            ma[sl] = jnp.clip((ma[sl] + mb[sl]) * INV_CAP, MIN_RATE, MAX_RATE)
            return _
        lax.fori_loop(0, USLICE // 16, ustep, None)
        pltpu.sync_copy(ma, utilsh.at[pl.ds(s * MSLICE + h * USLICE, USLICE)])

    def zstep(i, _):
        sl = pl.ds(i * 16, 16)
        ub0[sl] = jnp.zeros((16,), jnp.float32)
        ub1[sl] = jnp.zeros((16,), jnp.float32)
        return _
    lax.fori_loop(0, 9 * C2 // 16, zstep, None)
    plsc.subcore_barrier()

    def gat_copy(b):
        return pltpu.make_async_copy(
            utilsh.at[plsc.Indices(idxs[b], ignored_value=-1)], ubs[b],
            sem_g[b])

    def st_copy(b, g):
        return pltpu.make_async_copy(
            obs[b], out_h.at[pl.ds(wid * TM + g * C2, C2)], sem_st[b])

    def compute(bufs, idxb, wb):
        xb, yb, sxb, syb = bufs

        def step(i, _):
            sl = pl.ds(i * 16, 16)
            xmin = xb[sl]
            ymin = yb[sl]
            xmax = xmin + sxb[sl]
            ymax = ymin + syb[sl]
            oxs, vxs, bxs = _axis_terms(xmin, xmax, INV_BSX, BSX)
            oys, vys, bys = _axis_terms(ymin, ymax, INV_BSY, BSY)
            off = i * 16
            neg1 = jnp.full((16,), -1, jnp.int32)
            zero = jnp.zeros((16,), jnp.float32)
            for kx in range(3):
                colx = bxs[kx] * NBY
                for ky in range(3):
                    plane = kx * 3 + ky
                    psl = pl.ds(plane * C2 + off, 16)
                    m = _mand(vxs[kx], vys[ky])
                    raw = colx + bys[ky]
                    ww = oxs[kx] * oys[ky]
                    idxb[psl] = raw if m is None else jnp.where(m, raw, neg1)
                    wb[psl] = ww if m is None else jnp.where(m, ww, zero)
            return _
        lax.fori_loop(0, ST2, step, None)

    def combine(wb, ub, ob):
        def cstep(j, _):
            off = j * 16
            acc = None
            for k in range(9):
                psl = pl.ds(k * C2 + off, 16)
                t = wb[psl] * ub[psl]
                acc = t if acc is None else acc + t
            ob[pl.ds(off, 16)] = acc
            return _
        lax.fori_loop(0, ST2, cstep, None)

    def pair(p, _):
        for b in (0, 1):
            g = 2 * p + b
            o = 1 - b

            @pl.when(g + 1 < NSUB2)
            def _prefetch():
                for cp in _in_copies(hbm, wid, (g + 1) * C2, C2,
                                     insets[o], sem_in[o]):
                    cp.start()

            for cp in _in_copies(hbm, wid, g * C2, C2, insets[b], sem_in[b]):
                cp.wait()

            compute(insets[b], idxs[b], wbs[b])
            gat_copy(b).start()

            @pl.when(g >= 1)
            def _combine_prev():
                gat_copy(o).wait()

                @pl.when(g >= 3)
                def _reuse_ob():
                    st_copy(o, g - 3).wait()

                combine(wbs[o], ubs[o], obs[o])
                st_copy(o, g - 1).start()
        return _
    lax.fori_loop(0, NSUB2 // 2, pair, None)

    glast = NSUB2 - 1
    gat_copy(1).wait()
    st_copy(1, glast - 2).wait()
    combine(wbs[1], ubs[1], obs[1])
    st_copy(1, glast).start()
    st_copy(0, glast - 1).wait()
    st_copy(1, glast).wait()


_gather_kernel = functools.partial(
    pl.kernel,
    out_type=jax.ShapeDtypeStruct((NM_PAD,), jnp.float32),
    mesh=plsc.VectorSubcoreMesh(core_axis_name="c", subcore_axis_name="s"),
    scratch_types=[
        pltpu.VMEM((USLICE,), jnp.float32),
        pltpu.VMEM((USLICE,), jnp.float32),
        pltpu.VMEM((USLICE,), jnp.float32),
        pltpu.VMEM((USLICE,), jnp.float32),
        pltpu.VMEM((C2,), jnp.float32),
        pltpu.VMEM((C2,), jnp.float32),
        pltpu.VMEM((C2,), jnp.float32),
        pltpu.VMEM((C2,), jnp.float32),
        pltpu.VMEM((C2,), jnp.float32),
        pltpu.VMEM((C2,), jnp.float32),
        pltpu.VMEM((C2,), jnp.float32),
        pltpu.VMEM((C2,), jnp.float32),
        pltpu.VMEM((9 * C2,), jnp.int32),
        pltpu.VMEM((9 * C2,), jnp.float32),
        pltpu.VMEM((9 * C2,), jnp.float32),
        pltpu.VMEM((C2,), jnp.float32),
        pltpu.VMEM((9 * C2,), jnp.int32),
        pltpu.VMEM((9 * C2,), jnp.float32),
        pltpu.VMEM((9 * C2,), jnp.float32),
        pltpu.VMEM((C2,), jnp.float32),
        pltpu.VMEM_SHARED((NBINS,), jnp.float32),
        pltpu.SemaphoreType.DMA,
        pltpu.SemaphoreType.DMA,
        pltpu.SemaphoreType.DMA,
        pltpu.SemaphoreType.DMA,
        pltpu.SemaphoreType.DMA,
        pltpu.SemaphoreType.DMA,
        pltpu.SemaphoreType.DMA,
        pltpu.SemaphoreType.DMA,
    ],
)(_gather_body)


def _pad_to(a, n, v):
    return jnp.concatenate([a, jnp.full((n - a.shape[0],), v, a.dtype)])


def kernel(pos, node_size_x, node_size_y, flat_node2pin_start_map):
    st = flat_node2pin_start_map.astype(jnp.int32)
    x2 = _pad_to(pos[:NUM_PHYS], NP_PAD, 0.0).reshape(NW, TN1)
    y2 = _pad_to(pos[NUM_NODES:NUM_NODES + NUM_PHYS], NP_PAD, 0.0).reshape(NW, TN1)
    sx2 = _pad_to(node_size_x[:NUM_PHYS], NP_PAD, 1.0).reshape(NW, TN1)
    sy2 = _pad_to(node_size_y[:NUM_PHYS], NP_PAD, 1.0).reshape(NW, TN1)
    lo2 = _pad_to(st[:NUM_PHYS], NP_PAD, 0).reshape(NW, TN1)
    hi2 = _pad_to(st[1:NUM_PHYS + 1], NP_PAD, 0).reshape(NW, TN1)
    pmaps = _scatter_kernel(x2, y2, sx2, sy2, lo2, hi2)

    mx2 = _pad_to(pos[:NUM_MOVABLE], NM_PAD, 0.0).reshape(NW, TM)
    my2 = _pad_to(pos[NUM_NODES:NUM_NODES + NUM_MOVABLE], NM_PAD, 0.0).reshape(NW, TM)
    msx2 = _pad_to(node_size_x[:NUM_MOVABLE], NM_PAD, 1.0).reshape(NW, TM)
    msy2 = _pad_to(node_size_y[:NUM_MOVABLE], NM_PAD, 1.0).reshape(NW, TM)
    area = _gather_kernel(pmaps, mx2, my2, msx2, msy2)
    return area[:NUM_MOVABLE]

# --- scband reference (transcript-rebuilt; emitter-appended) ---
"""Pipeline reference for scband-instance-pin-optimization-area-42700564857383 (READ-ONLY COPY).

The authoritative reference and input builder live on the scoring server;
editing this copy changes nothing except your own understanding.
"""

import jax, jax.numpy as jnp
import numpy as np

NUM_NODES = 1100000
NUM_FILLER = 100000
NUM_MOVABLE = 800000
NUM_PHYS = NUM_NODES - NUM_FILLER
NBX = 512
NBY = 512
XL, XH, YL, YH = 0.0, 1000.0, 0.0, 1000.0
BSX = (XH - XL) / NBX
BSY = (YH - YL) / NBY
UNIT_PIN_CAP = 4.0
PIN_STRETCH = 1.4142135623730951
MAX_RATE = 2.0
MIN_RATE = 1.0 / MAX_RATE
SPAN = 3  # max bins spanned per axis: node/stretched width <= 3.0 < 2*bin_size -> at most 3 bins


def setup_inputs(seed: int = 0):
    key = jax.random.key(seed)
    k1, k2, k3, k4, k5 = jax.random.split(key, 5)
    x = jax.random.uniform(k1, (NUM_NODES,), jnp.float32, XL, XH - 4.0)
    y = jax.random.uniform(k2, (NUM_NODES,), jnp.float32, YL, YH - 4.0)
    pos = jnp.concatenate([x, y])
    node_size_x = 0.5 + 2.5 * jax.random.uniform(k3, (NUM_NODES,), jnp.float32)
    node_size_y = 0.5 + 2.5 * jax.random.uniform(k4, (NUM_NODES,), jnp.float32)
    flat_node2pin_start_map = jnp.sort(jax.random.randint(k5, (NUM_NODES + 1,), 0, 4000000)).astype(jnp.int64)
    return {'pos': pos, 'node_size_x': node_size_x, 'node_size_y': node_size_y,
            'flat_node2pin_start_map': flat_node2pin_start_map}


def _overlap(lo, hi, blo, bhi):
    return jnp.maximum(jnp.minimum(hi, bhi) - jnp.maximum(lo, blo), 0.0)


def _forward(pos, node_size_x, node_size_y, flat_node2pin_start_map):
    sx = node_size_x[:NUM_PHYS]
    sy = node_size_y[:NUM_PHYS]
    pin_weights = (flat_node2pin_start_map[1:NUM_PHYS + 1]
                   - flat_node2pin_start_map[:NUM_PHYS]).astype(pos.dtype)
    half_sx = 0.5 * jnp.maximum(BSX * PIN_STRETCH, sx)
    half_sy = 0.5 * jnp.maximum(BSY * PIN_STRETCH, sy)
    cx = pos[:NUM_PHYS] + 0.5 * sx
    cy = pos[NUM_NODES:NUM_NODES + NUM_PHYS] + 0.5 * sy
    xmin = cx - half_sx
    xmax = cx + half_sx
    ymin = cy - half_sy
    ymax = cy + half_sy
    dens = pin_weights / ((xmax - xmin) * (ymax - ymin))
    bxl = jnp.clip(jnp.floor((xmin - XL) / BSX), 0, NBX - 1).astype(jnp.int32)
    bxh = jnp.clip(jnp.floor((xmax - XL) / BSX), 0, NBX - 1).astype(jnp.int32)
    byl = jnp.clip(jnp.floor((ymin - YL) / BSY), 0, NBY - 1).astype(jnp.int32)
    byh = jnp.clip(jnp.floor((ymax - YL) / BSY), 0, NBY - 1).astype(jnp.int32)
    pin_map = jnp.zeros((NBX * NBY,), pos.dtype)
    for dx in range(SPAN):
        for dy in range(SPAN):
            bx = jnp.minimum(bxl + dx, NBX - 1)
            by = jnp.minimum(byl + dy, NBY - 1)
            valid = (bxl + dx <= bxh) & (byl + dy <= byh)
            ox = _overlap(xmin, xmax, XL + bx * BSX, XL + (bx + 1) * BSX)
            oy = _overlap(ymin, ymax, YL + by * BSY, YL + (by + 1) * BSY)
            contrib = jnp.where(valid, ox * oy * dens, 0.0)
            pin_map = pin_map.at[bx * NBY + by].add(contrib)
    util = jnp.clip(pin_map / (BSX * BSY * UNIT_PIN_CAP), MIN_RATE, MAX_RATE)
    mxmin = pos[:NUM_MOVABLE]
    mymin = pos[NUM_NODES:NUM_NODES + NUM_MOVABLE]
    mxmax = mxmin + node_size_x[:NUM_MOVABLE]
    mymax = mymin + node_size_y[:NUM_MOVABLE]
    bxl = jnp.clip(jnp.floor((mxmin - XL) / BSX), 0, NBX - 1).astype(jnp.int32)
    bxh = jnp.clip(jnp.floor((mxmax - XL) / BSX), 0, NBX - 1).astype(jnp.int32)
    byl = jnp.clip(jnp.floor((mymin - YL) / BSY), 0, NBY - 1).astype(jnp.int32)
    byh = jnp.clip(jnp.floor((mymax - YL) / BSY), 0, NBY - 1).astype(jnp.int32)
    area = jnp.zeros((NUM_MOVABLE,), pos.dtype)
    for dx in range(SPAN):
        for dy in range(SPAN):
            bx = jnp.minimum(bxl + dx, NBX - 1)
            by = jnp.minimum(byl + dy, NBY - 1)
            valid = (bxl + dx <= bxh) & (byl + dy <= byh)
            ox = _overlap(mxmin, mxmax, XL + bx * BSX, XL + (bx + 1) * BSX)
            oy = _overlap(mymin, mymax, YL + by * BSY, YL + (by + 1) * BSY)
            area = area + jnp.where(valid, ox * oy * util[bx * NBY + by], 0.0)
    return area


def reference(pos, node_size_x, node_size_y, flat_node2pin_start_map):
    return _forward(pos, node_size_x, node_size_y, flat_node2pin_start_map)

if __name__ == "__main__":
    import jax
    _d = setup_inputs()
    print(jax.jit(kernel)(*tuple(_d.values())))

</pallas_src>

<mosaic_0001>
#map = affine_map<(d0, d1) -> (0, 0)>
#map1 = affine_map<(d0, d1) -> (0)>
module attributes {stable_mosaic.version = 14 : i64} {
  func.func @_gather_body(%arg0: i32, %arg1: i32, %arg2: memref<2x262144xf32, #tpu.memory_space<hbm>>, %arg3: memref<32x25600xf32, #tpu.memory_space<hbm>>, %arg4: memref<32x25600xf32, #tpu.memory_space<hbm>>, %arg5: memref<32x25600xf32, #tpu.memory_space<hbm>>, %arg6: memref<32x25600xf32, #tpu.memory_space<hbm>>, %arg7: memref<819200xf32, #tpu.memory_space<hbm>>, %arg8: memref<4096xf32, #tpu.memory_space<vmem>>, %arg9: memref<4096xf32, #tpu.memory_space<vmem>>, %arg10: memref<4096xf32, #tpu.memory_space<vmem>>, %arg11: memref<4096xf32, #tpu.memory_space<vmem>>, %arg12: memref<1280xf32, #tpu.memory_space<vmem>>, %arg13: memref<1280xf32, #tpu.memory_space<vmem>>, %arg14: memref<1280xf32, #tpu.memory_space<vmem>>, %arg15: memref<1280xf32, #tpu.memory_space<vmem>>, %arg16: memref<1280xf32, #tpu.memory_space<vmem>>, %arg17: memref<1280xf32, #tpu.memory_space<vmem>>, %arg18: memref<1280xf32, #tpu.memory_space<vmem>>, %arg19: memref<1280xf32, #tpu.memory_space<vmem>>, %arg20: memref<11520xi32, #tpu.memory_space<vmem>>, %arg21: memref<11520xf32, #tpu.memory_space<vmem>>, %arg22: memref<11520xf32, #tpu.memory_space<vmem>>, %arg23: memref<1280xf32, #tpu.memory_space<vmem>>, %arg24: memref<11520xi32, #tpu.memory_space<vmem>>, %arg25: memref<11520xf32, #tpu.memory_space<vmem>>, %arg26: memref<11520xf32, #tpu.memory_space<vmem>>, %arg27: memref<1280xf32, #tpu.memory_space<vmem>>, %arg28: memref<262144xf32, #tpu.memory_space<vmem_shared>>, %arg29: memref<!tpu.dma_semaphore, #tpu.memory_space<semaphore_mem>>, %arg30: memref<!tpu.dma_semaphore, #tpu.memory_space<semaphore_mem>>, %arg31: memref<!tpu.dma_semaphore, #tpu.memory_space<semaphore_mem>>, %arg32: memref<!tpu.dma_semaphore, #tpu.memory_space<semaphore_mem>>, %arg33: memref<!tpu.dma_semaphore, #tpu.memory_space<semaphore_mem>>, %arg34: memref<!tpu.dma_semaphore, #tpu.memory_space<semaphore_mem>>, %arg35: memref<!tpu.dma_semaphore, #tpu.memory_space<semaphore_mem>>, %arg36: memref<!tpu.dma_semaphore, #tpu.memory_space<semaphore_mem>>) attributes {dimension_semantics = [#tpu.dimension_semantics<core_parallel>, #tpu.dimension_semantics<subcore_parallel>], iteration_bounds = array<i64: 2, 16>, scalar_prefetch = 0 : i64, scratch_operands = 29 : i64, tpu.core_type = #tpu.core_type<sc_vector_subcore>, window_params = [{transform_indices = #map}, {transform_indices = #map}, {transform_indices = #map}, {transform_indices = #map}, {transform_indices = #map}, {transform_indices = #map1}]} {
    %mul3A = arith.constant 16 : i32
    %mul3A_0 = arith.muli %arg0, %mul3A : i32
    %add3A = arith.addi %mul3A_0, %arg1 : i32
    %dma_start3A = arith.constant 0 : i32
    %dma_start3A_1 = tpu.memref_slice %arg3[%add3A, %dma_start3A] : memref<32x25600xf32, #tpu.memory_space<hbm>> -> memref<1x1280xf32, #tpu.memory_space<hbm>>
    %dma_start3A_2 = tpu.memref_squeeze %dma_start3A_1 : memref<1x1280xf32, #tpu.memory_space<hbm>> -> memref<1280xf32, #tpu.memory_space<hbm>>
    %dma_start3A_3 = arith.constant 0 : i32
    %dma_start3A_4 = tpu.memref_slice %arg3[%add3A, %dma_start3A_3] : memref<32x25600xf32, #tpu.memory_space<hbm>> -> memref<1x1280xf32, #tpu.memory_space<hbm>>
    %dma_start3A_5 = tpu.memref_squeeze %dma_start3A_4 : memref<1x1280xf32, #tpu.memory_space<hbm>> -> memref<1280xf32, #tpu.memory_space<hbm>>
    tpu.enqueue_dma source(%dma_start3A_5 : memref<1280xf32, #tpu.memory_space<hbm>>) target(%arg12 : memref<1280xf32, #tpu.memory_space<vmem>>) target_semaphore(%arg29 : memref<!tpu.dma_semaphore, #tpu.memory_space<semaphore_mem>>)
    %dma_start3A_6 = arith.constant 0 : i32
    %dma_start3A_7 = tpu.memref_slice %arg4[%add3A, %dma_start3A_6] : memref<32x25600xf32, #tpu.memory_space<hbm>> -> memref<1x1280xf32, #tpu.memory_space<hbm>>
    %dma_start3A_8 = tpu.memref_squeeze %dma_start3A_7 : memref<1x1280xf32, #tpu.memory_space<hbm>> -> memref<1280xf32, #tpu.memory_space<hbm>>
    %dma_start3A_9 = arith.constant 0 : i32
    %dma_start3A_10 = tpu.memref_slice %arg4[%add3A, %dma_start3A_9] : memref<32x25600xf32, #tpu.memory_space<hbm>> -> memref<1x1280xf32, #tpu.memory_space<hbm>>
    %dma_start3A_11 = tpu.memref_squeeze %dma_start3A_10 : memref<1x1280xf32, #tpu.memory_space<hbm>> -> memref<1280xf32, #tpu.memory_space<hbm>>
    tpu.enqueue_dma source(%dma_start3A_11 : memref<1280xf32, #tpu.memory_space<hbm>>) target(%arg13 : memref<1280xf32, #tpu.memory_space<vmem>>) target_semaphore(%arg29 : memref<!tpu.dma_semaphore, #tpu.memory_space<semaphore_mem>>)
    %dma_start3A_12 = arith.constant 0 : i32
    %dma_start3A_13 = tpu.memref_slice %arg5[%add3A, %dma_start3A_12] : memref<32x25600xf32, #tpu.memory_space<hbm>> -> memref<1x1280xf32, #tpu.memory_space<hbm>>
    %dma_start3A_14 = tpu.memref_squeeze %dma_start3A_13 : memref<1x1280xf32, #tpu.memory_space<hbm>> -> memref<1280xf32, #tpu.memory_space<hbm>>
    %dma_start3A_15 = arith.constant 0 : i32
    %dma_start3A_16 = tpu.memref_slice %arg5[%add3A, %dma_start3A_15] : memref<32x25600xf32, #tpu.memory_space<hbm>> -> memref<1x1280xf32, #tpu.memory_space<hbm>>
    %dma_start3A_17 = tpu.memref_squeeze %dma_start3A_16 : memref<1x1280xf32, #tpu.memory_space<hbm>> -> memref<1280xf32, #tpu.memory_space<hbm>>
    tpu.enqueue_dma source(%dma_start3A_17 : memref<1280xf32, #tpu.memory_space<hbm>>) target(%arg14 : memref<1280xf32, #tpu.memory_space<vmem>>) target_semaphore(%arg29 : memref<!tpu.dma_semaphore, #tpu.memory_space<semaphore_mem>>)
    %dma_start3A_18 = arith.constant 0 : i32
    %dma_start3A_19 = tpu.memref_slice %arg6[%add3A, %dma_start3A_18] : memref<32x25600xf32, #tpu.memory_space<hbm>> -> memref<1x1280xf32, #tpu.memory_space<hbm>>
    %dma_start3A_20 = tpu.memref_squeeze %dma_start3A_19 : memref<1x1280xf32, #tpu.memory_space<hbm>> -> memref<1280xf32, #tpu.memory_space<hbm>>
    %dma_start3A_21 = arith.constant 0 : i32
    %dma_start3A_22 = tpu.memref_slice %arg6[%add3A, %dma_start3A_21] : memref<32x25600xf32, #tpu.memory_space<hbm>> -> memref<1x1280xf32, #tpu.memory_space<hbm>>
    %dma_start3A_23 = tpu.memref_squeeze %dma_start3A_22 : memref<1x1280xf32, #tpu.memory_space<hbm>> -> memref<1280xf32, #tpu.memory_space<hbm>>
    tpu.enqueue_dma source(%dma_start3A_23 : memref<1280xf32, #tpu.memory_space<hbm>>) target(%arg15 : memref<1280xf32, #tpu.memory_space<vmem>>) target_semaphore(%arg29 : memref<!tpu.dma_semaphore, #tpu.memory_space<semaphore_mem>>)
    %mul3A_24 = arith.constant 16384 : i32
    %mul3A_25 = arith.muli %arg1, %mul3A_24 : i32
    %add3A_26 = arith.constant 0 : i32
    %add3A_27 = arith.addi %mul3A_25, %add3A_26 : i32
    %dma_start3A_28 = arith.constant 0 : i32
    %dma_start3A_29 = tpu.memref_slice %arg2[%dma_start3A_28, %add3A_27] : memref<2x262144xf32, #tpu.memory_space<hbm>> -> memref<1x4096xf32, #tpu.memory_space<hbm>>
    %dma_start3A_30 = tpu.memref_squeeze %dma_start3A_29 : memref<1x4096xf32, #tpu.memory_space<hbm>> -> memref<4096xf32, #tpu.memory_space<hbm>>
    %dma_start3A_31 = tpu.memref_slice %arg2[%dma_start3A_28, %add3A_27] : memref<2x262144xf32, #tpu.memory_space<hbm>> -> memref<1x4096xf32, #tpu.memory_space<hbm>>
    %dma_start3A_32 = tpu.memref_squeeze %dma_start3A_31 : memref<1x4096xf32, #tpu.memory_space<hbm>> -> memref<4096xf32, #tpu.memory_space<hbm>>
    tpu.enqueue_dma source(%dma_start3A_32 : memref<4096xf32, #tpu.memory_space<hbm>>) target(%arg8 : memref<4096xf32, #tpu.memory_space<vmem>>) target_semaphore(%arg35 : memref<!tpu.dma_semaphore, #tpu.memory_space<semaphore_mem>>)
    %dma_start3A_33 = arith.constant 1 : i32
    %dma_start3A_34 = tpu.memref_slice %arg2[%dma_start3A_33, %add3A_27] : memref<2x262144xf32, #tpu.memory_space<hbm>> -> memref<1x4096xf32, #tpu.memory_space<hbm>>
    %dma_start3A_35 = tpu.memref_squeeze %dma_start3A_34 : memref<1x4096xf32, #tpu.memory_space<hbm>> -> memref<4096xf32, #tpu.memory_space<hbm>>
    %dma_start3A_36 = tpu.memref_slice %arg2[%dma_start3A_33, %add3A_27] : memref<2x262144xf32, #tpu.memory_space<hbm>> -> memref<1x4096xf32, #tpu.memory_space<hbm>>
    %dma_start3A_37 = tpu.memref_squeeze %dma_start3A_36 : memref<1x4096xf32, #tpu.memory_space<hbm>> -> memref<4096xf32, #tpu.memory_space<hbm>>
    tpu.enqueue_dma source(%dma_start3A_37 : memref<4096xf32, #tpu.memory_space<hbm>>) target(%arg9 : memref<4096xf32, #tpu.memory_space<vmem>>) target_semaphore(%arg35 : memref<!tpu.dma_semaphore, #tpu.memory_space<semaphore_mem>>)
    %mul3A_38 = arith.constant 16384 : i32
    %mul3A_39 = arith.muli %arg1, %mul3A_38 : i32
    %add3A_40 = arith.constant 4096 : i32
    %add3A_41 = arith.addi %mul3A_39, %add3A_40 : i32
    %dma_start3A_42 = arith.constant 0 : i32
    %dma_start3A_43 = tpu.memref_slice %arg2[%dma_start3A_42, %add3A_41] : memref<2x262144xf32, #tpu.memory_space<hbm>> -> memref<1x4096xf32, #tpu.memory_space<hbm>>
    %dma_start3A_44 = tpu.memref_squeeze %dma_start3A_43 : memref<1x4096xf32, #tpu.memory_space<hbm>> -> memref<4096xf32, #tpu.memory_space<hbm>>
    %dma_start3A_45 = tpu.memref_slice %arg2[%dma_start3A_42, %add3A_41] : memref<2x262144xf32, #tpu.memory_space<hbm>> -> memref<1x4096xf32, #tpu.memory_space<hbm>>
    %dma_start3A_46 = tpu.memref_squeeze %dma_start3A_45 : memref<1x4096xf32, #tpu.memory_space<hbm>> -> memref<4096xf32, #tpu.memory_space<hbm>>
    tpu.enqueue_dma source(%dma_start3A_46 : memref<4096xf32, #tpu.memory_space<hbm>>) target(%arg10 : memref<4096xf32, #tpu.memory_space<vmem>>) target_semaphore(%arg36 : memref<!tpu.dma_semaphore, #tpu.memory_space<semaphore_mem>>)
    %dma_start3A_47 = arith.constant 1 : i32
    %dma_start3A_48 = tpu.memref_slice %arg2[%dma_start3A_47, %add3A_41] : memref<2x262144xf32, #tpu.memory_space<hbm>> -> memref<1x4096xf32, #tpu.memory_space<hbm>>
    %dma_start3A_49 = tpu.memref_squeeze %dma_start3A_48 : memref<1x4096xf32, #tpu.memory_space<hbm>> -> memref<4096xf32, #tpu.memory_space<hbm>>
    %dma_start3A_50 = tpu.memref_slice %arg2[%dma_start3A_47, %add3A_41] : memref<2x262144xf32, #tpu.memory_space<hbm>> -> memref<1x4096xf32, #tpu.memory_space<hbm>>
    %dma_start3A_51 = tpu.memref_squeeze %dma_start3A_50 : memref<1x4096xf32, #tpu.memory_space<hbm>> -> memref<4096xf32, #tpu.memory_space<hbm>>
    tpu.enqueue_dma source(%dma_start3A_51 : memref<4096xf32, #tpu.memory_space<hbm>>) target(%arg11 : memref<4096xf32, #tpu.memory_space<vmem>>) target_semaphore(%arg36 : memref<!tpu.dma_semaphore, #tpu.memory_space<semaphore_mem>>)
    %mul3A_52 = arith.constant 16384 : i32
    %mul3A_53 = arith.muli %arg1, %mul3A_52 : i32
    %add3A_54 = arith.constant 0 : i32
    %add3A_55 = arith.addi %mul3A_53, %add3A_54 : i32
    %dma_wait3A = arith.constant 0 : i32
    %dma_wait3A_56 = tpu.memref_slice %arg2[%dma_wait3A, %add3A_55] : memref<2x262144xf32, #tpu.memory_space<hbm>> -> memref<1x4096xf32, #tpu.memory_space<hbm>>
    %dma_wait3A_57 = tpu.memref_squeeze %dma_wait3A_56 : memref<1x4096xf32, #tpu.memory_space<hbm>> -> memref<4096xf32, #tpu.memory_space<hbm>>
    %dma_wait3A_58 = tpu.memref_slice %arg2[%dma_wait3A, %add3A_55] : memref<2x262144xf32, #tpu.memory_space<hbm>> -> memref<1x4096xf32, #tpu.memory_space<hbm>>
    %dma_wait3A_59 = tpu.memref_squeeze %dma_wait3A_58 : memref<1x4096xf32, #tpu.memory_space<hbm>> -> memref<4096xf32, #tpu.memory_space<hbm>>
    tpu.wait_dma2 semaphore(%arg35 : memref<!tpu.dma_semaphore, #tpu.memory_space<semaphore_mem>>) src(%dma_wait3A_59 : memref<4096xf32, #tpu.memory_space<hbm>>) dst(%arg8 : memref<4096xf32, #tpu.memory_space<vmem>>)
    %dma_wait3A_60 = arith.constant 1 : i32
    %dma_wait3A_61 = tpu.memref_slice %arg2[%dma_wait3A_60, %add3A_55] : memref<2x262144xf32, #tpu.memory_space<hbm>> -> memref<1x4096xf32, #tpu.memory_space<hbm>>
    %dma_wait3A_62 = tpu.memref_squeeze %dma_wait3A_61 : memref<1x4096xf32, #tpu.memory_space<hbm>> -> memref<4096xf32, #tpu.memory_space<hbm>>
    %dma_wait3A_63 = tpu.memref_slice %arg2[%dma_wait3A_60, %add3A_55] : memref<2x262144xf32, #tpu.memory_space<hbm>> -> memref<1x4096xf32, #tpu.memory_space<hbm>>
    %dma_wait3A_64 = tpu.memref_squeeze %dma_wait3A_63 : memref<1x4096xf32, #tpu.memory_space<hbm>> -> memref<4096xf32, #tpu.memory_space<hbm>>
    tpu.wait_dma2 semaphore(%arg35 : memref<!tpu.dma_semaphore, #tpu.memory_space<semaphore_mem>>) src(%dma_wait3A_64 : memref<4096xf32, #tpu.memory_space<hbm>>) dst(%arg9 : memref<4096xf32, #tpu.memory_space<vmem>>)
    %scan3A = arith.constant 0 : i32
    %scan3A_65 = arith.constant 256 : i32
    %scan3A_66 = arith.addi %scan3A, %scan3A_65 : i32
    %scan3A_67 = arith.constant 1 : i32
    scf.for %scan3A_211 = %scan3A to %scan3A_66 step %scan3A_67  : i32 {
      %mul3A_212 = arith.constant 16 : i32
      %mul3A_213 = arith.muli %scan3A_211, %mul3A_212 : i32
      %get3A = arith.index_cast %mul3A_213 : i32 to index
      %get3A_214 = tpu.vector_load %arg8[%get3A] {strides = array<i32>} : memref<4096xf32, #tpu.memory_space<vmem>>, vector<16xf32>,
      %get3A_215 = vector.shape_cast %get3A_214 : vector<16xf32> to vector<16xf32>
      %get3A_216 = arith.index_cast %mul3A_213 : i32 to index
      %get3A_217 = tpu.vector_load %arg9[%get3A_216] {strides = array<i32>} : memref<4096xf32, #tpu.memory_space<vmem>>, vector<16xf32>,
      %get3A_218 = vector.shape_cast %get3A_217 : vector<16xf32> to vector<16xf32>
      %add3A_219 = arith.addf %get3A_215, %get3A_218 : vector<16xf32>
      %mul3A_220 = arith.constant 6.553600e-02 : f32
      %mul3A_221 = vector.broadcast %mul3A_220 : f32 to vector<16xf32>
      %mul3A_222 = arith.mulf %add3A_219, %mul3A_221 : vector<16xf32>
      %jit3A = arith.constant 5.000000e-01 : f32
      %jit3A_223 = arith.constant 2.000000e+00 : f32
      %max3A = vector.broadcast %jit3A : f32 to vector<16xf32>
      %max3A_224 = arith.maximumf %max3A, %mul3A_222 : vector<16xf32>
      %min3A = vector.broadcast %jit3A_223 : f32 to vector<16xf32>
      %min3A_225 = arith.minimumf %min3A, %max3A_224 : vector<16xf32>
      %swap3A = arith.index_cast %mul3A_213 : i32 to index
      %swap3A_226 = tpu.vector_load %arg8[%swap3A] {strides = array<i32>} : memref<4096xf32, #tpu.memory_space<vmem>>, vector<16xf32>,
      %swap3A_227 = vector.shape_cast %swap3A_226 : vector<16xf32> to vector<16xf32>
      %swap3A_228 = vector.shape_cast %min3A_225 : vector<16xf32> to vector<16xf32>
      tpu.vector_store %arg8[%swap3A], %swap3A_228 {strides = array<i32>} : memref<4096xf32, #tpu.memory_space<vmem>>, vector<16xf32>,
    }
    %scan3A_68 = arith.constant 256 : i32
    %mul3A_69 = arith.constant 16384 : i32
    %mul3A_70 = arith.muli %arg1, %mul3A_69 : i32
    %add3A_71 = arith.constant 0 : i32
    %add3A_72 = arith.addi %mul3A_70, %add3A_71 : i32
    "tpu.region"() ({
      %run_scoped3A = tpu.sem_alloc : memref<!tpu.dma_semaphore, #tpu.memory_space<semaphore_mem>>
      %dma_start3A_211 = tpu.memref_slice %arg28[%add3A_72] : memref<262144xf32, #tpu.memory_space<vmem_shared>> -> memref<4096xf32, #tpu.memory_space<vmem_shared>>
      %dma_start3A_212 = tpu.memref_slice %arg28[%add3A_72] : memref<262144xf32, #tpu.memory_space<vmem_shared>> -> memref<4096xf32, #tpu.memory_space<vmem_shared>>
      tpu.enqueue_dma source(%arg8 : memref<4096xf32, #tpu.memory_space<vmem>>) target(%dma_start3A_212 : memref<4096xf32, #tpu.memory_space<vmem_shared>>) target_semaphore(%run_scoped3A : memref<!tpu.dma_semaphore, #tpu.memory_space<semaphore_mem>>)
      %dma_wait3A_213 = tpu.memref_slice %arg28[%add3A_72] : memref<262144xf32, #tpu.memory_space<vmem_shared>> -> memref<4096xf32, #tpu.memory_space<vmem_shared>>
      %dma_wait3A_214 = tpu.memref_slice %arg28[%add3A_72] : memref<262144xf32, #tpu.memory_space<vmem_shared>> -> memref<4096xf32, #tpu.memory_space<vmem_shared>>
      tpu.wait_dma2 semaphore(%run_scoped3A : memref<!tpu.dma_semaphore, #tpu.memory_space<semaphore_mem>>) src(%arg8 : memref<4096xf32, #tpu.memory_space<vmem>>) dst(%dma_wait3A_214 : memref<4096xf32, #tpu.memory_space<vmem_shared>>)
      tpu.yield
    }) : () -> ()
    %mul3A_73 = arith.constant 16384 : i32
    %mul3A_74 = arith.muli %arg1, %mul3A_73 : i32
    %add3A_75 = arith.constant 8192 : i32
    %add3A_76 = arith.addi %mul3A_74, %add3A_75 : i32
    %dma_start3A_77 = arith.constant 0 : i32
    %dma_start3A_78 = tpu.memref_slice %arg2[%dma_start3A_77, %add3A_76] : memref<2x262144xf32, #tpu.memory_space<hbm>> -> memref<1x4096xf32, #tpu.memory_space<hbm>>
    %dma_start3A_79 = tpu.memref_squeeze %dma_start3A_78 : memref<1x4096xf32, #tpu.memory_space<hbm>> -> memref<4096xf32, #tpu.memory_space<hbm>>
    %dma_start3A_80 = tpu.memref_slice %arg2[%dma_start3A_77, %add3A_76] : memref<2x262144xf32, #tpu.memory_space<hbm>> -> memref<1x4096xf32, #tpu.memory_space<hbm>>
    %dma_start3A_81 = tpu.memref_squeeze %dma_start3A_80 : memref<1x4096xf32, #tpu.memory_space<hbm>> -> memref<4096xf32, #tpu.memory_space<hbm>>
    tpu.enqueue_dma source(%dma_start3A_81 : memref<4096xf32, #tpu.memory_space<hbm>>) target(%arg8 : memref<4096xf32, #tpu.memory_space<vmem>>) target_semaphore(%arg35 : memref<!tpu.dma_semaphore, #tpu.memory_space<semaphore_mem>>)
    %dma_start3A_82 = arith.constant 1 : i32
    %dma_start3A_83 = tpu.memref_slice %arg2[%dma_start3A_82, %add3A_76] : memref<2x262144xf32, #tpu.memory_space<hbm>> -> memref<1x4096xf32, #tpu.memory_space<hbm>>
    %dma_start3A_84 = tpu.memref_squeeze %dma_start3A_83 : memref<1x4096xf32, #tpu.memory_space<hbm>> -> memref<4096xf32, #tpu.memory_space<hbm>>
    %dma_start3A_85 = tpu.memref_slice %arg2[%dma_start3A_82, %add3A_76] : memref<2x262144xf32, #tpu.memory_space<hbm>> -> memref<1x4096xf32, #tpu.memory_space<hbm>>
    %dma_start3A_86 = tpu.memref_squeeze %dma_start3A_85 : memref<1x4096xf32, #tpu.memory_space<hbm>> -> memref<4096xf32, #tpu.memory_space<hbm>>
    tpu.enqueue_dma source(%dma_start3A_86 : memref<4096xf32, #tpu.memory_space<hbm>>) target(%arg9 : memref<4096xf32, #tpu.memory_space<vmem>>) target_semaphore(%arg35 : memref<!tpu.dma_semaphore, #tpu.memory_space<semaphore_mem>>)
    %mul3A_87 = arith.constant 16384 : i32
    %mul3A_88 = arith.muli %arg1, %mul3A_87 : i32
    %add3A_89 = arith.constant 4096 : i32
    %add3A_90 = arith.addi %mul3A_88, %add3A_89 : i32
    %dma_wait3A_91 = arith.constant 0 : i32
    %dma_wait3A_92 = tpu.memref_slice %arg2[%dma_wait3A_91, %add3A_90] : memref<2x262144xf32, #tpu.memory_space<hbm>> -> memref<1x4096xf32, #tpu.memory_space<hbm>>
    %dma_wait3A_93 = tpu.memref_squeeze %dma_wait3A_92 : memref<1x4096xf32, #tpu.memory_space<hbm>> -> memref<4096xf32, #tpu.memory_space<hbm>>
    %dma_wait3A_94 = tpu.memref_slice %arg2[%dma_wait3A_91, %add3A_90] : memref<2x262144xf32, #tpu.memory_space<hbm>> -> memref<1x4096xf32, #tpu.memory_space<hbm>>
    %dma_wait3A_95 = tpu.memref_squeeze %dma_wait3A_94 : memref<1x4096xf32, #tpu.memory_space<hbm>> -> memref<4096xf32, #tpu.memory_space<hbm>>
    tpu.wait_dma2 semaphore(%arg36 : memref<!tpu.dma_semaphore, #tpu.memory_space<semaphore_mem>>) src(%dma_wait3A_95 : memref<4096xf32, #tpu.memory_space<hbm>>) dst(%arg10 : memref<4096xf32, #tpu.memory_space<vmem>>)
    %dma_wait3A_96 = arith.constant 1 : i32
    %dma_wait3A_97 = tpu.memref_slice %arg2[%dma_wait3A_96, %add3A_90] : memref<2x262144xf32, #tpu.memory_space<hbm>> -> memref<1x4096xf32, #tpu.memory_space<hbm>>
    %dma_wait3A_98 = tpu.memref_squeeze %dma_wait3A_97 : memref<1x4096xf32, #tpu.memory_space<hbm>> -> memref<4096xf32, #tpu.memory_space<hbm>>
    %dma_wait3A_99 = tpu.memref_slice %arg2[%dma_wait3A_96, %add3A_90] : memref<2x262144xf32, #tpu.memory_space<hbm>> -> memref<1x4096xf32, #tpu.memory_space<hbm>>
    %dma_wait3A_100 = tpu.memref_squeeze %dma_wait3A_99 : memref<1x4096xf32, #tpu.memory_space<hbm>> -> memref<4096xf32, #tpu.memory_space<hbm>>
    tpu.wait_dma2 semaphore(%arg36 : memref<!tpu.dma_semaphore, #tpu.memory_space<semaphore_mem>>) src(%dma_wait3A_100 : memref<4096xf32, #tpu.memory_space<hbm>>) dst(%arg11 : memref<4096xf32, #tpu.memory_space<vmem>>)
    %scan3A_101 = arith.constant 0 : i32
    %scan3A_102 = arith.constant 256 : i32
    %scan3A_103 = arith.addi %scan3A_101, %scan3A_102 : i32
    %scan3A_104 = arith.constant 1 : i32
    scf.for %scan3A_211 = %scan3A_101 to %scan3A_103 step %scan3A_104  : i32 {
      %mul3A_212 = arith.constant 16 : i32
      %mul3A_213 = arith.muli %scan3A_211, %mul3A_212 : i32
      %get3A = arith.index_cast %mul3A_213 : i32 to index
      %get3A_214 = tpu.vector_load %arg10[%get3A] {strides = array<i32>} : memref<4096xf32, #tpu.memory_space<vmem>>, vector<16xf32>,
      %get3A_215 = vector.shape_cast %get3A_214 : vector<16xf32> to vector<16xf32>
      %get3A_216 = arith.index_cast %mul3A_213 : i32 to index
      %get3A_217 = tpu.vector_load %arg11[%get3A_216] {strides = array<i32>} : memref<4096xf32, #tpu.memory_space<vmem>>, vector<16xf32>,
      %get3A_218 = vector.shape_cast %get3A_217 : vector<16xf32> to vector<16xf32>
      %add3A_219 = arith.addf %get3A_215, %get3A_218 : vector<16xf32>
      %mul3A_220 = arith.constant 6.553600e-02 : f32
      %mul3A_221 = vector.broadcast %mul3A_220 : f32 to vector<16xf32>
      %mul3A_222 = arith.mulf %add3A_219, %mul3A_221 : vector<16xf32>
      %jit3A = arith.constant 5.000000e-01 : f32
      %jit3A_223 = arith.constant 2.000000e+00 : f32
      %max3A = vector.broadcast %jit3A : f32 to vector<16xf32>
      %max3A_224 = arith.maximumf %max3A, %mul3A_222 : vector<16xf32>
      %min3A = vector.broadcast %jit3A_223 : f32 to vector<16xf32>
      %min3A_225 = arith.minimumf %min3A, %max3A_224 : vector<16xf32>
      %swap3A = arith.index_cast %mul3A_213 : i32 to index
      %swap3A_226 = tpu.vector_load %arg10[%swap3A] {strides = array<i32>} : memref<4096xf32, #tpu.memory_space<vmem>>, vector<16xf32>,
      %swap3A_227 = vector.shape_cast %swap3A_226 : vector<16xf32> to vector<16xf32>
      %swap3A_228 = vector.shape_cast %min3A_225 : vector<16xf32> to vector<16xf32>
      tpu.vector_store %arg10[%swap3A], %swap3A_228 {strides = array<i32>} : memref<4096xf32, #tpu.memory_space<vmem>>, vector<16xf32>,
    }
    %scan3A_105 = arith.constant 256 : i32
    %mul3A_106 = arith.constant 16384 : i32
    %mul3A_107 = arith.muli %arg1, %mul3A_106 : i32
    %add3A_108 = arith.constant 4096 : i32
    %add3A_109 = arith.addi %mul3A_107, %add3A_108 : i32
    "tpu.region"() ({
      %run_scoped3A = tpu.sem_alloc : memref<!tpu.dma_semaphore, #tpu.memory_space<semaphore_mem>>
      %dma_start3A_211 = tpu.memref_slice %arg28[%add3A_109] : memref<262144xf32, #tpu.memory_space<vmem_shared>> -> memref<4096xf32, #tpu.memory_space<vmem_shared>>
      %dma_start3A_212 = tpu.memref_slice %arg28[%add3A_109] : memref<262144xf32, #tpu.memory_space<vmem_shared>> -> memref<4096xf32, #tpu.memory_space<vmem_shared>>
      tpu.enqueue_dma source(%arg10 : memref<4096xf32, #tpu.memory_space<vmem>>) target(%dma_start3A_212 : memref<4096xf32, #tpu.memory_space<vmem_shared>>) target_semaphore(%run_scoped3A : memref<!tpu.dma_semaphore, #tpu.memory_space<semaphore_mem>>)
      %dma_wait3A_213 = tpu.memref_slice %arg28[%add3A_109] : memref<262144xf32, #tpu.memory_space<vmem_shared>> -> memref<4096xf32, #tpu.memory_space<vmem_shared>>
      %dma_wait3A_214 = tpu.memref_slice %arg28[%add3A_109] : memref<262144xf32, #tpu.memory_space<vmem_shared>> -> memref<4096xf32, #tpu.memory_space<vmem_shared>>
      tpu.wait_dma2 semaphore(%run_scoped3A : memref<!tpu.dma_semaphore, #tpu.memory_space<semaphore_mem>>) src(%arg10 : memref<4096xf32, #tpu.memory_space<vmem>>) dst(%dma_wait3A_214 : memref<4096xf32, #tpu.memory_space<vmem_shared>>)
      tpu.yield
    }) : () -> ()
    %mul3A_110 = arith.constant 16384 : i32
    %mul3A_111 = arith.muli %arg1, %mul3A_110 : i32
    %add3A_112 = arith.constant 12288 : i32
    %add3A_113 = arith.addi %mul3A_111, %add3A_112 : i32
    %dma_start3A_114 = arith.constant 0 : i32
    %dma_start3A_115 = tpu.memref_slice %arg2[%dma_start3A_114, %add3A_113] : memref<2x262144xf32, #tpu.memory_space<hbm>> -> memref<1x4096xf32, #tpu.memory_space<hbm>>
    %dma_start3A_116 = tpu.memref_squeeze %dma_start3A_115 : memref<1x4096xf32, #tpu.memory_space<hbm>> -> memref<4096xf32, #tpu.memory_space<hbm>>
    %dma_start3A_117 = tpu.memref_slice %arg2[%dma_start3A_114, %add3A_113] : memref<2x262144xf32, #tpu.memory_space<hbm>> -> memref<1x4096xf32, #tpu.memory_space<hbm>>
    %dma_start3A_118 = tpu.memref_squeeze %dma_start3A_117 : memref<1x4096xf32, #tpu.memory_space<hbm>> -> memref<4096xf32, #tpu.memory_space<hbm>>
    tpu.enqueue_dma source(%dma_start3A_118 : memref<4096xf32, #tpu.memory_space<hbm>>) target(%arg10 : memref<4096xf32, #tpu.memory_space<vmem>>) target_semaphore(%arg36 : memref<!tpu.dma_semaphore, #tpu.memory_space<semaphore_mem>>)
    %dma_start3A_119 = arith.constant 1 : i32
    %dma_start3A_120 = tpu.memref_slice %arg2[%dma_start3A_119, %add3A_113] : memref<2x262144xf32, #tpu.memory_space<hbm>> -> memref<1x4096xf32, #tpu.memory_space<hbm>>
    %dma_start3A_121 = tpu.memref_squeeze %dma_start3A_120 : memref<1x4096xf32, #tpu.memory_space<hbm>> -> memref<4096xf32, #tpu.memory_space<hbm>>
    %dma_start3A_122 = tpu.memref_slice %arg2[%dma_start3A_119, %add3A_113] : memref<2x262144xf32, #tpu.memory_space<hbm>> -> memref<1x4096xf32, #tpu.memory_space<hbm>>
    %dma_start3A_123 = tpu.memref_squeeze %dma_start3A_122 : memref<1x4096xf32, #tpu.memory_space<hbm>> -> memref<4096xf32, #tpu.memory_space<hbm>>
    tpu.enqueue_dma source(%dma_start3A_123 : memref<4096xf32, #tpu.memory_space<hbm>>) target(%arg11 : memref<4096xf32, #tpu.memory_space<vmem>>) target_semaphore(%arg36 : memref<!tpu.dma_semaphore, #tpu.memory_space<semaphore_mem>>)
    %mul3A_124 = arith.constant 16384 : i32
    %mul3A_125 = arith.muli %arg1, %mul3A_124 : i32
    %add3A_126 = arith.constant 8192 : i32
    %add3A_127 = arith.addi %mul3A_125, %add3A_126 : i32
    %dma_wait3A_128 = arith.constant 0 : i32
    %dma_wait3A_129 = tpu.memref_slice %arg2[%dma_wait3A_128, %add3A_127] : memref<2x262144xf32, #tpu.memory_space<hbm>> -> memref<1x4096xf32, #tpu.memory_space<hbm>>
    %dma_wait3A_130 = tpu.memref_squeeze %dma_wait3A_129 : memref<1x4096xf32, #tpu.memory_space<hbm>> -> memref<4096xf32, #tpu.memory_space<hbm>>
    %dma_wait3A_131 = tpu.memref_slice %arg2[%dma_wait3A_128, %add3A_127] : memref<2x262144xf32, #tpu.memory_space<hbm>> -> memref<1x4096xf32, #tpu.memory_space<hbm>>
    %dma_wait3A_132 = tpu.memref_squeeze %dma_wait3A_131 : memref<1x4096xf32, #tpu.memory_space<hbm>> -> memref<4096xf32, #tpu.memory_space<hbm>>
    tpu.wait_dma2 semaphore(%arg35 : memref<!tpu.dma_semaphore, #tpu.memory_space<semaphore_mem>>) src(%dma_wait3A_132 : memref<4096xf32, #tpu.memory_space<hbm>>) dst(%arg8 : memref<4096xf32, #tpu.memory_space<vmem>>)
    %dma_wait3A_133 = arith.constant 1 : i32
    %dma_wait3A_134 = tpu.memref_slice %arg2[%dma_wait3A_133, %add3A_127] : memref<2x262144xf32, #tpu.memory_space<hbm>> -> memref<1x4096xf32, #tpu.memory_space<hbm>>
    %dma_wait3A_135 = tpu.memref_squeeze %dma_wait3A_134 : memref<1x4096xf32, #tpu.memory_space<hbm>> -> memref<4096xf32, #tpu.memory_space<hbm>>
    %dma_wait3A_136 = tpu.memref_slice %arg2[%dma_wait3A_133, %add3A_127] : memref<2x262144xf32, #tpu.memory_space<hbm>> -> memref<1x4096xf32, #tpu.memory_space<hbm>>
    %dma_wait3A_137 = tpu.memref_squeeze %dma_wait3A_136 : memref<1x4096xf32, #tpu.memory_space<hbm>> -> memref<4096xf32, #tpu.memory_space<hbm>>
    tpu.wait_dma2 semaphore(%arg35 : memref<!tpu.dma_semaphore, #tpu.memory_space<semaphore_mem>>) src(%dma_wait3A_137 : memref<4096xf32, #tpu.memory_space<hbm>>) dst(%arg9 : memref<4096xf32, #tpu.memory_space<vmem>>)
    %scan3A_138 = arith.constant 0 : i32
    %scan3A_139 = arith.constant 256 : i32
    %scan3A_140 = arith.addi %scan3A_138, %scan3A_139 : i32
    %scan3A_141 = arith.constant 1 : i32
    scf.for %scan3A_211 = %scan3A_138 to %scan3A_140 step %scan3A_141  : i32 {
      %mul3A_212 = arith.constant 16 : i32
      %mul3A_213 = arith.muli %scan3A_211, %mul3A_212 : i32
      %get3A = arith.index_cast %mul3A_213 : i32 to index
      %get3A_214 = tpu.vector_load %arg8[%get3A] {strides = array<i32>} : memref<4096xf32, #tpu.memory_space<vmem>>, vector<16xf32>,
      %get3A_215 = vector.shape_cast %get3A_214 : vector<16xf32> to vector<16xf32>
      %get3A_216 = arith.index_cast %mul3A_213 : i32 to index
      %get3A_217 = tpu.vector_load %arg9[%get3A_216] {strides = array<i32>} : memref<4096xf32, #tpu.memory_space<vmem>>, vector<16xf32>,
      %get3A_218 = vector.shape_cast %get3A_217 : vector<16xf32> to vector<16xf32>
      %add3A_219 = arith.addf %get3A_215, %get3A_218 : vector<16xf32>
      %mul3A_220 = arith.constant 6.553600e-02 : f32
      %mul3A_221 = vector.broadcast %mul3A_220 : f32 to vector<16xf32>
      %mul3A_222 = arith.mulf %add3A_219, %mul3A_221 : vector<16xf32>
      %jit3A = arith.constant 5.000000e-01 : f32
      %jit3A_223 = arith.constant 2.000000e+00 : f32
      %max3A = vector.broadcast %jit3A : f32 to vector<16xf32>
      %max3A_224 = arith.maximumf %max3A, %mul3A_222 : vector<16xf32>
      %min3A = vector.broadcast %jit3A_223 : f32 to vector<16xf32>
      %min3A_225 = arith.minimumf %min3A, %max3A_224 : vector<16xf32>
      %swap3A = arith.index_cast %mul3A_213 : i32 to index
      %swap3A_226 = tpu.vector_load %arg8[%swap3A] {strides = array<i32>} : memref<4096xf32, #tpu.memory_space<vmem>>, vector<16xf32>,
      %swap3A_227 = vector.shape_cast %swap3A_226 : vector<16xf32> to vector<16xf32>
      %swap3A_228 = vector.shape_cast %min3A_225 : vector<16xf32> to vector<16xf32>
      tpu.vector_store %arg8[%swap3A], %swap3A_228 {strides = array<i32>} : memref<4096xf32, #tpu.memory_space<vmem>>, vector<16xf32>,
    }
    %scan3A_142 = arith.constant 256 : i32
    %mul3A_143 = arith.constant 16384 : i32
    %mul3A_144 = arith.muli %arg1, %mul3A_143 : i32
    %add3A_145 = arith.constant 8192 : i32
    %add3A_146 = arith.addi %mul3A_144, %add3A_145 : i32
    "tpu.region"() ({
      %run_scoped3A = tpu.sem_alloc : memref<!tpu.dma_semaphore, #tpu.memory_space<semaphore_mem>>
      %dma_start3A_211 = tpu.memref_slice %arg28[%add3A_146] : memref<262144xf32, #tpu.memory_space<vmem_shared>> -> memref<4096xf32, #tpu.memory_space<vmem_shared>>
      %dma_start3A_212 = tpu.memref_slice %arg28[%add3A_146] : memref<262144xf32, #tpu.memory_space<vmem_shared>> -> memref<4096xf32, #tpu.memory_space<vmem_shared>>
      tpu.enqueue_dma source(%arg8 : memref<4096xf32, #tpu.memory_space<vmem>>) target(%dma_start3A_212 : memref<4096xf32, #tpu.memory_space<vmem_shared>>) target_semaphore(%run_scoped3A : memref<!tpu.dma_semaphore, #tpu.memory_space<semaphore_mem>>)
      %dma_wait3A_213 = tpu.memref_slice %arg28[%add3A_146] : memref<262144xf32, #tpu.memory_space<vmem_shared>> -> memref<4096xf32, #tpu.memory_space<vmem_shared>>
      %dma_wait3A_214 = tpu.memref_slice %arg28[%add3A_146] : memref<262144xf32, #tpu.memory_space<vmem_shared>> -> memref<4096xf32, #tpu.memory_space<vmem_shared>>
      tpu.wait_dma2 semaphore(%run_scoped3A : memref<!tpu.dma_semaphore, #tpu.memory_space<semaphore_mem>>) src(%arg8 : memref<4096xf32, #tpu.memory_space<vmem>>) dst(%dma_wait3A_214 : memref<4096xf32, #tpu.memory_space<vmem_shared>>)
      tpu.yield
    }) : () -> ()
    %mul3A_147 = arith.constant 16384 : i32
    %mul3A_148 = arith.muli %arg1, %mul3A_147 : i32
    %add3A_149 = arith.constant 12288 : i32
    %add3A_150 = arith.addi %mul3A_148, %add3A_149 : i32
    %dma_wait3A_151 = arith.constant 0 : i32
    %dma_wait3A_152 = tpu.memref_slice %arg2[%dma_wait3A_151, %add3A_150] : memref<2x262144xf32, #tpu.memory_space<hbm>> -> memref<1x4096xf32, #tpu.memory_space<hbm>>
    %dma_wait3A_153 = tpu.memref_squeeze %dma_wait3A_152 : memref<1x4096xf32, #tpu.memory_space<hbm>> -> memref<4096xf32, #tpu.memory_space<hbm>>
    %dma_wait3A_154 = tpu.memref_slice %arg2[%dma_wait3A_151, %add3A_150] : memref<2x262144xf32, #tpu.memory_space<hbm>> -> memref<1x4096xf32, #tpu.memory_space<hbm>>
    %dma_wait3A_155 = tpu.memref_squeeze %dma_wait3A_154 : memref<1x4096xf32, #tpu.memory_space<hbm>> -> memref<4096xf32, #tpu.memory_space<hbm>>
    tpu.wait_dma2 semaphore(%arg36 : memref<!tpu.dma_semaphore, #tpu.memory_space<semaphore_mem>>) src(%dma_wait3A_155 : memref<4096xf32, #tpu.memory_space<hbm>>) dst(%arg10 : memref<4096xf32, #tpu.memory_space<vmem>>)
    %dma_wait3A_156 = arith.constant 1 : i32
    %dma_wait3A_157 = tpu.memref_slice %arg2[%dma_wait3A_156, %add3A_150] : memref<2x262144xf32, #tpu.memory_space<hbm>> -> memref<1x4096xf32, #tpu.memory_space<hbm>>
    %dma_wait3A_158 = tpu.memref_squeeze %dma_wait3A_157 : memref<1x4096xf32, #tpu.memory_space<hbm>> -> memref<4096xf32, #tpu.memory_space<hbm>>
    %dma_wait3A_159 = tpu.memref_slice %arg2[%dma_wait3A_156, %add3A_150] : memref<2x262144xf32, #tpu.memory_space<hbm>> -> memref<1x4096xf32, #tpu.memory_space<hbm>>
    %dma_wait3A_160 = tpu.memref_squeeze %dma_wait3A_159 : memref<1x4096xf32, #tpu.memory_space<hbm>> -> memref<4096xf32, #tpu.memory_space<hbm>>
    tpu.wait_dma2 semaphore(%arg36 : memref<!tpu.dma_semaphore, #tpu.memory_space<semaphore_mem>>) src(%dma_wait3A_160 : memref<4096xf32, #tpu.memory_space<hbm>>) dst(%arg11 : memref<4096xf32, #tpu.memory_space<vmem>>)
    %scan3A_161 = arith.constant 0 : i32
    %scan3A_162 = arith.constant 256 : i32
    %scan3A_163 = arith.addi %scan3A_161, %scan3A_162 : i32
    %scan3A_164 = arith.constant 1 : i32
    scf.for %scan3A_211 = %scan3A_161 to %scan3A_163 step %scan3A_164  : i32 {
      %mul3A_212 = arith.constant 16 : i32
      %mul3A_213 = arith.muli %scan3A_211, %mul3A_212 : i32
      %get3A = arith.index_cast %mul3A_213 : i32 to index
      %get3A_214 = tpu.vector_load %arg10[%get3A] {strides = array<i32>} : memref<4096xf32, #tpu.memory_space<vmem>>, vector<16xf32>,
      %get3A_215 = vector.shape_cast %get3A_214 : vector<16xf32> to vector<16xf32>
      %get3A_216 = arith.index_cast %mul3A_213 : i32 to index
      %get3A_217 = tpu.vector_load %arg11[%get3A_216] {strides = array<i32>} : memref<4096xf32, #tpu.memory_space<vmem>>, vector<16xf32>,
      %get3A_218 = vector.shape_cast %get3A_217 : vector<16xf32> to vector<16xf32>
      %add3A_219 = arith.addf %get3A_215, %get3A_218 : vector<16xf32>
      %mul3A_220 = arith.constant 6.553600e-02 : f32
      %mul3A_221 = vector.broadcast %mul3A_220 : f32 to vector<16xf32>
      %mul3A_222 = arith.mulf %add3A_219, %mul3A_221 : vector<16xf32>
      %jit3A = arith.constant 5.000000e-01 : f32
      %jit3A_223 = arith.constant 2.000000e+00 : f32
      %max3A = vector.broadcast %jit3A : f32 to vector<16xf32>
      %max3A_224 = arith.maximumf %max3A, %mul3A_222 : vector<16xf32>
      %min3A = vector.broadcast %jit3A_223 : f32 to vector<16xf32>
      %min3A_225 = arith.minimumf %min3A, %max3A_224 : vector<16xf32>
      %swap3A = arith.index_cast %mul3A_213 : i32 to index
      %swap3A_226 = tpu.vector_load %arg10[%swap3A] {strides = array<i32>} : memref<4096xf32, #tpu.memory_space<vmem>>, vector<16xf32>,
      %swap3A_227 = vector.shape_cast %swap3A_226 : vector<16xf32> to vector<16xf32>
      %swap3A_228 = vector.shape_cast %min3A_225 : vector<16xf32> to vector<16xf32>
      tpu.vector_store %arg10[%swap3A], %swap3A_228 {strides = array<i32>} : memref<4096xf32, #tpu.memory_space<vmem>>, vector<16xf32>,
    }
    %scan3A_165 = arith.constant 256 : i32
    %mul3A_166 = arith.constant 16384 : i32
    %mul3A_167 = arith.muli %arg1, %mul3A_166 : i32
    %add3A_168 = arith.constant 12288 : i32
    %add3A_169 = arith.addi %mul3A_167, %add3A_168 : i32
    "tpu.region"() ({
      %run_scoped3A = tpu.sem_alloc : memref<!tpu.dma_semaphore, #tpu.memory_space<semaphore_mem>>
      %dma_start3A_211 = tpu.memref_slice %arg28[%add3A_169] : memref<262144xf32, #tpu.memory_space<vmem_shared>> -> memref<4096xf32, #tpu.memory_space<vmem_shared>>
      %dma_start3A_212 = tpu.memref_slice %arg28[%add3A_169] : memref<262144xf32, #tpu.memory_space<vmem_shared>> -> memref<4096xf32, #tpu.memory_space<vmem_shared>>
      tpu.enqueue_dma source(%arg10 : memref<4096xf32, #tpu.memory_space<vmem>>) target(%dma_start3A_212 : memref<4096xf32, #tpu.memory_space<vmem_shared>>) target_semaphore(%run_scoped3A : memref<!tpu.dma_semaphore, #tpu.memory_space<semaphore_mem>>)
      %dma_wait3A_213 = tpu.memref_slice %arg28[%add3A_169] : memref<262144xf32, #tpu.memory_space<vmem_shared>> -> memref<4096xf32, #tpu.memory_space<vmem_shared>>
      %dma_wait3A_214 = tpu.memref_slice %arg28[%add3A_169] : memref<262144xf32, #tpu.memory_space<vmem_shared>> -> memref<4096xf32, #tpu.memory_space<vmem_shared>>
      tpu.wait_dma2 semaphore(%run_scoped3A : memref<!tpu.dma_semaphore, #tpu.memory_space<semaphore_mem>>) src(%arg10 : memref<4096xf32, #tpu.memory_space<vmem>>) dst(%dma_wait3A_214 : memref<4096xf32, #tpu.memory_space<vmem_shared>>)
      tpu.yield
    }) : () -> ()
    %scan3A_170 = arith.constant 0 : i32
    %scan3A_171 = arith.constant 720 : i32
    %scan3A_172 = arith.addi %scan3A_170, %scan3A_171 : i32
    %scan3A_173 = arith.constant 1 : i32
    scf.for %scan3A_211 = %scan3A_170 to %scan3A_172 step %scan3A_173  : i32 {
      %mul3A_212 = arith.constant 16 : i32
      %mul3A_213 = arith.muli %scan3A_211, %mul3A_212 : i32
      %broadcast_in_dim3A = arith.constant 0.000000e+00 : f32
      %broadcast_in_dim3A_214 = vector.broadcast %broadcast_in_dim3A : f32 to vector<16xf32>
      %swap3A = arith.index_cast %mul3A_213 : i32 to index
      %swap3A_215 = tpu.vector_load %arg22[%swap3A] {strides = array<i32>} : memref<11520xf32, #tpu.memory_space<vmem>>, vector<16xf32>,
      %swap3A_216 = vector.shape_cast %swap3A_215 : vector<16xf32> to vector<16xf32>
      %swap3A_217 = vector.shape_cast %broadcast_in_dim3A_214 : vector<16xf32> to vector<16xf32>
      tpu.vector_store %arg22[%swap3A], %swap3A_217 {strides = array<i32>} : memref<11520xf32, #tpu.memory_space<vmem>>, vector<16xf32>,
      %broadcast_in_dim3A_218 = arith.constant 0.000000e+00 : f32
      %broadcast_in_dim3A_219 = vector.broadcast %broadcast_in_dim3A_218 : f32 to vector<16xf32>
      %swap3A_220 = arith.index_cast %mul3A_213 : i32 to index
      %swap3A_221 = tpu.vector_load %arg26[%swap3A_220] {strides = array<i32>} : memref<11520xf32, #tpu.memory_space<vmem>>, vector<16xf32>,
      %swap3A_222 = vector.shape_cast %swap3A_221 : vector<16xf32> to vector<16xf32>
      %swap3A_223 = vector.shape_cast %broadcast_in_dim3A_219 : vector<16xf32> to vector<16xf32>
      tpu.vector_store %arg26[%swap3A_220], %swap3A_223 {strides = array<i32>} : memref<11520xf32, #tpu.memory_space<vmem>>, vector<16xf32>,
    }
    %scan3A_174 = arith.constant 720 : i32
    %barrier3A = arith.constant 0 : index
    tpu.barrier barrier_id(%barrier3A)
    %scan3A_175 = arith.constant 0 : i32
    %scan3A_176 = arith.constant 10 : i32
    %scan3A_177 = arith.addi %scan3A_175, %scan3A_176 : i32
    %scan3A_178 = arith.constant 1 : i32
    scf.for %scan3A_211 = %scan3A_175 to %scan3A_177 step %scan3A_178  : i32 {
      %mul3A_212 = arith.constant 2 : i32
      %mul3A_213 = arith.muli %mul3A_212, %scan3A_211 : i32
      %add3A_214 = arith.constant 0 : i32
      %add3A_215 = arith.addi %mul3A_213, %add3A_214 : i32
      %add3A_216 = arith.constant 1 : i32
      %add3A_217 = arith.addi %add3A_215, %add3A_216 : i32
      %lt3A = arith.constant 20 : i32
      %lt3A_218 = arith.cmpi slt, %add3A_217, %lt3A : i32
      %convert_element_type3A = arith.extui %lt3A_218 : i1 to i32
      %cond3A = arith.constant 0 : i32
      %cond3A_219 = arith.cmpi ne, %convert_element_type3A, %cond3A : i32
      scf.if %cond3A_219 {
        %add3A_292 = arith.constant 1 : i32
        %add3A_293 = arith.addi %add3A_215, %add3A_292 : i32
        %mul3A_294 = arith.constant 1280 : i32
        %mul3A_295 = arith.muli %add3A_293, %mul3A_294 : i32
        %dma_start3A_296 = tpu.memref_slice %arg3[%add3A, %mul3A_295] : memref<32x25600xf32, #tpu.memory_space<hbm>> -> memref<1x1280xf32, #tpu.memory_space<hbm>>
        %dma_start3A_297 = tpu.memref_squeeze %dma_start3A_296 : memref<1x1280xf32, #tpu.memory_space<hbm>> -> memref<1280xf32, #tpu.memory_space<hbm>>
        %dma_start3A_298 = tpu.memref_slice %arg3[%add3A, %mul3A_295] : memref<32x25600xf32, #tpu.memory_space<hbm>> -> memref<1x1280xf32, #tpu.memory_space<hbm>>
        %dma_start3A_299 = tpu.memref_squeeze %dma_start3A_298 : memref<1x1280xf32, #tpu.memory_space<hbm>> -> memref<1280xf32, #tpu.memory_space<hbm>>
        tpu.enqueue_dma source(%dma_start3A_299 : memref<1280xf32, #tpu.memory_space<hbm>>) target(%arg16 : memref<1280xf32, #tpu.memory_space<vmem>>) target_semaphore(%arg30 : memref<!tpu.dma_semaphore, #tpu.memory_space<semaphore_mem>>)
        %dma_start3A_300 = tpu.memref_slice %arg4[%add3A, %mul3A_295] : memref<32x25600xf32, #tpu.memory_space<hbm>> -> memref<1x1280xf32, #tpu.memory_space<hbm>>
        %dma_start3A_301 = tpu.memref_squeeze %dma_start3A_300 : memref<1x1280xf32, #tpu.memory_space<hbm>> -> memref<1280xf32, #tpu.memory_space<hbm>>
        %dma_start3A_302 = tpu.memref_slice %arg4[%add3A, %mul3A_295] : memref<32x25600xf32, #tpu.memory_space<hbm>> -> memref<1x1280xf32, #tpu.memory_space<hbm>>
        %dma_start3A_303 = tpu.memref_squeeze %dma_start3A_302 : memref<1x1280xf32, #tpu.memory_space<hbm>> -> memref<1280xf32, #tpu.memory_space<hbm>>
        tpu.enqueue_dma source(%dma_start3A_303 : memref<1280xf32, #tpu.memory_space<hbm>>) target(%arg17 : memref<1280xf32, #tpu.memory_space<vmem>>) target_semaphore(%arg30 : memref<!tpu.dma_semaphore, #tpu.memory_space<semaphore_mem>>)
        %dma_start3A_304 = tpu.memref_slice %arg5[%add3A, %mul3A_295] : memref<32x25600xf32, #tpu.memory_space<hbm>> -> memref<1x1280xf32, #tpu.memory_space<hbm>>
        %dma_start3A_305 = tpu.memref_squeeze %dma_start3A_304 : memref<1x1280xf32, #tpu.memory_space<hbm>> -> memref<1280xf32, #tpu.memory_space<hbm>>
        %dma_start3A_306 = tpu.memref_slice %arg5[%add3A, %mul3A_295] : memref<32x25600xf32, #tpu.memory_space<hbm>> -> memref<1x1280xf32, #tpu.memory_space<hbm>>
        %dma_start3A_307 = tpu.memref_squeeze %dma_start3A_306 : memref<1x1280xf32, #tpu.memory_space<hbm>> -> memref<1280xf32, #tpu.memory_space<hbm>>
        tpu.enqueue_dma source(%dma_start3A_307 : memref<1280xf32, #tpu.memory_space<hbm>>) target(%arg18 : memref<1280xf32, #tpu.memory_space<vmem>>) target_semaphore(%arg30 : memref<!tpu.dma_semaphore, #tpu.memory_space<semaphore_mem>>)
        %dma_start3A_308 = tpu.memref_slice %arg6[%add3A, %mul3A_295] : memref<32x25600xf32, #tpu.memory_space<hbm>> -> memref<1x1280xf32, #tpu.memory_space<hbm>>
        %dma_start3A_309 = tpu.memref_squeeze %dma_start3A_308 : memref<1x1280xf32, #tpu.memory_space<hbm>> -> memref<1280xf32, #tpu.memory_space<hbm>>
        %dma_start3A_310 = tpu.memref_slice %arg6[%add3A, %mul3A_295] : memref<32x25600xf32, #tpu.memory_space<hbm>> -> memref<1x1280xf32, #tpu.memory_space<hbm>>
        %dma_start3A_311 = tpu.memref_squeeze %dma_start3A_310 : memref<1x1280xf32, #tpu.memory_space<hbm>> -> memref<1280xf32, #tpu.memory_space<hbm>>
        tpu.enqueue_dma source(%dma_start3A_311 : memref<1280xf32, #tpu.memory_space<hbm>>) target(%arg19 : memref<1280xf32, #tpu.memory_space<vmem>>) target_semaphore(%arg30 : memref<!tpu.dma_semaphore, #tpu.memory_space<semaphore_mem>>)
      } else {
      }
      %mul3A_220 = arith.constant 1280 : i32
      %mul3A_221 = arith.muli %add3A_215, %mul3A_220 : i32
      %dma_wait3A_222 = tpu.memref_slice %arg3[%add3A, %mul3A_221] : memref<32x25600xf32, #tpu.memory_space<hbm>> -> memref<1x1280xf32, #tpu.memory_space<hbm>>
      %dma_wait3A_223 = tpu.memref_squeeze %dma_wait3A_222 : memref<1x1280xf32, #tpu.memory_space<hbm>> -> memref<1280xf32, #tpu.memory_space<hbm>>
      %dma_wait3A_224 = tpu.memref_slice %arg3[%add3A, %mul3A_221] : memref<32x25600xf32, #tpu.memory_space<hbm>> -> memref<1x1280xf32, #tpu.memory_space<hbm>>
      %dma_wait3A_225 = tpu.memref_squeeze %dma_wait3A_224 : memref<1x1280xf32, #tpu.memory_space<hbm>> -> memref<1280xf32, #tpu.memory_space<hbm>>
      tpu.wait_dma2 semaphore(%arg29 : memref<!tpu.dma_semaphore, #tpu.memory_space<semaphore_mem>>) src(%dma_wait3A_225 : memref<1280xf32, #tpu.memory_space<hbm>>) dst(%arg12 : memref<1280xf32, #tpu.memory_space<vmem>>)
      %dma_wait3A_226 = tpu.memref_slice %arg4[%add3A, %mul3A_221] : memref<32x25600xf32, #tpu.memory_space<hbm>> -> memref<1x1280xf32, #tpu.memory_space<hbm>>
      %dma_wait3A_227 = tpu.memref_squeeze %dma_wait3A_226 : memref<1x1280xf32, #tpu.memory_space<hbm>> -> memref<1280xf32, #tpu.memory_space<hbm>>
      %dma_wait3A_228 = tpu.memref_slice %arg4[%add3A, %mul3A_221] : memref<32x25600xf32, #tpu.memory_space<hbm>> -> memref<1x1280xf32, #tpu.memory_space<hbm>>
      %dma_wait3A_229 = tpu.memref_squeeze %dma_wait3A_228 : memref<1x1280xf32, #tpu.memory_space<hbm>> -> memref<1280xf32, #tpu.memory_space<hbm>>
      tpu.wait_dma2 semaphore(%arg29 : memref<!tpu.dma_semaphore, #tpu.memory_space<semaphore_mem>>) src(%dma_wait3A_229 : memref<1280xf32, #tpu.memory_space<hbm>>) dst(%arg13 : memref<1280xf32, #tpu.memory_space<vmem>>)
      %dma_wait3A_230 = tpu.memref_slice %arg5[%add3A, %mul3A_221] : memref<32x25600xf32, #tpu.memory_space<hbm>> -> memref<1x1280xf32, #tpu.memory_space<hbm>>
      %dma_wait3A_231 = tpu.memref_squeeze %dma_wait3A_230 : memref<1x1280xf32, #tpu.memory_space<hbm>> -> memref<1280xf32, #tpu.memory_space<hbm>>
      %dma_wait3A_232 = tpu.memref_slice %arg5[%add3A, %mul3A_221] : memref<32x25600xf32, #tpu.memory_space<hbm>> -> memref<1x1280xf32, #tpu.memory_space<hbm>>
      %dma_wait3A_233 = tpu.memref_squeeze %dma_wait3A_232 : memref<1x1280xf32, #tpu.memory_space<hbm>> -> memref<1280xf32, #tpu.memory_space<hbm>>
      tpu.wait_dma2 semaphore(%arg29 : memref<!tpu.dma_semaphore, #tpu.memory_space<semaphore_mem>>) src(%dma_wait3A_233 : memref<1280xf32, #tpu.memory_space<hbm>>) dst(%arg14 : memref<1280xf32, #tpu.memory_space<vmem>>)
      %dma_wait3A_234 = tpu.memref_slice %arg6[%add3A, %mul3A_221] : memref<32x25600xf32, #tpu.memory_space<hbm>> -> memref<1x1280xf32, #tpu.memory_space<hbm>>
      %dma_wait3A_235 = tpu.memref_squeeze %dma_wait3A_234 : memref<1x1280xf32, #tpu.memory_space<hbm>> -> memref<1280xf32, #tpu.memory_space<hbm>>
      %dma_wait3A_236 = tpu.memref_slice %arg6[%add3A, %mul3A_221] : memref<32x25600xf32, #tpu.memory_space<hbm>> -> memref<1x1280xf32, #tpu.memory_space<hbm>>
      %dma_wait3A_237 = tpu.memref_squeeze %dma_wait3A_236 : memref<1x1280xf32, #tpu.memory_space<hbm>> -> memref<1280xf32, #tpu.memory_space<hbm>>
      tpu.wait_dma2 semaphore(%arg29 : memref<!tpu.dma_semaphore, #tpu.memory_space<semaphore_mem>>) src(%dma_wait3A_237 : memref<1280xf32, #tpu.memory_space<hbm>>) dst(%arg15 : memref<1280xf32, #tpu.memory_space<vmem>>)
      %scan3A_238 = arith.constant 0 : i32
      %scan3A_239 = arith.constant 80 : i32
      %scan3A_240 = arith.addi %scan3A_238, %scan3A_239 : i32
      %scan3A_241 = arith.constant 1 : i32
      scf.for %scan3A_292 = %scan3A_238 to %scan3A_240 step %scan3A_241  : i32 {
        %mul3A_293 = arith.constant 16 : i32
        %mul3A_294 = arith.muli %scan3A_292, %mul3A_293 : i32
        %get3A = arith.index_cast %mul3A_294 : i32 to index
        %get3A_295 = tpu.vector_load %arg12[%get3A] {strides = array<i32>} : memref<1280xf32, #tpu.memory_space<vmem>>, vector<16xf32>,
        %get3A_296 = vector.shape_cast %get3A_295 : vector<16xf32> to vector<16xf32>
        %get3A_297 = arith.index_cast %mul3A_294 : i32 to index
        %get3A_298 = tpu.vector_load %arg13[%get3A_297] {strides = array<i32>} : memref<1280xf32, #tpu.memory_space<vmem>>, vector<16xf32>,
        %get3A_299 = vector.shape_cast %get3A_298 : vector<16xf32> to vector<16xf32>
        %get3A_300 = arith.index_cast %mul3A_294 : i32 to index
        %get3A_301 = tpu.vector_load %arg14[%get3A_300] {strides = array<i32>} : memref<1280xf32, #tpu.memory_space<vmem>>, vector<16xf32>,
        %get3A_302 = vector.shape_cast %get3A_301 : vector<16xf32> to vector<16xf32>
        %add3A_303 = arith.addf %get3A_296, %get3A_302 : vector<16xf32>
        %get3A_304 = arith.index_cast %mul3A_294 : i32 to index
        %get3A_305 = tpu.vector_load %arg15[%get3A_304] {strides = array<i32>} : memref<1280xf32, #tpu.memory_space<vmem>>, vector<16xf32>,
        %get3A_306 = vector.shape_cast %get3A_305 : vector<16xf32> to vector<16xf32>
        %add3A_307 = arith.addf %get3A_299, %get3A_306 : vector<16xf32>
        %mul3A_308 = arith.constant 5.120000e-01 : f32
        %mul3A_309 = vector.broadcast %mul3A_308 : f32 to vector<16xf32>
        %mul3A_310 = arith.mulf %get3A_296, %mul3A_309 : vector<16xf32>
        %convert_element_type3A_311 = arith.fptosi %mul3A_310 : vector<16xf32> to vector<16xi32>
        %jit3A = arith.constant 0 : i32
        %jit3A_312 = arith.constant 511 : i32
        %max3A = vector.broadcast %jit3A : i32 to vector<16xi32>
        %max3A_313 = arith.maxsi %max3A, %convert_element_type3A_311 : vector<16xi32>
        %min3A = vector.broadcast %jit3A_312 : i32 to vector<16xi32>
        %min3A_314 = arith.minsi %min3A, %max3A_313 : vector<16xi32>
        %mul3A_315 = arith.constant 5.120000e-01 : f32
        %mul3A_316 = vector.broadcast %mul3A_315 : f32 to vector<16xf32>
        %mul3A_317 = arith.mulf %add3A_303, %mul3A_316 : vector<16xf32>
        %convert_element_type3A_318 = arith.fptosi %mul3A_317 : vector<16xf32> to vector<16xi32>
        %jit3A_319 = arith.constant 0 : i32
        %jit3A_320 = arith.constant 511 : i32
        %max3A_321 = vector.broadcast %jit3A_319 : i32 to vector<16xi32>
        %max3A_322 = arith.maxsi %max3A_321, %convert_element_type3A_318 : vector<16xi32>
        %min3A_323 = vector.broadcast %jit3A_320 : i32 to vector<16xi32>
        %min3A_324 = arith.minsi %min3A_323, %max3A_322 : vector<16xi32>
        %convert_element_type3A_325 = arith.sitofp %min3A_314 : vector<16xi32> to vector<16xf32>
        %mul3A_326 = arith.constant 1.953125 : f32
        %mul3A_327 = vector.broadcast %mul3A_326 : f32 to vector<16xf32>
        %mul3A_328 = arith.mulf %convert_element_type3A_325, %mul3A_327 : vector<16xf32>
        %add3A_329 = arith.constant 1.953125 : f32
        %add3A_330 = vector.broadcast %add3A_329 : f32 to vector<16xf32>
        %add3A_331 = arith.addf %mul3A_328, %add3A_330 : vector<16xf32>
        %add3A_332 = arith.constant 1.953125 : f32
        %add3A_333 = vector.broadcast %add3A_332 : f32 to vector<16xf32>
        %add3A_334 = arith.addf %add3A_331, %add3A_333 : vector<16xf32>
        %min3A_335 = arith.minimumf %add3A_303, %add3A_331 : vector<16xf32>
        %max3A_336 = arith.maximumf %get3A_296, %mul3A_328 : vector<16xf32>
        %sub3A = arith.subf %min3A_335, %max3A_336 : vector<16xf32>
        %sub3A_337 = arith.subf %add3A_303, %add3A_331 : vector<16xf32>
        %min3A_338 = arith.constant 1.953125 : f32
        %min3A_339 = vector.broadcast %min3A_338 : f32 to vector<16xf32>
        %min3A_340 = arith.minimumf %sub3A_337, %min3A_339 : vector<16xf32>
        %sub3A_341 = arith.subf %add3A_303, %add3A_334 : vector<16xf32>
        %add3A_342 = arith.constant 1 : i32
        %add3A_343 = vector.broadcast %add3A_342 : i32 to vector<16xi32>
        %add3A_344 = arith.addi %min3A_314, %add3A_343 : vector<16xi32>
        %gt3A = arith.cmpi sgt, %min3A_324, %min3A_314 : vector<16xi32>
        %gt3A_345 = arith.cmpi sgt, %min3A_324, %add3A_344 : vector<16xi32>
        %add3A_346 = arith.constant 2 : i32
        %add3A_347 = vector.broadcast %add3A_346 : i32 to vector<16xi32>
        %add3A_348 = arith.addi %min3A_314, %add3A_347 : vector<16xi32>
        %mul3A_349 = arith.constant 5.120000e-01 : f32
        %mul3A_350 = vector.broadcast %mul3A_349 : f32 to vector<16xf32>
        %mul3A_351 = arith.mulf %get3A_299, %mul3A_350 : vector<16xf32>
        %convert_element_type3A_352 = arith.fptosi %mul3A_351 : vector<16xf32> to vector<16xi32>
        %jit3A_353 = arith.constant 0 : i32
        %jit3A_354 = arith.constant 511 : i32
        %max3A_355 = vector.broadcast %jit3A_353 : i32 to vector<16xi32>
        %max3A_356 = arith.maxsi %max3A_355, %convert_element_type3A_352 : vector<16xi32>
        %min3A_357 = vector.broadcast %jit3A_354 : i32 to vector<16xi32>
        %min3A_358 = arith.minsi %min3A_357, %max3A_356 : vector<16xi32>
        %mul3A_359 = arith.constant 5.120000e-01 : f32
        %mul3A_360 = vector.broadcast %mul3A_359 : f32 to vector<16xf32>
        %mul3A_361 = arith.mulf %add3A_307, %mul3A_360 : vector<16xf32>
        %convert_element_type3A_362 = arith.fptosi %mul3A_361 : vector<16xf32> to vector<16xi32>
        %jit3A_363 = arith.constant 0 : i32
        %jit3A_364 = arith.constant 511 : i32
        %max3A_365 = vector.broadcast %jit3A_363 : i32 to vector<16xi32>
        %max3A_366 = arith.maxsi %max3A_365, %convert_element_type3A_362 : vector<16xi32>
        %min3A_367 = vector.broadcast %jit3A_364 : i32 to vector<16xi32>
        %min3A_368 = arith.minsi %min3A_367, %max3A_366 : vector<16xi32>
        %convert_element_type3A_369 = arith.sitofp %min3A_358 : vector<16xi32> to vector<16xf32>
        %mul3A_370 = arith.constant 1.953125 : f32
        %mul3A_371 = vector.broadcast %mul3A_370 : f32 to vector<16xf32>
        %mul3A_372 = arith.mulf %convert_element_type3A_369, %mul3A_371 : vector<16xf32>
        %add3A_373 = arith.constant 1.953125 : f32
        %add3A_374 = vector.broadcast %add3A_373 : f32 to vector<16xf32>
        %add3A_375 = arith.addf %mul3A_372, %add3A_374 : vector<16xf32>
        %add3A_376 = arith.constant 1.953125 : f32
        %add3A_377 = vector.broadcast %add3A_376 : f32 to vector<16xf32>
        %add3A_378 = arith.addf %add3A_375, %add3A_377 : vector<16xf32>
        %min3A_379 = arith.minimumf %add3A_307, %add3A_375 : vector<16xf32>
        %max3A_380 = arith.maximumf %get3A_299, %mul3A_372 : vector<16xf32>
        %sub3A_381 = arith.subf %min3A_379, %max3A_380 : vector<16xf32>
        %sub3A_382 = arith.subf %add3A_307, %add3A_375 : vector<16xf32>
        %min3A_383 = arith.constant 1.953125 : f32
        %min3A_384 = vector.broadcast %min3A_383 : f32 to vector<16xf32>
        %min3A_385 = arith.minimumf %sub3A_382, %min3A_384 : vector<16xf32>
        %sub3A_386 = arith.subf %add3A_307, %add3A_378 : vector<16xf32>
        %add3A_387 = arith.constant 1 : i32
        %add3A_388 = vector.broadcast %add3A_387 : i32 to vector<16xi32>
        %add3A_389 = arith.addi %min3A_358, %add3A_388 : vector<16xi32>
        %gt3A_390 = arith.cmpi sgt, %min3A_368, %min3A_358 : vector<16xi32>
        %gt3A_391 = arith.cmpi sgt, %min3A_368, %add3A_389 : vector<16xi32>
        %add3A_392 = arith.constant 2 : i32
        %add3A_393 = vector.broadcast %add3A_392 : i32 to vector<16xi32>
        %add3A_394 = arith.addi %min3A_358, %add3A_393 : vector<16xi32>
        %mul3A_395 = arith.constant 16 : i32
        %mul3A_396 = arith.muli %scan3A_292, %mul3A_395 : i32
        %broadcast_in_dim3A = arith.constant -1 : i32
        %broadcast_in_dim3A_397 = vector.broadcast %broadcast_in_dim3A : i32 to vector<16xi32>
        %broadcast_in_dim3A_398 = arith.constant 0.000000e+00 : f32
        %broadcast_in_dim3A_399 = vector.broadcast %broadcast_in_dim3A_398 : f32 to vector<16xf32>
        %mul3A_400 = arith.constant 512 : i32
        %mul3A_401 = vector.broadcast %mul3A_400 : i32 to vector<16xi32>
        %mul3A_402 = arith.muli %min3A_314, %mul3A_401 : vector<16xi32>
        %add3A_403 = arith.constant 0 : i32
        %add3A_404 = arith.addi %add3A_403, %mul3A_396 : i32
        %add3A_405 = arith.addi %mul3A_402, %min3A_358 : vector<16xi32>
        %mul3A_406 = arith.mulf %sub3A, %sub3A_381 : vector<16xf32>
        %swap3A = arith.index_cast %add3A_404 : i32 to index
        %swap3A_407 = tpu.vector_load %arg20[%swap3A] {strides = array<i32>} : memref<11520xi32, #tpu.memory_space<vmem>>, vector<16xi32>,
        %swap3A_408 = vector.shape_cast %swap3A_407 : vector<16xi32> to vector<16xi32>
        %swap3A_409 = vector.shape_cast %add3A_405 : vector<16xi32> to vector<16xi32>
        tpu.vector_store %arg20[%swap3A], %swap3A_409 {strides = array<i32>} : memref<11520xi32, #tpu.memory_space<vmem>>, vector<16xi32>,
        %swap3A_410 = arith.index_cast %add3A_404 : i32 to index
        %swap3A_411 = tpu.vector_load %arg21[%swap3A_410] {strides = array<i32>} : memref<11520xf32, #tpu.memory_space<vmem>>, vector<16xf32>,
        %swap3A_412 = vector.shape_cast %swap3A_411 : vector<16xf32> to vector<16xf32>
        %swap3A_413 = vector.shape_cast %mul3A_406 : vector<16xf32> to vector<16xf32>
        tpu.vector_store %arg21[%swap3A_410], %swap3A_413 {strides = array<i32>} : memref<11520xf32, #tpu.memory_space<vmem>>, vector<16xf32>,
        %add3A_414 = arith.constant 1280 : i32
        %add3A_415 = arith.addi %add3A_414, %mul3A_396 : i32
        %add3A_416 = arith.addi %mul3A_402, %add3A_389 : vector<16xi32>
        %mul3A_417 = arith.mulf %sub3A, %min3A_385 : vector<16xf32>
        %select_n3A = arith.select %gt3A_390, %add3A_416, %broadcast_in_dim3A_397 : vector<16xi1>, vector<16xi32>
        %swap3A_418 = arith.index_cast %add3A_415 : i32 to index
        %swap3A_419 = tpu.vector_load %arg20[%swap3A_418] {strides = array<i32>} : memref<11520xi32, #tpu.memory_space<vmem>>, vector<16xi32>,
        %swap3A_420 = vector.shape_cast %swap3A_419 : vector<16xi32> to vector<16xi32>
        %swap3A_421 = vector.shape_cast %select_n3A : vector<16xi32> to vector<16xi32>
        tpu.vector_store %arg20[%swap3A_418], %swap3A_421 {strides = array<i32>} : memref<11520xi32, #tpu.memory_space<vmem>>, vector<16xi32>,
        %select_n3A_422 = arith.select %gt3A_390, %mul3A_417, %broadcast_in_dim3A_399 : vector<16xi1>, vector<16xf32>
        %swap3A_423 = arith.index_cast %add3A_415 : i32 to index
        %swap3A_424 = tpu.vector_load %arg21[%swap3A_423] {strides = array<i32>} : memref<11520xf32, #tpu.memory_space<vmem>>, vector<16xf32>,
        %swap3A_425 = vector.shape_cast %swap3A_424 : vector<16xf32> to vector<16xf32>
        %swap3A_426 = vector.shape_cast %select_n3A_422 : vector<16xf32> to vector<16xf32>
        tpu.vector_store %arg21[%swap3A_423], %swap3A_426 {strides = array<i32>} : memref<11520xf32, #tpu.memory_space<vmem>>, vector<16xf32>,
        %add3A_427 = arith.constant 2560 : i32
        %add3A_428 = arith.addi %add3A_427, %mul3A_396 : i32
        %add3A_429 = arith.addi %mul3A_402, %add3A_394 : vector<16xi32>
        %mul3A_430 = arith.mulf %sub3A, %sub3A_386 : vector<16xf32>
        %select_n3A_431 = arith.select %gt3A_391, %add3A_429, %broadcast_in_dim3A_397 : vector<16xi1>, vector<16xi32>
        %swap3A_432 = arith.index_cast %add3A_428 : i32 to index
        %swap3A_433 = tpu.vector_load %arg20[%swap3A_432] {strides = array<i32>} : memref<11520xi32, #tpu.memory_space<vmem>>, vector<16xi32>,
        %swap3A_434 = vector.shape_cast %swap3A_433 : vector<16xi32> to vector<16xi32>
        %swap3A_435 = vector.shape_cast %select_n3A_431 : vector<16xi32> to vector<16xi32>
        tpu.vector_store %arg20[%swap3A_432], %swap3A_435 {strides = array<i32>} : memref<11520xi32, #tpu.memory_space<vmem>>, vector<16xi32>,
        %select_n3A_436 = arith.select %gt3A_391, %mul3A_430, %broadcast_in_dim3A_399 : vector<16xi1>, vector<16xf32>
        %swap3A_437 = arith.index_cast %add3A_428 : i32 to index
        %swap3A_438 = tpu.vector_load %arg21[%swap3A_437] {strides = array<i32>} : memref<11520xf32, #tpu.memory_space<vmem>>, vector<16xf32>,
        %swap3A_439 = vector.shape_cast %swap3A_438 : vector<16xf32> to vector<16xf32>
        %swap3A_440 = vector.shape_cast %select_n3A_436 : vector<16xf32> to vector<16xf32>
        tpu.vector_store %arg21[%swap3A_437], %swap3A_440 {strides = array<i32>} : memref<11520xf32, #tpu.memory_space<vmem>>, vector<16xf32>,
        %mul3A_441 = arith.constant 512 : i32
        %mul3A_442 = vector.broadcast %mul3A_441 : i32 to vector<16xi32>
        %mul3A_443 = arith.muli %add3A_344, %mul3A_442 : vector<16xi32>
        %add3A_444 = arith.constant 3840 : i32
        %add3A_445 = arith.addi %add3A_444, %mul3A_396 : i32
        %add3A_446 = arith.addi %mul3A_443, %min3A_358 : vector<16xi32>
        %mul3A_447 = arith.mulf %min3A_340, %sub3A_381 : vector<16xf32>
        %select_n3A_448 = arith.select %gt3A, %add3A_446, %broadcast_in_dim3A_397 : vector<16xi1>, vector<16xi32>
        %swap3A_449 = arith.index_cast %add3A_445 : i32 to index
        %swap3A_450 = tpu.vector_load %arg20[%swap3A_449] {strides = array<i32>} : memref<11520xi32, #tpu.memory_space<vmem>>, vector<16xi32>,
        %swap3A_451 = vector.shape_cast %swap3A_450 : vector<16xi32> to vector<16xi32>
        %swap3A_452 = vector.shape_cast %select_n3A_448 : vector<16xi32> to vector<16xi32>
        tpu.vector_store %arg20[%swap3A_449], %swap3A_452 {strides = array<i32>} : memref<11520xi32, #tpu.memory_space<vmem>>, vector<16xi32>,
        %select_n3A_453 = arith.select %gt3A, %mul3A_447, %broadcast_in_dim3A_399 : vector<16xi1>, vector<16xf32>
        %swap3A_454 = arith.index_cast %add3A_445 : i32 to index
        %swap3A_455 = tpu.vector_load %arg21[%swap3A_454] {strides = array<i32>} : memref<11520xf32, #tpu.memory_space<vmem>>, vector<16xf32>,
        %swap3A_456 = vector.shape_cast %swap3A_455 : vector<16xf32> to vector<16xf32>
        %swap3A_457 = vector.shape_cast %select_n3A_453 : vector<16xf32> to vector<16xf32>
        tpu.vector_store %arg21[%swap3A_454], %swap3A_457 {strides = array<i32>} : memref<11520xf32, #tpu.memory_space<vmem>>, vector<16xf32>,
        %add3A_458 = arith.constant 5120 : i32
        %add3A_459 = arith.addi %add3A_458, %mul3A_396 : i32
        %and3A = arith.andi %gt3A, %gt3A_390 : vector<16xi1>
        %add3A_460 = arith.addi %mul3A_443, %add3A_389 : vector<16xi32>
        %mul3A_461 = arith.mulf %min3A_340, %min3A_385 : vector<16xf32>
        %select_n3A_462 = arith.select %and3A, %add3A_460, %broadcast_in_dim3A_397 : vector<16xi1>, vector<16xi32>
        %swap3A_463 = arith.index_cast %add3A_459 : i32 to index
        %swap3A_464 = tpu.vector_load %arg20[%swap3A_463] {strides = array<i32>} : memref<11520xi32, #tpu.memory_space<vmem>>, vector<16xi32>,
        %swap3A_465 = vector.shape_cast %swap3A_464 : vector<16xi32> to vector<16xi32>
        %swap3A_466 = vector.shape_cast %select_n3A_462 : vector<16xi32> to vector<16xi32>
        tpu.vector_store %arg20[%swap3A_463], %swap3A_466 {strides = array<i32>} : memref<11520xi32, #tpu.memory_space<vmem>>, vector<16xi32>,
        %select_n3A_467 = arith.select %and3A, %mul3A_461, %broadcast_in_dim3A_399 : vector<16xi1>, vector<16xf32>
        %swap3A_468 = arith.index_cast %add3A_459 : i32 to index
        %swap3A_469 = tpu.vector_load %arg21[%swap3A_468] {strides = array<i32>} : memref<11520xf32, #tpu.memory_space<vmem>>, vector<16xf32>,
        %swap3A_470 = vector.shape_cast %swap3A_469 : vector<16xf32> to vector<16xf32>
        %swap3A_471 = vector.shape_cast %select_n3A_467 : vector<16xf32> to vector<16xf32>
        tpu.vector_store %arg21[%swap3A_468], %swap3A_471 {strides = array<i32>} : memref<11520xf32, #tpu.memory_space<vmem>>, vector<16xf32>,
        %add3A_472 = arith.constant 6400 : i32
        %add3A_473 = arith.addi %add3A_472, %mul3A_396 : i32
        %and3A_474 = arith.andi %gt3A, %gt3A_391 : vector<16xi1>
        %add3A_475 = arith.addi %mul3A_443, %add3A_394 : vector<16xi32>
        %mul3A_476 = arith.mulf %min3A_340, %sub3A_386 : vector<16xf32>
        %select_n3A_477 = arith.select %and3A_474, %add3A_475, %broadcast_in_dim3A_397 : vector<16xi1>, vector<16xi32>
        %swap3A_478 = arith.index_cast %add3A_473 : i32 to index
        %swap3A_479 = tpu.vector_load %arg20[%swap3A_478] {strides = array<i32>} : memref<11520xi32, #tpu.memory_space<vmem>>, vector<16xi32>,
        %swap3A_480 = vector.shape_cast %swap3A_479 : vector<16xi32> to vector<16xi32>
        %swap3A_481 = vector.shape_cast %select_n3A_477 : vector<16xi32> to vector<16xi32>
        tpu.vector_store %arg20[%swap3A_478], %swap3A_481 {strides = array<i32>} : memref<11520xi32, #tpu.memory_space<vmem>>, vector<16xi32>,
        %select_n3A_482 = arith.select %and3A_474, %mul3A_476, %broadcast_in_dim3A_399 : vector<16xi1>, vector<16xf32>
        %swap3A_483 = arith.index_cast %add3A_473 : i32 to index
        %swap3A_484 = tpu.vector_load %arg21[%swap3A_483] {strides = array<i32>} : memref<11520xf32, #tpu.memory_space<vmem>>, vector<16xf32>,
        %swap3A_485 = vector.shape_cast %swap3A_484 : vector<16xf32> to vector<16xf32>
        %swap3A_486 = vector.shape_cast %select_n3A_482 : vector<16xf32> to vector<16xf32>
        tpu.vector_store %arg21[%swap3A_483], %swap3A_486 {strides = array<i32>} : memref<11520xf32, #tpu.memory_space<vmem>>, vector<16xf32>,
        %mul3A_487 = arith.constant 512 : i32
        %mul3A_488 = vector.broadcast %mul3A_487 : i32 to vector<16xi32>
        %mul3A_489 = arith.muli %add3A_348, %mul3A_488 : vector<16xi32>
        %add3A_490 = arith.constant 7680 : i32
        %add3A_491 = arith.addi %add3A_490, %mul3A_396 : i32
        %add3A_492 = arith.addi %mul3A_489, %min3A_358 : vector<16xi32>
        %mul3A_493 = arith.mulf %sub3A_341, %sub3A_381 : vector<16xf32>
        %select_n3A_494 = arith.select %gt3A_345, %add3A_492, %broadcast_in_dim3A_397 : vector<16xi1>, vector<16xi32>
        %swap3A_495 = arith.index_cast %add3A_491 : i32 to index
        %swap3A_496 = tpu.vector_load %arg20[%swap3A_495] {strides = array<i32>} : memref<11520xi32, #tpu.memory_space<vmem>>, vector<16xi32>,
        %swap3A_497 = vector.shape_cast %swap3A_496 : vector<16xi32> to vector<16xi32>
        %swap3A_498 = vector.shape_cast %select_n3A_494 : vector<16xi32> to vector<16xi32>
        tpu.vector_store %arg20[%swap3A_495], %swap3A_498 {strides = array<i32>} : memref<11520xi32, #tpu.memory_space<vmem>>, vector<16xi32>,
        %select_n3A_499 = arith.select %gt3A_345, %mul3A_493, %broadcast_in_dim3A_399 : vector<16xi1>, vector<16xf32>
        %swap3A_500 = arith.index_cast %add3A_491 : i32 to index
        %swap3A_501 = tpu.vector_load %arg21[%swap3A_500] {strides = array<i32>} : memref<11520xf32, #tpu.memory_space<vmem>>, vector<16xf32>,
        %swap3A_502 = vector.shape_cast %swap3A_501 : vector<16xf32> to vector<16xf32>
        %swap3A_503 = vector.shape_cast %select_n3A_499 : vector<16xf32> to vector<16xf32>
        tpu.vector_store %arg21[%swap3A_500], %swap3A_503 {strides = array<i32>} : memref<11520xf32, #tpu.memory_space<vmem>>, vector<16xf32>,
        %add3A_504 = arith.constant 8960 : i32
        %add3A_505 = arith.addi %add3A_504, %mul3A_396 : i32
        %and3A_506 = arith.andi %gt3A_345, %gt3A_390 : vector<16xi1>
        %add3A_507 = arith.addi %mul3A_489, %add3A_389 : vector<16xi32>
        %mul3A_508 = arith.mulf %sub3A_341, %min3A_385 : vector<16xf32>
        %select_n3A_509 = arith.select %and3A_506, %add3A_507, %broadcast_in_dim3A_397 : vector<16xi1>, vector<16xi32>
        %swap3A_510 = arith.index_cast %add3A_505 : i32 to index
        %swap3A_511 = tpu.vector_load %arg20[%swap3A_510] {strides = array<i32>} : memref<11520xi32, #tpu.memory_space<vmem>>, vector<16xi32>,
        %swap3A_512 = vector.shape_cast %swap3A_511 : vector<16xi32> to vector<16xi32>
        %swap3A_513 = vector.shape_cast %select_n3A_509 : vector<16xi32> to vector<16xi32>
        tpu.vector_store %arg20[%swap3A_510], %swap3A_513 {strides = array<i32>} : memref<11520xi32, #tpu.memory_space<vmem>>, vector<16xi32>,
        %select_n3A_514 = arith.select %and3A_506, %mul3A_508, %broadcast_in_dim3A_399 : vector<16xi1>, vector<16xf32>
        %swap3A_515 = arith.index_cast %add3A_505 : i32 to index
        %swap3A_516 = tpu.vector_load %arg21[%swap3A_515] {strides = array<i32>} : memref<11520xf32, #tpu.memory_space<vmem>>, vector<16xf32>,
        %swap3A_517 = vector.shape_cast %swap3A_516 : vector<16xf32> to vector<16xf32>
        %swap3A_518 = vector.shape_cast %select_n3A_514 : vector<16xf32> to vector<16xf32>
        tpu.vector_store %arg21[%swap3A_515], %swap3A_518 {strides = array<i32>} : memref<11520xf32, #tpu.memory_space<vmem>>, vector<16xf32>,
        %add3A_519 = arith.constant 10240 : i32
        %add3A_520 = arith.addi %add3A_519, %mul3A_396 : i32
        %and3A_521 = arith.andi %gt3A_345, %gt3A_391 : vector<16xi1>
        %add3A_522 = arith.addi %mul3A_489, %add3A_394 : vector<16xi32>
        %mul3A_523 = arith.mulf %sub3A_341, %sub3A_386 : vector<16xf32>
        %select_n3A_524 = arith.select %and3A_521, %add3A_522, %broadcast_in_dim3A_397 : vector<16xi1>, vector<16xi32>
        %swap3A_525 = arith.index_cast %add3A_520 : i32 to index
        %swap3A_526 = tpu.vector_load %arg20[%swap3A_525] {strides = array<i32>} : memref<11520xi32, #tpu.memory_space<vmem>>, vector<16xi32>,
        %swap3A_527 = vector.shape_cast %swap3A_526 : vector<16xi32> to vector<16xi32>
        %swap3A_528 = vector.shape_cast %select_n3A_524 : vector<16xi32> to vector<16xi32>
        tpu.vector_store %arg20[%swap3A_525], %swap3A_528 {strides = array<i32>} : memref<11520xi32, #tpu.memory_space<vmem>>, vector<16xi32>,
        %select_n3A_529 = arith.select %and3A_521, %mul3A_523, %broadcast_in_dim3A_399 : vector<16xi1>, vector<16xf32>
        %swap3A_530 = arith.index_cast %add3A_520 : i32 to index
        %swap3A_531 = tpu.vector_load %arg21[%swap3A_530] {strides = array<i32>} : memref<11520xf32, #tpu.memory_space<vmem>>, vector<16xf32>,
        %swap3A_532 = vector.shape_cast %swap3A_531 : vector<16xf32> to vector<16xf32>
        %swap3A_533 = vector.shape_cast %select_n3A_529 : vector<16xf32> to vector<16xf32>
        tpu.vector_store %arg21[%swap3A_530], %swap3A_533 {strides = array<i32>} : memref<11520xf32, #tpu.memory_space<vmem>>, vector<16xf32>,
      }
      %scan3A_242 = arith.constant 80 : i32
      %dma_start3A_243 = arith.constant 0 : i32
      %dma_start3A_244 = tpu.memref_slice %arg28[%dma_start3A_243] : memref<262144xf32, #tpu.memory_space<vmem_shared>> -> memref<262144xf32, #tpu.memory_space<vmem_shared>>
      %dma_start3A_245 = arith.constant -1 : i32
      tpu.enqueue_indirect_dma source(%dma_start3A_244 : memref<262144xf32, #tpu.memory_space<vmem_shared>>) target(%arg22 : memref<11520xf32, #tpu.memory_space<vmem>>) offsets(%arg20 : memref<11520xi32, #tpu.memory_space<vmem>>) offset_filter(%dma_start3A_245) semaphore(%arg31 : memref<!tpu.dma_semaphore, #tpu.memory_space<semaphore_mem>>)
      %ge3A = arith.constant 1 : i32
      %ge3A_246 = arith.cmpi sge, %add3A_215, %ge3A : i32
      %convert_element_type3A_247 = arith.extui %ge3A_246 : i1 to i32
      %cond3A_248 = arith.constant 0 : i32
      %cond3A_249 = arith.cmpi ne, %convert_element_type3A_247, %cond3A_248 : i32
      scf.if %cond3A_249 {
        %dma_wait3A_292 = arith.constant 0 : i32
        %dma_wait3A_293 = tpu.memref_slice %arg28[%dma_wait3A_292] : memref<262144xf32, #tpu.memory_space<vmem_shared>> -> memref<262144xf32, #tpu.memory_space<vmem_shared>>
        tpu.wait_indirect_dma semaphore(%arg32 : memref<!tpu.dma_semaphore, #tpu.memory_space<semaphore_mem>>) src(%dma_wait3A_293 : memref<262144xf32, #tpu.memory_space<vmem_shared>>) dst(%arg26 : memref<11520xf32, #tpu.memory_space<vmem>>)
        %ge3A_294 = arith.constant 3 : i32
        %ge3A_295 = arith.cmpi sge, %add3A_215, %ge3A_294 : i32
        %convert_element_type3A_296 = arith.extui %ge3A_295 : i1 to i32
        %cond3A_297 = arith.constant 0 : i32
        %cond3A_298 = arith.cmpi ne, %convert_element_type3A_296, %cond3A_297 : i32
        scf.if %cond3A_298 {
          %sub3A_312 = arith.constant 3 : i32
          %sub3A_313 = arith.subi %add3A_215, %sub3A_312 : i32
          %mul3A_314 = arith.constant 25600 : i32
          %mul3A_315 = arith.muli %add3A, %mul3A_314 : i32
          %mul3A_316 = arith.constant 1280 : i32
          %mul3A_317 = arith.muli %sub3A_313, %mul3A_316 : i32
          %add3A_318 = arith.addi %mul3A_315, %mul3A_317 : i32
          %dma_wait3A_319 = tpu.memref_slice %arg7[%add3A_318] : memref<819200xf32, #tpu.memory_space<hbm>> -> memref<1280xf32, #tpu.memory_space<hbm>>
          %dma_wait3A_320 = tpu.memref_slice %arg7[%add3A_318] : memref<819200xf32, #tpu.memory_space<hbm>> -> memref<1280xf32, #tpu.memory_space<hbm>>
          tpu.wait_dma2 semaphore(%arg34 : memref<!tpu.dma_semaphore, #tpu.memory_space<semaphore_mem>>) src(%arg27 : memref<1280xf32, #tpu.memory_space<vmem>>) dst(%dma_wait3A_320 : memref<1280xf32, #tpu.memory_space<hbm>>)
        } else {
        }
        %scan3A_299 = arith.constant 0 : i32
        %scan3A_300 = arith.constant 80 : i32
        %scan3A_301 = arith.addi %scan3A_299, %scan3A_300 : i32
        %scan3A_302 = arith.constant 1 : i32
        scf.for %scan3A_312 = %scan3A_299 to %scan3A_301 step %scan3A_302  : i32 {
          %mul3A_313 = arith.constant 16 : i32
          %mul3A_314 = arith.muli %scan3A_312, %mul3A_313 : i32
          %add3A_315 = arith.constant 0 : i32
          %add3A_316 = arith.addi %add3A_315, %mul3A_314 : i32
          %get3A = arith.index_cast %add3A_316 : i32 to index
          %get3A_317 = tpu.vector_load %arg25[%get3A] {strides = array<i32>} : memref<11520xf32, #tpu.memory_space<vmem>>, vector<16xf32>,
          %get3A_318 = vector.shape_cast %get3A_317 : vector<16xf32> to vector<16xf32>
          %get3A_319 = arith.index_cast %add3A_316 : i32 to index
          %get3A_320 = tpu.vector_load %arg26[%get3A_319] {strides = array<i32>} : memref<11520xf32, #tpu.memory_space<vmem>>, vector<16xf32>,
          %get3A_321 = vector.shape_cast %get3A_320 : vector<16xf32> to vector<16xf32>
          %mul3A_322 = arith.mulf %get3A_318, %get3A_321 : vector<16xf32>
          %add3A_323 = arith.constant 1280 : i32
          %add3A_324 = arith.addi %add3A_323, %mul3A_314 : i32
          %get3A_325 = arith.index_cast %add3A_324 : i32 to index
          %get3A_326 = tpu.vector_load %arg25[%get3A_325] {strides = array<i32>} : memref<11520xf32, #tpu.memory_space<vmem>>, vector<16xf32>,
          %get3A_327 = vector.shape_cast %get3A_326 : vector<16xf32> to vector<16xf32>
          %get3A_328 = arith.index_cast %add3A_324 : i32 to index
          %get3A_329 = tpu.vector_load %arg26[%get3A_328] {strides = array<i32>} : memref<11520xf32, #tpu.memory_space<vmem>>, vector<16xf32>,
          %get3A_330 = vector.shape_cast %get3A_329 : vector<16xf32> to vector<16xf32>
          %mul3A_331 = arith.mulf %get3A_327, %get3A_330 : vector<16xf32>
          %add3A_332 = arith.addf %mul3A_322, %mul3A_331 : vector<16xf32>
          %add3A_333 = arith.constant 2560 : i32
          %add3A_334 = arith.addi %add3A_333, %mul3A_314 : i32
          %get3A_335 = arith.index_cast %add3A_334 : i32 to index
          %get3A_336 = tpu.vector_load %arg25[%get3A_335] {strides = array<i32>} : memref<11520xf32, #tpu.memory_space<vmem>>, vector<16xf32>,
          %get3A_337 = vector.shape_cast %get3A_336 : vector<16xf32> to vector<16xf32>
          %get3A_338 = arith.index_cast %add3A_334 : i32 to index
          %get3A_339 = tpu.vector_load %arg26[%get3A_338] {strides = array<i32>} : memref<11520xf32, #tpu.memory_space<vmem>>, vector<16xf32>,
          %get3A_340 = vector.shape_cast %get3A_339 : vector<16xf32> to vector<16xf32>
          %mul3A_341 = arith.mulf %get3A_337, %get3A_340 : vector<16xf32>
          %add3A_342 = arith.addf %add3A_332, %mul3A_341 : vector<16xf32>
          %add3A_343 = arith.constant 3840 : i32
          %add3A_344 = arith.addi %add3A_343, %mul3A_314 : i32
          %get3A_345 = arith.index_cast %add3A_344 : i32 to index
          %get3A_346 = tpu.vector_load %arg25[%get3A_345] {strides = array<i32>} : memref<11520xf32, #tpu.memory_space<vmem>>, vector<16xf32>,
          %get3A_347 = vector.shape_cast %get3A_346 : vector<16xf32> to vector<16xf32>
          %get3A_348 = arith.index_cast %add3A_344 : i32 to index
          %get3A_349 = tpu.vector_load %arg26[%get3A_348] {strides = array<i32>} : memref<11520xf32, #tpu.memory_space<vmem>>, vector<16xf32>,
          %get3A_350 = vector.shape_cast %get3A_349 : vector<16xf32> to vector<16xf32>
          %mul3A_351 = arith.mulf %get3A_347, %get3A_350 : vector<16xf32>
          %add3A_352 = arith.addf %add3A_342, %mul3A_351 : vector<16xf32>
          %add3A_353 = arith.constant 5120 : i32
          %add3A_354 = arith.addi %add3A_353, %mul3A_314 : i32
          %get3A_355 = arith.index_cast %add3A_354 : i32 to index
          %get3A_356 = tpu.vector_load %arg25[%get3A_355] {strides = array<i32>} : memref<11520xf32, #tpu.memory_space<vmem>>, vector<16xf32>,
          %get3A_357 = vector.shape_cast %get3A_356 : vector<16xf32> to vector<16xf32>
          %get3A_358 = arith.index_cast %add3A_354 : i32 to index
          %get3A_359 = tpu.vector_load %arg26[%get3A_358] {strides = array<i32>} : memref<11520xf32, #tpu.memory_space<vmem>>, vector<16xf32>,
          %get3A_360 = vector.shape_cast %get3A_359 : vector<16xf32> to vector<16xf32>
          %mul3A_361 = arith.mulf %get3A_357, %get3A_360 : vector<16xf32>
          %add3A_362 = arith.addf %add3A_352, %mul3A_361 : vector<16xf32>
          %add3A_363 = arith.constant 6400 : i32
          %add3A_364 = arith.addi %add3A_363, %mul3A_314 : i32
          %get3A_365 = arith.index_cast %add3A_364 : i32 to index
          %get3A_366 = tpu.vector_load %arg25[%get3A_365] {strides = array<i32>} : memref<11520xf32, #tpu.memory_space<vmem>>, vector<16xf32>,
          %get3A_367 = vector.shape_cast %get3A_366 : vector<16xf32> to vector<16xf32>
          %get3A_368 = arith.index_cast %add3A_364 : i32 to index
          %get3A_369 = tpu.vector_load %arg26[%get3A_368] {strides = array<i32>} : memref<11520xf32, #tpu.memory_space<vmem>>, vector<16xf32>,
          %get3A_370 = vector.shape_cast %get3A_369 : vector<16xf32> to vector<16xf32>
          %mul3A_371 = arith.mulf %get3A_367, %get3A_370 : vector<16xf32>
          %add3A_372 = arith.addf %add3A_362, %mul3A_371 : vector<16xf32>
          %add3A_373 = arith.constant 7680 : i32
          %add3A_374 = arith.addi %add3A_373, %mul3A_314 : i32
          %get3A_375 = arith.index_cast %add3A_374 : i32 to index
          %get3A_376 = tpu.vector_load %arg25[%get3A_375] {strides = array<i32>} : memref<11520xf32, #tpu.memory_space<vmem>>, vector<16xf32>,
          %get3A_377 = vector.shape_cast %get3A_376 : vector<16xf32> to vector<16xf32>
          %get3A_378 = arith.index_cast %add3A_374 : i32 to index
          %get3A_379 = tpu.vector_load %arg26[%get3A_378] {strides = array<i32>} : memref<11520xf32, #tpu.memory_space<vmem>>, vector<16xf32>,
          %get3A_380 = vector.shape_cast %get3A_379 : vector<16xf32> to vector<16xf32>
          %mul3A_381 = arith.mulf %get3A_377, %get3A_380 : vector<16xf32>
          %add3A_382 = arith.addf %add3A_372, %mul3A_381 : vector<16xf32>
          %add3A_383 = arith.constant 8960 : i32
          %add3A_384 = arith.addi %add3A_383, %mul3A_314 : i32
          %get3A_385 = arith.index_cast %add3A_384 : i32 to index
          %get3A_386 = tpu.vector_load %arg25[%get3A_385] {strides = array<i32>} : memref<11520xf32, #tpu.memory_space<vmem>>, vector<16xf32>,
          %get3A_387 = vector.shape_cast %get3A_386 : vector<16xf32> to vector<16xf32>
          %get3A_388 = arith.index_cast %add3A_384 : i32 to index
          %get3A_389 = tpu.vector_load %arg26[%get3A_388] {strides = array<i32>} : memref<11520xf32, #tpu.memory_space<vmem>>, vector<16xf32>,
          %get3A_390 = vector.shape_cast %get3A_389 : vector<16xf32> to vector<16xf32>
          %mul3A_391 = arith.mulf %get3A_387, %get3A_390 : vector<16xf32>
          %add3A_392 = arith.addf %add3A_382, %mul3A_391 : vector<16xf32>
          %add3A_393 = arith.constant 10240 : i32
          %add3A_394 = arith.addi %add3A_393, %mul3A_314 : i32
          %get3A_395 = arith.index_cast %add3A_394 : i32 to index
          %get3A_396 = tpu.vector_load %arg25[%get3A_395] {strides = array<i32>} : memref<11520xf32, #tpu.memory_space<vmem>>, vector<16xf32>,
          %get3A_397 = vector.shape_cast %get3A_396 : vector<16xf32> to vector<16xf32>
          %get3A_398 = arith.index_cast %add3A_394 : i32 to index
          %get3A_399 = tpu.vector_load %arg26[%get3A_398] {strides = array<i32>} : memref<11520xf32, #tpu.memory_space<vmem>>, vector<16xf32>,
          %get3A_400 = vector.shape_cast %get3A_399 : vector<16xf32> to vector<16xf32>
          %mul3A_401 = arith.mulf %get3A_397, %get3A_400 : vector<16xf32>
          %add3A_402 = arith.addf %add3A_392, %mul3A_401 : vector<16xf32>
          %swap3A = arith.index_cast %mul3A_314 : i32 to index
          %swap3A_403 = tpu.vector_load %arg27[%swap3A] {strides = array<i32>} : memref<1280xf32, #tpu.memory_space<vmem>>, vector<16xf32>,
          %swap3A_404 = vector.shape_cast %swap3A_403 : vector<16xf32> to vector<16xf32>
          %swap3A_405 = vector.shape_cast %add3A_402 : vector<16xf32> to vector<16xf32>
          tpu.vector_store %arg27[%swap3A], %swap3A_405 {strides = array<i32>} : memref<1280xf32, #tpu.memory_space<vmem>>, vector<16xf32>,
        }
        %scan3A_303 = arith.constant 80 : i32
        %sub3A = arith.constant 1 : i32
        %sub3A_304 = arith.subi %add3A_215, %sub3A : i32
        %mul3A_305 = arith.constant 25600 : i32
        %mul3A_306 = arith.muli %add3A, %mul3A_305 : i32
        %mul3A_307 = arith.constant 1280 : i32
        %mul3A_308 = arith.muli %sub3A_304, %mul3A_307 : i32
        %add3A_309 = arith.addi %mul3A_306, %mul3A_308 : i32
        %dma_start3A_310 = tpu.memref_slice %arg7[%add3A_309] : memref<819200xf32, #tpu.memory_space<hbm>> -> memref<1280xf32, #tpu.memory_space<hbm>>
        %dma_start3A_311 = tpu.memref_slice %arg7[%add3A_309] : memref<819200xf32, #tpu.memory_space<hbm>> -> memref<1280xf32, #tpu.memory_space<hbm>>
        tpu.enqueue_dma source(%arg27 : memref<1280xf32, #tpu.memory_space<vmem>>) target(%dma_start3A_311 : memref<1280xf32, #tpu.memory_space<hbm>>) target_semaphore(%arg34 : memref<!tpu.dma_semaphore, #tpu.memory_space<semaphore_mem>>)
      } else {
      }
      %mul3A_250 = arith.constant 2 : i32
      %mul3A_251 = arith.muli %mul3A_250, %scan3A_211 : i32
      %add3A_252 = arith.constant 1 : i32
      %add3A_253 = arith.addi %mul3A_251, %add3A_252 : i32
      %add3A_254 = arith.constant 1 : i32
      %add3A_255 = arith.addi %add3A_253, %add3A_254 : i32
      %lt3A_256 = arith.constant 20 : i32
      %lt3A_257 = arith.cmpi slt, %add3A_255, %lt3A_256 : i32
      %convert_element_type3A_258 = arith.extui %lt3A_257 : i1 to i32
      %cond3A_259 = arith.constant 0 : i32
      %cond3A_260 = arith.cmpi ne, %convert_element_type3A_258, %cond3A_259 : i32
      scf.if %cond3A_260 {
        %add3A_292 = arith.constant 1 : i32
        %add3A_293 = arith.addi %add3A_253, %add3A_292 : i32
        %mul3A_294 = arith.constant 1280 : i32
        %mul3A_295 = arith.muli %add3A_293, %mul3A_294 : i32
        %dma_start3A_296 = tpu.memref_slice %arg3[%add3A, %mul3A_295] : memref<32x25600xf32, #tpu.memory_space<hbm>> -> memref<1x1280xf32, #tpu.memory_space<hbm>>
        %dma_start3A_297 = tpu.memref_squeeze %dma_start3A_296 : memref<1x1280xf32, #tpu.memory_space<hbm>> -> memref<1280xf32, #tpu.memory_space<hbm>>
        %dma_start3A_298 = tpu.memref_slice %arg3[%add3A, %mul3A_295] : memref<32x25600xf32, #tpu.memory_space<hbm>> -> memref<1x1280xf32, #tpu.memory_space<hbm>>
        %dma_start3A_299 = tpu.memref_squeeze %dma_start3A_298 : memref<1x1280xf32, #tpu.memory_space<hbm>> -> memref<1280xf32, #tpu.memory_space<hbm>>
        tpu.enqueue_dma source(%dma_start3A_299 : memref<1280xf32, #tpu.memory_space<hbm>>) target(%arg12 : memref<1280xf32, #tpu.memory_space<vmem>>) target_semaphore(%arg29 : memref<!tpu.dma_semaphore, #tpu.memory_space<semaphore_mem>>)
        %dma_start3A_300 = tpu.memref_slice %arg4[%add3A, %mul3A_295] : memref<32x25600xf32, #tpu.memory_space<hbm>> -> memref<1x1280xf32, #tpu.memory_space<hbm>>
        %dma_start3A_301 = tpu.memref_squeeze %dma_start3A_300 : memref<1x1280xf32, #tpu.memory_space<hbm>> -> memref<1280xf32, #tpu.memory_space<hbm>>
        %dma_start3A_302 = tpu.memref_slice %arg4[%add3A, %mul3A_295] : memref<32x25600xf32, #tpu.memory_space<hbm>> -> memref<1x1280xf32, #tpu.memory_space<hbm>>
        %dma_start3A_303 = tpu.memref_squeeze %dma_start3A_302 : memref<1x1280xf32, #tpu.memory_space<hbm>> -> memref<1280xf32, #tpu.memory_space<hbm>>
        tpu.enqueue_dma source(%dma_start3A_303 : memref<1280xf32, #tpu.memory_space<hbm>>) target(%arg13 : memref<1280xf32, #tpu.memory_space<vmem>>) target_semaphore(%arg29 : memref<!tpu.dma_semaphore, #tpu.memory_space<semaphore_mem>>)
        %dma_start3A_304 = tpu.memref_slice %arg5[%add3A, %mul3A_295] : memref<32x25600xf32, #tpu.memory_space<hbm>> -> memref<1x1280xf32, #tpu.memory_space<hbm>>
        %dma_start3A_305 = tpu.memref_squeeze %dma_start3A_304 : memref<1x1280xf32, #tpu.memory_space<hbm>> -> memref<1280xf32, #tpu.memory_space<hbm>>
        %dma_start3A_306 = tpu.memref_slice %arg5[%add3A, %mul3A_295] : memref<32x25600xf32, #tpu.memory_space<hbm>> -> memref<1x1280xf32, #tpu.memory_space<hbm>>
        %dma_start3A_307 = tpu.memref_squeeze %dma_start3A_306 : memref<1x1280xf32, #tpu.memory_space<hbm>> -> memref<1280xf32, #tpu.memory_space<hbm>>
        tpu.enqueue_dma source(%dma_start3A_307 : memref<1280xf32, #tpu.memory_space<hbm>>) target(%arg14 : memref<1280xf32, #tpu.memory_space<vmem>>) target_semaphore(%arg29 : memref<!tpu.dma_semaphore, #tpu.memory_space<semaphore_mem>>)
        %dma_start3A_308 = tpu.memref_slice %arg6[%add3A, %mul3A_295] : memref<32x25600xf32, #tpu.memory_space<hbm>> -> memref<1x1280xf32, #tpu.memory_space<hbm>>
        %dma_start3A_309 = tpu.memref_squeeze %dma_start3A_308 : memref<1x1280xf32, #tpu.memory_space<hbm>> -> memref<1280xf32, #tpu.memory_space<hbm>>
        %dma_start3A_310 = tpu.memref_slice %arg6[%add3A, %mul3A_295] : memref<32x25600xf32, #tpu.memory_space<hbm>> -> memref<1x1280xf32, #tpu.memory_space<hbm>>
        %dma_start3A_311 = tpu.memref_squeeze %dma_start3A_310 : memref<1x1280xf32, #tpu.memory_space<hbm>> -> memref<1280xf32, #tpu.memory_space<hbm>>
        tpu.enqueue_dma source(%dma_start3A_311 : memref<1280xf32, #tpu.memory_space<hbm>>) target(%arg15 : memref<1280xf32, #tpu.memory_space<vmem>>) target_semaphore(%arg29 : memref<!tpu.dma_semaphore, #tpu.memory_space<semaphore_mem>>)
      } else {
      }
      %mul3A_261 = arith.constant 1280 : i32
      %mul3A_262 = arith.muli %add3A_253, %mul3A_261 : i32
      %dma_wait3A_263 = tpu.memref_slice %arg3[%add3A, %mul3A_262] : memref<32x25600xf32, #tpu.memory_space<hbm>> -> memref<1x1280xf32, #tpu.memory_space<hbm>>
      %dma_wait3A_264 = tpu.memref_squeeze %dma_wait3A_263 : memref<1x1280xf32, #tpu.memory_space<hbm>> -> memref<1280xf32, #tpu.memory_space<hbm>>
      %dma_wait3A_265 = tpu.memref_slice %arg3[%add3A, %mul3A_262] : memref<32x25600xf32, #tpu.memory_space<hbm>> -> memref<1x1280xf32, #tpu.memory_space<hbm>>
      %dma_wait3A_266 = tpu.memref_squeeze %dma_wait3A_265 : memref<1x1280xf32, #tpu.memory_space<hbm>> -> memref<1280xf32, #tpu.memory_space<hbm>>
      tpu.wait_dma2 semaphore(%arg30 : memref<!tpu.dma_semaphore, #tpu.memory_space<semaphore_mem>>) src(%dma_wait3A_266 : memref<1280xf32, #tpu.memory_space<hbm>>) dst(%arg16 : memref<1280xf32, #tpu.memory_space<vmem>>)
      %dma_wait3A_267 = tpu.memref_slice %arg4[%add3A, %mul3A_262] : memref<32x25600xf32, #tpu.memory_space<hbm>> -> memref<1x1280xf32, #tpu.memory_space<hbm>>
      %dma_wait3A_268 = tpu.memref_squeeze %dma_wait3A_267 : memref<1x1280xf32, #tpu.memory_space<hbm>> -> memref<1280xf32, #tpu.memory_space<hbm>>
      %dma_wait3A_269 = tpu.memref_slice %arg4[%add3A, %mul3A_262] : memref<32x25600xf32, #tpu.memory_space<hbm>> -> memref<1x1280xf32, #tpu.memory_space<hbm>>
      %dma_wait3A_270 = tpu.memref_squeeze %dma_wait3A_269 : memref<1x1280xf32, #tpu.memory_space<hbm>> -> memref<1280xf32, #tpu.memory_space<hbm>>
      tpu.wait_dma2 semaphore(%arg30 : memref<!tpu.dma_semaphore, #tpu.memory_space<semaphore_mem>>) src(%dma_wait3A_270 : memref<1280xf32, #tpu.memory_space<hbm>>) dst(%arg17 : memref<1280xf32, #tpu.memory_space<vmem>>)
      %dma_wait3A_271 = tpu.memref_slice %arg5[%add3A, %mul3A_262] : memref<32x25600xf32, #tpu.memory_space<hbm>> -> memref<1x1280xf32, #tpu.memory_space<hbm>>
      %dma_wait3A_272 = tpu.memref_squeeze %dma_wait3A_271 : memref<1x1280xf32, #tpu.memory_space<hbm>> -> memref<1280xf32, #tpu.memory_space<hbm>>
      %dma_wait3A_273 = tpu.memref_slice %arg5[%add3A, %mul3A_262] : memref<32x25600xf32, #tpu.memory_space<hbm>> -> memref<1x1280xf32, #tpu.memory_space<hbm>>
      %dma_wait3A_274 = tpu.memref_squeeze %dma_wait3A_273 : memref<1x1280xf32, #tpu.memory_space<hbm>> -> memref<1280xf32, #tpu.memory_space<hbm>>
      tpu.wait_dma2 semaphore(%arg30 : memref<!tpu.dma_semaphore, #tpu.memory_space<semaphore_mem>>) src(%dma_wait3A_274 : memref<1280xf32, #tpu.memory_space<hbm>>) dst(%arg18 : memref<1280xf32, #tpu.memory_space<vmem>>)
      %dma_wait3A_275 = tpu.memref_slice %arg6[%add3A, %mul3A_262] : memref<32x25600xf32, #tpu.memory_space<hbm>> -> memref<1x1280xf32, #tpu.memory_space<hbm>>
      %dma_wait3A_276 = tpu.memref_squeeze %dma_wait3A_275 : memref<1x1280xf32, #tpu.memory_space<hbm>> -> memref<1280xf32, #tpu.memory_space<hbm>>
      %dma_wait3A_277 = tpu.memref_slice %arg6[%add3A, %mul3A_262] : memref<32x25600xf32, #tpu.memory_space<hbm>> -> memref<1x1280xf32, #tpu.memory_space<hbm>>
      %dma_wait3A_278 = tpu.memref_squeeze %dma_wait3A_277 : memref<1x1280xf32, #tpu.memory_space<hbm>> -> memref<1280xf32, #tpu.memory_space<hbm>>
      tpu.wait_dma2 semaphore(%arg30 : memref<!tpu.dma_semaphore, #tpu.memory_space<semaphore_mem>>) src(%dma_wait3A_278 : memref<1280xf32, #tpu.memory_space<hbm>>) dst(%arg19 : memref<1280xf32, #tpu.memory_space<vmem>>)
      %scan3A_279 = arith.constant 0 : i32
      %scan3A_280 = arith.constant 80 : i32
      %scan3A_281 = arith.addi %scan3A_279, %scan3A_280 : i32
      %scan3A_282 = arith.constant 1 : i32
      scf.for %scan3A_292 = %scan3A_279 to %scan3A_281 step %scan3A_282  : i32 {
        %mul3A_293 = arith.constant 16 : i32
        %mul3A_294 = arith.muli %scan3A_292, %mul3A_293 : i32
        %get3A = arith.index_cast %mul3A_294 : i32 to index
        %get3A_295 = tpu.vector_load %arg16[%get3A] {strides = array<i32>} : memref<1280xf32, #tpu.memory_space<vmem>>, vector<16xf32>,
        %get3A_296 = vector.shape_cast %get3A_295 : vector<16xf32> to vector<16xf32>
        %get3A_297 = arith.index_cast %mul3A_294 : i32 to index
        %get3A_298 = tpu.vector_load %arg17[%get3A_297] {strides = array<i32>} : memref<1280xf32, #tpu.memory_space<vmem>>, vector<16xf32>,
        %get3A_299 = vector.shape_cast %get3A_298 : vector<16xf32> to vector<16xf32>
        %get3A_300 = arith.index_cast %mul3A_294 : i32 to index
        %get3A_301 = tpu.vector_load %arg18[%get3A_300] {strides = array<i32>} : memref<1280xf32, #tpu.memory_space<vmem>>, vector<16xf32>,
        %get3A_302 = vector.shape_cast %get3A_301 : vector<16xf32> to vector<16xf32>
        %add3A_303 = arith.addf %get3A_296, %get3A_302 : vector<16xf32>
        %get3A_304 = arith.index_cast %mul3A_294 : i32 to index
        %get3A_305 = tpu.vector_load %arg19[%get3A_304] {strides = array<i32>} : memref<1280xf32, #tpu.memory_space<vmem>>, vector<16xf32>,
        %get3A_306 = vector.shape_cast %get3A_305 : vector<16xf32> to vector<16xf32>
        %add3A_307 = arith.addf %get3A_299, %get3A_306 : vector<16xf32>
        %mul3A_308 = arith.constant 5.120000e-01 : f32
        %mul3A_309 = vector.broadcast %mul3A_308 : f32 to vector<16xf32>
        %mul3A_310 = arith.mulf %get3A_296, %mul3A_309 : vector<16xf32>
        %convert_element_type3A_311 = arith.fptosi %mul3A_310 : vector<16xf32> to vector<16xi32>
        %jit3A = arith.constant 0 : i32
        %jit3A_312 = arith.constant 511 : i32
        %max3A = vector.broadcast %jit3A : i32 to vector<16xi32>
        %max3A_313 = arith.maxsi %max3A, %convert_element_type3A_311 : vector<16xi32>
        %min3A = vector.broadcast %jit3A_312 : i32 to vector<16xi32>
        %min3A_314 = arith.minsi %min3A, %max3A_313 : vector<16xi32>
        %mul3A_315 = arith.constant 5.120000e-01 : f32
        %mul3A_316 = vector.broadcast %mul3A_315 : f32 to vector<16xf32>
        %mul3A_317 = arith.mulf %add3A_303, %mul3A_316 : vector<16xf32>
        %convert_element_type3A_318 = arith.fptosi %mul3A_317 : vector<16xf32> to vector<16xi32>
        %jit3A_319 = arith.constant 0 : i32
        %jit3A_320 = arith.constant 511 : i32
        %max3A_321 = vector.broadcast %jit3A_319 : i32 to vector<16xi32>
        %max3A_322 = arith.maxsi %max3A_321, %convert_element_type3A_318 : vector<16xi32>
        %min3A_323 = vector.broadcast %jit3A_320 : i32 to vector<16xi32>
        %min3A_324 = arith.minsi %min3A_323, %max3A_322 : vector<16xi32>
        %convert_element_type3A_325 = arith.sitofp %min3A_314 : vector<16xi32> to vector<16xf32>
        %mul3A_326 = arith.constant 1.953125 : f32
        %mul3A_327 = vector.broadcast %mul3A_326 : f32 to vector<16xf32>
        %mul3A_328 = arith.mulf %convert_element_type3A_325, %mul3A_327 : vector<16xf32>
        %add3A_329 = arith.constant 1.953125 : f32
        %add3A_330 = vector.broadcast %add3A_329 : f32 to vector<16xf32>
        %add3A_331 = arith.addf %mul3A_328, %add3A_330 : vector<16xf32>
        %add3A_332 = arith.constant 1.953125 : f32
        %add3A_333 = vector.broadcast %add3A_332 : f32 to vector<16xf32>
        %add3A_334 = arith.addf %add3A_331, %add3A_333 : vector<16xf32>
        %min3A_335 = arith.minimumf %add3A_303, %add3A_331 : vector<16xf32>
        %max3A_336 = arith.maximumf %get3A_296, %mul3A_328 : vector<16xf32>
        %sub3A = arith.subf %min3A_335, %max3A_336 : vector<16xf32>
        %sub3A_337 = arith.subf %add3A_303, %add3A_331 : vector<16xf32>
        %min3A_338 = arith.constant 1.953125 : f32
        %min3A_339 = vector.broadcast %min3A_338 : f32 to vector<16xf32>
        %min3A_340 = arith.minimumf %sub3A_337, %min3A_339 : vector<16xf32>
        %sub3A_341 = arith.subf %add3A_303, %add3A_334 : vector<16xf32>
        %add3A_342 = arith.constant 1 : i32
        %add3A_343 = vector.broadcast %add3A_342 : i32 to vector<16xi32>
        %add3A_344 = arith.addi %min3A_314, %add3A_343 : vector<16xi32>
        %gt3A = arith.cmpi sgt, %min3A_324, %min3A_314 : vector<16xi32>
        %gt3A_345 = arith.cmpi sgt, %min3A_324, %add3A_344 : vector<16xi32>
        %add3A_346 = arith.constant 2 : i32
        %add3A_347 = vector.broadcast %add3A_346 : i32 to vector<16xi32>
        %add3A_348 = arith.addi %min3A_314, %add3A_347 : vector<16xi32>
        %mul3A_349 = arith.constant 5.120000e-01 : f32
        %mul3A_350 = vector.broadcast %mul3A_349 : f32 to vector<16xf32>
        %mul3A_351 = arith.mulf %get3A_299, %mul3A_350 : vector<16xf32>
        %convert_element_type3A_352 = arith.fptosi %mul3A_351 : vector<16xf32> to vector<16xi32>
        %jit3A_353 = arith.constant 0 : i32
        %jit3A_354 = arith.constant 511 : i32
        %max3A_355 = vector.broadcast %jit3A_353 : i32 to vector<16xi32>
        %max3A_356 = arith.maxsi %max3A_355, %convert_element_type3A_352 : vector<16xi32>
        %min3A_357 = vector.broadcast %jit3A_354 : i32 to vector<16xi32>
        %min3A_358 = arith.minsi %min3A_357, %max3A_356 : vector<16xi32>
        %mul3A_359 = arith.constant 5.120000e-01 : f32
        %mul3A_360 = vector.broadcast %mul3A_359 : f32 to vector<16xf32>
        %mul3A_361 = arith.mulf %add3A_307, %mul3A_360 : vector<16xf32>
        %convert_element_type3A_362 = arith.fptosi %mul3A_361 : vector<16xf32> to vector<16xi32>
        %jit3A_363 = arith.constant 0 : i32
        %jit3A_364 = arith.constant 511 : i32
        %max3A_365 = vector.broadcast %jit3A_363 : i32 to vector<16xi32>
        %max3A_366 = arith.maxsi %max3A_365, %convert_element_type3A_362 : vector<16xi32>
        %min3A_367 = vector.broadcast %jit3A_364 : i32 to vector<16xi32>
        %min3A_368 = arith.minsi %min3A_367, %max3A_366 : vector<16xi32>
        %convert_element_type3A_369 = arith.sitofp %min3A_358 : vector<16xi32> to vector<16xf32>
        %mul3A_370 = arith.constant 1.953125 : f32
        %mul3A_371 = vector.broadcast %mul3A_370 : f32 to vector<16xf32>
        %mul3A_372 = arith.mulf %convert_element_type3A_369, %mul3A_371 : vector<16xf32>
        %add3A_373 = arith.constant 1.953125 : f32
        %add3A_374 = vector.broadcast %add3A_373 : f32 to vector<16xf32>
        %add3A_375 = arith.addf %mul3A_372, %add3A_374 : vector<16xf32>
        %add3A_376 = arith.constant 1.953125 : f32
        %add3A_377 = vector.broadcast %add3A_376 : f32 to vector<16xf32>
        %add3A_378 = arith.addf %add3A_375, %add3A_377 : vector<16xf32>
        %min3A_379 = arith.minimumf %add3A_307, %add3A_375 : vector<16xf32>
        %max3A_380 = arith.maximumf %get3A_299, %mul3A_372 : vector<16xf32>
        %sub3A_381 = arith.subf %min3A_379, %max3A_380 : vector<16xf32>
        %sub3A_382 = arith.subf %add3A_307, %add3A_375 : vector<16xf32>
        %min3A_383 = arith.constant 1.953125 : f32
        %min3A_384 = vector.broadcast %min3A_383 : f32 to vector<16xf32>
        %min3A_385 = arith.minimumf %sub3A_382, %min3A_384 : vector<16xf32>
        %sub3A_386 = arith.subf %add3A_307, %add3A_378 : vector<16xf32>
        %add3A_387 = arith.constant 1 : i32
        %add3A_388 = vector.broadcast %add3A_387 : i32 to vector<16xi32>
        %add3A_389 = arith.addi %min3A_358, %add3A_388 : vector<16xi32>
        %gt3A_390 = arith.cmpi sgt, %min3A_368, %min3A_358 : vector<16xi32>
        %gt3A_391 = arith.cmpi sgt, %min3A_368, %add3A_389 : vector<16xi32>
        %add3A_392 = arith.constant 2 : i32
        %add3A_393 = vector.broadcast %add3A_392 : i32 to vector<16xi32>
        %add3A_394 = arith.addi %min3A_358, %add3A_393 : vector<16xi32>
        %mul3A_395 = arith.constant 16 : i32
        %mul3A_396 = arith.muli %scan3A_292, %mul3A_395 : i32
        %broadcast_in_dim3A = arith.constant -1 : i32
        %broadcast_in_dim3A_397 = vector.broadcast %broadcast_in_dim3A : i32 to vector<16xi32>
        %broadcast_in_dim3A_398 = arith.constant 0.000000e+00 : f32
        %broadcast_in_dim3A_399 = vector.broadcast %broadcast_in_dim3A_398 : f32 to vector<16xf32>
        %mul3A_400 = arith.constant 512 : i32
        %mul3A_401 = vector.broadcast %mul3A_400 : i32 to vector<16xi32>
        %mul3A_402 = arith.muli %min3A_314, %mul3A_401 : vector<16xi32>
        %add3A_403 = arith.constant 0 : i32
        %add3A_404 = arith.addi %add3A_403, %mul3A_396 : i32
        %add3A_405 = arith.addi %mul3A_402, %min3A_358 : vector<16xi32>
        %mul3A_406 = arith.mulf %sub3A, %sub3A_381 : vector<16xf32>
        %swap3A = arith.index_cast %add3A_404 : i32 to index
        %swap3A_407 = tpu.vector_load %arg24[%swap3A] {strides = array<i32>} : memref<11520xi32, #tpu.memory_space<vmem>>, vector<16xi32>,
        %swap3A_408 = vector.shape_cast %swap3A_407 : vector<16xi32> to vector<16xi32>
        %swap3A_409 = vector.shape_cast %add3A_405 : vector<16xi32> to vector<16xi32>
        tpu.vector_store %arg24[%swap3A], %swap3A_409 {strides = array<i32>} : memref<11520xi32, #tpu.memory_space<vmem>>, vector<16xi32>,
        %swap3A_410 = arith.index_cast %add3A_404 : i32 to index
        %swap3A_411 = tpu.vector_load %arg25[%swap3A_410] {strides = array<i32>} : memref<11520xf32, #tpu.memory_space<vmem>>, vector<16xf32>,
        %swap3A_412 = vector.shape_cast %swap3A_411 : vector<16xf32> to vector<16xf32>
        %swap3A_413 = vector.shape_cast %mul3A_406 : vector<16xf32> to vector<16xf32>
        tpu.vector_store %arg25[%swap3A_410], %swap3A_413 {strides = array<i32>} : memref<11520xf32, #tpu.memory_space<vmem>>, vector<16xf32>,
        %add3A_414 = arith.constant 1280 : i32
        %add3A_415 = arith.addi %add3A_414, %mul3A_396 : i32
        %add3A_416 = arith.addi %mul3A_402, %add3A_389 : vector<16xi32>
        %mul3A_417 = arith.mulf %sub3A, %min3A_385 : vector<16xf32>
        %select_n3A = arith.select %gt3A_390, %add3A_416, %broadcast_in_dim3A_397 : vector<16xi1>, vector<16xi32>
        %swap3A_418 = arith.index_cast %add3A_415 : i32 to index
        %swap3A_419 = tpu.vector_load %arg24[%swap3A_418] {strides = array<i32>} : memref<11520xi32, #tpu.memory_space<vmem>>, vector<16xi32>,
        %swap3A_420 = vector.shape_cast %swap3A_419 : vector<16xi32> to vector<16xi32>
        %swap3A_421 = vector.shape_cast %select_n3A : vector<16xi32> to vector<16xi32>
        tpu.vector_store %arg24[%swap3A_418], %swap3A_421 {strides = array<i32>} : memref<11520xi32, #tpu.memory_space<vmem>>, vector<16xi32>,
        %select_n3A_422 = arith.select %gt3A_390, %mul3A_417, %broadcast_in_dim3A_399 : vector<16xi1>, vector<16xf32>
        %swap3A_423 = arith.index_cast %add3A_415 : i32 to index
        %swap3A_424 = tpu.vector_load %arg25[%swap3A_423] {strides = array<i32>} : memref<11520xf32, #tpu.memory_space<vmem>>, vector<16xf32>,
        %swap3A_425 = vector.shape_cast %swap3A_424 : vector<16xf32> to vector<16xf32>
        %swap3A_426 = vector.shape_cast %select_n3A_422 : vector<16xf32> to vector<16xf32>
        tpu.vector_store %arg25[%swap3A_423], %swap3A_426 {strides = array<i32>} : memref<11520xf32, #tpu.memory_space<vmem>>, vector<16xf32>,
        %add3A_427 = arith.constant 2560 : i32
        %add3A_428 = arith.addi %add3A_427, %mul3A_396 : i32
        %add3A_429 = arith.addi %mul3A_402, %add3A_394 : vector<16xi32>
        %mul3A_430 = arith.mulf %sub3A, %sub3A_386 : vector<16xf32>
        %select_n3A_431 = arith.select %gt3A_391, %add3A_429, %broadcast_in_dim3A_397 : vector<16xi1>, vector<16xi32>
        %swap3A_432 = arith.index_cast %add3A_428 : i32 to index
        %swap3A_433 = tpu.vector_load %arg24[%swap3A_432] {strides = array<i32>} : memref<11520xi32, #tpu.memory_space<vmem>>, vector<16xi32>,
        %swap3A_434 = vector.shape_cast %swap3A_433 : vector<16xi32> to vector<16xi32>
        %swap3A_435 = vector.shape_cast %select_n3A_431 : vector<16xi32> to vector<16xi32>
        tpu.vector_store %arg24[%swap3A_432], %swap3A_435 {strides = array<i32>} : memref<11520xi32, #tpu.memory_space<vmem>>, vector<16xi32>,
        %select_n3A_436 = arith.select %gt3A_391, %mul3A_430, %broadcast_in_dim3A_399 : vector<16xi1>, vector<16xf32>
        %swap3A_437 = arith.index_cast %add3A_428 : i32 to index
        %swap3A_438 = tpu.vector_load %arg25[%swap3A_437] {strides = array<i32>} : memref<11520xf32, #tpu.memory_space<vmem>>, vector<16xf32>,
        %swap3A_439 = vector.shape_cast %swap3A_438 : vector<16xf32> to vector<16xf32>
        %swap3A_440 = vector.shape_cast %select_n3A_436 : vector<16xf32> to vector<16xf32>
        tpu.vector_store %arg25[%swap3A_437], %swap3A_440 {strides = array<i32>} : memref<11520xf32, #tpu.memory_space<vmem>>, vector<16xf32>,
        %mul3A_441 = arith.constant 512 : i32
        %mul3A_442 = vector.broadcast %mul3A_441 : i32 to vector<16xi32>
        %mul3A_443 = arith.muli %add3A_344, %mul3A_442 : vector<16xi32>
        %add3A_444 = arith.constant 3840 : i32
        %add3A_445 = arith.addi %add3A_444, %mul3A_396 : i32
        %add3A_446 = arith.addi %mul3A_443, %min3A_358 : vector<16xi32>
        %mul3A_447 = arith.mulf %min3A_340, %sub3A_381 : vector<16xf32>
        %select_n3A_448 = arith.select %gt3A, %add3A_446, %broadcast_in_dim3A_397 : vector<16xi1>, vector<16xi32>
        %swap3A_449 = arith.index_cast %add3A_445 : i32 to index
        %swap3A_450 = tpu.vector_load %arg24[%swap3A_449] {strides = array<i32>} : memref<11520xi32, #tpu.memory_space<vmem>>, vector<16xi32>,
        %swap3A_451 = vector.shape_cast %swap3A_450 : vector<16xi32> to vector<16xi32>
        %swap3A_452 = vector.shape_cast %select_n3A_448 : vector<16xi32> to vector<16xi32>
        tpu.vector_store %arg24[%swap3A_449], %swap3A_452 {strides = array<i32>} : memref<11520xi32, #tpu.memory_space<vmem>>, vector<16xi32>,
        %select_n3A_453 = arith.select %gt3A, %mul3A_447, %broadcast_in_dim3A_399 : vector<16xi1>, vector<16xf32>
        %swap3A_454 = arith.index_cast %add3A_445 : i32 to index
        %swap3A_455 = tpu.vector_load %arg25[%swap3A_454] {strides = array<i32>} : memref<11520xf32, #tpu.memory_space<vmem>>, vector<16xf32>,
        %swap3A_456 = vector.shape_cast %swap3A_455 : vector<16xf32> to vector<16xf32>
        %swap3A_457 = vector.shape_cast %select_n3A_453 : vector<16xf32> to vector<16xf32>
        tpu.vector_store %arg25[%swap3A_454], %swap3A_457 {strides = array<i32>} : memref<11520xf32, #tpu.memory_space<vmem>>, vector<16xf32>,
        %add3A_458 = arith.constant 5120 : i32
        %add3A_459 = arith.addi %add3A_458, %mul3A_396 : i32
        %and3A = arith.andi %gt3A, %gt3A_390 : vector<16xi1>
        %add3A_460 = arith.addi %mul3A_443, %add3A_389 : vector<16xi32>
        %mul3A_461 = arith.mulf %min3A_340, %min3A_385 : vector<16xf32>
        %select_n3A_462 = arith.select %and3A, %add3A_460, %broadcast_in_dim3A_397 : vector<16xi1>, vector<16xi32>
        %swap3A_463 = arith.index_cast %add3A_459 : i32 to index
        %swap3A_464 = tpu.vector_load %arg24[%swap3A_463] {strides = array<i32>} : memref<11520xi32, #tpu.memory_space<vmem>>, vector<16xi32>,
        %swap3A_465 = vector.shape_cast %swap3A_464 : vector<16xi32> to vector<16xi32>
        %swap3A_466 = vector.shape_cast %select_n3A_462 : vector<16xi32> to vector<16xi32>
        tpu.vector_store %arg24[%swap3A_463], %swap3A_466 {strides = array<i32>} : memref<11520xi32, #tpu.memory_space<vmem>>, vector<16xi32>,
        %select_n3A_467 = arith.select %and3A, %mul3A_461, %broadcast_in_dim3A_399 : vector<16xi1>, vector<16xf32>
        %swap3A_468 = arith.index_cast %add3A_459 : i32 to index
        %swap3A_469 = tpu.vector_load %arg25[%swap3A_468] {strides = array<i32>} : memref<11520xf32, #tpu.memory_space<vmem>>, vector<16xf32>,
        %swap3A_470 = vector.shape_cast %swap3A_469 : vector<16xf32> to vector<16xf32>
        %swap3A_471 = vector.shape_cast %select_n3A_467 : vector<16xf32> to vector<16xf32>
        tpu.vector_store %arg25[%swap3A_468], %swap3A_471 {strides = array<i32>} : memref<11520xf32, #tpu.memory_space<vmem>>, vector<16xf32>,
        %add3A_472 = arith.constant 6400 : i32
        %add3A_473 = arith.addi %add3A_472, %mul3A_396 : i32
        %and3A_474 = arith.andi %gt3A, %gt3A_391 : vector<16xi1>
        %add3A_475 = arith.addi %mul3A_443, %add3A_394 : vector<16xi32>
        %mul3A_476 = arith.mulf %min3A_340, %sub3A_386 : vector<16xf32>
        %select_n3A_477 = arith.select %and3A_474, %add3A_475, %broadcast_in_dim3A_397 : vector<16xi1>, vector<16xi32>
        %swap3A_478 = arith.index_cast %add3A_473 : i32 to index
        %swap3A_479 = tpu.vector_load %arg24[%swap3A_478] {strides = array<i32>} : memref<11520xi32, #tpu.memory_space<vmem>>, vector<16xi32>,
        %swap3A_480 = vector.shape_cast %swap3A_479 : vector<16xi32> to vector<16xi32>
        %swap3A_481 = vector.shape_cast %select_n3A_477 : vector<16xi32> to vector<16xi32>
        tpu.vector_store %arg24[%swap3A_478], %swap3A_481 {strides = array<i32>} : memref<11520xi32, #tpu.memory_space<vmem>>, vector<16xi32>,
        %select_n3A_482 = arith.select %and3A_474, %mul3A_476, %broadcast_in_dim3A_399 : vector<16xi1>, vector<16xf32>
        %swap3A_483 = arith.index_cast %add3A_473 : i32 to index
        %swap3A_484 = tpu.vector_load %arg25[%swap3A_483] {strides = array<i32>} : memref<11520xf32, #tpu.memory_space<vmem>>, vector<16xf32>,
        %swap3A_485 = vector.shape_cast %swap3A_484 : vector<16xf32> to vector<16xf32>
        %swap3A_486 = vector.shape_cast %select_n3A_482 : vector<16xf32> to vector<16xf32>
        tpu.vector_store %arg25[%swap3A_483], %swap3A_486 {strides = array<i32>} : memref<11520xf32, #tpu.memory_space<vmem>>, vector<16xf32>,
        %mul3A_487 = arith.constant 512 : i32
        %mul3A_488 = vector.broadcast %mul3A_487 : i32 to vector<16xi32>
        %mul3A_489 = arith.muli %add3A_348, %mul3A_488 : vector<16xi32>
        %add3A_490 = arith.constant 7680 : i32
        %add3A_491 = arith.addi %add3A_490, %mul3A_396 : i32
        %add3A_492 = arith.addi %mul3A_489, %min3A_358 : vector<16xi32>
        %mul3A_493 = arith.mulf %sub3A_341, %sub3A_381 : vector<16xf32>
        %select_n3A_494 = arith.select %gt3A_345, %add3A_492, %broadcast_in_dim3A_397 : vector<16xi1>, vector<16xi32>
        %swap3A_495 = arith.index_cast %add3A_491 : i32 to index
        %swap3A_496 = tpu.vector_load %arg24[%swap3A_495] {strides = array<i32>} : memref<11520xi32, #tpu.memory_space<vmem>>, vector<16xi32>,
        %swap3A_497 = vector.shape_cast %swap3A_496 : vector<16xi32> to vector<16xi32>
        %swap3A_498 = vector.shape_cast %select_n3A_494 : vector<16xi32> to vector<16xi32>
        tpu.vector_store %arg24[%swap3A_495], %swap3A_498 {strides = array<i32>} : memref<11520xi32, #tpu.memory_space<vmem>>, vector<16xi32>,
        %select_n3A_499 = arith.select %gt3A_345, %mul3A_493, %broadcast_in_dim3A_399 : vector<16xi1>, vector<16xf32>
        %swap3A_500 = arith.index_cast %add3A_491 : i32 to index
        %swap3A_501 = tpu.vector_load %arg25[%swap3A_500] {strides = array<i32>} : memref<11520xf32, #tpu.memory_space<vmem>>, vector<16xf32>,
        %swap3A_502 = vector.shape_cast %swap3A_501 : vector<16xf32> to vector<16xf32>
        %swap3A_503 = vector.shape_cast %select_n3A_499 : vector<16xf32> to vector<16xf32>
        tpu.vector_store %arg25[%swap3A_500], %swap3A_503 {strides = array<i32>} : memref<11520xf32, #tpu.memory_space<vmem>>, vector<16xf32>,
        %add3A_504 = arith.constant 8960 : i32
        %add3A_505 = arith.addi %add3A_504, %mul3A_396 : i32
        %and3A_506 = arith.andi %gt3A_345, %gt3A_390 : vector<16xi1>
        %add3A_507 = arith.addi %mul3A_489, %add3A_389 : vector<16xi32>
        %mul3A_508 = arith.mulf %sub3A_341, %min3A_385 : vector<16xf32>
        %select_n3A_509 = arith.select %and3A_506, %add3A_507, %broadcast_in_dim3A_397 : vector<16xi1>, vector<16xi32>
        %swap3A_510 = arith.index_cast %add3A_505 : i32 to index
        %swap3A_511 = tpu.vector_load %arg24[%swap3A_510] {strides = array<i32>} : memref<11520xi32, #tpu.memory_space<vmem>>, vector<16xi32>,
        %swap3A_512 = vector.shape_cast %swap3A_511 : vector<16xi32> to vector<16xi32>
        %swap3A_513 = vector.shape_cast %select_n3A_509 : vector<16xi32> to vector<16xi32>
        tpu.vector_store %arg24[%swap3A_510], %swap3A_513 {strides = array<i32>} : memref<11520xi32, #tpu.memory_space<vmem>>, vector<16xi32>,
        %select_n3A_514 = arith.select %and3A_506, %mul3A_508, %broadcast_in_dim3A_399 : vector<16xi1>, vector<16xf32>
        %swap3A_515 = arith.index_cast %add3A_505 : i32 to index
        %swap3A_516 = tpu.vector_load %arg25[%swap3A_515] {strides = array<i32>} : memref<11520xf32, #tpu.memory_space<vmem>>, vector<16xf32>,
        %swap3A_517 = vector.shape_cast %swap3A_516 : vector<16xf32> to vector<16xf32>
        %swap3A_518 = vector.shape_cast %select_n3A_514 : vector<16xf32> to vector<16xf32>
        tpu.vector_store %arg25[%swap3A_515], %swap3A_518 {strides = array<i32>} : memref<11520xf32, #tpu.memory_space<vmem>>, vector<16xf32>,
        %add3A_519 = arith.constant 10240 : i32
        %add3A_520 = arith.addi %add3A_519, %mul3A_396 : i32
        %and3A_521 = arith.andi %gt3A_345, %gt3A_391 : vector<16xi1>
        %add3A_522 = arith.addi %mul3A_489, %add3A_394 : vector<16xi32>
        %mul3A_523 = arith.mulf %sub3A_341, %sub3A_386 : vector<16xf32>
        %select_n3A_524 = arith.select %and3A_521, %add3A_522, %broadcast_in_dim3A_397 : vector<16xi1>, vector<16xi32>
        %swap3A_525 = arith.index_cast %add3A_520 : i32 to index
        %swap3A_526 = tpu.vector_load %arg24[%swap3A_525] {strides = array<i32>} : memref<11520xi32, #tpu.memory_space<vmem>>, vector<16xi32>,
        %swap3A_527 = vector.shape_cast %swap3A_526 : vector<16xi32> to vector<16xi32>
        %swap3A_528 = vector.shape_cast %select_n3A_524 : vector<16xi32> to vector<16xi32>
        tpu.vector_store %arg24[%swap3A_525], %swap3A_528 {strides = array<i32>} : memref<11520xi32, #tpu.memory_space<vmem>>, vector<16xi32>,
        %select_n3A_529 = arith.select %and3A_521, %mul3A_523, %broadcast_in_dim3A_399 : vector<16xi1>, vector<16xf32>
        %swap3A_530 = arith.index_cast %add3A_520 : i32 to index
        %swap3A_531 = tpu.vector_load %arg25[%swap3A_530] {strides = array<i32>} : memref<11520xf32, #tpu.memory_space<vmem>>, vector<16xf32>,
        %swap3A_532 = vector.shape_cast %swap3A_531 : vector<16xf32> to vector<16xf32>
        %swap3A_533 = vector.shape_cast %select_n3A_529 : vector<16xf32> to vector<16xf32>
        tpu.vector_store %arg25[%swap3A_530], %swap3A_533 {strides = array<i32>} : memref<11520xf32, #tpu.memory_space<vmem>>, vector<16xf32>,
      }
      %scan3A_283 = arith.constant 80 : i32
      %dma_start3A_284 = arith.constant 0 : i32
      %dma_start3A_285 = tpu.memref_slice %arg28[%dma_start3A_284] : memref<262144xf32, #tpu.memory_space<vmem_shared>> -> memref<262144xf32, #tpu.memory_space<vmem_shared>>
      %dma_start3A_286 = arith.constant -1 : i32
      tpu.enqueue_indirect_dma source(%dma_start3A_285 : memref<262144xf32, #tpu.memory_space<vmem_shared>>) target(%arg26 : memref<11520xf32, #tpu.memory_space<vmem>>) offsets(%arg24 : memref<11520xi32, #tpu.memory_space<vmem>>) offset_filter(%dma_start3A_286) semaphore(%arg32 : memref<!tpu.dma_semaphore, #tpu.memory_space<semaphore_mem>>)
      %ge3A_287 = arith.constant 1 : i32
      %ge3A_288 = arith.cmpi sge, %add3A_253, %ge3A_287 : i32
      %convert_element_type3A_289 = arith.extui %ge3A_288 : i1 to i32
      %cond3A_290 = arith.constant 0 : i32
      %cond3A_291 = arith.cmpi ne, %convert_element_type3A_289, %cond3A_290 : i32
      scf.if %cond3A_291 {
        %dma_wait3A_292 = arith.constant 0 : i32
        %dma_wait3A_293 = tpu.memref_slice %arg28[%dma_wait3A_292] : memref<262144xf32, #tpu.memory_space<vmem_shared>> -> memref<262144xf32, #tpu.memory_space<vmem_shared>>
        tpu.wait_indirect_dma semaphore(%arg31 : memref<!tpu.dma_semaphore, #tpu.memory_space<semaphore_mem>>) src(%dma_wait3A_293 : memref<262144xf32, #tpu.memory_space<vmem_shared>>) dst(%arg22 : memref<11520xf32, #tpu.memory_space<vmem>>)
        %ge3A_294 = arith.constant 3 : i32
        %ge3A_295 = arith.cmpi sge, %add3A_253, %ge3A_294 : i32
        %convert_element_type3A_296 = arith.extui %ge3A_295 : i1 to i32
        %cond3A_297 = arith.constant 0 : i32
        %cond3A_298 = arith.cmpi ne, %convert_element_type3A_296, %cond3A_297 : i32
        scf.if %cond3A_298 {
          %sub3A_312 = arith.constant 3 : i32
          %sub3A_313 = arith.subi %add3A_253, %sub3A_312 : i32
          %mul3A_314 = arith.constant 25600 : i32
          %mul3A_315 = arith.muli %add3A, %mul3A_314 : i32
          %mul3A_316 = arith.constant 1280 : i32
          %mul3A_317 = arith.muli %sub3A_313, %mul3A_316 : i32
          %add3A_318 = arith.addi %mul3A_315, %mul3A_317 : i32
          %dma_wait3A_319 = tpu.memref_slice %arg7[%add3A_318] : memref<819200xf32, #tpu.memory_space<hbm>> -> memref<1280xf32, #tpu.memory_space<hbm>>
          %dma_wait3A_320 = tpu.memref_slice %arg7[%add3A_318] : memref<819200xf32, #tpu.memory_space<hbm>> -> memref<1280xf32, #tpu.memory_space<hbm>>
          tpu.wait_dma2 semaphore(%arg33 : memref<!tpu.dma_semaphore, #tpu.memory_space<semaphore_mem>>) src(%arg23 : memref<1280xf32, #tpu.memory_space<vmem>>) dst(%dma_wait3A_320 : memref<1280xf32, #tpu.memory_space<hbm>>)
        } else {
        }
        %scan3A_299 = arith.constant 0 : i32
        %scan3A_300 = arith.constant 80 : i32
        %scan3A_301 = arith.addi %scan3A_299, %scan3A_300 : i32
        %scan3A_302 = arith.constant 1 : i32
        scf.for %scan3A_312 = %scan3A_299 to %scan3A_301 step %scan3A_302  : i32 {
          %mul3A_313 = arith.constant 16 : i32
          %mul3A_314 = arith.muli %scan3A_312, %mul3A_313 : i32
          %add3A_315 = arith.constant 0 : i32
          %add3A_316 = arith.addi %add3A_315, %mul3A_314 : i32
          %get3A = arith.index_cast %add3A_316 : i32 to index
          %get3A_317 = tpu.vector_load %arg21[%get3A] {strides = array<i32>} : memref<11520xf32, #tpu.memory_space<vmem>>, vector<16xf32>,
          %get3A_318 = vector.shape_cast %get3A_317 : vector<16xf32> to vector<16xf32>
          %get3A_319 = arith.index_cast %add3A_316 : i32 to index
          %get3A_320 = tpu.vector_load %arg22[%get3A_319] {strides = array<i32>} : memref<11520xf32, #tpu.memory_space<vmem>>, vector<16xf32>,
          %get3A_321 = vector.shape_cast %get3A_320 : vector<16xf32> to vector<16xf32>
          %mul3A_322 = arith.mulf %get3A_318, %get3A_321 : vector<16xf32>
          %add3A_323 = arith.constant 1280 : i32
          %add3A_324 = arith.addi %add3A_323, %mul3A_314 : i32
          %get3A_325 = arith.index_cast %add3A_324 : i32 to index
          %get3A_326 = tpu.vector_load %arg21[%get3A_325] {strides = array<i32>} : memref<11520xf32, #tpu.memory_space<vmem>>, vector<16xf32>,
          %get3A_327 = vector.shape_cast %get3A_326 : vector<16xf32> to vector<16xf32>
          %get3A_328 = arith.index_cast %add3A_324 : i32 to index
          %get3A_329 = tpu.vector_load %arg22[%get3A_328] {strides = array<i32>} : memref<11520xf32, #tpu.memory_space<vmem>>, vector<16xf32>,
          %get3A_330 = vector.shape_cast %get3A_329 : vector<16xf32> to vector<16xf32>
          %mul3A_331 = arith.mulf %get3A_327, %get3A_330 : vector<16xf32>
          %add3A_332 = arith.addf %mul3A_322, %mul3A_331 : vector<16xf32>
          %add3A_333 = arith.constant 2560 : i32
          %add3A_334 = arith.addi %add3A_333, %mul3A_314 : i32
          %get3A_335 = arith.index_cast %add3A_334 : i32 to index
          %get3A_336 = tpu.vector_load %arg21[%get3A_335] {strides = array<i32>} : memref<11520xf32, #tpu.memory_space<vmem>>, vector<16xf32>,
          %get3A_337 = vector.shape_cast %get3A_336 : vector<16xf32> to vector<16xf32>
          %get3A_338 = arith.index_cast %add3A_334 : i32 to index
          %get3A_339 = tpu.vector_load %arg22[%get3A_338] {strides = array<i32>} : memref<11520xf32, #tpu.memory_space<vmem>>, vector<16xf32>,
          %get3A_340 = vector.shape_cast %get3A_339 : vector<16xf32> to vector<16xf32>
          %mul3A_341 = arith.mulf %get3A_337, %get3A_340 : vector<16xf32>
          %add3A_342 = arith.addf %add3A_332, %mul3A_341 : vector<16xf32>
          %add3A_343 = arith.constant 3840 : i32
          %add3A_344 = arith.addi %add3A_343, %mul3A_314 : i32
          %get3A_345 = arith.index_cast %add3A_344 : i32 to index
          %get3A_346 = tpu.vector_load %arg21[%get3A_345] {strides = array<i32>} : memref<11520xf32, #tpu.memory_space<vmem>>, vector<16xf32>,
          %get3A_347 = vector.shape_cast %get3A_346 : vector<16xf32> to vector<16xf32>
          %get3A_348 = arith.index_cast %add3A_344 : i32 to index
          %get3A_349 = tpu.vector_load %arg22[%get3A_348] {strides = array<i32>} : memref<11520xf32, #tpu.memory_space<vmem>>, vector<16xf32>,
          %get3A_350 = vector.shape_cast %get3A_349 : vector<16xf32> to vector<16xf32>
          %mul3A_351 = arith.mulf %get3A_347, %get3A_350 : vector<16xf32>
          %add3A_352 = arith.addf %add3A_342, %mul3A_351 : vector<16xf32>
          %add3A_353 = arith.constant 5120 : i32
          %add3A_354 = arith.addi %add3A_353, %mul3A_314 : i32
          %get3A_355 = arith.index_cast %add3A_354 : i32 to index
          %get3A_356 = tpu.vector_load %arg21[%get3A_355] {strides = array<i32>} : memref<11520xf32, #tpu.memory_space<vmem>>, vector<16xf32>,
          %get3A_357 = vector.shape_cast %get3A_356 : vector<16xf32> to vector<16xf32>
          %get3A_358 = arith.index_cast %add3A_354 : i32 to index
          %get3A_359 = tpu.vector_load %arg22[%get3A_358] {strides = array<i32>} : memref<11520xf32, #tpu.memory_space<vmem>>, vector<16xf32>,
          %get3A_360 = vector.shape_cast %get3A_359 : vector<16xf32> to vector<16xf32>
          %mul3A_361 = arith.mulf %get3A_357, %get3A_360 : vector<16xf32>
          %add3A_362 = arith.addf %add3A_352, %mul3A_361 : vector<16xf32>
          %add3A_363 = arith.constant 6400 : i32
          %add3A_364 = arith.addi %add3A_363, %mul3A_314 : i32
          %get3A_365 = arith.index_cast %add3A_364 : i32 to index
          %get3A_366 = tpu.vector_load %arg21[%get3A_365] {strides = array<i32>} : memref<11520xf32, #tpu.memory_space<vmem>>, vector<16xf32>,
          %get3A_367 = vector.shape_cast %get3A_366 : vector<16xf32> to vector<16xf32>
          %get3A_368 = arith.index_cast %add3A_364 : i32 to index
          %get3A_369 = tpu.vector_load %arg22[%get3A_368] {strides = array<i32>} : memref<11520xf32, #tpu.memory_space<vmem>>, vector<16xf32>,
          %get3A_370 = vector.shape_cast %get3A_369 : vector<16xf32> to vector<16xf32>
          %mul3A_371 = arith.mulf %get3A_367, %get3A_370 : vector<16xf32>
          %add3A_372 = arith.addf %add3A_362, %mul3A_371 : vector<16xf32>
          %add3A_373 = arith.constant 7680 : i32
          %add3A_374 = arith.addi %add3A_373, %mul3A_314 : i32
          %get3A_375 = arith.index_cast %add3A_374 : i32 to index
          %get3A_376 = tpu.vector_load %arg21[%get3A_375] {strides = array<i32>} : memref<11520xf32, #tpu.memory_space<vmem>>, vector<16xf32>,
          %get3A_377 = vector.shape_cast %get3A_376 : vector<16xf32> to vector<16xf32>
          %get3A_378 = arith.index_cast %add3A_374 : i32 to index
          %get3A_379 = tpu.vector_load %arg22[%get3A_378] {strides = array<i32>} : memref<11520xf32, #tpu.memory_space<vmem>>, vector<16xf32>,
          %get3A_380 = vector.shape_cast %get3A_379 : vector<16xf32> to vector<16xf32>
          %mul3A_381 = arith.mulf %get3A_377, %get3A_380 : vector<16xf32>
          %add3A_382 = arith.addf %add3A_372, %mul3A_381 : vector<16xf32>
          %add3A_383 = arith.constant 8960 : i32
          %add3A_384 = arith.addi %add3A_383, %mul3A_314 : i32
          %get3A_385 = arith.index_cast %add3A_384 : i32 to index
          %get3A_386 = tpu.vector_load %arg21[%get3A_385] {strides = array<i32>} : memref<11520xf32, #tpu.memory_space<vmem>>, vector<16xf32>,
          %get3A_387 = vector.shape_cast %get3A_386 : vector<16xf32> to vector<16xf32>
          %get3A_388 = arith.index_cast %add3A_384 : i32 to index
          %get3A_389 = tpu.vector_load %arg22[%get3A_388] {strides = array<i32>} : memref<11520xf32, #tpu.memory_space<vmem>>, vector<16xf32>,
          %get3A_390 = vector.shape_cast %get3A_389 : vector<16xf32> to vector<16xf32>
          %mul3A_391 = arith.mulf %get3A_387, %get3A_390 : vector<16xf32>
          %add3A_392 = arith.addf %add3A_382, %mul3A_391 : vector<16xf32>
          %add3A_393 = arith.constant 10240 : i32
          %add3A_394 = arith.addi %add3A_393, %mul3A_314 : i32
          %get3A_395 = arith.index_cast %add3A_394 : i32 to index
          %get3A_396 = tpu.vector_load %arg21[%get3A_395] {strides = array<i32>} : memref<11520xf32, #tpu.memory_space<vmem>>, vector<16xf32>,
          %get3A_397 = vector.shape_cast %get3A_396 : vector<16xf32> to vector<16xf32>
          %get3A_398 = arith.index_cast %add3A_394 : i32 to index
          %get3A_399 = tpu.vector_load %arg22[%get3A_398] {strides = array<i32>} : memref<11520xf32, #tpu.memory_space<vmem>>, vector<16xf32>,
          %get3A_400 = vector.shape_cast %get3A_399 : vector<16xf32> to vector<16xf32>
          %mul3A_401 = arith.mulf %get3A_397, %get3A_400 : vector<16xf32>
          %add3A_402 = arith.addf %add3A_392, %mul3A_401 : vector<16xf32>
          %swap3A = arith.index_cast %mul3A_314 : i32 to index
          %swap3A_403 = tpu.vector_load %arg23[%swap3A] {strides = array<i32>} : memref<1280xf32, #tpu.memory_space<vmem>>, vector<16xf32>,
          %swap3A_404 = vector.shape_cast %swap3A_403 : vector<16xf32> to vector<16xf32>
          %swap3A_405 = vector.shape_cast %add3A_402 : vector<16xf32> to vector<16xf32>
          tpu.vector_store %arg23[%swap3A], %swap3A_405 {strides = array<i32>} : memref<1280xf32, #tpu.memory_space<vmem>>, vector<16xf32>,
        }
        %scan3A_303 = arith.constant 80 : i32
        %sub3A = arith.constant 1 : i32
        %sub3A_304 = arith.subi %add3A_253, %sub3A : i32
        %mul3A_305 = arith.constant 25600 : i32
        %mul3A_306 = arith.muli %add3A, %mul3A_305 : i32
        %mul3A_307 = arith.constant 1280 : i32
        %mul3A_308 = arith.muli %sub3A_304, %mul3A_307 : i32
        %add3A_309 = arith.addi %mul3A_306, %mul3A_308 : i32
        %dma_start3A_310 = tpu.memref_slice %arg7[%add3A_309] : memref<819200xf32, #tpu.memory_space<hbm>> -> memref<1280xf32, #tpu.memory_space<hbm>>
        %dma_start3A_311 = tpu.memref_slice %arg7[%add3A_309] : memref<819200xf32, #tpu.memory_space<hbm>> -> memref<1280xf32, #tpu.memory_space<hbm>>
        tpu.enqueue_dma source(%arg23 : memref<1280xf32, #tpu.memory_space<vmem>>) target(%dma_start3A_311 : memref<1280xf32, #tpu.memory_space<hbm>>) target_semaphore(%arg33 : memref<!tpu.dma_semaphore, #tpu.memory_space<semaphore_mem>>)
      } else {
      }
    }
    %scan3A_179 = arith.constant 10 : i32
    %dma_wait3A_180 = arith.constant 0 : i32
    %dma_wait3A_181 = tpu.memref_slice %arg28[%dma_wait3A_180] : memref<262144xf32, #tpu.memory_space<vmem_shared>> -> memref<262144xf32, #tpu.memory_space<vmem_shared>>
    tpu.wait_indirect_dma semaphore(%arg32 : memref<!tpu.dma_semaphore, #tpu.memory_space<semaphore_mem>>) src(%dma_wait3A_181 : memref<262144xf32, #tpu.memory_space<vmem_shared>>) dst(%arg26 : memref<11520xf32, #tpu.memory_space<vmem>>)
    %mul3A_182 = arith.constant 25600 : i32
    %mul3A_183 = arith.muli %add3A, %mul3A_182 : i32
    %add3A_184 = arith.constant 21760 : i32
    %add3A_185 = arith.addi %mul3A_183, %add3A_184 : i32
    %dma_wait3A_186 = tpu.memref_slice %arg7[%add3A_185] : memref<819200xf32, #tpu.memory_space<hbm>> -> memref<1280xf32, #tpu.memory_space<hbm>>
    %dma_wait3A_187 = tpu.memref_slice %arg7[%add3A_185] : memref<819200xf32, #tpu.memory_space<hbm>> -> memref<1280xf32, #tpu.memory_space<hbm>>
    tpu.wait_dma2 semaphore(%arg34 : memref<!tpu.dma_semaphore, #tpu.memory_space<semaphore_mem>>) src(%arg27 : memref<1280xf32, #tpu.memory_space<vmem>>) dst(%dma_wait3A_187 : memref<1280xf32, #tpu.memory_space<hbm>>)
    %scan3A_188 = arith.constant 0 : i32
    %scan3A_189 = arith.constant 80 : i32
    %scan3A_190 = arith.addi %scan3A_188, %scan3A_189 : i32
    %scan3A_191 = arith.constant 1 : i32
    scf.for %scan3A_211 = %scan3A_188 to %scan3A_190 step %scan3A_191  : i32 {
      %mul3A_212 = arith.constant 16 : i32
      %mul3A_213 = arith.muli %scan3A_211, %mul3A_212 : i32
      %add3A_214 = arith.constant 0 : i32
      %add3A_215 = arith.addi %add3A_214, %mul3A_213 : i32
      %get3A = arith.index_cast %add3A_215 : i32 to index
      %get3A_216 = tpu.vector_load %arg25[%get3A] {strides = array<i32>} : memref<11520xf32, #tpu.memory_space<vmem>>, vector<16xf32>,
      %get3A_217 = vector.shape_cast %get3A_216 : vector<16xf32> to vector<16xf32>
      %get3A_218 = arith.index_cast %add3A_215 : i32 to index
      %get3A_219 = tpu.vector_load %arg26[%get3A_218] {strides = array<i32>} : memref<11520xf32, #tpu.memory_space<vmem>>, vector<16xf32>,
      %get3A_220 = vector.shape_cast %get3A_219 : vector<16xf32> to vector<16xf32>
      %mul3A_221 = arith.mulf %get3A_217, %get3A_220 : vector<16xf32>
      %add3A_222 = arith.constant 1280 : i32
      %add3A_223 = arith.addi %add3A_222, %mul3A_213 : i32
      %get3A_224 = arith.index_cast %add3A_223 : i32 to index
      %get3A_225 = tpu.vector_load %arg25[%get3A_224] {strides = array<i32>} : memref<11520xf32, #tpu.memory_space<vmem>>, vector<16xf32>,
      %get3A_226 = vector.shape_cast %get3A_225 : vector<16xf32> to vector<16xf32>
      %get3A_227 = arith.index_cast %add3A_223 : i32 to index
      %get3A_228 = tpu.vector_load %arg26[%get3A_227] {strides = array<i32>} : memref<11520xf32, #tpu.memory_space<vmem>>, vector<16xf32>,
      %get3A_229 = vector.shape_cast %get3A_228 : vector<16xf32> to vector<16xf32>
      %mul3A_230 = arith.mulf %get3A_226, %get3A_229 : vector<16xf32>
      %add3A_231 = arith.addf %mul3A_221, %mul3A_230 : vector<16xf32>
      %add3A_232 = arith.constant 2560 : i32
      %add3A_233 = arith.addi %add3A_232, %mul3A_213 : i32
      %get3A_234 = arith.index_cast %add3A_233 : i32 to index
      %get3A_235 = tpu.vector_load %arg25[%get3A_234] {strides = array<i32>} : memref<11520xf32, #tpu.memory_space<vmem>>, vector<16xf32>,
      %get3A_236 = vector.shape_cast %get3A_235 : vector<16xf32> to vector<16xf32>
      %get3A_237 = arith.index_cast %add3A_233 : i32 to index
      %get3A_238 = tpu.vector_load %arg26[%get3A_237] {strides = array<i32>} : memref<11520xf32, #tpu.memory_space<vmem>>, vector<16xf32>,
      %get3A_239 = vector.shape_cast %get3A_238 : vector<16xf32> to vector<16xf32>
      %mul3A_240 = arith.mulf %get3A_236, %get3A_239 : vector<16xf32>
      %add3A_241 = arith.addf %add3A_231, %mul3A_240 : vector<16xf32>
      %add3A_242 = arith.constant 3840 : i32
      %add3A_243 = arith.addi %add3A_242, %mul3A_213 : i32
      %get3A_244 = arith.index_cast %add3A_243 : i32 to index
      %get3A_245 = tpu.vector_load %arg25[%get3A_244] {strides = array<i32>} : memref<11520xf32, #tpu.memory_space<vmem>>, vector<16xf32>,
      %get3A_246 = vector.shape_cast %get3A_245 : vector<16xf32> to vector<16xf32>
      %get3A_247 = arith.index_cast %add3A_243 : i32 to index
      %get3A_248 = tpu.vector_load %arg26[%get3A_247] {strides = array<i32>} : memref<11520xf32, #tpu.memory_space<vmem>>, vector<16xf32>,
      %get3A_249 = vector.shape_cast %get3A_248 : vector<16xf32> to vector<16xf32>
      %mul3A_250 = arith.mulf %get3A_246, %get3A_249 : vector<16xf32>
      %add3A_251 = arith.addf %add3A_241, %mul3A_250 : vector<16xf32>
      %add3A_252 = arith.constant 5120 : i32
      %add3A_253 = arith.addi %add3A_252, %mul3A_213 : i32
      %get3A_254 = arith.index_cast %add3A_253 : i32 to index
      %get3A_255 = tpu.vector_load %arg25[%get3A_254] {strides = array<i32>} : memref<11520xf32, #tpu.memory_space<vmem>>, vector<16xf32>,
      %get3A_256 = vector.shape_cast %get3A_255 : vector<16xf32> to vector<16xf32>
      %get3A_257 = arith.index_cast %add3A_253 : i32 to index
      %get3A_258 = tpu.vector_load %arg26[%get3A_257] {strides = array<i32>} : memref<11520xf32, #tpu.memory_space<vmem>>, vector<16xf32>,
      %get3A_259 = vector.shape_cast %get3A_258 : vector<16xf32> to vector<16xf32>
      %mul3A_260 = arith.mulf %get3A_256, %get3A_259 : vector<16xf32>
      %add3A_261 = arith.addf %add3A_251, %mul3A_260 : vector<16xf32>
      %add3A_262 = arith.constant 6400 : i32
      %add3A_263 = arith.addi %add3A_262, %mul3A_213 : i32
      %get3A_264 = arith.index_cast %add3A_263 : i32 to index
      %get3A_265 = tpu.vector_load %arg25[%get3A_264] {strides = array<i32>} : memref<11520xf32, #tpu.memory_space<vmem>>, vector<16xf32>,
      %get3A_266 = vector.shape_cast %get3A_265 : vector<16xf32> to vector<16xf32>
      %get3A_267 = arith.index_cast %add3A_263 : i32 to index
      %get3A_268 = tpu.vector_load %arg26[%get3A_267] {strides = array<i32>} : memref<11520xf32, #tpu.memory_space<vmem>>, vector<16xf32>,
      %get3A_269 = vector.shape_cast %get3A_268 : vector<16xf32> to vector<16xf32>
      %mul3A_270 = arith.mulf %get3A_266, %get3A_269 : vector<16xf32>
      %add3A_271 = arith.addf %add3A_261, %mul3A_270 : vector<16xf32>
      %add3A_272 = arith.constant 7680 : i32
      %add3A_273 = arith.addi %add3A_272, %mul3A_213 : i32
      %get3A_274 = arith.index_cast %add3A_273 : i32 to index
      %get3A_275 = tpu.vector_load %arg25[%get3A_274] {strides = array<i32>} : memref<11520xf32, #tpu.memory_space<vmem>>, vector<16xf32>,
      %get3A_276 = vector.shape_cast %get3A_275 : vector<16xf32> to vector<16xf32>
      %get3A_277 = arith.index_cast %add3A_273 : i32 to index
      %get3A_278 = tpu.vector_load %arg26[%get3A_277] {strides = array<i32>} : memref<11520xf32, #tpu.memory_space<vmem>>, vector<16xf32>,
      %get3A_279 = vector.shape_cast %get3A_278 : vector<16xf32> to vector<16xf32>
      %mul3A_280 = arith.mulf %get3A_276, %get3A_279 : vector<16xf32>
      %add3A_281 = arith.addf %add3A_271, %mul3A_280 : vector<16xf32>
      %add3A_282 = arith.constant 8960 : i32
      %add3A_283 = arith.addi %add3A_282, %mul3A_213 : i32
      %get3A_284 = arith.index_cast %add3A_283 : i32 to index
      %get3A_285 = tpu.vector_load %arg25[%get3A_284] {strides = array<i32>} : memref<11520xf32, #tpu.memory_space<vmem>>, vector<16xf32>,
      %get3A_286 = vector.shape_cast %get3A_285 : vector<16xf32> to vector<16xf32>
      %get3A_287 = arith.index_cast %add3A_283 : i32 to index
      %get3A_288 = tpu.vector_load %arg26[%get3A_287] {strides = array<i32>} : memref<11520xf32, #tpu.memory_space<vmem>>, vector<16xf32>,
      %get3A_289 = vector.shape_cast %get3A_288 : vector<16xf32> to vector<16xf32>
      %mul3A_290 = arith.mulf %get3A_286, %get3A_289 : vector<16xf32>
      %add3A_291 = arith.addf %add3A_281, %mul3A_290 : vector<16xf32>
      %add3A_292 = arith.constant 10240 : i32
      %add3A_293 = arith.addi %add3A_292, %mul3A_213 : i32
      %get3A_294 = arith.index_cast %add3A_293 : i32 to index
      %get3A_295 = tpu.vector_load %arg25[%get3A_294] {strides = array<i32>} : memref<11520xf32, #tpu.memory_space<vmem>>, vector<16xf32>,
      %get3A_296 = vector.shape_cast %get3A_295 : vector<16xf32> to vector<16xf32>
      %get3A_297 = arith.index_cast %add3A_293 : i32 to index
      %get3A_298 = tpu.vector_load %arg26[%get3A_297] {strides = array<i32>} : memref<11520xf32, #tpu.memory_space<vmem>>, vector<16xf32>,
      %get3A_299 = vector.shape_cast %get3A_298 : vector<16xf32> to vector<16xf32>
      %mul3A_300 = arith.mulf %get3A_296, %get3A_299 : vector<16xf32>
      %add3A_301 = arith.addf %add3A_291, %mul3A_300 : vector<16xf32>
      %swap3A = arith.index_cast %mul3A_213 : i32 to index
      %swap3A_302 = tpu.vector_load %arg27[%swap3A] {strides = array<i32>} : memref<1280xf32, #tpu.memory_space<vmem>>, vector<16xf32>,
      %swap3A_303 = vector.shape_cast %swap3A_302 : vector<16xf32> to vector<16xf32>
      %swap3A_304 = vector.shape_cast %add3A_301 : vector<16xf32> to vector<16xf32>
      tpu.vector_store %arg27[%swap3A], %swap3A_304 {strides = array<i32>} : memref<1280xf32, #tpu.memory_space<vmem>>, vector<16xf32>,
    }
    %scan3A_192 = arith.constant 80 : i32
    %mul3A_193 = arith.constant 25600 : i32
    %mul3A_194 = arith.muli %add3A, %mul3A_193 : i32
    %add3A_195 = arith.constant 24320 : i32
    %add3A_196 = arith.addi %mul3A_194, %add3A_195 : i32
    %dma_start3A_197 = tpu.memref_slice %arg7[%add3A_196] : memref<819200xf32, #tpu.memory_space<hbm>> -> memref<1280xf32, #tpu.memory_space<hbm>>
    %dma_start3A_198 = tpu.memref_slice %arg7[%add3A_196] : memref<819200xf32, #tpu.memory_space<hbm>> -> memref<1280xf32, #tpu.memory_space<hbm>>
    tpu.enqueue_dma source(%arg27 : memref<1280xf32, #tpu.memory_space<vmem>>) target(%dma_start3A_198 : memref<1280xf32, #tpu.memory_space<hbm>>) target_semaphore(%arg34 : memref<!tpu.dma_semaphore, #tpu.memory_space<semaphore_mem>>)
    %mul3A_199 = arith.constant 25600 : i32
    %mul3A_200 = arith.muli %add3A, %mul3A_199 : i32
    %add3A_201 = arith.constant 23040 : i32
    %add3A_202 = arith.addi %mul3A_200, %add3A_201 : i32
    %dma_wait3A_203 = tpu.memref_slice %arg7[%add3A_202] : memref<819200xf32, #tpu.memory_space<hbm>> -> memref<1280xf32, #tpu.memory_space<hbm>>
    %dma_wait3A_204 = tpu.memref_slice %arg7[%add3A_202] : memref<819200xf32, #tpu.memory_space<hbm>> -> memref<1280xf32, #tpu.memory_space<hbm>>
    tpu.wait_dma2 semaphore(%arg33 : memref<!tpu.dma_semaphore, #tpu.memory_space<semaphore_mem>>) src(%arg23 : memref<1280xf32, #tpu.memory_space<vmem>>) dst(%dma_wait3A_204 : memref<1280xf32, #tpu.memory_space<hbm>>)
    %mul3A_205 = arith.constant 25600 : i32
    %mul3A_206 = arith.muli %add3A, %mul3A_205 : i32
    %add3A_207 = arith.constant 24320 : i32
    %add3A_208 = arith.addi %mul3A_206, %add3A_207 : i32
    %dma_wait3A_209 = tpu.memref_slice %arg7[%add3A_208] : memref<819200xf32, #tpu.memory_space<hbm>> -> memref<1280xf32, #tpu.memory_space<hbm>>
    %dma_wait3A_210 = tpu.memref_slice %arg7[%add3A_208] : memref<819200xf32, #tpu.memory_space<hbm>> -> memref<1280xf32, #tpu.memory_space<hbm>>
    tpu.wait_dma2 semaphore(%arg34 : memref<!tpu.dma_semaphore, #tpu.memory_space<semaphore_mem>>) src(%arg27 : memref<1280xf32, #tpu.memory_space<vmem>>) dst(%dma_wait3A_210 : memref<1280xf32, #tpu.memory_space<hbm>>)
    return
  }
}

#map = affine_map<(d0, d1) -> (0, 0)>
module attributes {stable_mosaic.version = 14 : i64} {
  func.func @_scatter_body(%arg0: i32, %arg1: i32, %arg2: memref<32x32768xf32, #tpu.memory_space<hbm>>, %arg3: memref<32x32768xf32, #tpu.memory_space<hbm>>, %arg4: memref<32x32768xf32, #tpu.memory_space<hbm>>, %arg5: memref<32x32768xf32, #tpu.memory_space<hbm>>, %arg6: memref<32x32768xi32, #tpu.memory_space<hbm>>, %arg7: memref<32x32768xi32, #tpu.memory_space<hbm>>, %arg8: memref<2x262144xf32, #tpu.memory_space<hbm>>, %arg9: memref<2048xf32, #tpu.memory_space<vmem>>, %arg10: memref<2048xf32, #tpu.memory_space<vmem>>, %arg11: memref<2048xf32, #tpu.memory_space<vmem>>, %arg12: memref<2048xf32, #tpu.memory_space<vmem>>, %arg13: memref<2048xi32, #tpu.memory_space<vmem>>, %arg14: memref<2048xi32, #tpu.memory_space<vmem>>, %arg15: memref<2048xf32, #tpu.memory_space<vmem>>, %arg16: memref<2048xf32, #tpu.memory_space<vmem>>, %arg17: memref<2048xf32, #tpu.memory_space<vmem>>, %arg18: memref<2048xf32, #tpu.memory_space<vmem>>, %arg19: memref<2048xi32, #tpu.memory_space<vmem>>, %arg20: memref<2048xi32, #tpu.memory_space<vmem>>, %arg21: memref<18432xi32, #tpu.memory_space<vmem>>, %arg22: memref<18432xf32, #tpu.memory_space<vmem>>, %arg23: memref<18432xi32, #tpu.memory_space<vmem>>, %arg24: memref<18432xf32, #tpu.memory_space<vmem>>, %arg25: memref<2048xf32, #tpu.memory_space<vmem>>, %arg26: memref<262144xf32, #tpu.memory_space<vmem_shared>>, %arg27: memref<!tpu.dma_semaphore, #tpu.memory_space<semaphore_mem>>, %arg28: memref<!tpu.dma_semaphore, #tpu.memory_space<semaphore_mem>>, %arg29: memref<!tpu.dma_semaphore, #tpu.memory_space<semaphore_mem>>, %arg30: memref<!tpu.dma_semaphore, #tpu.memory_space<semaphore_mem>>) attributes {dimension_semantics = [#tpu.dimension_semantics<core_parallel>, #tpu.dimension_semantics<subcore_parallel>], iteration_bounds = array<i64: 2, 16>, scalar_prefetch = 0 : i64, scratch_operands = 22 : i64, tpu.core_type = #tpu.core_type<sc_vector_subcore>, window_params = [{transform_indices = #map}, {transform_indices = #map}, {transform_indices = #map}, {transform_indices = #map}, {transform_indices = #map}, {transform_indices = #map}, {transform_indices = #map}]} {
    %mul3A = arith.constant 16 : i32
    %mul3A_0 = arith.muli %arg0, %mul3A : i32
    %add3A = arith.addi %mul3A_0, %arg1 : i32
    %dma_start3A = arith.constant 0 : i32
    %dma_start3A_1 = tpu.memref_slice %arg2[%add3A, %dma_start3A] : memref<32x32768xf32, #tpu.memory_space<hbm>> -> memref<1x2048xf32, #tpu.memory_space<hbm>>
    %dma_start3A_2 = tpu.memref_squeeze %dma_start3A_1 : memref<1x2048xf32, #tpu.memory_space<hbm>> -> memref<2048xf32, #tpu.memory_space<hbm>>
    %dma_start3A_3 = arith.constant 0 : i32
    %dma_start3A_4 = tpu.memref_slice %arg2[%add3A, %dma_start3A_3] : memref<32x32768xf32, #tpu.memory_space<hbm>> -> memref<1x2048xf32, #tpu.memory_space<hbm>>
    %dma_start3A_5 = tpu.memref_squeeze %dma_start3A_4 : memref<1x2048xf32, #tpu.memory_space<hbm>> -> memref<2048xf32, #tpu.memory_space<hbm>>
    tpu.enqueue_dma source(%dma_start3A_5 : memref<2048xf32, #tpu.memory_space<hbm>>) target(%arg9 : memref<2048xf32, #tpu.memory_space<vmem>>) target_semaphore(%arg27 : memref<!tpu.dma_semaphore, #tpu.memory_space<semaphore_mem>>)
    %dma_start3A_6 = arith.constant 0 : i32
    %dma_start3A_7 = tpu.memref_slice %arg3[%add3A, %dma_start3A_6] : memref<32x32768xf32, #tpu.memory_space<hbm>> -> memref<1x2048xf32, #tpu.memory_space<hbm>>
    %dma_start3A_8 = tpu.memref_squeeze %dma_start3A_7 : memref<1x2048xf32, #tpu.memory_space<hbm>> -> memref<2048xf32, #tpu.memory_space<hbm>>
    %dma_start3A_9 = arith.constant 0 : i32
    %dma_start3A_10 = tpu.memref_slice %arg3[%add3A, %dma_start3A_9] : memref<32x32768xf32, #tpu.memory_space<hbm>> -> memref<1x2048xf32, #tpu.memory_space<hbm>>
    %dma_start3A_11 = tpu.memref_squeeze %dma_start3A_10 : memref<1x2048xf32, #tpu.memory_space<hbm>> -> memref<2048xf32, #tpu.memory_space<hbm>>
    tpu.enqueue_dma source(%dma_start3A_11 : memref<2048xf32, #tpu.memory_space<hbm>>) target(%arg10 : memref<2048xf32, #tpu.memory_space<vmem>>) target_semaphore(%arg27 : memref<!tpu.dma_semaphore, #tpu.memory_space<semaphore_mem>>)
    %dma_start3A_12 = arith.constant 0 : i32
    %dma_start3A_13 = tpu.memref_slice %arg4[%add3A, %dma_start3A_12] : memref<32x32768xf32, #tpu.memory_space<hbm>> -> memref<1x2048xf32, #tpu.memory_space<hbm>>
    %dma_start3A_14 = tpu.memref_squeeze %dma_start3A_13 : memref<1x2048xf32, #tpu.memory_space<hbm>> -> memref<2048xf32, #tpu.memory_space<hbm>>
    %dma_start3A_15 = arith.constant 0 : i32
    %dma_start3A_16 = tpu.memref_slice %arg4[%add3A, %dma_start3A_15] : memref<32x32768xf32, #tpu.memory_space<hbm>> -> memref<1x2048xf32, #tpu.memory_space<hbm>>
    %dma_start3A_17 = tpu.memref_squeeze %dma_start3A_16 : memref<1x2048xf32, #tpu.memory_space<hbm>> -> memref<2048xf32, #tpu.memory_space<hbm>>
    tpu.enqueue_dma source(%dma_start3A_17 : memref<2048xf32, #tpu.memory_space<hbm>>) target(%arg11 : memref<2048xf32, #tpu.memory_space<vmem>>) target_semaphore(%arg27 : memref<!tpu.dma_semaphore, #tpu.memory_space<semaphore_mem>>)
    %dma_start3A_18 = arith.constant 0 : i32
    %dma_start3A_19 = tpu.memref_slice %arg5[%add3A, %dma_start3A_18] : memref<32x32768xf32, #tpu.memory_space<hbm>> -> memref<1x2048xf32, #tpu.memory_space<hbm>>
    %dma_start3A_20 = tpu.memref_squeeze %dma_start3A_19 : memref<1x2048xf32, #tpu.memory_space<hbm>> -> memref<2048xf32, #tpu.memory_space<hbm>>
    %dma_start3A_21 = arith.constant 0 : i32
    %dma_start3A_22 = tpu.memref_slice %arg5[%add3A, %dma_start3A_21] : memref<32x32768xf32, #tpu.memory_space<hbm>> -> memref<1x2048xf32, #tpu.memory_space<hbm>>
    %dma_start3A_23 = tpu.memref_squeeze %dma_start3A_22 : memref<1x2048xf32, #tpu.memory_space<hbm>> -> memref<2048xf32, #tpu.memory_space<hbm>>
    tpu.enqueue_dma source(%dma_start3A_23 : memref<2048xf32, #tpu.memory_space<hbm>>) target(%arg12 : memref<2048xf32, #tpu.memory_space<vmem>>) target_semaphore(%arg27 : memref<!tpu.dma_semaphore, #tpu.memory_space<semaphore_mem>>)
    %dma_start3A_24 = arith.constant 0 : i32
    %dma_start3A_25 = tpu.memref_slice %arg6[%add3A, %dma_start3A_24] : memref<32x32768xi32, #tpu.memory_space<hbm>> -> memref<1x2048xi32, #tpu.memory_space<hbm>>
    %dma_start3A_26 = tpu.memref_squeeze %dma_start3A_25 : memref<1x2048xi32, #tpu.memory_space<hbm>> -> memref<2048xi32, #tpu.memory_space<hbm>>
    %dma_start3A_27 = arith.constant 0 : i32
    %dma_start3A_28 = tpu.memref_slice %arg6[%add3A, %dma_start3A_27] : memref<32x32768xi32, #tpu.memory_space<hbm>> -> memref<1x2048xi32, #tpu.memory_space<hbm>>
    %dma_start3A_29 = tpu.memref_squeeze %dma_start3A_28 : memref<1x2048xi32, #tpu.memory_space<hbm>> -> memref<2048xi32, #tpu.memory_space<hbm>>
    tpu.enqueue_dma source(%dma_start3A_29 : memref<2048xi32, #tpu.memory_space<hbm>>) target(%arg13 : memref<2048xi32, #tpu.memory_space<vmem>>) target_semaphore(%arg27 : memref<!tpu.dma_semaphore, #tpu.memory_space<semaphore_mem>>)
    %dma_start3A_30 = arith.constant 0 : i32
    %dma_start3A_31 = tpu.memref_slice %arg7[%add3A, %dma_start3A_30] : memref<32x32768xi32, #tpu.memory_space<hbm>> -> memref<1x2048xi32, #tpu.memory_space<hbm>>
    %dma_start3A_32 = tpu.memref_squeeze %dma_start3A_31 : memref<1x2048xi32, #tpu.memory_space<hbm>> -> memref<2048xi32, #tpu.memory_space<hbm>>
    %dma_start3A_33 = arith.constant 0 : i32
    %dma_start3A_34 = tpu.memref_slice %arg7[%add3A, %dma_start3A_33] : memref<32x32768xi32, #tpu.memory_space<hbm>> -> memref<1x2048xi32, #tpu.memory_space<hbm>>
    %dma_start3A_35 = tpu.memref_squeeze %dma_start3A_34 : memref<1x2048xi32, #tpu.memory_space<hbm>> -> memref<2048xi32, #tpu.memory_space<hbm>>
    tpu.enqueue_dma source(%dma_start3A_35 : memref<2048xi32, #tpu.memory_space<hbm>>) target(%arg14 : memref<2048xi32, #tpu.memory_space<vmem>>) target_semaphore(%arg27 : memref<!tpu.dma_semaphore, #tpu.memory_space<semaphore_mem>>)
    %scan3A = arith.constant 0 : i32
    %scan3A_36 = arith.constant 128 : i32
    %scan3A_37 = arith.addi %scan3A, %scan3A_36 : i32
    %scan3A_38 = arith.constant 1 : i32
    scf.for %scan3A_85 = %scan3A to %scan3A_37 step %scan3A_38  : i32 {
      %broadcast_in_dim3A = arith.constant 0.000000e+00 : f32
      %broadcast_in_dim3A_86 = vector.broadcast %broadcast_in_dim3A : f32 to vector<16xf32>
      %mul3A_87 = arith.constant 16 : i32
      %mul3A_88 = arith.muli %scan3A_85, %mul3A_87 : i32
      %swap3A = arith.index_cast %mul3A_88 : i32 to index
      %swap3A_89 = tpu.vector_load %arg25[%swap3A] {strides = array<i32>} : memref<2048xf32, #tpu.memory_space<vmem>>, vector<16xf32>,
      %swap3A_90 = vector.shape_cast %swap3A_89 : vector<16xf32> to vector<16xf32>
      %swap3A_91 = vector.shape_cast %broadcast_in_dim3A_86 : vector<16xf32> to vector<16xf32>
      tpu.vector_store %arg25[%swap3A], %swap3A_91 {strides = array<i32>} : memref<2048xf32, #tpu.memory_space<vmem>>, vector<16xf32>,
    }
    %scan3A_39 = arith.constant 128 : i32
    %mul3A_40 = arith.constant 16384 : i32
    %mul3A_41 = arith.muli %arg1, %mul3A_40 : i32
    %add3A_42 = arith.constant 0 : i32
    %add3A_43 = arith.addi %mul3A_41, %add3A_42 : i32
    "tpu.region"() ({
      %run_scoped3A = tpu.sem_alloc : memref<!tpu.dma_semaphore, #tpu.memory_space<semaphore_mem>>
      %dma_start3A_85 = tpu.memref_slice %arg26[%add3A_43] : memref<262144xf32, #tpu.memory_space<vmem_shared>> -> memref<2048xf32, #tpu.memory_space<vmem_shared>>
      %dma_start3A_86 = tpu.memref_slice %arg26[%add3A_43] : memref<262144xf32, #tpu.memory_space<vmem_shared>> -> memref<2048xf32, #tpu.memory_space<vmem_shared>>
      tpu.enqueue_dma source(%arg25 : memref<2048xf32, #tpu.memory_space<vmem>>) target(%dma_start3A_86 : memref<2048xf32, #tpu.memory_space<vmem_shared>>) target_semaphore(%run_scoped3A : memref<!tpu.dma_semaphore, #tpu.memory_space<semaphore_mem>>)
      %dma_wait3A_87 = tpu.memref_slice %arg26[%add3A_43] : memref<262144xf32, #tpu.memory_space<vmem_shared>> -> memref<2048xf32, #tpu.memory_space<vmem_shared>>
      %dma_wait3A_88 = tpu.memref_slice %arg26[%add3A_43] : memref<262144xf32, #tpu.memory_space<vmem_shared>> -> memref<2048xf32, #tpu.memory_space<vmem_shared>>
      tpu.wait_dma2 semaphore(%run_scoped3A : memref<!tpu.dma_semaphore, #tpu.memory_space<semaphore_mem>>) src(%arg25 : memref<2048xf32, #tpu.memory_space<vmem>>) dst(%dma_wait3A_88 : memref<2048xf32, #tpu.memory_space<vmem_shared>>)
      tpu.yield
    }) : () -> ()
    %mul3A_44 = arith.constant 16384 : i32
    %mul3A_45 = arith.muli %arg1, %mul3A_44 : i32
    %add3A_46 = arith.constant 2048 : i32
    %add3A_47 = arith.addi %mul3A_45, %add3A_46 : i32
    "tpu.region"() ({
      %run_scoped3A = tpu.sem_alloc : memref<!tpu.dma_semaphore, #tpu.memory_space<semaphore_mem>>
      %dma_start3A_85 = tpu.memref_slice %arg26[%add3A_47] : memref<262144xf32, #tpu.memory_space<vmem_shared>> -> memref<2048xf32, #tpu.memory_space<vmem_shared>>
      %dma_start3A_86 = tpu.memref_slice %arg26[%add3A_47] : memref<262144xf32, #tpu.memory_space<vmem_shared>> -> memref<2048xf32, #tpu.memory_space<vmem_shared>>
      tpu.enqueue_dma source(%arg25 : memref<2048xf32, #tpu.memory_space<vmem>>) target(%dma_start3A_86 : memref<2048xf32, #tpu.memory_space<vmem_shared>>) target_semaphore(%run_scoped3A : memref<!tpu.dma_semaphore, #tpu.memory_space<semaphore_mem>>)
      %dma_wait3A_87 = tpu.memref_slice %arg26[%add3A_47] : memref<262144xf32, #tpu.memory_space<vmem_shared>> -> memref<2048xf32, #tpu.memory_space<vmem_shared>>
      %dma_wait3A_88 = tpu.memref_slice %arg26[%add3A_47] : memref<262144xf32, #tpu.memory_space<vmem_shared>> -> memref<2048xf32, #tpu.memory_space<vmem_shared>>
      tpu.wait_dma2 semaphore(%run_scoped3A : memref<!tpu.dma_semaphore, #tpu.memory_space<semaphore_mem>>) src(%arg25 : memref<2048xf32, #tpu.memory_space<vmem>>) dst(%dma_wait3A_88 : memref<2048xf32, #tpu.memory_space<vmem_shared>>)
      tpu.yield
    }) : () -> ()
    %mul3A_48 = arith.constant 16384 : i32
    %mul3A_49 = arith.muli %arg1, %mul3A_48 : i32
    %add3A_50 = arith.constant 4096 : i32
    %add3A_51 = arith.addi %mul3A_49, %add3A_50 : i32
    "tpu.region"() ({
      %run_scoped3A = tpu.sem_alloc : memref<!tpu.dma_semaphore, #tpu.memory_space<semaphore_mem>>
      %dma_start3A_85 = tpu.memref_slice %arg26[%add3A_51] : memref<262144xf32, #tpu.memory_space<vmem_shared>> -> memref<2048xf32, #tpu.memory_space<vmem_shared>>
      %dma_start3A_86 = tpu.memref_slice %arg26[%add3A_51] : memref<262144xf32, #tpu.memory_space<vmem_shared>> -> memref<2048xf32, #tpu.memory_space<vmem_shared>>
      tpu.enqueue_dma source(%arg25 : memref<2048xf32, #tpu.memory_space<vmem>>) target(%dma_start3A_86 : memref<2048xf32, #tpu.memory_space<vmem_shared>>) target_semaphore(%run_scoped3A : memref<!tpu.dma_semaphore, #tpu.memory_space<semaphore_mem>>)
      %dma_wait3A_87 = tpu.memref_slice %arg26[%add3A_51] : memref<262144xf32, #tpu.memory_space<vmem_shared>> -> memref<2048xf32, #tpu.memory_space<vmem_shared>>
      %dma_wait3A_88 = tpu.memref_slice %arg26[%add3A_51] : memref<262144xf32, #tpu.memory_space<vmem_shared>> -> memref<2048xf32, #tpu.memory_space<vmem_shared>>
      tpu.wait_dma2 semaphore(%run_scoped3A : memref<!tpu.dma_semaphore, #tpu.memory_space<semaphore_mem>>) src(%arg25 : memref<2048xf32, #tpu.memory_space<vmem>>) dst(%dma_wait3A_88 : memref<2048xf32, #tpu.memory_space<vmem_shared>>)
      tpu.yield
    }) : () -> ()
    %mul3A_52 = arith.constant 16384 : i32
    %mul3A_53 = arith.muli %arg1, %mul3A_52 : i32
    %add3A_54 = arith.constant 6144 : i32
    %add3A_55 = arith.addi %mul3A_53, %add3A_54 : i32
    "tpu.region"() ({
      %run_scoped3A = tpu.sem_alloc : memref<!tpu.dma_semaphore, #tpu.memory_space<semaphore_mem>>
      %dma_start3A_85 = tpu.memref_slice %arg26[%add3A_55] : memref<262144xf32, #tpu.memory_space<vmem_shared>> -> memref<2048xf32, #tpu.memory_space<vmem_shared>>
      %dma_start3A_86 = tpu.memref_slice %arg26[%add3A_55] : memref<262144xf32, #tpu.memory_space<vmem_shared>> -> memref<2048xf32, #tpu.memory_space<vmem_shared>>
      tpu.enqueue_dma source(%arg25 : memref<2048xf32, #tpu.memory_space<vmem>>) target(%dma_start3A_86 : memref<2048xf32, #tpu.memory_space<vmem_shared>>) target_semaphore(%run_scoped3A : memref<!tpu.dma_semaphore, #tpu.memory_space<semaphore_mem>>)
      %dma_wait3A_87 = tpu.memref_slice %arg26[%add3A_55] : memref<262144xf32, #tpu.memory_space<vmem_shared>> -> memref<2048xf32, #tpu.memory_space<vmem_shared>>
      %dma_wait3A_88 = tpu.memref_slice %arg26[%add3A_55] : memref<262144xf32, #tpu.memory_space<vmem_shared>> -> memref<2048xf32, #tpu.memory_space<vmem_shared>>
      tpu.wait_dma2 semaphore(%run_scoped3A : memref<!tpu.dma_semaphore, #tpu.memory_space<semaphore_mem>>) src(%arg25 : memref<2048xf32, #tpu.memory_space<vmem>>) dst(%dma_wait3A_88 : memref<2048xf32, #tpu.memory_space<vmem_shared>>)
      tpu.yield
    }) : () -> ()
    %mul3A_56 = arith.constant 16384 : i32
    %mul3A_57 = arith.muli %arg1, %mul3A_56 : i32
    %add3A_58 = arith.constant 8192 : i32
    %add3A_59 = arith.addi %mul3A_57, %add3A_58 : i32
    "tpu.region"() ({
      %run_scoped3A = tpu.sem_alloc : memref<!tpu.dma_semaphore, #tpu.memory_space<semaphore_mem>>
      %dma_start3A_85 = tpu.memref_slice %arg26[%add3A_59] : memref<262144xf32, #tpu.memory_space<vmem_shared>> -> memref<2048xf32, #tpu.memory_space<vmem_shared>>
      %dma_start3A_86 = tpu.memref_slice %arg26[%add3A_59] : memref<262144xf32, #tpu.memory_space<vmem_shared>> -> memref<2048xf32, #tpu.memory_space<vmem_shared>>
      tpu.enqueue_dma source(%arg25 : memref<2048xf32, #tpu.memory_space<vmem>>) target(%dma_start3A_86 : memref<2048xf32, #tpu.memory_space<vmem_shared>>) target_semaphore(%run_scoped3A : memref<!tpu.dma_semaphore, #tpu.memory_space<semaphore_mem>>)
      %dma_wait3A_87 = tpu.memref_slice %arg26[%add3A_59] : memref<262144xf32, #tpu.memory_space<vmem_shared>> -> memref<2048xf32, #tpu.memory_space<vmem_shared>>
      %dma_wait3A_88 = tpu.memref_slice %arg26[%add3A_59] : memref<262144xf32, #tpu.memory_space<vmem_shared>> -> memref<2048xf32, #tpu.memory_space<vmem_shared>>
      tpu.wait_dma2 semaphore(%run_scoped3A : memref<!tpu.dma_semaphore, #tpu.memory_space<semaphore_mem>>) src(%arg25 : memref<2048xf32, #tpu.memory_space<vmem>>) dst(%dma_wait3A_88 : memref<2048xf32, #tpu.memory_space<vmem_shared>>)
      tpu.yield
    }) : () -> ()
    %mul3A_60 = arith.constant 16384 : i32
    %mul3A_61 = arith.muli %arg1, %mul3A_60 : i32
    %add3A_62 = arith.constant 10240 : i32
    %add3A_63 = arith.addi %mul3A_61, %add3A_62 : i32
    "tpu.region"() ({
      %run_scoped3A = tpu.sem_alloc : memref<!tpu.dma_semaphore, #tpu.memory_space<semaphore_mem>>
      %dma_start3A_85 = tpu.memref_slice %arg26[%add3A_63] : memref<262144xf32, #tpu.memory_space<vmem_shared>> -> memref<2048xf32, #tpu.memory_space<vmem_shared>>
      %dma_start3A_86 = tpu.memref_slice %arg26[%add3A_63] : memref<262144xf32, #tpu.memory_space<vmem_shared>> -> memref<2048xf32, #tpu.memory_space<vmem_shared>>
      tpu.enqueue_dma source(%arg25 : memref<2048xf32, #tpu.memory_space<vmem>>) target(%dma_start3A_86 : memref<2048xf32, #tpu.memory_space<vmem_shared>>) target_semaphore(%run_scoped3A : memref<!tpu.dma_semaphore, #tpu.memory_space<semaphore_mem>>)
      %dma_wait3A_87 = tpu.memref_slice %arg26[%add3A_63] : memref<262144xf32, #tpu.memory_space<vmem_shared>> -> memref<2048xf32, #tpu.memory_space<vmem_shared>>
      %dma_wait3A_88 = tpu.memref_slice %arg26[%add3A_63] : memref<262144xf32, #tpu.memory_space<vmem_shared>> -> memref<2048xf32, #tpu.memory_space<vmem_shared>>
      tpu.wait_dma2 semaphore(%run_scoped3A : memref<!tpu.dma_semaphore, #tpu.memory_space<semaphore_mem>>) src(%arg25 : memref<2048xf32, #tpu.memory_space<vmem>>) dst(%dma_wait3A_88 : memref<2048xf32, #tpu.memory_space<vmem_shared>>)
      tpu.yield
    }) : () -> ()
    %mul3A_64 = arith.constant 16384 : i32
    %mul3A_65 = arith.muli %arg1, %mul3A_64 : i32
    %add3A_66 = arith.constant 12288 : i32
    %add3A_67 = arith.addi %mul3A_65, %add3A_66 : i32
    "tpu.region"() ({
      %run_scoped3A = tpu.sem_alloc : memref<!tpu.dma_semaphore, #tpu.memory_space<semaphore_mem>>
      %dma_start3A_85 = tpu.memref_slice %arg26[%add3A_67] : memref<262144xf32, #tpu.memory_space<vmem_shared>> -> memref<2048xf32, #tpu.memory_space<vmem_shared>>
      %dma_start3A_86 = tpu.memref_slice %arg26[%add3A_67] : memref<262144xf32, #tpu.memory_space<vmem_shared>> -> memref<2048xf32, #tpu.memory_space<vmem_shared>>
      tpu.enqueue_dma source(%arg25 : memref<2048xf32, #tpu.memory_space<vmem>>) target(%dma_start3A_86 : memref<2048xf32, #tpu.memory_space<vmem_shared>>) target_semaphore(%run_scoped3A : memref<!tpu.dma_semaphore, #tpu.memory_space<semaphore_mem>>)
      %dma_wait3A_87 = tpu.memref_slice %arg26[%add3A_67] : memref<262144xf32, #tpu.memory_space<vmem_shared>> -> memref<2048xf32, #tpu.memory_space<vmem_shared>>
      %dma_wait3A_88 = tpu.memref_slice %arg26[%add3A_67] : memref<262144xf32, #tpu.memory_space<vmem_shared>> -> memref<2048xf32, #tpu.memory_space<vmem_shared>>
      tpu.wait_dma2 semaphore(%run_scoped3A : memref<!tpu.dma_semaphore, #tpu.memory_space<semaphore_mem>>) src(%arg25 : memref<2048xf32, #tpu.memory_space<vmem>>) dst(%dma_wait3A_88 : memref<2048xf32, #tpu.memory_space<vmem_shared>>)
      tpu.yield
    }) : () -> ()
    %mul3A_68 = arith.constant 16384 : i32
    %mul3A_69 = arith.muli %arg1, %mul3A_68 : i32
    %add3A_70 = arith.constant 14336 : i32
    %add3A_71 = arith.addi %mul3A_69, %add3A_70 : i32
    "tpu.region"() ({
      %run_scoped3A = tpu.sem_alloc : memref<!tpu.dma_semaphore, #tpu.memory_space<semaphore_mem>>
      %dma_start3A_85 = tpu.memref_slice %arg26[%add3A_71] : memref<262144xf32, #tpu.memory_space<vmem_shared>> -> memref<2048xf32, #tpu.memory_space<vmem_shared>>
      %dma_start3A_86 = tpu.memref_slice %arg26[%add3A_71] : memref<262144xf32, #tpu.memory_space<vmem_shared>> -> memref<2048xf32, #tpu.memory_space<vmem_shared>>
      tpu.enqueue_dma source(%arg25 : memref<2048xf32, #tpu.memory_space<vmem>>) target(%dma_start3A_86 : memref<2048xf32, #tpu.memory_space<vmem_shared>>) target_semaphore(%run_scoped3A : memref<!tpu.dma_semaphore, #tpu.memory_space<semaphore_mem>>)
      %dma_wait3A_87 = tpu.memref_slice %arg26[%add3A_71] : memref<262144xf32, #tpu.memory_space<vmem_shared>> -> memref<2048xf32, #tpu.memory_space<vmem_shared>>
      %dma_wait3A_88 = tpu.memref_slice %arg26[%add3A_71] : memref<262144xf32, #tpu.memory_space<vmem_shared>> -> memref<2048xf32, #tpu.memory_space<vmem_shared>>
      tpu.wait_dma2 semaphore(%run_scoped3A : memref<!tpu.dma_semaphore, #tpu.memory_space<semaphore_mem>>) src(%arg25 : memref<2048xf32, #tpu.memory_space<vmem>>) dst(%dma_wait3A_88 : memref<2048xf32, #tpu.memory_space<vmem_shared>>)
      tpu.yield
    }) : () -> ()
    %barrier3A = arith.constant 0 : index
    tpu.barrier barrier_id(%barrier3A)
    %scan3A_72 = arith.constant 0 : i32
    %scan3A_73 = arith.constant 8 : i32
    %scan3A_74 = arith.addi %scan3A_72, %scan3A_73 : i32
    %scan3A_75 = arith.constant 1 : i32
    scf.for %scan3A_85 = %scan3A_72 to %scan3A_74 step %scan3A_75  : i32 {
      %mul3A_86 = arith.constant 2 : i32
      %mul3A_87 = arith.muli %mul3A_86, %scan3A_85 : i32
      %add3A_88 = arith.constant 0 : i32
      %add3A_89 = arith.addi %mul3A_87, %add3A_88 : i32
      %add3A_90 = arith.constant 1 : i32
      %add3A_91 = arith.addi %add3A_89, %add3A_90 : i32
      %lt3A = arith.constant 16 : i32
      %lt3A_92 = arith.cmpi slt, %add3A_91, %lt3A : i32
      %convert_element_type3A = arith.extui %lt3A_92 : i1 to i32
      %cond3A = arith.constant 0 : i32
      %cond3A_93 = arith.cmpi ne, %convert_element_type3A, %cond3A : i32
      scf.if %cond3A_93 {
        %add3A_182 = arith.constant 1 : i32
        %add3A_183 = arith.addi %add3A_89, %add3A_182 : i32
        %mul3A_184 = arith.constant 2048 : i32
        %mul3A_185 = arith.muli %add3A_183, %mul3A_184 : i32
        %dma_start3A_186 = tpu.memref_slice %arg2[%add3A, %mul3A_185] : memref<32x32768xf32, #tpu.memory_space<hbm>> -> memref<1x2048xf32, #tpu.memory_space<hbm>>
        %dma_start3A_187 = tpu.memref_squeeze %dma_start3A_186 : memref<1x2048xf32, #tpu.memory_space<hbm>> -> memref<2048xf32, #tpu.memory_space<hbm>>
        %dma_start3A_188 = tpu.memref_slice %arg2[%add3A, %mul3A_185] : memref<32x32768xf32, #tpu.memory_space<hbm>> -> memref<1x2048xf32, #tpu.memory_space<hbm>>
        %dma_start3A_189 = tpu.memref_squeeze %dma_start3A_188 : memref<1x2048xf32, #tpu.memory_space<hbm>> -> memref<2048xf32, #tpu.memory_space<hbm>>
        tpu.enqueue_dma source(%dma_start3A_189 : memref<2048xf32, #tpu.memory_space<hbm>>) target(%arg15 : memref<2048xf32, #tpu.memory_space<vmem>>) target_semaphore(%arg28 : memref<!tpu.dma_semaphore, #tpu.memory_space<semaphore_mem>>)
        %dma_start3A_190 = tpu.memref_slice %arg3[%add3A, %mul3A_185] : memref<32x32768xf32, #tpu.memory_space<hbm>> -> memref<1x2048xf32, #tpu.memory_space<hbm>>
        %dma_start3A_191 = tpu.memref_squeeze %dma_start3A_190 : memref<1x2048xf32, #tpu.memory_space<hbm>> -> memref<2048xf32, #tpu.memory_space<hbm>>
        %dma_start3A_192 = tpu.memref_slice %arg3[%add3A, %mul3A_185] : memref<32x32768xf32, #tpu.memory_space<hbm>> -> memref<1x2048xf32, #tpu.memory_space<hbm>>
        %dma_start3A_193 = tpu.memref_squeeze %dma_start3A_192 : memref<1x2048xf32, #tpu.memory_space<hbm>> -> memref<2048xf32, #tpu.memory_space<hbm>>
        tpu.enqueue_dma source(%dma_start3A_193 : memref<2048xf32, #tpu.memory_space<hbm>>) target(%arg16 : memref<2048xf32, #tpu.memory_space<vmem>>) target_semaphore(%arg28 : memref<!tpu.dma_semaphore, #tpu.memory_space<semaphore_mem>>)
        %dma_start3A_194 = tpu.memref_slice %arg4[%add3A, %mul3A_185] : memref<32x32768xf32, #tpu.memory_space<hbm>> -> memref<1x2048xf32, #tpu.memory_space<hbm>>
        %dma_start3A_195 = tpu.memref_squeeze %dma_start3A_194 : memref<1x2048xf32, #tpu.memory_space<hbm>> -> memref<2048xf32, #tpu.memory_space<hbm>>
        %dma_start3A_196 = tpu.memref_slice %arg4[%add3A, %mul3A_185] : memref<32x32768xf32, #tpu.memory_space<hbm>> -> memref<1x2048xf32, #tpu.memory_space<hbm>>
        %dma_start3A_197 = tpu.memref_squeeze %dma_start3A_196 : memref<1x2048xf32, #tpu.memory_space<hbm>> -> memref<2048xf32, #tpu.memory_space<hbm>>
        tpu.enqueue_dma source(%dma_start3A_197 : memref<2048xf32, #tpu.memory_space<hbm>>) target(%arg17 : memref<2048xf32, #tpu.memory_space<vmem>>) target_semaphore(%arg28 : memref<!tpu.dma_semaphore, #tpu.memory_space<semaphore_mem>>)
        %dma_start3A_198 = tpu.memref_slice %arg5[%add3A, %mul3A_185] : memref<32x32768xf32, #tpu.memory_space<hbm>> -> memref<1x2048xf32, #tpu.memory_space<hbm>>
        %dma_start3A_199 = tpu.memref_squeeze %dma_start3A_198 : memref<1x2048xf32, #tpu.memory_space<hbm>> -> memref<2048xf32, #tpu.memory_space<hbm>>
        %dma_start3A_200 = tpu.memref_slice %arg5[%add3A, %mul3A_185] : memref<32x32768xf32, #tpu.memory_space<hbm>> -> memref<1x2048xf32, #tpu.memory_space<hbm>>
        %dma_start3A_201 = tpu.memref_squeeze %dma_start3A_200 : memref<1x2048xf32, #tpu.memory_space<hbm>> -> memref<2048xf32, #tpu.memory_space<hbm>>
        tpu.enqueue_dma source(%dma_start3A_201 : memref<2048xf32, #tpu.memory_space<hbm>>) target(%arg18 : memref<2048xf32, #tpu.memory_space<vmem>>) target_semaphore(%arg28 : memref<!tpu.dma_semaphore, #tpu.memory_space<semaphore_mem>>)
        %dma_start3A_202 = tpu.memref_slice %arg6[%add3A, %mul3A_185] : memref<32x32768xi32, #tpu.memory_space<hbm>> -> memref<1x2048xi32, #tpu.memory_space<hbm>>
        %dma_start3A_203 = tpu.memref_squeeze %dma_start3A_202 : memref<1x2048xi32, #tpu.memory_space<hbm>> -> memref<2048xi32, #tpu.memory_space<hbm>>
        %dma_start3A_204 = tpu.memref_slice %arg6[%add3A, %mul3A_185] : memref<32x32768xi32, #tpu.memory_space<hbm>> -> memref<1x2048xi32, #tpu.memory_space<hbm>>
        %dma_start3A_205 = tpu.memref_squeeze %dma_start3A_204 : memref<1x2048xi32, #tpu.memory_space<hbm>> -> memref<2048xi32, #tpu.memory_space<hbm>>
        tpu.enqueue_dma source(%dma_start3A_205 : memref<2048xi32, #tpu.memory_space<hbm>>) target(%arg19 : memref<2048xi32, #tpu.memory_space<vmem>>) target_semaphore(%arg28 : memref<!tpu.dma_semaphore, #tpu.memory_space<semaphore_mem>>)
        %dma_start3A_206 = tpu.memref_slice %arg7[%add3A, %mul3A_185] : memref<32x32768xi32, #tpu.memory_space<hbm>> -> memref<1x2048xi32, #tpu.memory_space<hbm>>
        %dma_start3A_207 = tpu.memref_squeeze %dma_start3A_206 : memref<1x2048xi32, #tpu.memory_space<hbm>> -> memref<2048xi32, #tpu.memory_space<hbm>>
        %dma_start3A_208 = tpu.memref_slice %arg7[%add3A, %mul3A_185] : memref<32x32768xi32, #tpu.memory_space<hbm>> -> memref<1x2048xi32, #tpu.memory_space<hbm>>
        %dma_start3A_209 = tpu.memref_squeeze %dma_start3A_208 : memref<1x2048xi32, #tpu.memory_space<hbm>> -> memref<2048xi32, #tpu.memory_space<hbm>>
        tpu.enqueue_dma source(%dma_start3A_209 : memref<2048xi32, #tpu.memory_space<hbm>>) target(%arg20 : memref<2048xi32, #tpu.memory_space<vmem>>) target_semaphore(%arg28 : memref<!tpu.dma_semaphore, #tpu.memory_space<semaphore_mem>>)
      } else {
      }
      %mul3A_94 = arith.constant 2048 : i32
      %mul3A_95 = arith.muli %add3A_89, %mul3A_94 : i32
      %dma_wait3A_96 = tpu.memref_slice %arg2[%add3A, %mul3A_95] : memref<32x32768xf32, #tpu.memory_space<hbm>> -> memref<1x2048xf32, #tpu.memory_space<hbm>>
      %dma_wait3A_97 = tpu.memref_squeeze %dma_wait3A_96 : memref<1x2048xf32, #tpu.memory_space<hbm>> -> memref<2048xf32, #tpu.memory_space<hbm>>
      %dma_wait3A_98 = tpu.memref_slice %arg2[%add3A, %mul3A_95] : memref<32x32768xf32, #tpu.memory_space<hbm>> -> memref<1x2048xf32, #tpu.memory_space<hbm>>
      %dma_wait3A_99 = tpu.memref_squeeze %dma_wait3A_98 : memref<1x2048xf32, #tpu.memory_space<hbm>> -> memref<2048xf32, #tpu.memory_space<hbm>>
      tpu.wait_dma2 semaphore(%arg27 : memref<!tpu.dma_semaphore, #tpu.memory_space<semaphore_mem>>) src(%dma_wait3A_99 : memref<2048xf32, #tpu.memory_space<hbm>>) dst(%arg9 : memref<2048xf32, #tpu.memory_space<vmem>>)
      %dma_wait3A_100 = tpu.memref_slice %arg3[%add3A, %mul3A_95] : memref<32x32768xf32, #tpu.memory_space<hbm>> -> memref<1x2048xf32, #tpu.memory_space<hbm>>
      %dma_wait3A_101 = tpu.memref_squeeze %dma_wait3A_100 : memref<1x2048xf32, #tpu.memory_space<hbm>> -> memref<2048xf32, #tpu.memory_space<hbm>>
      %dma_wait3A_102 = tpu.memref_slice %arg3[%add3A, %mul3A_95] : memref<32x32768xf32, #tpu.memory_space<hbm>> -> memref<1x2048xf32, #tpu.memory_space<hbm>>
      %dma_wait3A_103 = tpu.memref_squeeze %dma_wait3A_102 : memref<1x2048xf32, #tpu.memory_space<hbm>> -> memref<2048xf32, #tpu.memory_space<hbm>>
      tpu.wait_dma2 semaphore(%arg27 : memref<!tpu.dma_semaphore, #tpu.memory_space<semaphore_mem>>) src(%dma_wait3A_103 : memref<2048xf32, #tpu.memory_space<hbm>>) dst(%arg10 : memref<2048xf32, #tpu.memory_space<vmem>>)
      %dma_wait3A_104 = tpu.memref_slice %arg4[%add3A, %mul3A_95] : memref<32x32768xf32, #tpu.memory_space<hbm>> -> memref<1x2048xf32, #tpu.memory_space<hbm>>
      %dma_wait3A_105 = tpu.memref_squeeze %dma_wait3A_104 : memref<1x2048xf32, #tpu.memory_space<hbm>> -> memref<2048xf32, #tpu.memory_space<hbm>>
      %dma_wait3A_106 = tpu.memref_slice %arg4[%add3A, %mul3A_95] : memref<32x32768xf32, #tpu.memory_space<hbm>> -> memref<1x2048xf32, #tpu.memory_space<hbm>>
      %dma_wait3A_107 = tpu.memref_squeeze %dma_wait3A_106 : memref<1x2048xf32, #tpu.memory_space<hbm>> -> memref<2048xf32, #tpu.memory_space<hbm>>
      tpu.wait_dma2 semaphore(%arg27 : memref<!tpu.dma_semaphore, #tpu.memory_space<semaphore_mem>>) src(%dma_wait3A_107 : memref<2048xf32, #tpu.memory_space<hbm>>) dst(%arg11 : memref<2048xf32, #tpu.memory_space<vmem>>)
      %dma_wait3A_108 = tpu.memref_slice %arg5[%add3A, %mul3A_95] : memref<32x32768xf32, #tpu.memory_space<hbm>> -> memref<1x2048xf32, #tpu.memory_space<hbm>>
      %dma_wait3A_109 = tpu.memref_squeeze %dma_wait3A_108 : memref<1x2048xf32, #tpu.memory_space<hbm>> -> memref<2048xf32, #tpu.memory_space<hbm>>
      %dma_wait3A_110 = tpu.memref_slice %arg5[%add3A, %mul3A_95] : memref<32x32768xf32, #tpu.memory_space<hbm>> -> memref<1x2048xf32, #tpu.memory_space<hbm>>
      %dma_wait3A_111 = tpu.memref_squeeze %dma_wait3A_110 : memref<1x2048xf32, #tpu.memory_space<hbm>> -> memref<2048xf32, #tpu.memory_space<hbm>>
      tpu.wait_dma2 semaphore(%arg27 : memref<!tpu.dma_semaphore, #tpu.memory_space<semaphore_mem>>) src(%dma_wait3A_111 : memref<2048xf32, #tpu.memory_space<hbm>>) dst(%arg12 : memref<2048xf32, #tpu.memory_space<vmem>>)
      %dma_wait3A_112 = tpu.memref_slice %arg6[%add3A, %mul3A_95] : memref<32x32768xi32, #tpu.memory_space<hbm>> -> memref<1x2048xi32, #tpu.memory_space<hbm>>
      %dma_wait3A_113 = tpu.memref_squeeze %dma_wait3A_112 : memref<1x2048xi32, #tpu.memory_space<hbm>> -> memref<2048xi32, #tpu.memory_space<hbm>>
      %dma_wait3A_114 = tpu.memref_slice %arg6[%add3A, %mul3A_95] : memref<32x32768xi32, #tpu.memory_space<hbm>> -> memref<1x2048xi32, #tpu.memory_space<hbm>>
      %dma_wait3A_115 = tpu.memref_squeeze %dma_wait3A_114 : memref<1x2048xi32, #tpu.memory_space<hbm>> -> memref<2048xi32, #tpu.memory_space<hbm>>
      tpu.wait_dma2 semaphore(%arg27 : memref<!tpu.dma_semaphore, #tpu.memory_space<semaphore_mem>>) src(%dma_wait3A_115 : memref<2048xi32, #tpu.memory_space<hbm>>) dst(%arg13 : memref<2048xi32, #tpu.memory_space<vmem>>)
      %dma_wait3A_116 = tpu.memref_slice %arg7[%add3A, %mul3A_95] : memref<32x32768xi32, #tpu.memory_space<hbm>> -> memref<1x2048xi32, #tpu.memory_space<hbm>>
      %dma_wait3A_117 = tpu.memref_squeeze %dma_wait3A_116 : memref<1x2048xi32, #tpu.memory_space<hbm>> -> memref<2048xi32, #tpu.memory_space<hbm>>
      %dma_wait3A_118 = tpu.memref_slice %arg7[%add3A, %mul3A_95] : memref<32x32768xi32, #tpu.memory_space<hbm>> -> memref<1x2048xi32, #tpu.memory_space<hbm>>
      %dma_wait3A_119 = tpu.memref_squeeze %dma_wait3A_118 : memref<1x2048xi32, #tpu.memory_space<hbm>> -> memref<2048xi32, #tpu.memory_space<hbm>>
      tpu.wait_dma2 semaphore(%arg27 : memref<!tpu.dma_semaphore, #tpu.memory_space<semaphore_mem>>) src(%dma_wait3A_119 : memref<2048xi32, #tpu.memory_space<hbm>>) dst(%arg14 : memref<2048xi32, #tpu.memory_space<vmem>>)
      %ge3A = arith.constant 2 : i32
      %ge3A_120 = arith.cmpi sge, %add3A_89, %ge3A : i32
      %convert_element_type3A_121 = arith.extui %ge3A_120 : i1 to i32
      %cond3A_122 = arith.constant 0 : i32
      %cond3A_123 = arith.cmpi ne, %convert_element_type3A_121, %cond3A_122 : i32
      scf.if %cond3A_123 {
        %dma_wait3A_182 = arith.constant 0 : i32
        %dma_wait3A_183 = tpu.memref_slice %arg26[%dma_wait3A_182] : memref<262144xf32, #tpu.memory_space<vmem_shared>> -> memref<262144xf32, #tpu.memory_space<vmem_shared>>
        tpu.wait_indirect_dma semaphore(%arg29 : memref<!tpu.dma_semaphore, #tpu.memory_space<semaphore_mem>>) src(%arg22 : memref<18432xf32, #tpu.memory_space<vmem>>) dst(%dma_wait3A_183 : memref<262144xf32, #tpu.memory_space<vmem_shared>>)
      } else {
      }
      %scan3A_124 = arith.constant 0 : i32
      %scan3A_125 = arith.constant 128 : i32
      %scan3A_126 = arith.addi %scan3A_124, %scan3A_125 : i32
      %scan3A_127 = arith.constant 1 : i32
      scf.for %scan3A_182 = %scan3A_124 to %scan3A_126 step %scan3A_127  : i32 {
        %mul3A_183 = arith.constant 16 : i32
        %mul3A_184 = arith.muli %scan3A_182, %mul3A_183 : i32
        %get3A = arith.index_cast %mul3A_184 : i32 to index
        %get3A_185 = tpu.vector_load %arg9[%get3A] {strides = array<i32>} : memref<2048xf32, #tpu.memory_space<vmem>>, vector<16xf32>,
        %get3A_186 = vector.shape_cast %get3A_185 : vector<16xf32> to vector<16xf32>
        %get3A_187 = arith.index_cast %mul3A_184 : i32 to index
        %get3A_188 = tpu.vector_load %arg10[%get3A_187] {strides = array<i32>} : memref<2048xf32, #tpu.memory_space<vmem>>, vector<16xf32>,
        %get3A_189 = vector.shape_cast %get3A_188 : vector<16xf32> to vector<16xf32>
        %get3A_190 = arith.index_cast %mul3A_184 : i32 to index
        %get3A_191 = tpu.vector_load %arg11[%get3A_190] {strides = array<i32>} : memref<2048xf32, #tpu.memory_space<vmem>>, vector<16xf32>,
        %get3A_192 = vector.shape_cast %get3A_191 : vector<16xf32> to vector<16xf32>
        %get3A_193 = arith.index_cast %mul3A_184 : i32 to index
        %get3A_194 = tpu.vector_load %arg12[%get3A_193] {strides = array<i32>} : memref<2048xf32, #tpu.memory_space<vmem>>, vector<16xf32>,
        %get3A_195 = vector.shape_cast %get3A_194 : vector<16xf32> to vector<16xf32>
        %get3A_196 = arith.index_cast %mul3A_184 : i32 to index
        %get3A_197 = tpu.vector_load %arg14[%get3A_196] {strides = array<i32>} : memref<2048xi32, #tpu.memory_space<vmem>>, vector<16xi32>,
        %get3A_198 = vector.shape_cast %get3A_197 : vector<16xi32> to vector<16xi32>
        %get3A_199 = arith.index_cast %mul3A_184 : i32 to index
        %get3A_200 = tpu.vector_load %arg13[%get3A_199] {strides = array<i32>} : memref<2048xi32, #tpu.memory_space<vmem>>, vector<16xi32>,
        %get3A_201 = vector.shape_cast %get3A_200 : vector<16xi32> to vector<16xi32>
        %sub3A = arith.subi %get3A_198, %get3A_201 : vector<16xi32>
        %convert_element_type3A_202 = arith.sitofp %sub3A : vector<16xi32> to vector<16xf32>
        %max3A = arith.constant 2.76213598 : f32
        %max3A_203 = vector.broadcast %max3A : f32 to vector<16xf32>
        %max3A_204 = arith.maximumf %max3A_203, %get3A_192 : vector<16xf32>
        %mul3A_205 = arith.constant 5.000000e-01 : f32
        %mul3A_206 = vector.broadcast %mul3A_205 : f32 to vector<16xf32>
        %mul3A_207 = arith.mulf %mul3A_206, %max3A_204 : vector<16xf32>
        %max3A_208 = arith.constant 2.76213598 : f32
        %max3A_209 = vector.broadcast %max3A_208 : f32 to vector<16xf32>
        %max3A_210 = arith.maximumf %max3A_209, %get3A_195 : vector<16xf32>
        %mul3A_211 = arith.constant 5.000000e-01 : f32
        %mul3A_212 = vector.broadcast %mul3A_211 : f32 to vector<16xf32>
        %mul3A_213 = arith.mulf %mul3A_212, %max3A_210 : vector<16xf32>
        %mul3A_214 = arith.constant 5.000000e-01 : f32
        %mul3A_215 = vector.broadcast %mul3A_214 : f32 to vector<16xf32>
        %mul3A_216 = arith.mulf %mul3A_215, %get3A_192 : vector<16xf32>
        %add3A_217 = arith.addf %get3A_186, %mul3A_216 : vector<16xf32>
        %mul3A_218 = arith.constant 5.000000e-01 : f32
        %mul3A_219 = vector.broadcast %mul3A_218 : f32 to vector<16xf32>
        %mul3A_220 = arith.mulf %mul3A_219, %get3A_195 : vector<16xf32>
        %add3A_221 = arith.addf %get3A_189, %mul3A_220 : vector<16xf32>
        %sub3A_222 = arith.subf %add3A_217, %mul3A_207 : vector<16xf32>
        %add3A_223 = arith.addf %add3A_217, %mul3A_207 : vector<16xf32>
        %sub3A_224 = arith.subf %add3A_221, %mul3A_213 : vector<16xf32>
        %add3A_225 = arith.addf %add3A_221, %mul3A_213 : vector<16xf32>
        %mul3A_226 = arith.mulf %mul3A_207, %mul3A_213 : vector<16xf32>
        %mul3A_227 = arith.constant 4.000000e+00 : f32
        %mul3A_228 = vector.broadcast %mul3A_227 : f32 to vector<16xf32>
        %mul3A_229 = arith.mulf %mul3A_228, %mul3A_226 : vector<16xf32>
        %div3A = arith.divf %convert_element_type3A_202, %mul3A_229 : vector<16xf32>
        %mul3A_230 = arith.constant 5.120000e-01 : f32
        %mul3A_231 = vector.broadcast %mul3A_230 : f32 to vector<16xf32>
        %mul3A_232 = arith.mulf %sub3A_222, %mul3A_231 : vector<16xf32>
        %convert_element_type3A_233 = arith.fptosi %mul3A_232 : vector<16xf32> to vector<16xi32>
        %jit3A = arith.constant 0 : i32
        %jit3A_234 = arith.constant 511 : i32
        %max3A_235 = vector.broadcast %jit3A : i32 to vector<16xi32>
        %max3A_236 = arith.maxsi %max3A_235, %convert_element_type3A_233 : vector<16xi32>
        %min3A = vector.broadcast %jit3A_234 : i32 to vector<16xi32>
        %min3A_237 = arith.minsi %min3A, %max3A_236 : vector<16xi32>
        %mul3A_238 = arith.constant 5.120000e-01 : f32
        %mul3A_239 = vector.broadcast %mul3A_238 : f32 to vector<16xf32>
        %mul3A_240 = arith.mulf %add3A_223, %mul3A_239 : vector<16xf32>
        %convert_element_type3A_241 = arith.fptosi %mul3A_240 : vector<16xf32> to vector<16xi32>
        %jit3A_242 = arith.constant 0 : i32
        %jit3A_243 = arith.constant 511 : i32
        %max3A_244 = vector.broadcast %jit3A_242 : i32 to vector<16xi32>
        %max3A_245 = arith.maxsi %max3A_244, %convert_element_type3A_241 : vector<16xi32>
        %min3A_246 = vector.broadcast %jit3A_243 : i32 to vector<16xi32>
        %min3A_247 = arith.minsi %min3A_246, %max3A_245 : vector<16xi32>
        %convert_element_type3A_248 = arith.sitofp %min3A_237 : vector<16xi32> to vector<16xf32>
        %mul3A_249 = arith.constant 1.953125 : f32
        %mul3A_250 = vector.broadcast %mul3A_249 : f32 to vector<16xf32>
        %mul3A_251 = arith.mulf %convert_element_type3A_248, %mul3A_250 : vector<16xf32>
        %add3A_252 = arith.constant 1.953125 : f32
        %add3A_253 = vector.broadcast %add3A_252 : f32 to vector<16xf32>
        %add3A_254 = arith.addf %mul3A_251, %add3A_253 : vector<16xf32>
        %add3A_255 = arith.constant 1.953125 : f32
        %add3A_256 = vector.broadcast %add3A_255 : f32 to vector<16xf32>
        %add3A_257 = arith.addf %add3A_254, %add3A_256 : vector<16xf32>
        %min3A_258 = arith.minimumf %add3A_223, %add3A_254 : vector<16xf32>
        %max3A_259 = arith.maximumf %sub3A_222, %mul3A_251 : vector<16xf32>
        %sub3A_260 = arith.subf %min3A_258, %max3A_259 : vector<16xf32>
        %sub3A_261 = arith.subf %add3A_223, %add3A_254 : vector<16xf32>
        %min3A_262 = arith.constant 1.953125 : f32
        %min3A_263 = vector.broadcast %min3A_262 : f32 to vector<16xf32>
        %min3A_264 = arith.minimumf %sub3A_261, %min3A_263 : vector<16xf32>
        %sub3A_265 = arith.subf %add3A_223, %add3A_257 : vector<16xf32>
        %add3A_266 = arith.constant 1 : i32
        %add3A_267 = vector.broadcast %add3A_266 : i32 to vector<16xi32>
        %add3A_268 = arith.addi %min3A_237, %add3A_267 : vector<16xi32>
        %gt3A = arith.cmpi sgt, %min3A_247, %min3A_237 : vector<16xi32>
        %gt3A_269 = arith.cmpi sgt, %min3A_247, %add3A_268 : vector<16xi32>
        %add3A_270 = arith.constant 2 : i32
        %add3A_271 = vector.broadcast %add3A_270 : i32 to vector<16xi32>
        %add3A_272 = arith.addi %min3A_237, %add3A_271 : vector<16xi32>
        %mul3A_273 = arith.constant 5.120000e-01 : f32
        %mul3A_274 = vector.broadcast %mul3A_273 : f32 to vector<16xf32>
        %mul3A_275 = arith.mulf %sub3A_224, %mul3A_274 : vector<16xf32>
        %convert_element_type3A_276 = arith.fptosi %mul3A_275 : vector<16xf32> to vector<16xi32>
        %jit3A_277 = arith.constant 0 : i32
        %jit3A_278 = arith.constant 511 : i32
        %max3A_279 = vector.broadcast %jit3A_277 : i32 to vector<16xi32>
        %max3A_280 = arith.maxsi %max3A_279, %convert_element_type3A_276 : vector<16xi32>
        %min3A_281 = vector.broadcast %jit3A_278 : i32 to vector<16xi32>
        %min3A_282 = arith.minsi %min3A_281, %max3A_280 : vector<16xi32>
        %mul3A_283 = arith.constant 5.120000e-01 : f32
        %mul3A_284 = vector.broadcast %mul3A_283 : f32 to vector<16xf32>
        %mul3A_285 = arith.mulf %add3A_225, %mul3A_284 : vector<16xf32>
        %convert_element_type3A_286 = arith.fptosi %mul3A_285 : vector<16xf32> to vector<16xi32>
        %jit3A_287 = arith.constant 0 : i32
        %jit3A_288 = arith.constant 511 : i32
        %max3A_289 = vector.broadcast %jit3A_287 : i32 to vector<16xi32>
        %max3A_290 = arith.maxsi %max3A_289, %convert_element_type3A_286 : vector<16xi32>
        %min3A_291 = vector.broadcast %jit3A_288 : i32 to vector<16xi32>
        %min3A_292 = arith.minsi %min3A_291, %max3A_290 : vector<16xi32>
        %convert_element_type3A_293 = arith.sitofp %min3A_282 : vector<16xi32> to vector<16xf32>
        %mul3A_294 = arith.constant 1.953125 : f32
        %mul3A_295 = vector.broadcast %mul3A_294 : f32 to vector<16xf32>
        %mul3A_296 = arith.mulf %convert_element_type3A_293, %mul3A_295 : vector<16xf32>
        %add3A_297 = arith.constant 1.953125 : f32
        %add3A_298 = vector.broadcast %add3A_297 : f32 to vector<16xf32>
        %add3A_299 = arith.addf %mul3A_296, %add3A_298 : vector<16xf32>
        %add3A_300 = arith.constant 1.953125 : f32
        %add3A_301 = vector.broadcast %add3A_300 : f32 to vector<16xf32>
        %add3A_302 = arith.addf %add3A_299, %add3A_301 : vector<16xf32>
        %min3A_303 = arith.minimumf %add3A_225, %add3A_299 : vector<16xf32>
        %max3A_304 = arith.maximumf %sub3A_224, %mul3A_296 : vector<16xf32>
        %sub3A_305 = arith.subf %min3A_303, %max3A_304 : vector<16xf32>
        %sub3A_306 = arith.subf %add3A_225, %add3A_299 : vector<16xf32>
        %min3A_307 = arith.constant 1.953125 : f32
        %min3A_308 = vector.broadcast %min3A_307 : f32 to vector<16xf32>
        %min3A_309 = arith.minimumf %sub3A_306, %min3A_308 : vector<16xf32>
        %sub3A_310 = arith.subf %add3A_225, %add3A_302 : vector<16xf32>
        %add3A_311 = arith.constant 1 : i32
        %add3A_312 = vector.broadcast %add3A_311 : i32 to vector<16xi32>
        %add3A_313 = arith.addi %min3A_282, %add3A_312 : vector<16xi32>
        %gt3A_314 = arith.cmpi sgt, %min3A_292, %min3A_282 : vector<16xi32>
        %gt3A_315 = arith.cmpi sgt, %min3A_292, %add3A_313 : vector<16xi32>
        %add3A_316 = arith.constant 2 : i32
        %add3A_317 = vector.broadcast %add3A_316 : i32 to vector<16xi32>
        %add3A_318 = arith.addi %min3A_282, %add3A_317 : vector<16xi32>
        %mul3A_319 = arith.mulf %sub3A_260, %div3A : vector<16xf32>
        %mul3A_320 = arith.mulf %min3A_264, %div3A : vector<16xf32>
        %mul3A_321 = arith.mulf %sub3A_265, %div3A : vector<16xf32>
        %mul3A_322 = arith.constant 16 : i32
        %mul3A_323 = arith.muli %scan3A_182, %mul3A_322 : i32
        %broadcast_in_dim3A = arith.constant -1 : i32
        %broadcast_in_dim3A_324 = vector.broadcast %broadcast_in_dim3A : i32 to vector<16xi32>
        %mul3A_325 = arith.constant 512 : i32
        %mul3A_326 = vector.broadcast %mul3A_325 : i32 to vector<16xi32>
        %mul3A_327 = arith.muli %min3A_237, %mul3A_326 : vector<16xi32>
        %add3A_328 = arith.constant 0 : i32
        %add3A_329 = arith.addi %add3A_328, %mul3A_323 : i32
        %add3A_330 = arith.addi %mul3A_327, %min3A_282 : vector<16xi32>
        %swap3A = arith.index_cast %add3A_329 : i32 to index
        %swap3A_331 = tpu.vector_load %arg21[%swap3A] {strides = array<i32>} : memref<18432xi32, #tpu.memory_space<vmem>>, vector<16xi32>,
        %swap3A_332 = vector.shape_cast %swap3A_331 : vector<16xi32> to vector<16xi32>
        %swap3A_333 = vector.shape_cast %add3A_330 : vector<16xi32> to vector<16xi32>
        tpu.vector_store %arg21[%swap3A], %swap3A_333 {strides = array<i32>} : memref<18432xi32, #tpu.memory_space<vmem>>, vector<16xi32>,
        %mul3A_334 = arith.mulf %mul3A_319, %sub3A_305 : vector<16xf32>
        %swap3A_335 = arith.index_cast %add3A_329 : i32 to index
        %swap3A_336 = tpu.vector_load %arg22[%swap3A_335] {strides = array<i32>} : memref<18432xf32, #tpu.memory_space<vmem>>, vector<16xf32>,
        %swap3A_337 = vector.shape_cast %swap3A_336 : vector<16xf32> to vector<16xf32>
        %swap3A_338 = vector.shape_cast %mul3A_334 : vector<16xf32> to vector<16xf32>
        tpu.vector_store %arg22[%swap3A_335], %swap3A_338 {strides = array<i32>} : memref<18432xf32, #tpu.memory_space<vmem>>, vector<16xf32>,
        %add3A_339 = arith.constant 2048 : i32
        %add3A_340 = arith.addi %add3A_339, %mul3A_323 : i32
        %add3A_341 = arith.addi %mul3A_327, %add3A_313 : vector<16xi32>
        %select_n3A = arith.select %gt3A_314, %add3A_341, %broadcast_in_dim3A_324 : vector<16xi1>, vector<16xi32>
        %swap3A_342 = arith.index_cast %add3A_340 : i32 to index
        %swap3A_343 = tpu.vector_load %arg21[%swap3A_342] {strides = array<i32>} : memref<18432xi32, #tpu.memory_space<vmem>>, vector<16xi32>,
        %swap3A_344 = vector.shape_cast %swap3A_343 : vector<16xi32> to vector<16xi32>
        %swap3A_345 = vector.shape_cast %select_n3A : vector<16xi32> to vector<16xi32>
        tpu.vector_store %arg21[%swap3A_342], %swap3A_345 {strides = array<i32>} : memref<18432xi32, #tpu.memory_space<vmem>>, vector<16xi32>,
        %mul3A_346 = arith.mulf %mul3A_319, %min3A_309 : vector<16xf32>
        %swap3A_347 = arith.index_cast %add3A_340 : i32 to index
        %swap3A_348 = tpu.vector_load %arg22[%swap3A_347] {strides = array<i32>} : memref<18432xf32, #tpu.memory_space<vmem>>, vector<16xf32>,
        %swap3A_349 = vector.shape_cast %swap3A_348 : vector<16xf32> to vector<16xf32>
        %swap3A_350 = vector.shape_cast %mul3A_346 : vector<16xf32> to vector<16xf32>
        tpu.vector_store %arg22[%swap3A_347], %swap3A_350 {strides = array<i32>} : memref<18432xf32, #tpu.memory_space<vmem>>, vector<16xf32>,
        %add3A_351 = arith.constant 4096 : i32
        %add3A_352 = arith.addi %add3A_351, %mul3A_323 : i32
        %add3A_353 = arith.addi %mul3A_327, %add3A_318 : vector<16xi32>
        %select_n3A_354 = arith.select %gt3A_315, %add3A_353, %broadcast_in_dim3A_324 : vector<16xi1>, vector<16xi32>
        %swap3A_355 = arith.index_cast %add3A_352 : i32 to index
        %swap3A_356 = tpu.vector_load %arg21[%swap3A_355] {strides = array<i32>} : memref<18432xi32, #tpu.memory_space<vmem>>, vector<16xi32>,
        %swap3A_357 = vector.shape_cast %swap3A_356 : vector<16xi32> to vector<16xi32>
        %swap3A_358 = vector.shape_cast %select_n3A_354 : vector<16xi32> to vector<16xi32>
        tpu.vector_store %arg21[%swap3A_355], %swap3A_358 {strides = array<i32>} : memref<18432xi32, #tpu.memory_space<vmem>>, vector<16xi32>,
        %mul3A_359 = arith.mulf %mul3A_319, %sub3A_310 : vector<16xf32>
        %swap3A_360 = arith.index_cast %add3A_352 : i32 to index
        %swap3A_361 = tpu.vector_load %arg22[%swap3A_360] {strides = array<i32>} : memref<18432xf32, #tpu.memory_space<vmem>>, vector<16xf32>,
        %swap3A_362 = vector.shape_cast %swap3A_361 : vector<16xf32> to vector<16xf32>
        %swap3A_363 = vector.shape_cast %mul3A_359 : vector<16xf32> to vector<16xf32>
        tpu.vector_store %arg22[%swap3A_360], %swap3A_363 {strides = array<i32>} : memref<18432xf32, #tpu.memory_space<vmem>>, vector<16xf32>,
        %mul3A_364 = arith.constant 512 : i32
        %mul3A_365 = vector.broadcast %mul3A_364 : i32 to vector<16xi32>
        %mul3A_366 = arith.muli %add3A_268, %mul3A_365 : vector<16xi32>
        %add3A_367 = arith.constant 6144 : i32
        %add3A_368 = arith.addi %add3A_367, %mul3A_323 : i32
        %add3A_369 = arith.addi %mul3A_366, %min3A_282 : vector<16xi32>
        %select_n3A_370 = arith.select %gt3A, %add3A_369, %broadcast_in_dim3A_324 : vector<16xi1>, vector<16xi32>
        %swap3A_371 = arith.index_cast %add3A_368 : i32 to index
        %swap3A_372 = tpu.vector_load %arg21[%swap3A_371] {strides = array<i32>} : memref<18432xi32, #tpu.memory_space<vmem>>, vector<16xi32>,
        %swap3A_373 = vector.shape_cast %swap3A_372 : vector<16xi32> to vector<16xi32>
        %swap3A_374 = vector.shape_cast %select_n3A_370 : vector<16xi32> to vector<16xi32>
        tpu.vector_store %arg21[%swap3A_371], %swap3A_374 {strides = array<i32>} : memref<18432xi32, #tpu.memory_space<vmem>>, vector<16xi32>,
        %mul3A_375 = arith.mulf %mul3A_320, %sub3A_305 : vector<16xf32>
        %swap3A_376 = arith.index_cast %add3A_368 : i32 to index
        %swap3A_377 = tpu.vector_load %arg22[%swap3A_376] {strides = array<i32>} : memref<18432xf32, #tpu.memory_space<vmem>>, vector<16xf32>,
        %swap3A_378 = vector.shape_cast %swap3A_377 : vector<16xf32> to vector<16xf32>
        %swap3A_379 = vector.shape_cast %mul3A_375 : vector<16xf32> to vector<16xf32>
        tpu.vector_store %arg22[%swap3A_376], %swap3A_379 {strides = array<i32>} : memref<18432xf32, #tpu.memory_space<vmem>>, vector<16xf32>,
        %add3A_380 = arith.constant 8192 : i32
        %add3A_381 = arith.addi %add3A_380, %mul3A_323 : i32
        %and3A = arith.andi %gt3A, %gt3A_314 : vector<16xi1>
        %add3A_382 = arith.addi %mul3A_366, %add3A_313 : vector<16xi32>
        %select_n3A_383 = arith.select %and3A, %add3A_382, %broadcast_in_dim3A_324 : vector<16xi1>, vector<16xi32>
        %swap3A_384 = arith.index_cast %add3A_381 : i32 to index
        %swap3A_385 = tpu.vector_load %arg21[%swap3A_384] {strides = array<i32>} : memref<18432xi32, #tpu.memory_space<vmem>>, vector<16xi32>,
        %swap3A_386 = vector.shape_cast %swap3A_385 : vector<16xi32> to vector<16xi32>
        %swap3A_387 = vector.shape_cast %select_n3A_383 : vector<16xi32> to vector<16xi32>
        tpu.vector_store %arg21[%swap3A_384], %swap3A_387 {strides = array<i32>} : memref<18432xi32, #tpu.memory_space<vmem>>, vector<16xi32>,
        %mul3A_388 = arith.mulf %mul3A_320, %min3A_309 : vector<16xf32>
        %swap3A_389 = arith.index_cast %add3A_381 : i32 to index
        %swap3A_390 = tpu.vector_load %arg22[%swap3A_389] {strides = array<i32>} : memref<18432xf32, #tpu.memory_space<vmem>>, vector<16xf32>,
        %swap3A_391 = vector.shape_cast %swap3A_390 : vector<16xf32> to vector<16xf32>
        %swap3A_392 = vector.shape_cast %mul3A_388 : vector<16xf32> to vector<16xf32>
        tpu.vector_store %arg22[%swap3A_389], %swap3A_392 {strides = array<i32>} : memref<18432xf32, #tpu.memory_space<vmem>>, vector<16xf32>,
        %add3A_393 = arith.constant 10240 : i32
        %add3A_394 = arith.addi %add3A_393, %mul3A_323 : i32
        %and3A_395 = arith.andi %gt3A, %gt3A_315 : vector<16xi1>
        %add3A_396 = arith.addi %mul3A_366, %add3A_318 : vector<16xi32>
        %select_n3A_397 = arith.select %and3A_395, %add3A_396, %broadcast_in_dim3A_324 : vector<16xi1>, vector<16xi32>
        %swap3A_398 = arith.index_cast %add3A_394 : i32 to index
        %swap3A_399 = tpu.vector_load %arg21[%swap3A_398] {strides = array<i32>} : memref<18432xi32, #tpu.memory_space<vmem>>, vector<16xi32>,
        %swap3A_400 = vector.shape_cast %swap3A_399 : vector<16xi32> to vector<16xi32>
        %swap3A_401 = vector.shape_cast %select_n3A_397 : vector<16xi32> to vector<16xi32>
        tpu.vector_store %arg21[%swap3A_398], %swap3A_401 {strides = array<i32>} : memref<18432xi32, #tpu.memory_space<vmem>>, vector<16xi32>,
        %mul3A_402 = arith.mulf %mul3A_320, %sub3A_310 : vector<16xf32>
        %swap3A_403 = arith.index_cast %add3A_394 : i32 to index
        %swap3A_404 = tpu.vector_load %arg22[%swap3A_403] {strides = array<i32>} : memref<18432xf32, #tpu.memory_space<vmem>>, vector<16xf32>,
        %swap3A_405 = vector.shape_cast %swap3A_404 : vector<16xf32> to vector<16xf32>
        %swap3A_406 = vector.shape_cast %mul3A_402 : vector<16xf32> to vector<16xf32>
        tpu.vector_store %arg22[%swap3A_403], %swap3A_406 {strides = array<i32>} : memref<18432xf32, #tpu.memory_space<vmem>>, vector<16xf32>,
        %mul3A_407 = arith.constant 512 : i32
        %mul3A_408 = vector.broadcast %mul3A_407 : i32 to vector<16xi32>
        %mul3A_409 = arith.muli %add3A_272, %mul3A_408 : vector<16xi32>
        %add3A_410 = arith.constant 12288 : i32
        %add3A_411 = arith.addi %add3A_410, %mul3A_323 : i32
        %add3A_412 = arith.addi %mul3A_409, %min3A_282 : vector<16xi32>
        %select_n3A_413 = arith.select %gt3A_269, %add3A_412, %broadcast_in_dim3A_324 : vector<16xi1>, vector<16xi32>
        %swap3A_414 = arith.index_cast %add3A_411 : i32 to index
        %swap3A_415 = tpu.vector_load %arg21[%swap3A_414] {strides = array<i32>} : memref<18432xi32, #tpu.memory_space<vmem>>, vector<16xi32>,
        %swap3A_416 = vector.shape_cast %swap3A_415 : vector<16xi32> to vector<16xi32>
        %swap3A_417 = vector.shape_cast %select_n3A_413 : vector<16xi32> to vector<16xi32>
        tpu.vector_store %arg21[%swap3A_414], %swap3A_417 {strides = array<i32>} : memref<18432xi32, #tpu.memory_space<vmem>>, vector<16xi32>,
        %mul3A_418 = arith.mulf %mul3A_321, %sub3A_305 : vector<16xf32>
        %swap3A_419 = arith.index_cast %add3A_411 : i32 to index
        %swap3A_420 = tpu.vector_load %arg22[%swap3A_419] {strides = array<i32>} : memref<18432xf32, #tpu.memory_space<vmem>>, vector<16xf32>,
        %swap3A_421 = vector.shape_cast %swap3A_420 : vector<16xf32> to vector<16xf32>
        %swap3A_422 = vector.shape_cast %mul3A_418 : vector<16xf32> to vector<16xf32>
        tpu.vector_store %arg22[%swap3A_419], %swap3A_422 {strides = array<i32>} : memref<18432xf32, #tpu.memory_space<vmem>>, vector<16xf32>,
        %add3A_423 = arith.constant 14336 : i32
        %add3A_424 = arith.addi %add3A_423, %mul3A_323 : i32
        %and3A_425 = arith.andi %gt3A_269, %gt3A_314 : vector<16xi1>
        %add3A_426 = arith.addi %mul3A_409, %add3A_313 : vector<16xi32>
        %select_n3A_427 = arith.select %and3A_425, %add3A_426, %broadcast_in_dim3A_324 : vector<16xi1>, vector<16xi32>
        %swap3A_428 = arith.index_cast %add3A_424 : i32 to index
        %swap3A_429 = tpu.vector_load %arg21[%swap3A_428] {strides = array<i32>} : memref<18432xi32, #tpu.memory_space<vmem>>, vector<16xi32>,
        %swap3A_430 = vector.shape_cast %swap3A_429 : vector<16xi32> to vector<16xi32>
        %swap3A_431 = vector.shape_cast %select_n3A_427 : vector<16xi32> to vector<16xi32>
        tpu.vector_store %arg21[%swap3A_428], %swap3A_431 {strides = array<i32>} : memref<18432xi32, #tpu.memory_space<vmem>>, vector<16xi32>,
        %mul3A_432 = arith.mulf %mul3A_321, %min3A_309 : vector<16xf32>
        %swap3A_433 = arith.index_cast %add3A_424 : i32 to index
        %swap3A_434 = tpu.vector_load %arg22[%swap3A_433] {strides = array<i32>} : memref<18432xf32, #tpu.memory_space<vmem>>, vector<16xf32>,
        %swap3A_435 = vector.shape_cast %swap3A_434 : vector<16xf32> to vector<16xf32>
        %swap3A_436 = vector.shape_cast %mul3A_432 : vector<16xf32> to vector<16xf32>
        tpu.vector_store %arg22[%swap3A_433], %swap3A_436 {strides = array<i32>} : memref<18432xf32, #tpu.memory_space<vmem>>, vector<16xf32>,
        %add3A_437 = arith.constant 16384 : i32
        %add3A_438 = arith.addi %add3A_437, %mul3A_323 : i32
        %and3A_439 = arith.andi %gt3A_269, %gt3A_315 : vector<16xi1>
        %add3A_440 = arith.addi %mul3A_409, %add3A_318 : vector<16xi32>
        %select_n3A_441 = arith.select %and3A_439, %add3A_440, %broadcast_in_dim3A_324 : vector<16xi1>, vector<16xi32>
        %swap3A_442 = arith.index_cast %add3A_438 : i32 to index
        %swap3A_443 = tpu.vector_load %arg21[%swap3A_442] {strides = array<i32>} : memref<18432xi32, #tpu.memory_space<vmem>>, vector<16xi32>,
        %swap3A_444 = vector.shape_cast %swap3A_443 : vector<16xi32> to vector<16xi32>
        %swap3A_445 = vector.shape_cast %select_n3A_441 : vector<16xi32> to vector<16xi32>
        tpu.vector_store %arg21[%swap3A_442], %swap3A_445 {strides = array<i32>} : memref<18432xi32, #tpu.memory_space<vmem>>, vector<16xi32>,
        %mul3A_446 = arith.mulf %mul3A_321, %sub3A_310 : vector<16xf32>
        %swap3A_447 = arith.index_cast %add3A_438 : i32 to index
        %swap3A_448 = tpu.vector_load %arg22[%swap3A_447] {strides = array<i32>} : memref<18432xf32, #tpu.memory_space<vmem>>, vector<16xf32>,
        %swap3A_449 = vector.shape_cast %swap3A_448 : vector<16xf32> to vector<16xf32>
        %swap3A_450 = vector.shape_cast %mul3A_446 : vector<16xf32> to vector<16xf32>
        tpu.vector_store %arg22[%swap3A_447], %swap3A_450 {strides = array<i32>} : memref<18432xf32, #tpu.memory_space<vmem>>, vector<16xf32>,
      }
      %scan3A_128 = arith.constant 128 : i32
      %dma_start3A_129 = arith.constant 0 : i32
      %dma_start3A_130 = tpu.memref_slice %arg26[%dma_start3A_129] : memref<262144xf32, #tpu.memory_space<vmem_shared>> -> memref<262144xf32, #tpu.memory_space<vmem_shared>>
      %dma_start3A_131 = arith.constant -1 : i32
      tpu.enqueue_indirect_dma source(%arg22 : memref<18432xf32, #tpu.memory_space<vmem>>) target(%dma_start3A_130 : memref<262144xf32, #tpu.memory_space<vmem_shared>>) offsets(%arg21 : memref<18432xi32, #tpu.memory_space<vmem>>) offset_filter(%dma_start3A_131) semaphore(%arg29 : memref<!tpu.dma_semaphore, #tpu.memory_space<semaphore_mem>>) {add = true}
      %mul3A_132 = arith.constant 2 : i32
      %mul3A_133 = arith.muli %mul3A_132, %scan3A_85 : i32
      %add3A_134 = arith.constant 1 : i32
      %add3A_135 = arith.addi %mul3A_133, %add3A_134 : i32
      %add3A_136 = arith.constant 1 : i32
      %add3A_137 = arith.addi %add3A_135, %add3A_136 : i32
      %lt3A_138 = arith.constant 16 : i32
      %lt3A_139 = arith.cmpi slt, %add3A_137, %lt3A_138 : i32
      %convert_element_type3A_140 = arith.extui %lt3A_139 : i1 to i32
      %cond3A_141 = arith.constant 0 : i32
      %cond3A_142 = arith.cmpi ne, %convert_element_type3A_140, %cond3A_141 : i32
      scf.if %cond3A_142 {
        %add3A_182 = arith.constant 1 : i32
        %add3A_183 = arith.addi %add3A_135, %add3A_182 : i32
        %mul3A_184 = arith.constant 2048 : i32
        %mul3A_185 = arith.muli %add3A_183, %mul3A_184 : i32
        %dma_start3A_186 = tpu.memref_slice %arg2[%add3A, %mul3A_185] : memref<32x32768xf32, #tpu.memory_space<hbm>> -> memref<1x2048xf32, #tpu.memory_space<hbm>>
        %dma_start3A_187 = tpu.memref_squeeze %dma_start3A_186 : memref<1x2048xf32, #tpu.memory_space<hbm>> -> memref<2048xf32, #tpu.memory_space<hbm>>
        %dma_start3A_188 = tpu.memref_slice %arg2[%add3A, %mul3A_185] : memref<32x32768xf32, #tpu.memory_space<hbm>> -> memref<1x2048xf32, #tpu.memory_space<hbm>>
        %dma_start3A_189 = tpu.memref_squeeze %dma_start3A_188 : memref<1x2048xf32, #tpu.memory_space<hbm>> -> memref<2048xf32, #tpu.memory_space<hbm>>
        tpu.enqueue_dma source(%dma_start3A_189 : memref<2048xf32, #tpu.memory_space<hbm>>) target(%arg9 : memref<2048xf32, #tpu.memory_space<vmem>>) target_semaphore(%arg27 : memref<!tpu.dma_semaphore, #tpu.memory_space<semaphore_mem>>)
        %dma_start3A_190 = tpu.memref_slice %arg3[%add3A, %mul3A_185] : memref<32x32768xf32, #tpu.memory_space<hbm>> -> memref<1x2048xf32, #tpu.memory_space<hbm>>
        %dma_start3A_191 = tpu.memref_squeeze %dma_start3A_190 : memref<1x2048xf32, #tpu.memory_space<hbm>> -> memref<2048xf32, #tpu.memory_space<hbm>>
        %dma_start3A_192 = tpu.memref_slice %arg3[%add3A, %mul3A_185] : memref<32x32768xf32, #tpu.memory_space<hbm>> -> memref<1x2048xf32, #tpu.memory_space<hbm>>
        %dma_start3A_193 = tpu.memref_squeeze %dma_start3A_192 : memref<1x2048xf32, #tpu.memory_space<hbm>> -> memref<2048xf32, #tpu.memory_space<hbm>>
        tpu.enqueue_dma source(%dma_start3A_193 : memref<2048xf32, #tpu.memory_space<hbm>>) target(%arg10 : memref<2048xf32, #tpu.memory_space<vmem>>) target_semaphore(%arg27 : memref<!tpu.dma_semaphore, #tpu.memory_space<semaphore_mem>>)
        %dma_start3A_194 = tpu.memref_slice %arg4[%add3A, %mul3A_185] : memref<32x32768xf32, #tpu.memory_space<hbm>> -> memref<1x2048xf32, #tpu.memory_space<hbm>>
        %dma_start3A_195 = tpu.memref_squeeze %dma_start3A_194 : memref<1x2048xf32, #tpu.memory_space<hbm>> -> memref<2048xf32, #tpu.memory_space<hbm>>
        %dma_start3A_196 = tpu.memref_slice %arg4[%add3A, %mul3A_185] : memref<32x32768xf32, #tpu.memory_space<hbm>> -> memref<1x2048xf32, #tpu.memory_space<hbm>>
        %dma_start3A_197 = tpu.memref_squeeze %dma_start3A_196 : memref<1x2048xf32, #tpu.memory_space<hbm>> -> memref<2048xf32, #tpu.memory_space<hbm>>
        tpu.enqueue_dma source(%dma_start3A_197 : memref<2048xf32, #tpu.memory_space<hbm>>) target(%arg11 : memref<2048xf32, #tpu.memory_space<vmem>>) target_semaphore(%arg27 : memref<!tpu.dma_semaphore, #tpu.memory_space<semaphore_mem>>)
        %dma_start3A_198 = tpu.memref_slice %arg5[%add3A, %mul3A_185] : memref<32x32768xf32, #tpu.memory_space<hbm>> -> memref<1x2048xf32, #tpu.memory_space<hbm>>
        %dma_start3A_199 = tpu.memref_squeeze %dma_start3A_198 : memref<1x2048xf32, #tpu.memory_space<hbm>> -> memref<2048xf32, #tpu.memory_space<hbm>>
        %dma_start3A_200 = tpu.memref_slice %arg5[%add3A, %mul3A_185] : memref<32x32768xf32, #tpu.memory_space<hbm>> -> memref<1x2048xf32, #tpu.memory_space<hbm>>
        %dma_start3A_201 = tpu.memref_squeeze %dma_start3A_200 : memref<1x2048xf32, #tpu.memory_space<hbm>> -> memref<2048xf32, #tpu.memory_space<hbm>>
        tpu.enqueue_dma source(%dma_start3A_201 : memref<2048xf32, #tpu.memory_space<hbm>>) target(%arg12 : memref<2048xf32, #tpu.memory_space<vmem>>) target_semaphore(%arg27 : memref<!tpu.dma_semaphore, #tpu.memory_space<semaphore_mem>>)
        %dma_start3A_202 = tpu.memref_slice %arg6[%add3A, %mul3A_185] : memref<32x32768xi32, #tpu.memory_space<hbm>> -> memref<1x2048xi32, #tpu.memory_space<hbm>>
        %dma_start3A_203 = tpu.memref_squeeze %dma_start3A_202 : memref<1x2048xi32, #tpu.memory_space<hbm>> -> memref<2048xi32, #tpu.memory_space<hbm>>
        %dma_start3A_204 = tpu.memref_slice %arg6[%add3A, %mul3A_185] : memref<32x32768xi32, #tpu.memory_space<hbm>> -> memref<1x2048xi32, #tpu.memory_space<hbm>>
        %dma_start3A_205 = tpu.memref_squeeze %dma_start3A_204 : memref<1x2048xi32, #tpu.memory_space<hbm>> -> memref<2048xi32, #tpu.memory_space<hbm>>
        tpu.enqueue_dma source(%dma_start3A_205 : memref<2048xi32, #tpu.memory_space<hbm>>) target(%arg13 : memref<2048xi32, #tpu.memory_space<vmem>>) target_semaphore(%arg27 : memref<!tpu.dma_semaphore, #tpu.memory_space<semaphore_mem>>)
        %dma_start3A_206 = tpu.memref_slice %arg7[%add3A, %mul3A_185] : memref<32x32768xi32, #tpu.memory_space<hbm>> -> memref<1x2048xi32, #tpu.memory_space<hbm>>
        %dma_start3A_207 = tpu.memref_squeeze %dma_start3A_206 : memref<1x2048xi32, #tpu.memory_space<hbm>> -> memref<2048xi32, #tpu.memory_space<hbm>>
        %dma_start3A_208 = tpu.memref_slice %arg7[%add3A, %mul3A_185] : memref<32x32768xi32, #tpu.memory_space<hbm>> -> memref<1x2048xi32, #tpu.memory_space<hbm>>
        %dma_start3A_209 = tpu.memref_squeeze %dma_start3A_208 : memref<1x2048xi32, #tpu.memory_space<hbm>> -> memref<2048xi32, #tpu.memory_space<hbm>>
        tpu.enqueue_dma source(%dma_start3A_209 : memref<2048xi32, #tpu.memory_space<hbm>>) target(%arg14 : memref<2048xi32, #tpu.memory_space<vmem>>) target_semaphore(%arg27 : memref<!tpu.dma_semaphore, #tpu.memory_space<semaphore_mem>>)
      } else {
      }
      %mul3A_143 = arith.constant 2048 : i32
      %mul3A_144 = arith.muli %add3A_135, %mul3A_143 : i32
      %dma_wait3A_145 = tpu.memref_slice %arg2[%add3A, %mul3A_144] : memref<32x32768xf32, #tpu.memory_space<hbm>> -> memref<1x2048xf32, #tpu.memory_space<hbm>>
      %dma_wait3A_146 = tpu.memref_squeeze %dma_wait3A_145 : memref<1x2048xf32, #tpu.memory_space<hbm>> -> memref<2048xf32, #tpu.memory_space<hbm>>
      %dma_wait3A_147 = tpu.memref_slice %arg2[%add3A, %mul3A_144] : memref<32x32768xf32, #tpu.memory_space<hbm>> -> memref<1x2048xf32, #tpu.memory_space<hbm>>
      %dma_wait3A_148 = tpu.memref_squeeze %dma_wait3A_147 : memref<1x2048xf32, #tpu.memory_space<hbm>> -> memref<2048xf32, #tpu.memory_space<hbm>>
      tpu.wait_dma2 semaphore(%arg28 : memref<!tpu.dma_semaphore, #tpu.memory_space<semaphore_mem>>) src(%dma_wait3A_148 : memref<2048xf32, #tpu.memory_space<hbm>>) dst(%arg15 : memref<2048xf32, #tpu.memory_space<vmem>>)
      %dma_wait3A_149 = tpu.memref_slice %arg3[%add3A, %mul3A_144] : memref<32x32768xf32, #tpu.memory_space<hbm>> -> memref<1x2048xf32, #tpu.memory_space<hbm>>
      %dma_wait3A_150 = tpu.memref_squeeze %dma_wait3A_149 : memref<1x2048xf32, #tpu.memory_space<hbm>> -> memref<2048xf32, #tpu.memory_space<hbm>>
      %dma_wait3A_151 = tpu.memref_slice %arg3[%add3A, %mul3A_144] : memref<32x32768xf32, #tpu.memory_space<hbm>> -> memref<1x2048xf32, #tpu.memory_space<hbm>>
      %dma_wait3A_152 = tpu.memref_squeeze %dma_wait3A_151 : memref<1x2048xf32, #tpu.memory_space<hbm>> -> memref<2048xf32, #tpu.memory_space<hbm>>
      tpu.wait_dma2 semaphore(%arg28 : memref<!tpu.dma_semaphore, #tpu.memory_space<semaphore_mem>>) src(%dma_wait3A_152 : memref<2048xf32, #tpu.memory_space<hbm>>) dst(%arg16 : memref<2048xf32, #tpu.memory_space<vmem>>)
      %dma_wait3A_153 = tpu.memref_slice %arg4[%add3A, %mul3A_144] : memref<32x32768xf32, #tpu.memory_space<hbm>> -> memref<1x2048xf32, #tpu.memory_space<hbm>>
      %dma_wait3A_154 = tpu.memref_squeeze %dma_wait3A_153 : memref<1x2048xf32, #tpu.memory_space<hbm>> -> memref<2048xf32, #tpu.memory_space<hbm>>
      %dma_wait3A_155 = tpu.memref_slice %arg4[%add3A, %mul3A_144] : memref<32x32768xf32, #tpu.memory_space<hbm>> -> memref<1x2048xf32, #tpu.memory_space<hbm>>
      %dma_wait3A_156 = tpu.memref_squeeze %dma_wait3A_155 : memref<1x2048xf32, #tpu.memory_space<hbm>> -> memref<2048xf32, #tpu.memory_space<hbm>>
      tpu.wait_dma2 semaphore(%arg28 : memref<!tpu.dma_semaphore, #tpu.memory_space<semaphore_mem>>) src(%dma_wait3A_156 : memref<2048xf32, #tpu.memory_space<hbm>>) dst(%arg17 : memref<2048xf32, #tpu.memory_space<vmem>>)
      %dma_wait3A_157 = tpu.memref_slice %arg5[%add3A, %mul3A_144] : memref<32x32768xf32, #tpu.memory_space<hbm>> -> memref<1x2048xf32, #tpu.memory_space<hbm>>
      %dma_wait3A_158 = tpu.memref_squeeze %dma_wait3A_157 : memref<1x2048xf32, #tpu.memory_space<hbm>> -> memref<2048xf32, #tpu.memory_space<hbm>>
      %dma_wait3A_159 = tpu.memref_slice %arg5[%add3A, %mul3A_144] : memref<32x32768xf32, #tpu.memory_space<hbm>> -> memref<1x2048xf32, #tpu.memory_space<hbm>>
      %dma_wait3A_160 = tpu.memref_squeeze %dma_wait3A_159 : memref<1x2048xf32, #tpu.memory_space<hbm>> -> memref<2048xf32, #tpu.memory_space<hbm>>
      tpu.wait_dma2 semaphore(%arg28 : memref<!tpu.dma_semaphore, #tpu.memory_space<semaphore_mem>>) src(%dma_wait3A_160 : memref<2048xf32, #tpu.memory_space<hbm>>) dst(%arg18 : memref<2048xf32, #tpu.memory_space<vmem>>)
      %dma_wait3A_161 = tpu.memref_slice %arg6[%add3A, %mul3A_144] : memref<32x32768xi32, #tpu.memory_space<hbm>> -> memref<1x2048xi32, #tpu.memory_space<hbm>>
      %dma_wait3A_162 = tpu.memref_squeeze %dma_wait3A_161 : memref<1x2048xi32, #tpu.memory_space<hbm>> -> memref<2048xi32, #tpu.memory_space<hbm>>
      %dma_wait3A_163 = tpu.memref_slice %arg6[%add3A, %mul3A_144] : memref<32x32768xi32, #tpu.memory_space<hbm>> -> memref<1x2048xi32, #tpu.memory_space<hbm>>
      %dma_wait3A_164 = tpu.memref_squeeze %dma_wait3A_163 : memref<1x2048xi32, #tpu.memory_space<hbm>> -> memref<2048xi32, #tpu.memory_space<hbm>>
      tpu.wait_dma2 semaphore(%arg28 : memref<!tpu.dma_semaphore, #tpu.memory_space<semaphore_mem>>) src(%dma_wait3A_164 : memref<2048xi32, #tpu.memory_space<hbm>>) dst(%arg19 : memref<2048xi32, #tpu.memory_space<vmem>>)
      %dma_wait3A_165 = tpu.memref_slice %arg7[%add3A, %mul3A_144] : memref<32x32768xi32, #tpu.memory_space<hbm>> -> memref<1x2048xi32, #tpu.memory_space<hbm>>
      %dma_wait3A_166 = tpu.memref_squeeze %dma_wait3A_165 : memref<1x2048xi32, #tpu.memory_space<hbm>> -> memref<2048xi32, #tpu.memory_space<hbm>>
      %dma_wait3A_167 = tpu.memref_slice %arg7[%add3A, %mul3A_144] : memref<32x32768xi32, #tpu.memory_space<hbm>> -> memref<1x2048xi32, #tpu.memory_space<hbm>>
      %dma_wait3A_168 = tpu.memref_squeeze %dma_wait3A_167 : memref<1x2048xi32, #tpu.memory_space<hbm>> -> memref<2048xi32, #tpu.memory_space<hbm>>
      tpu.wait_dma2 semaphore(%arg28 : memref<!tpu.dma_semaphore, #tpu.memory_space<semaphore_mem>>) src(%dma_wait3A_168 : memref<2048xi32, #tpu.memory_space<hbm>>) dst(%arg20 : memref<2048xi32, #tpu.memory_space<vmem>>)
      %ge3A_169 = arith.constant 2 : i32
      %ge3A_170 = arith.cmpi sge, %add3A_135, %ge3A_169 : i32
      %convert_element_type3A_171 = arith.extui %ge3A_170 : i1 to i32
      %cond3A_172 = arith.constant 0 : i32
      %cond3A_173 = arith.cmpi ne, %convert_element_type3A_171, %cond3A_172 : i32
      scf.if %cond3A_173 {
        %dma_wait3A_182 = arith.constant 0 : i32
        %dma_wait3A_183 = tpu.memref_slice %arg26[%dma_wait3A_182] : memref<262144xf32, #tpu.memory_space<vmem_shared>> -> memref<262144xf32, #tpu.memory_space<vmem_shared>>
        tpu.wait_indirect_dma semaphore(%arg30 : memref<!tpu.dma_semaphore, #tpu.memory_space<semaphore_mem>>) src(%arg24 : memref<18432xf32, #tpu.memory_space<vmem>>) dst(%dma_wait3A_183 : memref<262144xf32, #tpu.memory_space<vmem_shared>>)
      } else {
      }
      %scan3A_174 = arith.constant 0 : i32
      %scan3A_175 = arith.constant 128 : i32
      %scan3A_176 = arith.addi %scan3A_174, %scan3A_175 : i32
      %scan3A_177 = arith.constant 1 : i32
      scf.for %scan3A_182 = %scan3A_174 to %scan3A_176 step %scan3A_177  : i32 {
        %mul3A_183 = arith.constant 16 : i32
        %mul3A_184 = arith.muli %scan3A_182, %mul3A_183 : i32
        %get3A = arith.index_cast %mul3A_184 : i32 to index
        %get3A_185 = tpu.vector_load %arg15[%get3A] {strides = array<i32>} : memref<2048xf32, #tpu.memory_space<vmem>>, vector<16xf32>,
        %get3A_186 = vector.shape_cast %get3A_185 : vector<16xf32> to vector<16xf32>
        %get3A_187 = arith.index_cast %mul3A_184 : i32 to index
        %get3A_188 = tpu.vector_load %arg16[%get3A_187] {strides = array<i32>} : memref<2048xf32, #tpu.memory_space<vmem>>, vector<16xf32>,
        %get3A_189 = vector.shape_cast %get3A_188 : vector<16xf32> to vector<16xf32>
        %get3A_190 = arith.index_cast %mul3A_184 : i32 to index
        %get3A_191 = tpu.vector_load %arg17[%get3A_190] {strides = array<i32>} : memref<2048xf32, #tpu.memory_space<vmem>>, vector<16xf32>,
        %get3A_192 = vector.shape_cast %get3A_191 : vector<16xf32> to vector<16xf32>
        %get3A_193 = arith.index_cast %mul3A_184 : i32 to index
        %get3A_194 = tpu.vector_load %arg18[%get3A_193] {strides = array<i32>} : memref<2048xf32, #tpu.memory_space<vmem>>, vector<16xf32>,
        %get3A_195 = vector.shape_cast %get3A_194 : vector<16xf32> to vector<16xf32>
        %get3A_196 = arith.index_cast %mul3A_184 : i32 to index
        %get3A_197 = tpu.vector_load %arg20[%get3A_196] {strides = array<i32>} : memref<2048xi32, #tpu.memory_space<vmem>>, vector<16xi32>,
        %get3A_198 = vector.shape_cast %get3A_197 : vector<16xi32> to vector<16xi32>
        %get3A_199 = arith.index_cast %mul3A_184 : i32 to index
        %get3A_200 = tpu.vector_load %arg19[%get3A_199] {strides = array<i32>} : memref<2048xi32, #tpu.memory_space<vmem>>, vector<16xi32>,
        %get3A_201 = vector.shape_cast %get3A_200 : vector<16xi32> to vector<16xi32>
        %sub3A = arith.subi %get3A_198, %get3A_201 : vector<16xi32>
        %convert_element_type3A_202 = arith.sitofp %sub3A : vector<16xi32> to vector<16xf32>
        %max3A = arith.constant 2.76213598 : f32
        %max3A_203 = vector.broadcast %max3A : f32 to vector<16xf32>
        %max3A_204 = arith.maximumf %max3A_203, %get3A_192 : vector<16xf32>
        %mul3A_205 = arith.constant 5.000000e-01 : f32
        %mul3A_206 = vector.broadcast %mul3A_205 : f32 to vector<16xf32>
        %mul3A_207 = arith.mulf %mul3A_206, %max3A_204 : vector<16xf32>
        %max3A_208 = arith.constant 2.76213598 : f32
        %max3A_209 = vector.broadcast %max3A_208 : f32 to vector<16xf32>
        %max3A_210 = arith.maximumf %max3A_209, %get3A_195 : vector<16xf32>
        %mul3A_211 = arith.constant 5.000000e-01 : f32
        %mul3A_212 = vector.broadcast %mul3A_211 : f32 to vector<16xf32>
        %mul3A_213 = arith.mulf %mul3A_212, %max3A_210 : vector<16xf32>
        %mul3A_214 = arith.constant 5.000000e-01 : f32
        %mul3A_215 = vector.broadcast %mul3A_214 : f32 to vector<16xf32>
        %mul3A_216 = arith.mulf %mul3A_215, %get3A_192 : vector<16xf32>
        %add3A_217 = arith.addf %get3A_186, %mul3A_216 : vector<16xf32>
        %mul3A_218 = arith.constant 5.000000e-01 : f32
        %mul3A_219 = vector.broadcast %mul3A_218 : f32 to vector<16xf32>
        %mul3A_220 = arith.mulf %mul3A_219, %get3A_195 : vector<16xf32>
        %add3A_221 = arith.addf %get3A_189, %mul3A_220 : vector<16xf32>
        %sub3A_222 = arith.subf %add3A_217, %mul3A_207 : vector<16xf32>
        %add3A_223 = arith.addf %add3A_217, %mul3A_207 : vector<16xf32>
        %sub3A_224 = arith.subf %add3A_221, %mul3A_213 : vector<16xf32>
        %add3A_225 = arith.addf %add3A_221, %mul3A_213 : vector<16xf32>
        %mul3A_226 = arith.mulf %mul3A_207, %mul3A_213 : vector<16xf32>
        %mul3A_227 = arith.constant 4.000000e+00 : f32
        %mul3A_228 = vector.broadcast %mul3A_227 : f32 to vector<16xf32>
        %mul3A_229 = arith.mulf %mul3A_228, %mul3A_226 : vector<16xf32>
        %div3A = arith.divf %convert_element_type3A_202, %mul3A_229 : vector<16xf32>
        %mul3A_230 = arith.constant 5.120000e-01 : f32
        %mul3A_231 = vector.broadcast %mul3A_230 : f32 to vector<16xf32>
        %mul3A_232 = arith.mulf %sub3A_222, %mul3A_231 : vector<16xf32>
        %convert_element_type3A_233 = arith.fptosi %mul3A_232 : vector<16xf32> to vector<16xi32>
        %jit3A = arith.constant 0 : i32
        %jit3A_234 = arith.constant 511 : i32
        %max3A_235 = vector.broadcast %jit3A : i32 to vector<16xi32>
        %max3A_236 = arith.maxsi %max3A_235, %convert_element_type3A_233 : vector<16xi32>
        %min3A = vector.broadcast %jit3A_234 : i32 to vector<16xi32>
        %min3A_237 = arith.minsi %min3A, %max3A_236 : vector<16xi32>
        %mul3A_238 = arith.constant 5.120000e-01 : f32
        %mul3A_239 = vector.broadcast %mul3A_238 : f32 to vector<16xf32>
        %mul3A_240 = arith.mulf %add3A_223, %mul3A_239 : vector<16xf32>
        %convert_element_type3A_241 = arith.fptosi %mul3A_240 : vector<16xf32> to vector<16xi32>
        %jit3A_242 = arith.constant 0 : i32
        %jit3A_243 = arith.constant 511 : i32
        %max3A_244 = vector.broadcast %jit3A_242 : i32 to vector<16xi32>
        %max3A_245 = arith.maxsi %max3A_244, %convert_element_type3A_241 : vector<16xi32>
        %min3A_246 = vector.broadcast %jit3A_243 : i32 to vector<16xi32>
        %min3A_247 = arith.minsi %min3A_246, %max3A_245 : vector<16xi32>
        %convert_element_type3A_248 = arith.sitofp %min3A_237 : vector<16xi32> to vector<16xf32>
        %mul3A_249 = arith.constant 1.953125 : f32
        %mul3A_250 = vector.broadcast %mul3A_249 : f32 to vector<16xf32>
        %mul3A_251 = arith.mulf %convert_element_type3A_248, %mul3A_250 : vector<16xf32>
        %add3A_252 = arith.constant 1.953125 : f32
        %add3A_253 = vector.broadcast %add3A_252 : f32 to vector<16xf32>
        %add3A_254 = arith.addf %mul3A_251, %add3A_253 : vector<16xf32>
        %add3A_255 = arith.constant 1.953125 : f32
        %add3A_256 = vector.broadcast %add3A_255 : f32 to vector<16xf32>
        %add3A_257 = arith.addf %add3A_254, %add3A_256 : vector<16xf32>
        %min3A_258 = arith.minimumf %add3A_223, %add3A_254 : vector<16xf32>
        %max3A_259 = arith.maximumf %sub3A_222, %mul3A_251 : vector<16xf32>
        %sub3A_260 = arith.subf %min3A_258, %max3A_259 : vector<16xf32>
        %sub3A_261 = arith.subf %add3A_223, %add3A_254 : vector<16xf32>
        %min3A_262 = arith.constant 1.953125 : f32
        %min3A_263 = vector.broadcast %min3A_262 : f32 to vector<16xf32>
        %min3A_264 = arith.minimumf %sub3A_261, %min3A_263 : vector<16xf32>
        %sub3A_265 = arith.subf %add3A_223, %add3A_257 : vector<16xf32>
        %add3A_266 = arith.constant 1 : i32
        %add3A_267 = vector.broadcast %add3A_266 : i32 to vector<16xi32>
        %add3A_268 = arith.addi %min3A_237, %add3A_267 : vector<16xi32>
        %gt3A = arith.cmpi sgt, %min3A_247, %min3A_237 : vector<16xi32>
        %gt3A_269 = arith.cmpi sgt, %min3A_247, %add3A_268 : vector<16xi32>
        %add3A_270 = arith.constant 2 : i32
        %add3A_271 = vector.broadcast %add3A_270 : i32 to vector<16xi32>
        %add3A_272 = arith.addi %min3A_237, %add3A_271 : vector<16xi32>
        %mul3A_273 = arith.constant 5.120000e-01 : f32
        %mul3A_274 = vector.broadcast %mul3A_273 : f32 to vector<16xf32>
        %mul3A_275 = arith.mulf %sub3A_224, %mul3A_274 : vector<16xf32>
        %convert_element_type3A_276 = arith.fptosi %mul3A_275 : vector<16xf32> to vector<16xi32>
        %jit3A_277 = arith.constant 0 : i32
        %jit3A_278 = arith.constant 511 : i32
        %max3A_279 = vector.broadcast %jit3A_277 : i32 to vector<16xi32>
        %max3A_280 = arith.maxsi %max3A_279, %convert_element_type3A_276 : vector<16xi32>
        %min3A_281 = vector.broadcast %jit3A_278 : i32 to vector<16xi32>
        %min3A_282 = arith.minsi %min3A_281, %max3A_280 : vector<16xi32>
        %mul3A_283 = arith.constant 5.120000e-01 : f32
        %mul3A_284 = vector.broadcast %mul3A_283 : f32 to vector<16xf32>
        %mul3A_285 = arith.mulf %add3A_225, %mul3A_284 : vector<16xf32>
        %convert_element_type3A_286 = arith.fptosi %mul3A_285 : vector<16xf32> to vector<16xi32>
        %jit3A_287 = arith.constant 0 : i32
        %jit3A_288 = arith.constant 511 : i32
        %max3A_289 = vector.broadcast %jit3A_287 : i32 to vector<16xi32>
        %max3A_290 = arith.maxsi %max3A_289, %convert_element_type3A_286 : vector<16xi32>
        %min3A_291 = vector.broadcast %jit3A_288 : i32 to vector<16xi32>
        %min3A_292 = arith.minsi %min3A_291, %max3A_290 : vector<16xi32>
        %convert_element_type3A_293 = arith.sitofp %min3A_282 : vector<16xi32> to vector<16xf32>
        %mul3A_294 = arith.constant 1.953125 : f32
        %mul3A_295 = vector.broadcast %mul3A_294 : f32 to vector<16xf32>
        %mul3A_296 = arith.mulf %convert_element_type3A_293, %mul3A_295 : vector<16xf32>
        %add3A_297 = arith.constant 1.953125 : f32
        %add3A_298 = vector.broadcast %add3A_297 : f32 to vector<16xf32>
        %add3A_299 = arith.addf %mul3A_296, %add3A_298 : vector<16xf32>
        %add3A_300 = arith.constant 1.953125 : f32
        %add3A_301 = vector.broadcast %add3A_300 : f32 to vector<16xf32>
        %add3A_302 = arith.addf %add3A_299, %add3A_301 : vector<16xf32>
        %min3A_303 = arith.minimumf %add3A_225, %add3A_299 : vector<16xf32>
        %max3A_304 = arith.maximumf %sub3A_224, %mul3A_296 : vector<16xf32>
        %sub3A_305 = arith.subf %min3A_303, %max3A_304 : vector<16xf32>
        %sub3A_306 = arith.subf %add3A_225, %add3A_299 : vector<16xf32>
        %min3A_307 = arith.constant 1.953125 : f32
        %min3A_308 = vector.broadcast %min3A_307 : f32 to vector<16xf32>
        %min3A_309 = arith.minimumf %sub3A_306, %min3A_308 : vector<16xf32>
        %sub3A_310 = arith.subf %add3A_225, %add3A_302 : vector<16xf32>
        %add3A_311 = arith.constant 1 : i32
        %add3A_312 = vector.broadcast %add3A_311 : i32 to vector<16xi32>
        %add3A_313 = arith.addi %min3A_282, %add3A_312 : vector<16xi32>
        %gt3A_314 = arith.cmpi sgt, %min3A_292, %min3A_282 : vector<16xi32>
        %gt3A_315 = arith.cmpi sgt, %min3A_292, %add3A_313 : vector<16xi32>
        %add3A_316 = arith.constant 2 : i32
        %add3A_317 = vector.broadcast %add3A_316 : i32 to vector<16xi32>
        %add3A_318 = arith.addi %min3A_282, %add3A_317 : vector<16xi32>
        %mul3A_319 = arith.mulf %sub3A_260, %div3A : vector<16xf32>
        %mul3A_320 = arith.mulf %min3A_264, %div3A : vector<16xf32>
        %mul3A_321 = arith.mulf %sub3A_265, %div3A : vector<16xf32>
        %mul3A_322 = arith.constant 16 : i32
        %mul3A_323 = arith.muli %scan3A_182, %mul3A_322 : i32
        %broadcast_in_dim3A = arith.constant -1 : i32
        %broadcast_in_dim3A_324 = vector.broadcast %broadcast_in_dim3A : i32 to vector<16xi32>
        %mul3A_325 = arith.constant 512 : i32
        %mul3A_326 = vector.broadcast %mul3A_325 : i32 to vector<16xi32>
        %mul3A_327 = arith.muli %min3A_237, %mul3A_326 : vector<16xi32>
        %add3A_328 = arith.constant 0 : i32
        %add3A_329 = arith.addi %add3A_328, %mul3A_323 : i32
        %add3A_330 = arith.addi %mul3A_327, %min3A_282 : vector<16xi32>
        %swap3A = arith.index_cast %add3A_329 : i32 to index
        %swap3A_331 = tpu.vector_load %arg23[%swap3A] {strides = array<i32>} : memref<18432xi32, #tpu.memory_space<vmem>>, vector<16xi32>,
        %swap3A_332 = vector.shape_cast %swap3A_331 : vector<16xi32> to vector<16xi32>
        %swap3A_333 = vector.shape_cast %add3A_330 : vector<16xi32> to vector<16xi32>
        tpu.vector_store %arg23[%swap3A], %swap3A_333 {strides = array<i32>} : memref<18432xi32, #tpu.memory_space<vmem>>, vector<16xi32>,
        %mul3A_334 = arith.mulf %mul3A_319, %sub3A_305 : vector<16xf32>
        %swap3A_335 = arith.index_cast %add3A_329 : i32 to index
        %swap3A_336 = tpu.vector_load %arg24[%swap3A_335] {strides = array<i32>} : memref<18432xf32, #tpu.memory_space<vmem>>, vector<16xf32>,
        %swap3A_337 = vector.shape_cast %swap3A_336 : vector<16xf32> to vector<16xf32>
        %swap3A_338 = vector.shape_cast %mul3A_334 : vector<16xf32> to vector<16xf32>
        tpu.vector_store %arg24[%swap3A_335], %swap3A_338 {strides = array<i32>} : memref<18432xf32, #tpu.memory_space<vmem>>, vector<16xf32>,
        %add3A_339 = arith.constant 2048 : i32
        %add3A_340 = arith.addi %add3A_339, %mul3A_323 : i32
        %add3A_341 = arith.addi %mul3A_327, %add3A_313 : vector<16xi32>
        %select_n3A = arith.select %gt3A_314, %add3A_341, %broadcast_in_dim3A_324 : vector<16xi1>, vector<16xi32>
        %swap3A_342 = arith.index_cast %add3A_340 : i32 to index
        %swap3A_343 = tpu.vector_load %arg23[%swap3A_342] {strides = array<i32>} : memref<18432xi32, #tpu.memory_space<vmem>>, vector<16xi32>,
        %swap3A_344 = vector.shape_cast %swap3A_343 : vector<16xi32> to vector<16xi32>
        %swap3A_345 = vector.shape_cast %select_n3A : vector<16xi32> to vector<16xi32>
        tpu.vector_store %arg23[%swap3A_342], %swap3A_345 {strides = array<i32>} : memref<18432xi32, #tpu.memory_space<vmem>>, vector<16xi32>,
        %mul3A_346 = arith.mulf %mul3A_319, %min3A_309 : vector<16xf32>
        %swap3A_347 = arith.index_cast %add3A_340 : i32 to index
        %swap3A_348 = tpu.vector_load %arg24[%swap3A_347] {strides = array<i32>} : memref<18432xf32, #tpu.memory_space<vmem>>, vector<16xf32>,
        %swap3A_349 = vector.shape_cast %swap3A_348 : vector<16xf32> to vector<16xf32>
        %swap3A_350 = vector.shape_cast %mul3A_346 : vector<16xf32> to vector<16xf32>
        tpu.vector_store %arg24[%swap3A_347], %swap3A_350 {strides = array<i32>} : memref<18432xf32, #tpu.memory_space<vmem>>, vector<16xf32>,
        %add3A_351 = arith.constant 4096 : i32
        %add3A_352 = arith.addi %add3A_351, %mul3A_323 : i32
        %add3A_353 = arith.addi %mul3A_327, %add3A_318 : vector<16xi32>
        %select_n3A_354 = arith.select %gt3A_315, %add3A_353, %broadcast_in_dim3A_324 : vector<16xi1>, vector<16xi32>
        %swap3A_355 = arith.index_cast %add3A_352 : i32 to index
        %swap3A_356 = tpu.vector_load %arg23[%swap3A_355] {strides = array<i32>} : memref<18432xi32, #tpu.memory_space<vmem>>, vector<16xi32>,
        %swap3A_357 = vector.shape_cast %swap3A_356 : vector<16xi32> to vector<16xi32>
        %swap3A_358 = vector.shape_cast %select_n3A_354 : vector<16xi32> to vector<16xi32>
        tpu.vector_store %arg23[%swap3A_355], %swap3A_358 {strides = array<i32>} : memref<18432xi32, #tpu.memory_space<vmem>>, vector<16xi32>,
        %mul3A_359 = arith.mulf %mul3A_319, %sub3A_310 : vector<16xf32>
        %swap3A_360 = arith.index_cast %add3A_352 : i32 to index
        %swap3A_361 = tpu.vector_load %arg24[%swap3A_360] {strides = array<i32>} : memref<18432xf32, #tpu.memory_space<vmem>>, vector<16xf32>,
        %swap3A_362 = vector.shape_cast %swap3A_361 : vector<16xf32> to vector<16xf32>
        %swap3A_363 = vector.shape_cast %mul3A_359 : vector<16xf32> to vector<16xf32>
        tpu.vector_store %arg24[%swap3A_360], %swap3A_363 {strides = array<i32>} : memref<18432xf32, #tpu.memory_space<vmem>>, vector<16xf32>,
        %mul3A_364 = arith.constant 512 : i32
        %mul3A_365 = vector.broadcast %mul3A_364 : i32 to vector<16xi32>
        %mul3A_366 = arith.muli %add3A_268, %mul3A_365 : vector<16xi32>
        %add3A_367 = arith.constant 6144 : i32
        %add3A_368 = arith.addi %add3A_367, %mul3A_323 : i32
        %add3A_369 = arith.addi %mul3A_366, %min3A_282 : vector<16xi32>
        %select_n3A_370 = arith.select %gt3A, %add3A_369, %broadcast_in_dim3A_324 : vector<16xi1>, vector<16xi32>
        %swap3A_371 = arith.index_cast %add3A_368 : i32 to index
        %swap3A_372 = tpu.vector_load %arg23[%swap3A_371] {strides = array<i32>} : memref<18432xi32, #tpu.memory_space<vmem>>, vector<16xi32>,
        %swap3A_373 = vector.shape_cast %swap3A_372 : vector<16xi32> to vector<16xi32>
        %swap3A_374 = vector.shape_cast %select_n3A_370 : vector<16xi32> to vector<16xi32>
        tpu.vector_store %arg23[%swap3A_371], %swap3A_374 {strides = array<i32>} : memref<18432xi32, #tpu.memory_space<vmem>>, vector<16xi32>,
        %mul3A_375 = arith.mulf %mul3A_320, %sub3A_305 : vector<16xf32>
        %swap3A_376 = arith.index_cast %add3A_368 : i32 to index
        %swap3A_377 = tpu.vector_load %arg24[%swap3A_376] {strides = array<i32>} : memref<18432xf32, #tpu.memory_space<vmem>>, vector<16xf32>,
        %swap3A_378 = vector.shape_cast %swap3A_377 : vector<16xf32> to vector<16xf32>
        %swap3A_379 = vector.shape_cast %mul3A_375 : vector<16xf32> to vector<16xf32>
        tpu.vector_store %arg24[%swap3A_376], %swap3A_379 {strides = array<i32>} : memref<18432xf32, #tpu.memory_space<vmem>>, vector<16xf32>,
        %add3A_380 = arith.constant 8192 : i32
        %add3A_381 = arith.addi %add3A_380, %mul3A_323 : i32
        %and3A = arith.andi %gt3A, %gt3A_314 : vector<16xi1>
        %add3A_382 = arith.addi %mul3A_366, %add3A_313 : vector<16xi32>
        %select_n3A_383 = arith.select %and3A, %add3A_382, %broadcast_in_dim3A_324 : vector<16xi1>, vector<16xi32>
        %swap3A_384 = arith.index_cast %add3A_381 : i32 to index
        %swap3A_385 = tpu.vector_load %arg23[%swap3A_384] {strides = array<i32>} : memref<18432xi32, #tpu.memory_space<vmem>>, vector<16xi32>,
        %swap3A_386 = vector.shape_cast %swap3A_385 : vector<16xi32> to vector<16xi32>
        %swap3A_387 = vector.shape_cast %select_n3A_383 : vector<16xi32> to vector<16xi32>
        tpu.vector_store %arg23[%swap3A_384], %swap3A_387 {strides = array<i32>} : memref<18432xi32, #tpu.memory_space<vmem>>, vector<16xi32>,
        %mul3A_388 = arith.mulf %mul3A_320, %min3A_309 : vector<16xf32>
        %swap3A_389 = arith.index_cast %add3A_381 : i32 to index
        %swap3A_390 = tpu.vector_load %arg24[%swap3A_389] {strides = array<i32>} : memref<18432xf32, #tpu.memory_space<vmem>>, vector<16xf32>,
        %swap3A_391 = vector.shape_cast %swap3A_390 : vector<16xf32> to vector<16xf32>
        %swap3A_392 = vector.shape_cast %mul3A_388 : vector<16xf32> to vector<16xf32>
        tpu.vector_store %arg24[%swap3A_389], %swap3A_392 {strides = array<i32>} : memref<18432xf32, #tpu.memory_space<vmem>>, vector<16xf32>,
        %add3A_393 = arith.constant 10240 : i32
        %add3A_394 = arith.addi %add3A_393, %mul3A_323 : i32
        %and3A_395 = arith.andi %gt3A, %gt3A_315 : vector<16xi1>
        %add3A_396 = arith.addi %mul3A_366, %add3A_318 : vector<16xi32>
        %select_n3A_397 = arith.select %and3A_395, %add3A_396, %broadcast_in_dim3A_324 : vector<16xi1>, vector<16xi32>
        %swap3A_398 = arith.index_cast %add3A_394 : i32 to index
        %swap3A_399 = tpu.vector_load %arg23[%swap3A_398] {strides = array<i32>} : memref<18432xi32, #tpu.memory_space<vmem>>, vector<16xi32>,
        %swap3A_400 = vector.shape_cast %swap3A_399 : vector<16xi32> to vector<16xi32>
        %swap3A_401 = vector.shape_cast %select_n3A_397 : vector<16xi32> to vector<16xi32>
        tpu.vector_store %arg23[%swap3A_398], %swap3A_401 {strides = array<i32>} : memref<18432xi32, #tpu.memory_space<vmem>>, vector<16xi32>,
        %mul3A_402 = arith.mulf %mul3A_320, %sub3A_310 : vector<16xf32>
        %swap3A_403 = arith.index_cast %add3A_394 : i32 to index
        %swap3A_404 = tpu.vector_load %arg24[%swap3A_403] {strides = array<i32>} : memref<18432xf32, #tpu.memory_space<vmem>>, vector<16xf32>,
        %swap3A_405 = vector.shape_cast %swap3A_404 : vector<16xf32> to vector<16xf32>
        %swap3A_406 = vector.shape_cast %mul3A_402 : vector<16xf32> to vector<16xf32>
        tpu.vector_store %arg24[%swap3A_403], %swap3A_406 {strides = array<i32>} : memref<18432xf32, #tpu.memory_space<vmem>>, vector<16xf32>,
        %mul3A_407 = arith.constant 512 : i32
        %mul3A_408 = vector.broadcast %mul3A_407 : i32 to vector<16xi32>
        %mul3A_409 = arith.muli %add3A_272, %mul3A_408 : vector<16xi32>
        %add3A_410 = arith.constant 12288 : i32
        %add3A_411 = arith.addi %add3A_410, %mul3A_323 : i32
        %add3A_412 = arith.addi %mul3A_409, %min3A_282 : vector<16xi32>
        %select_n3A_413 = arith.select %gt3A_269, %add3A_412, %broadcast_in_dim3A_324 : vector<16xi1>, vector<16xi32>
        %swap3A_414 = arith.index_cast %add3A_411 : i32 to index
        %swap3A_415 = tpu.vector_load %arg23[%swap3A_414] {strides = array<i32>} : memref<18432xi32, #tpu.memory_space<vmem>>, vector<16xi32>,
        %swap3A_416 = vector.shape_cast %swap3A_415 : vector<16xi32> to vector<16xi32>
        %swap3A_417 = vector.shape_cast %select_n3A_413 : vector<16xi32> to vector<16xi32>
        tpu.vector_store %arg23[%swap3A_414], %swap3A_417 {strides = array<i32>} : memref<18432xi32, #tpu.memory_space<vmem>>, vector<16xi32>,
        %mul3A_418 = arith.mulf %mul3A_321, %sub3A_305 : vector<16xf32>
        %swap3A_419 = arith.index_cast %add3A_411 : i32 to index
        %swap3A_420 = tpu.vector_load %arg24[%swap3A_419] {strides = array<i32>} : memref<18432xf32, #tpu.memory_space<vmem>>, vector<16xf32>,
        %swap3A_421 = vector.shape_cast %swap3A_420 : vector<16xf32> to vector<16xf32>
        %swap3A_422 = vector.shape_cast %mul3A_418 : vector<16xf32> to vector<16xf32>
        tpu.vector_store %arg24[%swap3A_419], %swap3A_422 {strides = array<i32>} : memref<18432xf32, #tpu.memory_space<vmem>>, vector<16xf32>,
        %add3A_423 = arith.constant 14336 : i32
        %add3A_424 = arith.addi %add3A_423, %mul3A_323 : i32
        %and3A_425 = arith.andi %gt3A_269, %gt3A_314 : vector<16xi1>
        %add3A_426 = arith.addi %mul3A_409, %add3A_313 : vector<16xi32>
        %select_n3A_427 = arith.select %and3A_425, %add3A_426, %broadcast_in_dim3A_324 : vector<16xi1>, vector<16xi32>
        %swap3A_428 = arith.index_cast %add3A_424 : i32 to index
        %swap3A_429 = tpu.vector_load %arg23[%swap3A_428] {strides = array<i32>} : memref<18432xi32, #tpu.memory_space<vmem>>, vector<16xi32>,
        %swap3A_430 = vector.shape_cast %swap3A_429 : vector<16xi32> to vector<16xi32>
        %swap3A_431 = vector.shape_cast %select_n3A_427 : vector<16xi32> to vector<16xi32>
        tpu.vector_store %arg23[%swap3A_428], %swap3A_431 {strides = array<i32>} : memref<18432xi32, #tpu.memory_space<vmem>>, vector<16xi32>,
        %mul3A_432 = arith.mulf %mul3A_321, %min3A_309 : vector<16xf32>
        %swap3A_433 = arith.index_cast %add3A_424 : i32 to index
        %swap3A_434 = tpu.vector_load %arg24[%swap3A_433] {strides = array<i32>} : memref<18432xf32, #tpu.memory_space<vmem>>, vector<16xf32>,
        %swap3A_435 = vector.shape_cast %swap3A_434 : vector<16xf32> to vector<16xf32>
        %swap3A_436 = vector.shape_cast %mul3A_432 : vector<16xf32> to vector<16xf32>
        tpu.vector_store %arg24[%swap3A_433], %swap3A_436 {strides = array<i32>} : memref<18432xf32, #tpu.memory_space<vmem>>, vector<16xf32>,
        %add3A_437 = arith.constant 16384 : i32
        %add3A_438 = arith.addi %add3A_437, %mul3A_323 : i32
        %and3A_439 = arith.andi %gt3A_269, %gt3A_315 : vector<16xi1>
        %add3A_440 = arith.addi %mul3A_409, %add3A_318 : vector<16xi32>
        %select_n3A_441 = arith.select %and3A_439, %add3A_440, %broadcast_in_dim3A_324 : vector<16xi1>, vector<16xi32>
        %swap3A_442 = arith.index_cast %add3A_438 : i32 to index
        %swap3A_443 = tpu.vector_load %arg23[%swap3A_442] {strides = array<i32>} : memref<18432xi32, #tpu.memory_space<vmem>>, vector<16xi32>,
        %swap3A_444 = vector.shape_cast %swap3A_443 : vector<16xi32> to vector<16xi32>
        %swap3A_445 = vector.shape_cast %select_n3A_441 : vector<16xi32> to vector<16xi32>
        tpu.vector_store %arg23[%swap3A_442], %swap3A_445 {strides = array<i32>} : memref<18432xi32, #tpu.memory_space<vmem>>, vector<16xi32>,
        %mul3A_446 = arith.mulf %mul3A_321, %sub3A_310 : vector<16xf32>
        %swap3A_447 = arith.index_cast %add3A_438 : i32 to index
        %swap3A_448 = tpu.vector_load %arg24[%swap3A_447] {strides = array<i32>} : memref<18432xf32, #tpu.memory_space<vmem>>, vector<16xf32>,
        %swap3A_449 = vector.shape_cast %swap3A_448 : vector<16xf32> to vector<16xf32>
        %swap3A_450 = vector.shape_cast %mul3A_446 : vector<16xf32> to vector<16xf32>
        tpu.vector_store %arg24[%swap3A_447], %swap3A_450 {strides = array<i32>} : memref<18432xf32, #tpu.memory_space<vmem>>, vector<16xf32>,
      }
      %scan3A_178 = arith.constant 128 : i32
      %dma_start3A_179 = arith.constant 0 : i32
      %dma_start3A_180 = tpu.memref_slice %arg26[%dma_start3A_179] : memref<262144xf32, #tpu.memory_space<vmem_shared>> -> memref<262144xf32, #tpu.memory_space<vmem_shared>>
      %dma_start3A_181 = arith.constant -1 : i32
      tpu.enqueue_indirect_dma source(%arg24 : memref<18432xf32, #tpu.memory_space<vmem>>) target(%dma_start3A_180 : memref<262144xf32, #tpu.memory_space<vmem_shared>>) offsets(%arg23 : memref<18432xi32, #tpu.memory_space<vmem>>) offset_filter(%dma_start3A_181) semaphore(%arg30 : memref<!tpu.dma_semaphore, #tpu.memory_space<semaphore_mem>>) {add = true}
    }
    %scan3A_76 = arith.constant 8 : i32
    %dma_wait3A = arith.constant 0 : i32
    %dma_wait3A_77 = tpu.memref_slice %arg26[%dma_wait3A] : memref<262144xf32, #tpu.memory_space<vmem_shared>> -> memref<262144xf32, #tpu.memory_space<vmem_shared>>
    tpu.wait_indirect_dma semaphore(%arg29 : memref<!tpu.dma_semaphore, #tpu.memory_space<semaphore_mem>>) src(%arg22 : memref<18432xf32, #tpu.memory_space<vmem>>) dst(%dma_wait3A_77 : memref<262144xf32, #tpu.memory_space<vmem_shared>>)
    %dma_wait3A_78 = arith.constant 0 : i32
    %dma_wait3A_79 = tpu.memref_slice %arg26[%dma_wait3A_78] : memref<262144xf32, #tpu.memory_space<vmem_shared>> -> memref<262144xf32, #tpu.memory_space<vmem_shared>>
    tpu.wait_indirect_dma semaphore(%arg30 : memref<!tpu.dma_semaphore, #tpu.memory_space<semaphore_mem>>) src(%arg24 : memref<18432xf32, #tpu.memory_space<vmem>>) dst(%dma_wait3A_79 : memref<262144xf32, #tpu.memory_space<vmem_shared>>)
    %barrier3A_80 = arith.constant 0 : index
    tpu.barrier barrier_id(%barrier3A_80)
    %mul3A_81 = arith.constant 16384 : i32
    %mul3A_82 = arith.muli %arg1, %mul3A_81 : i32
    %mul3A_83 = arith.constant 16384 : i32
    %mul3A_84 = arith.muli %arg1, %mul3A_83 : i32
    "tpu.region"() ({
      %run_scoped3A = tpu.sem_alloc : memref<!tpu.dma_semaphore, #tpu.memory_space<semaphore_mem>>
      %dma_start3A_85 = tpu.memref_slice %arg8[%arg0, %mul3A_84] : memref<2x262144xf32, #tpu.memory_space<hbm>> -> memref<1x16384xf32, #tpu.memory_space<hbm>>
      %dma_start3A_86 = tpu.memref_squeeze %dma_start3A_85 : memref<1x16384xf32, #tpu.memory_space<hbm>> -> memref<16384xf32, #tpu.memory_space<hbm>>
      %dma_start3A_87 = tpu.memref_slice %arg26[%mul3A_82] : memref<262144xf32, #tpu.memory_space<vmem_shared>> -> memref<16384xf32, #tpu.memory_space<vmem_shared>>
      tpu.enqueue_dma source(%dma_start3A_87 : memref<16384xf32, #tpu.memory_space<vmem_shared>>) target(%dma_start3A_86 : memref<16384xf32, #tpu.memory_space<hbm>>) target_semaphore(%run_scoped3A : memref<!tpu.dma_semaphore, #tpu.memory_space<semaphore_mem>>)
      %dma_wait3A_88 = tpu.memref_slice %arg8[%arg0, %mul3A_84] : memref<2x262144xf32, #tpu.memory_space<hbm>> -> memref<1x16384xf32, #tpu.memory_space<hbm>>
      %dma_wait3A_89 = tpu.memref_squeeze %dma_wait3A_88 : memref<1x16384xf32, #tpu.memory_space<hbm>> -> memref<16384xf32, #tpu.memory_space<hbm>>
      %dma_wait3A_90 = tpu.memref_slice %arg26[%mul3A_82] : memref<262144xf32, #tpu.memory_space<vmem_shared>> -> memref<16384xf32, #tpu.memory_space<vmem_shared>>
      tpu.wait_dma2 semaphore(%run_scoped3A : memref<!tpu.dma_semaphore, #tpu.memory_space<semaphore_mem>>) src(%dma_wait3A_90 : memref<16384xf32, #tpu.memory_space<vmem_shared>>) dst(%dma_wait3A_89 : memref<16384xf32, #tpu.memory_space<hbm>>)
      tpu.yield
    }) : () -> ()
    return
  }
}

</mosaic_0001>

<sc_bundles>
// kernel: kernel.4.cloned.1.call-start
scs
__scs_entry_jumppad:
0x0: {  	(pc) =	sbr.rel $0x88, $3  }
0x1: {  	(tag) =	ssettag $0x0;
	lr =	simm.s32 $0x1  }
0x2: {  	[smem:$0x3F9D] =	sst lr;
	_ =	strace $0xD0000000  }
0x3: {  	_ = 	snop  }
0x4: {  	_ = 	snop  }
0x5: {  	_ = 	snop  }
0x6: {  	_ = 	snop  }
0x7: {  	_ = 	snop  }
__scs_overlays_trampoline_lowered:
0x8: {  	[smem:$0x3FAC] =	sst s0  }
0x9: {  	[smem:$0x3FAD] =	sst s1  }
0xa: {  	[smem:$0x3FAE] =	sst s2  }
0xb: {  	[smem:$0x3FAF] =	sst s3  }
0xc: {  	[smem:$0x3FB0] =	sst s4  }
0xd: {  	[smem:$0x3FB1] =	sst s5  }
0xe: {  	[smem:$0x3FB2] =	sst s6  }
0xf: {  	[smem:$0x3FB3] =	sst s7  }
0x10: {  	[smem:$0x3FB4] =	sst s8  }
0x11: {  	[smem:$0x3FB5] =	sst s9;
	s0 =	simm.s32 @!p0 $0x0  }
0x12: {  	s1 =	sld [smem:$0x3F9B];
	s0 =	simm.s32 @p0 $0x1  }
0x13: {  	[smem:$0x3FB6] =	sst s0;
	s0 =	simm.s32 @!p1 $0x0  }
0x14: {  	s2 =	sld [smem:$0x3F9A];
	s0 =	simm.s32 @p1 $0x1  }
0x15: {  	[smem:$0x3FB7] =	sst s0;
	s0 =	simm.s32 @!p2 $0x0  }
0x16: {  	s3 =	sld [smem:$0x3FDB];
	s0 =	simm.s32 @p2 $0x1  }
0x17: {  	s4 =	simm.s32 $0x1BF5;
	[smem:$0x3FB9] =	sst s0  }
0x18: {  	s0 =	sld [smem:$0x3F9C];
	_ =	swait.ge [sflag:s4], $0x0  }
0x19: {  	s7 =	sld [smem:$0x3F9D]  }
0x1a: {  	s8 =	sadd.s32 $0xFFFFE003, lr  }
0x1b: {  	s9 =	sadd.s32 $0xFFFFFEF7, lr;
	s5 =	simm.s32 $0xFFFFFFFF;
	p2 =	slt.u32 s8, $0xFFFFF086  }
0x1c: {  	p1 =	slt.u32 s9, $0xF7A;
	s5 =	simm.s32 @!p2 $0x0  }
0x1d: {  	s5 =	simm.s32 @p1 $0x1;
	p0 =	seq.s32 s7, s2  }
0x1e: {  	s7 =	smul.u32 @!p0 $0xF7A, s2;
	p2 =	seq.s32 @!p0 s5, $0x0  }
0x1f: {  	s9 =	smul.u32 $0xF7A, s1;
	s8 =	simm.s32 @!p0 $0x1BF5;
	p2 =	por !p2, p0  }
0x20: {  	[sflag:s8] =	ssyncset.s32 @!p0 $0xFFFFF086;
	s6 =	sadd.s32 @!p0 s3, s7;
	s7 =	simm.s32 @!p0 $0x108  }
0x21: {  	s3 =	sadd.s32 s3, s9;
	s6 =	sadd.s32 @!p0 $0x88, s6;
	s7 =	simm.s32 @p2 $0x1082  }
0x22: {  	[simem:s7], [sflag:s8] =	dma.local @!p0 [hbm:s6], $0xF7A  }
0x23: {  	s9 =	sor.u32 $0xD0000000, s2;
	s6 =	simm.s32 $0x108;
	_ =	swait.ge @!p0 [sflag:s8], $0x0  }
0x24: {  	s3 =	sadd.s32 $0x88, s3;
	s6 =	simm.s32 @!p1 $0x1082;
	[sflag:s4] =	ssyncset.s32 $0xFFFFF086  }
0x25: {  	[simem:s6], [sflag:s4] =	dma.local [hbm:s3], $0xF7A  }
0x26: {  	[smem:$0x3F9D] =	sst s1;
	(tag) =	ssettag s2;
	_ =	strace s9  }
0x27: {  	s1 =	sld [smem:$0x3FAD]  }
0x28: {  	s2 =	sld [smem:$0x3FAE]  }
0x29: {  	s4 =	sld [smem:$0x3FB0]  }
0x2a: {  	p0 =	seq.s32 s5, $0x0;
	s5 =	sld [smem:$0x3FB1]  }
0x2b: {  	s6 =	sld [smem:$0x3FB2]  }
0x2c: {  	s7 =	sld [smem:$0x3FB3]  }
0x2d: {  	s3 =	simm.s32 $0x108;
	s8 =	sld [smem:$0x3FB4]  }
0x2e: {  	s3 =	simm.s32 @!p0 $0x1082;
	s9 =	sld [smem:$0x3FB5]  }
0x2f: {  	lr =	sadd.s32 s0, s3;
	s0 =	sld [smem:$0x3FAC]  }
0x30: {  	s3 =	sld [smem:$0x3FAF]  }
0x31: {  	[smem:$0x3FB8] =	sst s10  }
0x32: {  	s10 =	sld [smem:$0x3FB6];
	_ =	sdelay $0x3  }
0x33: {  	p0 =	seq.s32 s10, $0x1;
	s10 =	sld [smem:$0x3FB8];
	_ =	sdelay $0x3  }
0x34: {  	[smem:$0x3FB8] =	sst s10  }
0x35: {  	s10 =	sld [smem:$0x3FB7];
	_ =	sdelay $0x3  }
0x36: {  	p1 =	seq.s32 s10, $0x1;
	s10 =	sld [smem:$0x3FB8];
	_ =	sdelay $0x3  }
0x37: {  	[smem:$0x3FB8] =	sst s10  }
0x38: {  	s10 =	sld [smem:$0x3FB9]  }
0x39: {  	_ = 	snop;
	(pc) =	sbr.ind lr, $3  }
0x3a: {  	_ = 	snop  }
0x3b: {  	_ = 	snop  }
0x3c: {  	p2 =	seq.s32 s10, $0x1;
	s10 =	sld [smem:$0x3FB8]  }
0x3d: {  	_ =	shalt  }
0x3e: {  	_ =	shalt  }
0x3f: {  	_ =	shalt  }
0x40: {  	_ =	shalt  }
0x41: {  	_ =	shalt  }
0x42: {  	_ =	shalt  }
0x43: {  	_ =	shalt  }
0x44: {  	_ =	shalt  }
0x45: {  	_ =	shalt  }
0x46: {  	_ =	shalt  }
0x47: {  	_ =	shalt  }
0x48: {  	_ =	shalt  }
0x49: {  	_ =	shalt  }
0x4a: {  	_ =	shalt  }
0x4b: {  	_ =	shalt  }
0x4c: {  	_ =	shalt  }
0x4d: {  	_ =	shalt  }
0x4e: {  	_ =	shalt  }
0x4f: {  	_ =	shalt  }
0x50: {  	_ =	shalt  }
0x51: {  	_ =	shalt  }
0x52: {  	_ =	shalt  }
0x53: {  	_ =	shalt  }
0x54: {  	_ =	shalt  }
0x55: {  	_ =	shalt  }
0x56: {  	_ =	shalt  }
0x57: {  	_ =	shalt  }
0x58: {  	_ =	shalt  }
0x59: {  	_ =	shalt  }
0x5a: {  	_ =	shalt  }
0x5b: {  	_ =	shalt  }
0x5c: {  	_ =	shalt  }
0x5d: {  	_ =	shalt  }
0x5e: {  	_ =	shalt  }
0x5f: {  	_ =	shalt  }
0x60: {  	_ =	shalt  }
0x61: {  	_ =	shalt  }
0x62: {  	_ =	shalt  }
0x63: {  	_ =	shalt  }
0x64: {  	_ =	shalt  }
0x65: {  	_ =	shalt  }
0x66: {  	_ =	shalt  }
0x67: {  	_ =	shalt  }
0x68: {  	_ =	shalt  }
0x69: {  	_ =	shalt  }
0x6a: {  	_ =	shalt  }
0x6b: {  	_ =	shalt  }
0x6c: {  	_ =	shalt  }
0x6d: {  	_ =	shalt  }
0x6e: {  	_ =	shalt  }
0x6f: {  	_ =	shalt  }
0x70: {  	_ =	shalt  }
0x71: {  	_ =	shalt  }
0x72: {  	_ =	shalt  }
0x73: {  	_ =	shalt  }
0x74: {  	_ =	shalt  }
0x75: {  	_ =	shalt  }
0x76: {  	_ =	shalt  }
0x77: {  	_ =	shalt  }
0x78: {  	_ =	shalt  }
0x79: {  	_ =	shalt  }
0x7a: {  	_ =	shalt  }
0x7b: {  	_ =	shalt  }
0x7c: {  	_ =	shalt  }
0x7d: {  	_ =	shalt  }
0x7e: {  	_ =	shalt  }
0x7f: {  	_ =	shalt  }
0x80: {  	_ =	shalt  }
0x81: {  	_ =	shalt  }
0x82: {  	_ =	shalt  }
0x83: {  	_ =	shalt  }
0x84: {  	_ =	shalt  }
0x85: {  	_ =	shalt  }
0x86: {  	_ =	shalt  }
0x87: {  	_ =	shalt  }
.Lfunc_end0:
.L_simem_size_0:
called_computation_lowered:
.L_overlay_start_0:
0x88: {  	s2 =	sld [smem:$0x3FD9]  }
0x89: {  	s3 =	sld [smem:$0x3FFE];
	_ =	sdelay $0x1  }
0x8a: {  	s1 =	srdreg.scid  }
0x8b: {  	s0 =	sand.u32 $0x1, s1  }
0x8c: {  	s17 =	sshll.u32 s0, $0xA;
	s2 =	sadd.s32 s3, s2  }
0x8d: {  	s2 =	sadd.s32 s2, s17  }
0x8e: {  	[smem:$0x3FC4] =	sst s2  }
0x8f: {  	_ = 	snop  }
0x90: {  	s2 =	sld [smem:$0x3FD0];
	(tm) =	ssettm $0x1  }
0x91: {  	s18 =	sld [smem:$0x3FFB];
	_ =	sdelay $0x3  }
0x92: {  	_ =	strace s18  }
0x93: {  	s3 =	sld [smem:$0x3FFC];
	_ =	sdelay $0x3  }
0x94: {  	_ =	strace s3  }
0x95: {  	s3 =	sld [smem:$0x3FFD];
	_ =	sdelay $0x3  }
0x96: {  	_ =	strace s3  }
0x97: {  	_ =	strace $0x8FFFFFFF  }
0x98: {  	s19 =	sld [smem:$0x3FDB];
	_ =	sdelay $0x1  }
0x99: {  	s4 =	simm.s32 $_scs_section_size  }
0x9a: {  	s5 =	simm.s32 $_size__tile_overlayer_lowered;
	s6 =	simm.s32 $_tile_overlayer_lowered  }
0x9b: {  	s22 =	simm.s32 $0x1BFF;
	s21 =	sshll.u32 s6, $0x1;
	s3 =	sadd.s32 s4, s19  }
0x9c: {  	s7 =	simm.s32 $0x0;
	s20 =	sshll.u32 s5, $0x1;
	s5 =	sadd.s32 s21, s3  }
0x9d: {  	[timem:s7], [sflag:s22] =	dma.local [hbm:s5], s20  }
0x9e: {  	_ =	swait.ge [sflag:s22], s20  }
0x9f: {  	s4 =	ssub.s32 $0x0, s20;
	[sflag:s22] =	ssyncset.done $0x0  }
0xa0: {  	[sflag:s22] =	ssyncadd.s32 s4;
	_ =	sdelay $0x1  }
0xa1: {  	s23 =	simm.s32 $0x1B8B  }
0xa2: {  	_ =	swait.ge [sflag:s23], $0x1  }
0xa3: {  	[sflag:s23] =	ssyncset.done $0x0  }
0xa4: {  	s25 =	simm.s32 $0x1B8E;
	s24 =	sld [smem:$0x3FFE];
	[sflag:s23] =	ssyncadd.s32 $0xFFFFFFFF  }
0xa5: {  	s26 =	simm.s32 $execute0_lowered;
	[smem:$0x3FD2] =	sst s25  }
0xa6: {  	s5 =	sshll.u32 s26, $0x1;
	_ =	strace $0x80000046;
	[dreg:$0x1] =	wrdreg $0xFFFFFFFF  }
0xa7: {  	s28 =	simm.s32 $_size_execute0_lowered;
	s3 =	sadd.s32 s3, s5;
	[dreg:$0x0] =	wrdreg $0x0  }
0xa8: {  	s5 =	sshll.u32 s28, $0x1;
	[dreg:$0x2] =	wrdreg s3  }
0xa9: {  	[dreg:$0x3] =	wrdreg s5  }
0xaa: {  	[dreg:$0x4] =	wrdreg $0xC0  }
0xab: {  	_ =	task [dreg:s7], $0x5FFFF  }
0xac: {  	[dreg:$0x1] =	wrdreg $0xFFFFFFFF  }
0xad: {  	[dreg:$0x0] =	wrdreg $0x60  }
0xae: {  	[dreg:$0x2] =	wrdreg s24  }
0xaf: {  	[dreg:$0x3] =	wrdreg s2  }
0xb0: {  	[dreg:$0x4] =	wrdreg $0x188000  }
0xb1: {  	[dreg:$0x5] =	wrdreg $0x9  }
0xb2: {  	_ =	task.clear_ibuf [dreg:s7], $0x6FFFF;
	_ =	strace $0x90000046  }
0xb3: {  	s29 =	simm.s32 $0x9;
	_ =	strace $0x80000048  }
0xb4: {  	_ =	swait.ge [sflag:s29], $0x1  }
0xb5: {  	[sflag:s29] =	ssyncadd.s32 $0xFFFFFFFF  }
0xb6: {  	_ =	strace $0x90000048  }
0xb7: {  	_ =	sfence  }
0xb8: {  	s30 =	sld [smem:$0x0];
	_ =	sdelay $0x2  }
0xb9: {  	s31 =	sshll.u32 s1, $0xD;
	s1 =	sshrl.u32 s1, $0x2  }
0xba: {  	s3 =	sand.u32 $0x4000, s31;
	s1 =	sadd.s32 s1, s30  }
0xbb: {  	s0 =	sor.u32 s3, s0;
	s1 =	sshll.u32 s1, $0x11  }
0xbc: {  	s0 =	sor.u32 s1, s0  }
0xbd: {  	s0 =	sadd.s32 $0x8F2B, s0  }
0xbe: {  	[sflag:s0] =	ssyncadd.remote.s32 $0x1  }
0xbf: {  	_ =	sfence.sel $0xFFFF  }
0xc0: {  	[dreg:$0x0] =	wrdreg $0xFFFFFFFF;
	(pc) =	sbr.abs _section_cstart, $3  }
0xc1: {  	[dreg:$0x1] =	wrdreg $0xFFFFFFFF  }
0xc2: {  	_ =	task.clear_ibuf [dreg:s7], $0x2FFFF;
	_ =	strace $0x9FFFFFFF  }
0xc3: {  	(tm) =	ssettm $0x7FFFFFFF  }
tec
execute0_lowered:
.L_overlay_start_1:
0x0: {  	(tag) =	ssettag $0x1  }
0x1: {  	s0 =	rddreg [dreg:$0x0]  }
0x2: {  	s2 =	rddreg [dreg:$0x1]  }
0x3: {  	s1 =	rddreg [dreg:$0x2];
	s3 =	simm.s32 $0x0  }
0x4: {  	s22 =	srdreg.scid;
	s14 =	stileid.u32;
	s29 =	simm.s32 $0x80  }
0x5: {  	s30 =	simm.s32 $0x400;
	s31 =	simm.s32 $0x5;
	[smem:$0x7FF] =	sst s3  }
0x6: {  	s4 =	sadd.s32 $0x62000, s0;
	s5 =	sadd.s32 $0x82000, s0;
	s6 =	sadd.s32 $0x22000, s0  }
0x7: {  	s3 =	sand.u32 $0x1, s22;
	s11 =	sshll.u32 s14, $0xF;
	s10 =	sshll.u32 s14, $0x7  }
0x8: {  	s7 =	sadd.s32 $0x42000, s0;
	s16 =	sshll.u32 s14, $0xE;
	s14 =	simm.s32 $0x5800  }
0x9: {  	_ =	strace $0x80000047;
	s8 =	sshll.u32 s3, $0x13;
	s9 =	sand.u32 $0x40000, s11  }
0xa: {  	s10 =	sand.u32 $0x380, s10;
	s12 =	ssub.s32 $0x2, s3;
	s9 =	sor.u32 s8, s9  }
0xb: {  	s8 =	sadd.s32 $0xC2000, s0;
	s23 =	sshrl.u32 s12, $0x1;
	s9 =	sor.u32 s10, s9  }
0xc: {  	s10 =	sadd.s32 $0xA2000, s0;
	s0 =	ssub.s32 s12, s23;
	s23 =	sadd.s32 s16, s1  }
0xd: {  	s3 =	sshll.u32 s3, $0x7;
	s19 =	sadd.s32 $0x800, s23;
	[dreg:$0x9] =	wrdreg s23  }
0xe: {  	s3 =	sor.u32 s3, s11;
	s20 =	sadd.s32 $0x1000, s23;
	[dreg:$0xb] =	wrdreg s19  }
0xf: {  	s11 =	simm.s32 $0x4000;
	s21 =	sadd.s32 $0x1800, s23;
	[dreg:$0xc] =	wrdreg s20  }
0x10: {  	s3 =	sshrl.u32 s3, $0x3;
	s22 =	sadd.s32 $0x2000, s23;
	[dreg:$0xd] =	wrdreg s21  }
0x11: {  	s12 =	simm.s32 $0x4800;
	s2 =	sadd.s32 s2, s3;
	[dreg:$0xe] =	wrdreg s22  }
0x12: {  	s13 =	sshrl.u32 s9, $0x3;
	s0 =	smax.u32 s0, $0x1;
	[dreg:$0x10] =	wrdreg s2  }
0x13: {  	s28 =	sor.u32 $0x8000, s9;
	s24 =	sadd.s32 s4, s13;
	[dreg:$0x12] =	wrdreg s0  }
0x14: {  	s3 =	simm.s32 $0x3800;
	s25 =	sadd.s32 s5, s13;
	[dreg:$0x4] =	wrdreg s24  }
0x15: {  	s26 =	sadd.s32 s6, s13;
	s15 =	sadd.s32 s7, s13;
	[dreg:$0x5] =	wrdreg s25  }
0x16: {  	s17 =	sadd.s32 s8, s13;
	s18 =	sadd.s32 s10, s13;
	[dreg:$0x6] =	wrdreg s26  }
0x17: {  	s0 =	simm.s32 $0x3000;
	s13 =	simm.s32 $0x5000;
	[dreg:$0x7] =	wrdreg s15  }
0x18: {  	s19 =	simm.s32 $0x2;
	s20 =	simm.s32 $0xF000;
	[dreg:$0x8] =	wrdreg s17  }
0x19: {  	s21 =	simm.s32 $0x13800;
	[dreg:$0xa] =	wrdreg s18;
	s24 =	sadd.s32 $0x2800, s23  }
0x1a: {  	s25 =	sadd.s32 $0x3000, s23;
	s26 =	sadd.s32 $0x3800, s23;
	[dreg:$0xf] =	wrdreg s24  }
0x1b: {  	s15 =	simm.s32 $0x1;
	s17 =	simm.s32 $0x6000;
	[dreg:$0x11] =	wrdreg s25  }
0x1c: {  	v0 =	vimm.f32 $0.0e+00;
	s18 =	simm.s32 $0xA800;
	[dreg:$0x13] =	wrdreg s26;
	s24 =	simm.s32 $0x0  }
.LBB2_1:
0x1d: {  	s16 =	rddreg [dreg:$0x4]  }
0x1e: {  	s2 =	simm.s32 $0x0;
	s25 =	rddreg [dreg:$0x5]  }
0x1f: {  	[tilespmem:s2], [sflag:$0x1] =	stream.strided.gather [hbm4b:s16+s29], $0x800, s30, s29, $0x38;
	[tilespmem:$0x1C800] =	vst v63  }
0x20: {  	s26 =	simm.s32 $0x800;
	s16 =	rddreg [dreg:$0x6]  }
0x21: {  	[tilespmem:s26], [sflag:$0x1] =	stream.strided.gather [hbm4b:s25+s29], $0x800, s30, s29, $0x38;
	[tilespmem:$0x1C800] =	vst v63  }
0x22: {  	s22 =	simm.s32 $0x1000;
	s25 =	rddreg [dreg:$0x7]  }
0x23: {  	[tilespmem:s22], [sflag:$0x1] =	stream.strided.gather [hbm4b:s16+s29], $0x800, s30, s29, $0x38;
	[tilespmem:$0x1C800] =	vst v63  }
0x24: {  	s26 =	simm.s32 $0x1800;
	s16 =	rddreg [dreg:$0x8]  }
0x25: {  	[tilespmem:s26], [sflag:$0x1] =	stream.strided.gather [hbm4b:s25+s29], $0x800, s30, s29, $0x38;
	[tilespmem:$0x1C800] =	vst v63  }
0x26: {  	s22 =	simm.s32 $0x2000;
	s25 =	rddreg [dreg:$0xa]  }
0x27: {  	[tilespmem:s22], [sflag:$0x1] =	stream.strided.gather [hbm4b:s16+s29], $0x800, s30, s29, $0x38;
	[tilespmem:$0x1C800] =	vst v63  }
0x28: {  	s26 =	simm.s32 $0x2800;
	s16 =	simm.s32 $0x40;
	s22 =	simm.s32 $0x0  }
0x29: {  	[tilespmem:s26], [sflag:$0x1] =	stream.strided.gather [hbm4b:s25+s29], $0x800, s30, s29, $0x38;
	[tilespmem:$0x1C800] =	vst v63  }
.LBB2_2:
0x2a: {  	p0 =	sne.s32 s16, $0x1FC0;
	[tilespmem:s22+$0x18000] =	vst v0;
	s22 =	smov.u32 s16;
	s16 =	sadd.s32 $0x40, s16  }
.Ltmp0:
0x2b: {  	(pc) =	sbr.rel @p0 .LBB2_2-.Ltmp0, $2  }
0x2c: {  	_ =	sdelay $0x2  }
0x2d: {  	s22 =	sshra.s32 s22, $0x2  }
0x2e: {  	[tilespmem:s22+$0x18000] =	vst v0;
	s16 =	simm.s32 $0x18000  }
0x2f: {  	[spmem:s23] =	stream.linear.scatter [tilespmem:s16], [sflag:$0x5], $0x800, $0x38;
	[tilespmem:$0x1C800] =	vst v63  }
0x30: {  	_ =	swait.ge [sflag:s31], $0x800  }
0x31: {  	[sflag:s31] =	ssyncset.done $0x0  }
0x32: {  	s2 =	rddreg [dreg:$0xb];
	[sflag:s31] =	ssyncadd.s32 $0xFFFFF800  }
0x33: {  	[spmem:s2] =	stream.linear.scatter [tilespmem:s16], [sflag:$0x5], $0x800, $0x38;
	[tilespmem:$0x1C800] =	vst v63  }
0x34: {  	_ =	swait.ge [sflag:s31], $0x800  }
0x35: {  	[sflag:s31] =	ssyncset.done $0x0  }
0x36: {  	s25 =	rddreg [dreg:$0xc];
	[sflag:s31] =	ssyncadd.s32 $0xFFFFF800  }
0x37: {  	[spmem:s25] =	stream.linear.scatter [tilespmem:s16], [sflag:$0x5], $0x800, $0x38;
	[tilespmem:$0x1C800] =	vst v63  }
0x38: {  	_ =	swait.ge [sflag:s31], $0x800  }
0x39: {  	[sflag:s31] =	ssyncset.done $0x0  }
0x3a: {  	s26 =	rddreg [dreg:$0xd];
	[sflag:s31] =	ssyncadd.s32 $0xFFFFF800  }
0x3b: {  	[spmem:s26] =	stream.linear.scatter [tilespmem:s16], [sflag:$0x5], $0x800, $0x38;
	[tilespmem:$0x1C800] =	vst v63  }
0x3c: {  	_ =	swait.ge [sflag:s31], $0x800  }
0x3d: {  	[sflag:s31] =	ssyncset.done $0x0  }
0x3e: {  	s22 =	rddreg [dreg:$0xe];
	[sflag:s31] =	ssyncadd.s32 $0xFFFFF800  }
0x3f: {  	[spmem:s22] =	stream.linear.scatter [tilespmem:s16], [sflag:$0x5], $0x800, $0x38;
	[tilespmem:$0x1C800] =	vst v63  }
0x40: {  	_ =	swait.ge [sflag:s31], $0x800  }
0x41: {  	[sflag:s31] =	ssyncset.done $0x0  }
0x42: {  	s23 =	rddreg [dreg:$0xf];
	[sflag:s31] =	ssyncadd.s32 $0xFFFFF800  }
0x43: {  	[spmem:s23] =	stream.linear.scatter [tilespmem:s16], [sflag:$0x5], $0x800, $0x38;
	[tilespmem:$0x1C800] =	vst v63  }
0x44: {  	_ =	swait.ge [sflag:s31], $0x800  }
0x45: {  	[sflag:s31] =	ssyncset.done $0x0  }
0x46: {  	s25 =	rddreg [dreg:$0x11];
	[sflag:s31] =	ssyncadd.s32 $0xFFFFF800  }
0x47: {  	[spmem:s25] =	stream.linear.scatter [tilespmem:s16], [sflag:$0x5], $0x800, $0x38;
	[tilespmem:$0x1C800] =	vst v63  }
0x48: {  	_ =	swait.ge [sflag:s31], $0x800  }
0x49: {  	[sflag:s31] =	ssyncset.done $0x0  }
0x4a: {  	s26 =	rddreg [dreg:$0x13];
	[sflag:s31] =	ssyncadd.s32 $0xFFFFF800  }
0x4b: {  	[spmem:s26] =	stream.linear.scatter [tilespmem:s16], [sflag:$0x5], $0x800, $0x38;
	[tilespmem:$0x1C800] =	vst v63  }
0x4c: {  	_ =	swait.ge [sflag:s31], $0x800  }
0x4d: {  	[sflag:s31] =	ssyncset.done $0x0  }
0x4e: {  	[sflag:s31] =	ssyncadd.s32 $0xFFFFF800  }
0x4f: {  	s25 =	simm.s32 $0x0;
	[bflag:$0x0] =	sbarrier.arrive $0xFFFF  }
.LBB2_4:
0x50: {  	s26 =	sshll.u32 s25, $0xF  }
0x51: {  	s16 =	sor.u32 s26, s9  }
0x52: {  	s16 =	sshrl.u32 s16, $0x3  }
0x53: {  	s16 =	sor.u32 $0x800, s16  }
0x54: {  	s22 =	sadd.s32 s4, s16  }
0x55: {  	[tilespmem:s0], [sflag:$0x2] =	stream.strided.gather [hbm4b:s22+s29], $0x800, s30, s29, $0x38;
	[tilespmem:$0x1C800] =	vst v63  }
0x56: {  	s2 =	sadd.s32 s5, s16  }
0x57: {  	[tilespmem:s3], [sflag:$0x2] =	stream.strided.gather [hbm4b:s2+s29], $0x800, s30, s29, $0x38;
	[tilespmem:$0x1C800] =	vst v63  }
0x58: {  	s23 =	sadd.s32 s6, s16  }
0x59: {  	[tilespmem:s11], [sflag:$0x2] =	stream.strided.gather [hbm4b:s23+s29], $0x800, s30, s29, $0x38;
	[tilespmem:$0x1C800] =	vst v63  }
0x5a: {  	s2 =	sadd.s32 s7, s16  }
0x5b: {  	[tilespmem:s12], [sflag:$0x2] =	stream.strided.gather [hbm4b:s2+s29], $0x800, s30, s29, $0x38;
	[tilespmem:$0x1C800] =	vst v63  }
0x5c: {  	s23 =	sadd.s32 s8, s16  }
0x5d: {  	[tilespmem:s13], [sflag:$0x2] =	stream.strided.gather [hbm4b:s23+s29], $0x800, s30, s29, $0x38;
	[tilespmem:$0x1C800] =	vst v63  }
0x5e: {  	s16 =	sadd.s32 s10, s16  }
0x5f: {  	[tilespmem:s14], [sflag:$0x2] =	stream.strided.gather [hbm4b:s16+s29], $0x800, s30, s29, $0x38;
	[tilespmem:$0x1C800] =	vst v63  }
0x60: {  	_ =	swait.ge [sflag:s15], $0x800  }
0x61: {  	[sflag:s15] =	ssyncset.done $0x0  }
0x62: {  	[sflag:s15] =	ssyncadd.s32 $0xFFFFF800  }
0x63: {  	_ =	swait.ge [sflag:s15], $0x800  }
0x64: {  	[sflag:s15] =	ssyncset.done $0x0  }
0x65: {  	[sflag:s15] =	ssyncadd.s32 $0xFFFFF800  }
0x66: {  	_ =	swait.ge [sflag:s15], $0x800  }
0x67: {  	[sflag:s15] =	ssyncset.done $0x0  }
0x68: {  	[sflag:s15] =	ssyncadd.s32 $0xFFFFF800  }
0x69: {  	_ =	swait.ge [sflag:s15], $0x800  }
0x6a: {  	[sflag:s15] =	ssyncset.done $0x0  }
0x6b: {  	[sflag:s15] =	ssyncadd.s32 $0xFFFFF800  }
0x6c: {  	_ =	swait.ge [sflag:s15], $0x800  }
0x6d: {  	[sflag:s15] =	ssyncset.done $0x0  }
0x6e: {  	[sflag:s15] =	ssyncadd.s32 $0xFFFFF800  }
0x6f: {  	_ =	swait.ge [sflag:s15], $0x800  }
0x70: {  	p0 =	seq.s32 s25, $0x0;
	[sflag:s15] =	ssyncset.done $0x0  }
0x71: {  	s16 =	simm.s32 @!p0 $0x3;
	[sflag:s15] =	ssyncadd.s32 $0xFFFFF800  }
0x72: {  	_ =	swait.ge @!p0 [sflag:s16], $0x4800  }
0x73: {  	[sflag:s16] =	ssyncset.done @!p0 $0x0  }
0x74: {  	s22 =	simm.s32 $0x0;
	[sflag:s16] =	ssyncadd.s32 @!p0 $0xFFFFB800  }
0x75: {  	v1 =	vld [tilespmem:s22+$0x1000]  }
0x76: {  	v2 =	vld [tilespmem:s22+$0x0]  }
0x77: {  	v3 =	vld [tilespmem:s22+$0x1800];
	_ =	sdelay $0x1  }
0x78: {  	v4 =	vld [tilespmem:s22+$0x800]  }
0x79: {  	v5 =	vmul.f32 $5.000000000e-01, v1  }
0x7a: {  	v1 =	vmax.f32 v1, $2.762135980e+00  }
0x7b: {  	v7 =	vmul.f32 $5.000000000e-01, v1;
	v1 =	vmul.f32 $5.000000000e-01, v3;
	v12 =	vadd.f32 v5, v2  }
0x7c: {  	v2 =	vmax.f32 v3, $2.762135980e+00  }
0x7d: {  	v13 =	vmul.f32 $5.000000000e-01, v2;
	v14 =	vadd.f32 v1, v4;
	v15 =	vsub.f32 v12, v7;
	_ =	sdelay $0x1  }
0x7e: {  	v16 =	vsub.f32 v14, v13;
	v1 =	vmul.f32 $5.120000240e-01, v15  }
0x7f: {  	v17 =	vld [tilespmem:s22+$0x2800];
	v2 =	vmul.f32 v13, v7  }
0x80: {  	v18 =	vld [tilespmem:s22+$0x2000];
	v3 =	vmul.f32 $5.120000240e-01, v16;
	v1 =	vtrunc.f32 v1  }
0x81: {  	v2 =	vmul.f32 $4.000000000e+00, v2;
	v1 =	vcvt.f32.s32 v1  }
0x82: {  	v12 =	vadd.f32 v7, v12;
	v3 =	vtrunc.f32 v3  }
0x83: {  	(erf) = vrcp.f32 v2;
	v3 =	vcvt.f32.s32 v3;
	vm0 =	vgt.s32 v1, $0x0  }
0x84: {  	v13 =	vadd.f32 v13, v14;
	v14 =	vmul.f32 $5.120000240e-01, v12;
	v9 =	vnsel vm0, $0x0, v1  }
0x85: {  	v17 =	vsub.s32 v17, v18;
	vm13 =	vgt.s32 v3, $0x0;
	v2 =	vmin.u32 v9, $0x1FF  }
0x86: {  	v14 =	vtrunc.f32 v14;
	v10 =	vnsel vm13, $0x0, v3;
	v4 =	vcvt.s32.f32 v2  }
0x87: {  	v17 =	vcvt.s32.f32 v17;
	v25 =	vcvt.f32.s32 v14;
	v1 =	vmin.u32 v10, $0x1FF  }
0x88: {  	v20 =	vcvt.s32.f32 v1;
	v19 =	vmul.f32 $1.953125000e+00, v4  }
0x89: {  	v24 =	vmul.f32 $5.120000240e-01, v13;
	vm14 =	vgt.s32 v25, $0x0;
	v11 =	vadd.s32 $0x1, v2  }
0x8a: {  	v21 =	vadd.f32 $1.953125000e+00, v19;
	v15 =	vmax.f32 v15, v19;
	v19 =	vmul.f32 $1.953125000e+00, v20  }
0x8b: {  	v2 =	vshll.u32 v2, $0x9;
	v8 =	vshll.u32 v11, $0x9;
	v3 =	vadd.s32 $0x1, v1  }
0x8c: {  	v5 =	vadd.s32 $0x400, v2;
	v23 =	vpop (erf);
	v18 =	vadd.f32 $1.953125000e+00, v21;
	v20 =	vadd.f32 $1.953125000e+00, v19  }
0x8d: {  	v4 =	vadd.s32 $0x2, v1;
	v6 =	vor.u32 v1, v8;
	v23 =	vmul.f32 v17, v23  }
0x8e: {  	v22 =	vmin.f32 v12, v21;
	v17 =	vsub.f32 v12, v18;
	v18 =	vadd.f32 $1.953125000e+00, v20  }
0x8f: {  	v7 =	vadd.s32 v3, v8;
	v21 =	vsub.f32 v12, v21;
	v15 =	vsub.f32 v22, v15  }
0x90: {  	v12 =	vsub.f32 v13, v18;
	v14 =	vmul.f32 v17, v23;
	v17 =	vtrunc.f32 v24  }
0x91: {  	v16 =	vmax.f32 v16, v19;
	v21 =	vmin.f32 v21, $1.953125000e+00;
	v62 =	vcvt.f32.s32 v17  }
0x92: {  	v26 =	vmin.f32 v13, v20;
	v15 =	vmul.f32 v15, v23;
	v63 =	vmul.f32 v12, v14  }
0x93: {  	v16 =	vsub.f32 v26, v16;
	v17 =	vsub.f32 v13, v20;
	vm15 =	vgt.s32 v62, $0x0  }
0x94: {  	s23 =	simm.s32 $0x10;
	s16 =	simm.s32 $0x80;
	v18 =	vnsel vm14, $0x0, v25;
	v13 =	vmul.f32 v21, v23;
	[tilespmem:s22+$0xE800] =	vst v63;
	v19 =	vnsel vm15, $0x0, v62  }
.LBB2_5:
0x95: {  	p1 =	sne.s32 s16, $0x1FC0;
	v20 =	vld [tilespmem:s23+$0x1000];
	v18 =	vmin.u32 v18, $0x1FF;
	v19 =	vmin.u32 v19, $0x1FF;
	v17 =	vmin.f32 v17, $1.953125000e+00  }
0x96: {  	v21 =	vld [tilespmem:s23+$0x0];
	vm3 =	vlt.u32 v9, v18;
	vm2 =	vgt.u32 v18, v11;
	vm0 =	vgt.u32 v19, v3  }
0x97: {  	vm1 =	vlt.u32 v10, v19;
	v10 =	vmul.f32 v16, v14;
	v11 =	vmul.f32 v17, v14;
	v9 =	vld [tilespmem:s23+$0x1800]  }
0x98: {  	v14 =	vmul.f32 v16, v15;
	v18 =	vmul.f32 v17, v15;
	vm4 =	vmand vm3, vm0  }
0x99: {  	v8 =	vadd.s32 v4, v8;
	v15 =	vmul.f32 v12, v15;
	v16 =	vmul.f32 v16, v13;
	v19 =	vld [tilespmem:s23+$0x800];
	[tilespmem:s22+$0xD800] =	vst v10  }
0x9a: {  	v22 =	vor.u32 v1, v5;
	v17 =	vmul.f32 v17, v13;
	v10 =	vmul.f32 $5.000000000e-01, v20;
	[tilespmem:s22+$0xE000] =	vst v11  }
0x9b: {  	v12 =	vmul.f32 v12, v13;
	vm5 =	vmand vm2, vm1;
	v11 =	vmax.f32 v20, $2.762135980e+00;
	[tilespmem:s22+$0xA800] =	vst v14  }
0x9c: {  	v13 =	vmul.f32 $5.000000000e-01, v11;
	v14 =	vadd.f32 v10, v21;
	v10 =	vmul.f32 $5.000000000e-01, v9;
	[tilespmem:s22+$0xB000] =	vst v18  }
0x9d: {  	vm6 =	vmand vm2, vm0;
	v11 =	vadd.s32 v3, v5;
	v9 =	vmax.f32 v9, $2.762135980e+00;
	[tilespmem:s22+$0xB800] =	vst v15  }
0x9e: {  	v15 =	vmul.f32 $5.000000000e-01, v9;
	v18 =	vadd.f32 v10, v19;
	v19 =	vsub.f32 v14, v13;
	[tilespmem:s22+$0xC000] =	vst v16  }
0x9f: {  	v3 =	vadd.s32 v2, v3;
	v10 =	vadd.s32 v2, v4;
	v4 =	vadd.s32 v4, v5;
	[tilespmem:s22+$0xC800] =	vst v17  }
0xa0: {  	vm7 =	vmand vm3, vm1;
	v16 =	vsub.f32 v18, v15;
	v5 =	vmul.f32 $5.120000240e-01, v19;
	[tilespmem:s22+$0xD000] =	vst v12  }
0xa1: {  	v6 =	vnsel vm3, $0xFFFFFFFF, v6;
	v7 =	vnsel vm7, $0xFFFFFFFF, v7;
	v9 =	vmul.f32 v15, v13  }
0xa2: {  	v5 =	vtrunc.f32 v5;
	v12 =	vmul.f32 $5.120000240e-01, v16;
	[tilespmem:s22+$0x7800] =	vst v6;
	v6 =	vnsel vm4, $0xFFFFFFFF, v8  }
0xa3: {  	v8 =	vnsel vm5, $0xFFFFFFFF, v11;
	v5 =	vcvt.f32.s32 v5;
	[tilespmem:s22+$0x8000] =	vst v7;
	v7 =	vnsel vm2, $0xFFFFFFFF, v22  }
0xa4: {  	v4 =	vnsel vm6, $0xFFFFFFFF, v4;
	v11 =	vmul.f32 $4.000000000e+00, v9;
	v9 =	vtrunc.f32 v12;
	[tilespmem:s22+$0x8800] =	vst v6  }
0xa5: {  	v3 =	vnsel vm1, $0xFFFFFFFF, v3;
	vm2 =	vgt.s32 v5, $0x0;
	v6 =	vcvt.f32.s32 v9;
	[tilespmem:s22+$0x9000] =	vst v7  }
0xa6: {  	v9 =	vnsel vm2, $0x0, v5;
	(erf) = vrcp.f32 v11;
	v5 =	vnsel vm0, $0xFFFFFFFF, v10;
	[tilespmem:s22+$0x9800] =	vst v8  }
0xa7: {  	v12 =	vor.u32 v1, v2;
	v7 =	vld [tilespmem:s23+$0x2800];
	v8 =	vmin.u32 v9, $0x1FF;
	vm0 =	vgt.s32 v6, $0x0;
	[tilespmem:s22+$0xA000] =	vst v4  }
0xa8: {  	v17 =	vld [tilespmem:s23+$0x2000];
	v4 =	vcvt.s32.f32 v8;
	v11 =	vadd.s32 $0x1, v8;
	v10 =	vnsel vm0, $0x0, v6;
	[tilespmem:s22+$0x6800] =	vst v3  }
0xa9: {  	v2 =	vshll.u32 v8, $0x9;
	v1 =	vmin.u32 v10, $0x1FF;
	v8 =	vshll.u32 v11, $0x9;
	[tilespmem:s22+$0x7000] =	vst v5  }
0xaa: {  	v20 =	vmul.f32 $1.953125000e+00, v4;
	v21 =	vcvt.s32.f32 v1;
	v3 =	vadd.s32 $0x1, v1;
	[tilespmem:s22+$0x6000] =	vst v12;
	s22 =	smov.u32 s23  }
0xab: {  	v5 =	vadd.s32 $0x400, v2;
	v4 =	vadd.s32 $0x2, v1;
	v6 =	vor.u32 v1, v8  }
0xac: {  	v12 =	vadd.f32 $1.953125000e+00, v20;
	v19 =	vmax.f32 v19, v20;
	v20 =	vmul.f32 $1.953125000e+00, v21  }
0xad: {  	v13 =	vadd.f32 v13, v14;
	v17 =	vsub.s32 v7, v17;
	v7 =	vadd.s32 v3, v8  }
0xae: {  	v14 =	vcvt.s32.f32 v17;
	v17 =	vadd.f32 $1.953125000e+00, v12;
	v21 =	vadd.f32 $1.953125000e+00, v20  }
0xaf: {  	v15 =	vadd.f32 v15, v18;
	v18 =	vmul.f32 $5.120000240e-01, v13;
	v22 =	vmin.f32 v13, v12;
	v23 =	vpop (erf)  }
0xb0: {  	v23 =	vmul.f32 v14, v23;
	v14 =	vsub.f32 v13, v17;
	v17 =	vadd.f32 $1.953125000e+00, v21  }
0xb1: {  	v24 =	vmul.f32 $5.120000240e-01, v15;
	v18 =	vtrunc.f32 v18;
	v13 =	vsub.f32 v13, v12  }
0xb2: {  	v18 =	vcvt.f32.s32 v18;
	v12 =	vsub.f32 v15, v17;
	v14 =	vmul.f32 v14, v23  }
.Ltmp1:
0xb3: {  	v19 =	vsub.f32 v22, v19;
	v13 =	vmin.f32 v13, $1.953125000e+00;
	v17 =	vtrunc.f32 v24;
	(pc) =	sbr.rel @p1 .LBB2_5-.Ltmp1, $4  }
0xb4: {  	vm0 =	vgt.s32 v18, $0x0;
	v22 =	vcvt.f32.s32 v17;
	v24 =	vmul.f32 v12, v14  }
0xb5: {  	v16 =	vmax.f32 v16, v20;
	v25 =	vmin.f32 v15, v21;
	v17 =	vsub.f32 v15, v21  }
0xb6: {  	v18 =	vnsel vm0, $0x0, v18;
	v15 =	vmul.f32 v19, v23;
	vm0 =	vgt.s32 v22, $0x0;
	[tilespmem:s22+$0xE800] =	vst v24  }
0xb7: {  	s23 =	sshra.s32 s16, $0x2;
	s16 =	sadd.s32 $0x40, s16;
	v16 =	vsub.f32 v25, v16;
	v13 =	vmul.f32 v13, v23;
	v19 =	vnsel vm0, $0x0, v22  }
0xb8: {  	v20 =	vld [tilespmem:s23+$0x1000];
	v18 =	vmin.u32 v18, $0x1FF;
	v19 =	vmin.u32 v19, $0x1FF  }
0xb9: {  	v21 =	vld [tilespmem:s23+$0x1800];
	v17 =	vmin.f32 v17, $1.953125000e+00;
	vm3 =	vlt.u32 v9, v18;
	v9 =	vmul.f32 v16, v14  }
0xba: {  	v22 =	vld [tilespmem:s23+$0x0];
	v8 =	vadd.s32 v4, v8;
	vm2 =	vgt.u32 v18, v11;
	v11 =	vmul.f32 v17, v14  }
0xbb: {  	vm0 =	vgt.u32 v19, v3;
	v14 =	vld [tilespmem:s23+$0x800];
	vm1 =	vlt.u32 v10, v19;
	v10 =	vmul.f32 v16, v15;
	[tilespmem:s22+$0xD800] =	vst v9  }
0xbc: {  	v18 =	vmul.f32 v17, v15;
	v17 =	vmul.f32 v17, v13;
	vm4 =	vmand vm3, vm0;
	[tilespmem:s22+$0xE000] =	vst v11  }
0xbd: {  	vm6 =	vmand vm3, vm1;
	v9 =	vmul.f32 v12, v15;
	[tilespmem:s22+$0xA800] =	vst v10;
	v15 =	vmul.f32 $5.000000000e-01, v20  }
0xbe: {  	v6 =	vnsel vm3, $0xFFFFFFFF, v6;
	v11 =	vmul.f32 v16, v13;
	[tilespmem:s22+$0xB000] =	vst v18;
	v16 =	vmax.f32 v20, $2.762135980e+00  }
0xbf: {  	[tilespmem:s22+$0xC800] =	vst v17;
	v10 =	vmul.f32 $5.000000000e-01, v21;
	v16 =	vmul.f32 $5.000000000e-01, v16;
	v15 =	vadd.f32 v15, v22  }
0xc0: {  	v12 =	vmul.f32 v12, v13;
	v7 =	vnsel vm6, $0xFFFFFFFF, v7;
	[tilespmem:s22+$0x7800] =	vst v6;
	v18 =	vmax.f32 v21, $2.762135980e+00  }
0xc1: {  	[tilespmem:s22+$0xB800] =	vst v9;
	v9 =	vmul.f32 $5.000000000e-01, v18;
	v10 =	vadd.f32 v10, v14;
	v13 =	vsub.f32 v15, v16  }
0xc2: {  	vm5 =	vmand vm2, vm1;
	vm13 =	vmand vm2, vm0;
	v8 =	vnsel vm4, $0xFFFFFFFF, v8;
	[tilespmem:s22+$0x8000] =	vst v7  }
0xc3: {  	[tilespmem:s22+$0xC000] =	vst v11;
	v11 =	vor.u32 v1, v5;
	v14 =	vsub.f32 v10, v9;
	v17 =	vmul.f32 $5.120000240e-01, v13  }
0xc4: {  	[tilespmem:s22+$0xD000] =	vst v12;
	v12 =	vadd.s32 v3, v5;
	v5 =	vadd.s32 v4, v5;
	v18 =	vmul.f32 v9, v16  }
0xc5: {  	[tilespmem:s22+$0x8800] =	vst v8;
	v7 =	vnsel vm2, $0xFFFFFFFF, v11;
	v6 =	vtrunc.f32 v17;
	v17 =	vmul.f32 $5.120000240e-01, v14  }
0xc6: {  	v8 =	vnsel vm5, $0xFFFFFFFF, v12;
	[tilespmem:s22+$0x9000] =	vst v7;
	v11 =	vmul.f32 $4.000000000e+00, v18;
	v6 =	vcvt.f32.s32 v6  }
0xc7: {  	v5 =	vnsel vm13, $0xFFFFFFFF, v5;
	[tilespmem:s22+$0x9800] =	vst v8;
	v12 =	vtrunc.f32 v17  }
0xc8: {  	v8 =	vld [tilespmem:s23+$0x2800];
	[tilespmem:s22+$0xA000] =	vst v5;
	(erf) = vrcp.f32 v11;
	vm14 =	vgt.s32 v6, $0x0;
	v7 =	vcvt.f32.s32 v12  }
0xc9: {  	v3 =	vadd.s32 v2, v3;
	v4 =	vadd.s32 v2, v4;
	v5 =	vld [tilespmem:s23+$0x2000];
	v6 =	vnsel vm14, $0x0, v6  }
0xca: {  	v9 =	vadd.f32 v9, v10;
	v11 =	vmin.u32 v6, $0x1FF;
	vm15 =	vgt.s32 v7, $0x0  }
0xcb: {  	v3 =	vnsel vm1, $0xFFFFFFFF, v3;
	v12 =	vcvt.s32.f32 v11;
	v7 =	vnsel vm15, $0x0, v7  }
0xcc: {  	v1 =	vor.u32 v1, v2;
	[tilespmem:s22+$0x6800] =	vst v3;
	v3 =	vmul.f32 $5.120000240e-01, v9;
	v17 =	vmin.u32 v7, $0x1FF  }
0xcd: {  	v4 =	vnsel vm0, $0xFFFFFFFF, v4;
	v12 =	vmul.f32 $1.953125000e+00, v12;
	v18 =	vcvt.s32.f32 v17  }
0xce: {  	v3 =	vtrunc.f32 v3;
	v5 =	vsub.s32 v8, v5;
	v8 =	vadd.f32 v16, v15  }
0xcf: {  	v3 =	vcvt.f32.s32 v3;
	v2 =	vadd.f32 $1.953125000e+00, v12;
	v18 =	vmul.f32 $1.953125000e+00, v18  }
0xd0: {  	v5 =	vcvt.s32.f32 v5;
	v10 =	vmul.f32 $5.120000240e-01, v8;
	v12 =	vmax.f32 v13, v12  }
0xd1: {  	v20 =	vpop (erf);
	v15 =	vadd.f32 $1.953125000e+00, v2;
	v16 =	vadd.f32 $1.953125000e+00, v18;
	v13 =	vmin.f32 v8, v2  }
0xd2: {  	v5 =	vmul.f32 v5, v20;
	v14 =	vmax.f32 v14, v18;
	v12 =	vsub.f32 v13, v12  }
0xd3: {  	v15 =	vsub.f32 v8, v15;
	v20 =	vadd.f32 $1.953125000e+00, v16;
	v13 =	vmin.f32 v9, v16  }
0xd4: {  	[tilespmem:s22+$0x6000] =	vst v1;
	v2 =	vsub.f32 v8, v2;
	v13 =	vsub.f32 v13, v14;
	v1 =	vmul.f32 v12, v5  }
0xd5: {  	vm5 =	vgt.s32 v3, $0x0;
	v20 =	vsub.f32 v9, v20;
	v15 =	vmul.f32 v15, v5  }
0xd6: {  	v10 =	vtrunc.f32 v10;
	v2 =	vmin.f32 v2, $1.953125000e+00;
	v14 =	vmul.f32 v13, v1  }
0xd7: {  	[tilespmem:s22+$0x7000] =	vst v4;
	v2 =	vmul.f32 v2, v5;
	v9 =	vsub.f32 v9, v16;
	v8 =	vmul.f32 v20, v15  }
0xd8: {  	v3 =	vnsel vm5, $0x0, v3;
	v4 =	vcvt.f32.s32 v10;
	v10 =	vmul.f32 v13, v15;
	[tilespmem:s23+$0xA800] =	vst v14  }
0xd9: {  	v3 =	vmin.u32 v3, $0x1FF;
	v9 =	vmin.f32 v9, $1.953125000e+00;
	v13 =	vmul.f32 v13, v2;
	[tilespmem:s23+$0xE800] =	vst v8  }
0xda: {  	v19 =	vadd.s32 $0x1, v11;
	v11 =	vshll.u32 v11, $0x9;
	v5 =	vmul.f32 v9, v1;
	[tilespmem:s23+$0xD800] =	vst v10  }
0xdb: {  	v59 =	vshll.u32 v19, $0x9;
	vm7 =	vlt.u32 v7, v3;
	v1 =	vmul.f32 v20, v1;
	[tilespmem:s23+$0xC000] =	vst v13  }
0xdc: {  	vm4 =	vgt.s32 v4, $0x0;
	v12 =	vadd.s32 $0x1, v17;
	v8 =	vmul.f32 v9, v15;
	[tilespmem:s23+$0xB000] =	vst v5  }
0xdd: {  	v4 =	vnsel vm4, $0x0, v4;
	vm8 =	vgt.u32 v3, v12;
	v5 =	vmul.f32 v9, v2;
	[tilespmem:s23+$0xB800] =	vst v1  }
0xde: {  	v10 =	vadd.s32 $0x2, v17;
	v1 =	vmin.u32 v4, $0x1FF;
	v2 =	vmul.f32 v20, v2;
	[tilespmem:s23+$0xE000] =	vst v8  }
0xdf: {  	v15 =	vadd.s32 $0x400, v11;
	v8 =	vor.u32 v17, v59;
	vm6 =	vlt.u32 v6, v1;
	[tilespmem:s23+$0xC800] =	vst v5  }
0xe0: {  	vm10 =	vgt.u32 v1, v19;
	v1 =	vor.u32 v17, v15;
	[tilespmem:s23+$0xD000] =	vst v2;
	v2 =	vnsel vm6, $0xFFFFFFFF, v8  }
0xe1: {  	v4 =	vadd.s32 v12, v59;
	vm9 =	vmand vm6, vm7;
	v1 =	vnsel vm10, $0xFFFFFFFF, v1;
	[tilespmem:s23+$0x7800] =	vst v2  }
0xe2: {  	v3 =	vadd.s32 v10, v59;
	vm0 =	vmand vm6, vm8;
	v4 =	vnsel vm9, $0xFFFFFFFF, v4;
	[tilespmem:s23+$0x9000] =	vst v1  }
0xe3: {  	vm11 =	vmand vm10, vm7;
	v2 =	vnsel vm0, $0xFFFFFFFF, v3;
	v3 =	vadd.s32 v12, v15;
	[tilespmem:s23+$0x8000] =	vst v4  }
0xe4: {  	v1 =	vadd.s32 v11, v12;
	[tilespmem:s23+$0x8800] =	vst v2;
	v3 =	vnsel vm11, $0xFFFFFFFF, v3  }
0xe5: {  	vm3 =	vmand vm10, vm8;
	v2 =	vadd.s32 v10, v15;
	v1 =	vnsel vm7, $0xFFFFFFFF, v1;
	[tilespmem:s23+$0x9800] =	vst v3  }
0xe6: {  	v2 =	vnsel vm3, $0xFFFFFFFF, v2;
	[tilespmem:s23+$0x6800] =	vst v1  }
0xe7: {  	p1 =	seq.s32 s25, $0x7;
	v3 =	vadd.s32 v11, v10;
	v1 =	vor.u32 v17, v11;
	[tilespmem:s23+$0xA000] =	vst v2  }
0xe8: {  	s16 =	sadd.s32 @!p1 s26, s28;
	v2 =	vnsel vm8, $0xFFFFFFFF, v3;
	[tilespmem:s23+$0x6000] =	vst v1  }
0xe9: {  	s26 =	simm.s32 @!p1 $0x400;
	s16 =	sshrl.u32 @!p1 s16, $0x3;
	[tilespmem:s23+$0x7000] =	vst v2;
	(ifvalue) =	ssetifvalue $0xFFFFFFFF  }
0xea: {  	[spmem:s1] =	stream.indirect.scatter.add.f32 [tilespmem:s18], [sflag:$0x3], $0x1, s17, s12, $0x40b8;
	[tilespmem:$0x1C800] =	vst v63  }
0xeb: {  	s2 =	simm.s32 @!p1 $0x0;
	s22 =	sadd.s32 @!p1 s4, s16;
	s23 =	simm.s32 @!p1 $0x80  }
0xec: {  	[tilespmem:s2], [sflag:$0x1] =	stream.strided.gather @!p1 [hbm4b:s22+s23], $0x800, s26, s23, $0x38;
	[tilespmem:$0x1C800] =	vst v63  }
0xed: {  	s2 =	sadd.s32 @!p1 s5, s16;
	s22 =	simm.s32 @!p1 $0x800  }
0xee: {  	[tilespmem:s22], [sflag:$0x1] =	stream.strided.gather @!p1 [hbm4b:s2+s23], $0x800, s26, s23, $0x38;
	[tilespmem:$0x1C800] =	vst v63  }
0xef: {  	s2 =	sadd.s32 @!p1 s6, s16;
	s22 =	simm.s32 @!p1 $0x1000  }
0xf0: {  	[tilespmem:s22], [sflag:$0x1] =	stream.strided.gather @!p1 [hbm4b:s2+s23], $0x800, s26, s23, $0x38;
	[tilespmem:$0x1C800] =	vst v63  }
0xf1: {  	s2 =	sadd.s32 @!p1 s7, s16;
	s22 =	simm.s32 @!p1 $0x1800  }
0xf2: {  	[tilespmem:s22], [sflag:$0x1] =	stream.strided.gather @!p1 [hbm4b:s2+s23], $0x800, s26, s23, $0x38;
	[tilespmem:$0x1C800] =	vst v63  }
0xf3: {  	s2 =	sadd.s32 @!p1 s8, s16;
	s22 =	simm.s32 @!p1 $0x2000  }
0xf4: {  	[tilespmem:s22], [sflag:$0x1] =	stream.strided.gather @!p1 [hbm4b:s2+s23], $0x800, s26, s23, $0x38;
	[tilespmem:$0x1C800] =	vst v63  }
0xf5: {  	s2 =	sadd.s32 @!p1 s10, s16;
	s16 =	simm.s32 @!p1 $0x2800  }
0xf6: {  	[tilespmem:s16], [sflag:$0x1] =	stream.strided.gather @!p1 [hbm4b:s2+s23], $0x800, s26, s23, $0x38;
	[tilespmem:$0x1C800] =	vst v63  }
0xf7: {  	_ =	swait.ge [sflag:s19], $0x800  }
0xf8: {  	[sflag:s19] =	ssyncset.done $0x0  }
0xf9: {  	[sflag:s19] =	ssyncadd.s32 $0xFFFFF800  }
0xfa: {  	_ =	swait.ge [sflag:s19], $0x800  }
0xfb: {  	[sflag:s19] =	ssyncset.done $0x0  }
0xfc: {  	[sflag:s19] =	ssyncadd.s32 $0xFFFFF800  }
0xfd: {  	_ =	swait.ge [sflag:s19], $0x800  }
0xfe: {  	[sflag:s19] =	ssyncset.done $0x0  }
0xff: {  	[sflag:s19] =	ssyncadd.s32 $0xFFFFF800  }
0x100: {  	_ =	swait.ge [sflag:s19], $0x800  }
0x101: {  	[sflag:s19] =	ssyncset.done $0x0  }
0x102: {  	[sflag:s19] =	ssyncadd.s32 $0xFFFFF800  }
0x103: {  	_ =	swait.ge [sflag:s19], $0x800  }
0x104: {  	[sflag:s19] =	ssyncset.done $0x0  }
0x105: {  	[sflag:s19] =	ssyncadd.s32 $0xFFFFF800  }
0x106: {  	_ =	swait.ge [sflag:s19], $0x800  }
0x107: {  	[sflag:s19] =	ssyncset.done $0x0  }
0x108: {  	s2 =	simm.s32 @!p0 $0x4;
	[sflag:s19] =	ssyncadd.s32 $0xFFFFF800  }
0x109: {  	_ =	swait.ge @!p0 [sflag:s2], $0x4800  }
0x10a: {  	[sflag:s2] =	ssyncset.done @!p0 $0x0  }
0x10b: {  	s22 =	simm.s32 $0x0;
	[sflag:s2] =	ssyncadd.s32 @!p0 $0xFFFFB800  }
0x10c: {  	v1 =	vld [tilespmem:s22+$0x4000]  }
0x10d: {  	v2 =	vld [tilespmem:s22+$0x3000]  }
0x10e: {  	v3 =	vld [tilespmem:s22+$0x4800];
	_ =	sdelay $0x1  }
0x10f: {  	v4 =	vld [tilespmem:s22+$0x3800]  }
0x110: {  	v5 =	vmul.f32 $5.000000000e-01, v1  }
0x111: {  	v1 =	vmax.f32 v1, $2.762135980e+00  }
0x112: {  	v7 =	vmul.f32 $5.000000000e-01, v1;
	v1 =	vmul.f32 $5.000000000e-01, v3;
	v12 =	vadd.f32 v5, v2  }
0x113: {  	v2 =	vmax.f32 v3, $2.762135980e+00  }
0x114: {  	v13 =	vmul.f32 $5.000000000e-01, v2;
	v14 =	vadd.f32 v1, v4;
	v15 =	vsub.f32 v12, v7;
	_ =	sdelay $0x1  }
0x115: {  	v16 =	vsub.f32 v14, v13;
	v1 =	vmul.f32 $5.120000240e-01, v15  }
0x116: {  	v17 =	vld [tilespmem:s22+$0x5800];
	v2 =	vmul.f32 v13, v7  }
0x117: {  	v18 =	vld [tilespmem:s22+$0x5000];
	v3 =	vmul.f32 $5.120000240e-01, v16;
	v1 =	vtrunc.f32 v1  }
0x118: {  	v2 =	vmul.f32 $4.000000000e+00, v2;
	v1 =	vcvt.f32.s32 v1  }
0x119: {  	v12 =	vadd.f32 v7, v12;
	v3 =	vtrunc.f32 v3  }
0x11a: {  	(erf) = vrcp.f32 v2;
	v3 =	vcvt.f32.s32 v3;
	vm12 =	vgt.s32 v1, $0x0  }
0x11b: {  	v13 =	vadd.f32 v13, v14;
	v14 =	vmul.f32 $5.120000240e-01, v12;
	v9 =	vnsel vm12, $0x0, v1  }
0x11c: {  	v17 =	vsub.s32 v17, v18;
	vm13 =	vgt.s32 v3, $0x0;
	v2 =	vmin.u32 v9, $0x1FF  }
0x11d: {  	v14 =	vtrunc.f32 v14;
	v10 =	vnsel vm13, $0x0, v3;
	v4 =	vcvt.s32.f32 v2  }
0x11e: {  	v17 =	vcvt.s32.f32 v17;
	v25 =	vcvt.f32.s32 v14;
	v1 =	vmin.u32 v10, $0x1FF  }
0x11f: {  	v20 =	vcvt.s32.f32 v1;
	v19 =	vmul.f32 $1.953125000e+00, v4  }
0x120: {  	v24 =	vmul.f32 $5.120000240e-01, v13;
	vm14 =	vgt.s32 v25, $0x0;
	v11 =	vadd.s32 $0x1, v2  }
0x121: {  	v60 =	vadd.f32 $1.953125000e+00, v19;
	v15 =	vmax.f32 v15, v19;
	v19 =	vmul.f32 $1.953125000e+00, v20  }
0x122: {  	v2 =	vshll.u32 v2, $0x9;
	v8 =	vshll.u32 v11, $0x9;
	v3 =	vadd.s32 $0x1, v1  }
0x123: {  	v5 =	vadd.s32 $0x400, v2;
	v23 =	vpop (erf);
	v18 =	vadd.f32 $1.953125000e+00, v60;
	v20 =	vadd.f32 $1.953125000e+00, v19  }
0x124: {  	v4 =	vadd.s32 $0x2, v1;
	v6 =	vor.u32 v1, v8;
	v23 =	vmul.f32 v17, v23  }
0x125: {  	v61 =	vmin.f32 v12, v60;
	v17 =	vsub.f32 v12, v18;
	v18 =	vadd.f32 $1.953125000e+00, v20  }
0x126: {  	v7 =	vadd.s32 v3, v8;
	v21 =	vsub.f32 v12, v60;
	v15 =	vsub.f32 v61, v15  }
0x127: {  	v12 =	vsub.f32 v13, v18;
	v14 =	vmul.f32 v17, v23;
	v17 =	vtrunc.f32 v24  }
0x128: {  	v16 =	vmax.f32 v16, v19;
	v21 =	vmin.f32 v21, $1.953125000e+00;
	v62 =	vcvt.f32.s32 v17  }
0x129: {  	v26 =	vmin.f32 v13, v20;
	v15 =	vmul.f32 v15, v23;
	v63 =	vmul.f32 v12, v14  }
0x12a: {  	v16 =	vsub.f32 v26, v16;
	v17 =	vsub.f32 v13, v20;
	vm15 =	vgt.s32 v62, $0x0  }
0x12b: {  	s23 =	simm.s32 $0x10;
	s16 =	simm.s32 $0x80;
	v18 =	vnsel vm14, $0x0, v25;
	v13 =	vmul.f32 v21, v23;
	[tilespmem:s22+$0x17800] =	vst v63;
	v19 =	vnsel vm15, $0x0, v62  }
.LBB2_7:
0x12c: {  	p0 =	sne.s32 s16, $0x1FC0;
	v20 =	vld [tilespmem:s23+$0x4000];
	v18 =	vmin.u32 v18, $0x1FF;
	v19 =	vmin.u32 v19, $0x1FF;
	v17 =	vmin.f32 v17, $1.953125000e+00  }
0x12d: {  	v21 =	vld [tilespmem:s23+$0x3000];
	vm3 =	vlt.u32 v9, v18;
	vm2 =	vgt.u32 v18, v11;
	vm0 =	vgt.u32 v19, v3  }
0x12e: {  	vm1 =	vlt.u32 v10, v19;
	v10 =	vmul.f32 v16, v14;
	v11 =	vmul.f32 v17, v14;
	v9 =	vld [tilespmem:s23+$0x4800]  }
0x12f: {  	v14 =	vmul.f32 v16, v15;
	v18 =	vmul.f32 v17, v15;
	vm4 =	vmand vm3, vm0  }
0x130: {  	v8 =	vadd.s32 v4, v8;
	v15 =	vmul.f32 v12, v15;
	v16 =	vmul.f32 v16, v13;
	v19 =	vld [tilespmem:s23+$0x3800];
	[tilespmem:s22+$0x16800] =	vst v10  }
0x131: {  	v22 =	vor.u32 v1, v5;
	v17 =	vmul.f32 v17, v13;
	v10 =	vmul.f32 $5.000000000e-01, v20;
	[tilespmem:s22+$0x17000] =	vst v11  }
0x132: {  	v12 =	vmul.f32 v12, v13;
	vm5 =	vmand vm2, vm1;
	v11 =	vmax.f32 v20, $2.762135980e+00;
	[tilespmem:s22+$0x13800] =	vst v14  }
0x133: {  	v13 =	vmul.f32 $5.000000000e-01, v11;
	v14 =	vadd.f32 v10, v21;
	v10 =	vmul.f32 $5.000000000e-01, v9;
	[tilespmem:s22+$0x14000] =	vst v18  }
0x134: {  	vm6 =	vmand vm2, vm0;
	v11 =	vadd.s32 v3, v5;
	v9 =	vmax.f32 v9, $2.762135980e+00;
	[tilespmem:s22+$0x14800] =	vst v15  }
0x135: {  	v15 =	vmul.f32 $5.000000000e-01, v9;
	v18 =	vadd.f32 v10, v19;
	v19 =	vsub.f32 v14, v13;
	[tilespmem:s22+$0x15000] =	vst v16  }
0x136: {  	v3 =	vadd.s32 v2, v3;
	v10 =	vadd.s32 v2, v4;
	v4 =	vadd.s32 v4, v5;
	[tilespmem:s22+$0x15800] =	vst v17  }
0x137: {  	vm7 =	vmand vm3, vm1;
	v16 =	vsub.f32 v18, v15;
	v5 =	vmul.f32 $5.120000240e-01, v19;
	[tilespmem:s22+$0x16000] =	vst v12  }
0x138: {  	v6 =	vnsel vm3, $0xFFFFFFFF, v6;
	v7 =	vnsel vm7, $0xFFFFFFFF, v7;
	v9 =	vmul.f32 v15, v13  }
0x139: {  	v5 =	vtrunc.f32 v5;
	v12 =	vmul.f32 $5.120000240e-01, v16;
	[tilespmem:s22+$0x10800] =	vst v6;
	v6 =	vnsel vm4, $0xFFFFFFFF, v8  }
0x13a: {  	v8 =	vnsel vm5, $0xFFFFFFFF, v11;
	v5 =	vcvt.f32.s32 v5;
	[tilespmem:s22+$0x11000] =	vst v7;
	v7 =	vnsel vm2, $0xFFFFFFFF, v22  }
0x13b: {  	v4 =	vnsel vm6, $0xFFFFFFFF, v4;
	v11 =	vmul.f32 $4.000000000e+00, v9;
	v9 =	vtrunc.f32 v12;
	[tilespmem:s22+$0x11800] =	vst v6  }
0x13c: {  	v3 =	vnsel vm1, $0xFFFFFFFF, v3;
	vm2 =	vgt.s32 v5, $0x0;
	v6 =	vcvt.f32.s32 v9;
	[tilespmem:s22+$0x12000] =	vst v7  }
0x13d: {  	v9 =	vnsel vm2, $0x0, v5;
	(erf) = vrcp.f32 v11;
	v5 =	vnsel vm0, $0xFFFFFFFF, v10;
	[tilespmem:s22+$0x12800] =	vst v8  }
0x13e: {  	v12 =	vor.u32 v1, v2;
	v7 =	vld [tilespmem:s23+$0x5800];
	v8 =	vmin.u32 v9, $0x1FF;
	vm0 =	vgt.s32 v6, $0x0;
	[tilespmem:s22+$0x13000] =	vst v4  }
0x13f: {  	v17 =	vld [tilespmem:s23+$0x5000];
	v4 =	vcvt.s32.f32 v8;
	v11 =	vadd.s32 $0x1, v8;
	v10 =	vnsel vm0, $0x0, v6;
	[tilespmem:s22+$0xF800] =	vst v3  }
0x140: {  	v2 =	vshll.u32 v8, $0x9;
	v1 =	vmin.u32 v10, $0x1FF;
	v8 =	vshll.u32 v11, $0x9;
	[tilespmem:s22+$0x10000] =	vst v5  }
0x141: {  	v20 =	vmul.f32 $1.953125000e+00, v4;
	v21 =	vcvt.s32.f32 v1;
	v3 =	vadd.s32 $0x1, v1;
	[tilespmem:s22+$0xF000] =	vst v12;
	s22 =	smov.u32 s23  }
0x142: {  	v5 =	vadd.s32 $0x400, v2;
	v4 =	vadd.s32 $0x2, v1;
	v6 =	vor.u32 v1, v8  }
0x143: {  	v12 =	vadd.f32 $1.953125000e+00, v20;
	v19 =	vmax.f32 v19, v20;
	v20 =	vmul.f32 $1.953125000e+00, v21  }
0x144: {  	v13 =	vadd.f32 v13, v14;
	v17 =	vsub.s32 v7, v17;
	v7 =	vadd.s32 v3, v8  }
0x145: {  	v14 =	vcvt.s32.f32 v17;
	v17 =	vadd.f32 $1.953125000e+00, v12;
	v21 =	vadd.f32 $1.953125000e+00, v20  }
0x146: {  	v15 =	vadd.f32 v15, v18;
	v18 =	vmul.f32 $5.120000240e-01, v13;
	v22 =	vmin.f32 v13, v12;
	v23 =	vpop (erf)  }
0x147: {  	v23 =	vmul.f32 v14, v23;
	v14 =	vsub.f32 v13, v17;
	v17 =	vadd.f32 $1.953125000e+00, v21  }
0x148: {  	v24 =	vmul.f32 $5.120000240e-01, v15;
	v18 =	vtrunc.f32 v18;
	v13 =	vsub.f32 v13, v12  }
0x149: {  	v18 =	vcvt.f32.s32 v18;
	v12 =	vsub.f32 v15, v17;
	v14 =	vmul.f32 v14, v23  }
.Ltmp2:
0x14a: {  	v19 =	vsub.f32 v22, v19;
	v13 =	vmin.f32 v13, $1.953125000e+00;
	v17 =	vtrunc.f32 v24;
	(pc) =	sbr.rel @p0 .LBB2_7-.Ltmp2, $4  }
0x14b: {  	vm0 =	vgt.s32 v18, $0x0;
	v22 =	vcvt.f32.s32 v17;
	v24 =	vmul.f32 v12, v14  }
0x14c: {  	v16 =	vmax.f32 v16, v20;
	v25 =	vmin.f32 v15, v21;
	v17 =	vsub.f32 v15, v21  }
0x14d: {  	v18 =	vnsel vm0, $0x0, v18;
	v15 =	vmul.f32 v19, v23;
	vm0 =	vgt.s32 v22, $0x0;
	[tilespmem:s22+$0x17800] =	vst v24  }
0x14e: {  	s23 =	sshra.s32 s16, $0x2;
	s16 =	sadd.s32 $0x40, s16;
	v16 =	vsub.f32 v25, v16;
	v13 =	vmul.f32 v13, v23;
	v19 =	vnsel vm0, $0x0, v22  }
0x14f: {  	v20 =	vld [tilespmem:s23+$0x4000];
	v18 =	vmin.u32 v18, $0x1FF;
	v19 =	vmin.u32 v19, $0x1FF  }
0x150: {  	v21 =	vld [tilespmem:s23+$0x4800];
	v17 =	vmin.f32 v17, $1.953125000e+00;
	v59 =	vmul.f32 v12, v15;
	v8 =	vadd.s32 v4, v8  }
0x151: {  	v22 =	vld [tilespmem:s23+$0x3000];
	v27 =	vor.u32 v1, v5;
	v29 =	vadd.s32 v3, v5;
	v54 =	vmul.f32 v16, v14  }
0x152: {  	v56 =	vld [tilespmem:s23+$0x3800];
	v36 =	vadd.s32 v4, v5;
	vm3 =	vlt.u32 v9, v18;
	v55 =	vmul.f32 v17, v14;
	[tilespmem:s22+$0x14800] =	vst v59  }
0x153: {  	vm2 =	vgt.u32 v18, v11;
	v57 =	vmul.f32 v16, v15;
	v58 =	vmul.f32 v17, v15;
	[tilespmem:s22+$0x16800] =	vst v54  }
0x154: {  	vm0 =	vgt.u32 v19, v3;
	v61 =	vmul.f32 v16, v13;
	v17 =	vmul.f32 v17, v13;
	[tilespmem:s22+$0x17000] =	vst v55  }
0x155: {  	vm1 =	vlt.u32 v10, v19;
	v25 =	vmul.f32 v12, v13;
	[tilespmem:s22+$0x13800] =	vst v57;
	v60 =	vmul.f32 $5.000000000e-01, v20  }
0x156: {  	[tilespmem:s22+$0x14000] =	vst v58;
	v62 =	vmax.f32 v20, $2.762135980e+00;
	v63 =	vmul.f32 $5.000000000e-01, v21;
	v23 =	vmax.f32 v21, $2.762135980e+00  }
0x157: {  	[tilespmem:s22+$0x15000] =	vst v61;
	v16 =	vmul.f32 $5.000000000e-01, v62;
	v24 =	vmul.f32 $5.000000000e-01, v23;
	v15 =	vadd.f32 v60, v22  }
0x158: {  	vm4 =	vmand vm3, vm0;
	vm5 =	vmand vm2, vm1;
	[tilespmem:s22+$0x15800] =	vst v17;
	v10 =	vadd.f32 v63, v56  }
0x159: {  	v6 =	vnsel vm3, $0xFFFFFFFF, v6;
	[tilespmem:s22+$0x16000] =	vst v25;
	v18 =	vmul.f32 v24, v16;
	v26 =	vsub.f32 v15, v16  }
0x15a: {  	vm6 =	vmand vm3, vm1;
	v32 =	vnsel vm2, $0xFFFFFFFF, v27;
	[tilespmem:s22+$0x10800] =	vst v6;
	v14 =	vsub.f32 v10, v24  }
0x15b: {  	v7 =	vnsel vm6, $0xFFFFFFFF, v7;
	[tilespmem:s22+$0x12000] =	vst v32;
	v34 =	vmul.f32 $4.000000000e+00, v18;
	v28 =	vmul.f32 $5.120000240e-01, v26  }
0x15c: {  	vm15 =	vmand vm2, vm0;
	v8 =	vnsel vm4, $0xFFFFFFFF, v8;
	[tilespmem:s22+$0x11000] =	vst v7;
	v31 =	vmul.f32 $5.120000240e-01, v14  }
0x15d: {  	v33 =	vnsel vm5, $0xFFFFFFFF, v29;
	[tilespmem:s22+$0x11800] =	vst v8;
	(erf) = vrcp.f32 v34;
	v30 =	vtrunc.f32 v28  }
0x15e: {  	v5 =	vnsel vm15, $0xFFFFFFFF, v36;
	[tilespmem:s22+$0x12800] =	vst v33;
	v35 =	vtrunc.f32 v31;
	v6 =	vcvt.f32.s32 v30  }
0x15f: {  	v8 =	vld [tilespmem:s23+$0x5800];
	[tilespmem:s22+$0x13000] =	vst v5;
	v37 =	vcvt.f32.s32 v35  }
0x160: {  	v41 =	vadd.s32 v2, v4;
	v5 =	vld [tilespmem:s23+$0x5000];
	vm6 =	vgt.s32 v6, $0x0  }
0x161: {  	v1 =	vor.u32 v1, v2;
	vm7 =	vgt.s32 v37, $0x0;
	v6 =	vnsel vm6, $0x0, v6  }
0x162: {  	v3 =	vadd.s32 v2, v3;
	v7 =	vnsel vm7, $0x0, v37;
	v38 =	vmin.u32 v6, $0x1FF  }
0x163: {  	v44 =	vadd.f32 v16, v15;
	v40 =	vmin.u32 v7, $0x1FF;
	v39 =	vcvt.s32.f32 v38  }
0x164: {  	v3 =	vnsel vm1, $0xFFFFFFFF, v3;
	v9 =	vadd.f32 v24, v10;
	v42 =	vcvt.s32.f32 v40  }
0x165: {  	v5 =	vsub.s32 v8, v5;
	v47 =	vmul.f32 $5.120000240e-01, v44;
	v12 =	vmul.f32 $1.953125000e+00, v39  }
0x166: {  	v4 =	vnsel vm0, $0xFFFFFFFF, v41;
	v5 =	vcvt.s32.f32 v5;
	v18 =	vmul.f32 $1.953125000e+00, v42  }
0x167: {  	[tilespmem:s22+$0xF800] =	vst v3;
	v3 =	vmul.f32 $5.120000240e-01, v9;
	v10 =	vtrunc.f32 v47;
	v48 =	vpop (erf);
	v2 =	vadd.f32 $1.953125000e+00, v12  }
0x168: {  	v5 =	vmul.f32 v5, v48;
	v46 =	vadd.f32 $1.953125000e+00, v18;
	v12 =	vmax.f32 v26, v12  }
0x169: {  	v14 =	vmax.f32 v14, v18;
	v45 =	vadd.f32 $1.953125000e+00, v2;
	v51 =	vmin.f32 v44, v2  }
0x16a: {  	v49 =	vadd.f32 $1.953125000e+00, v46;
	v52 =	vmin.f32 v9, v46;
	v12 =	vsub.f32 v51, v12  }
0x16b: {  	v3 =	vtrunc.f32 v3;
	v2 =	vsub.f32 v44, v2;
	v13 =	vsub.f32 v52, v14  }
0x16c: {  	[tilespmem:s22+$0xF000] =	vst v1;
	v20 =	vsub.f32 v9, v49;
	v9 =	vsub.f32 v9, v46;
	v1 =	vmul.f32 v12, v5  }
0x16d: {  	v53 =	vcvt.f32.s32 v10;
	v3 =	vcvt.f32.s32 v3;
	v15 =	vsub.f32 v44, v45  }
0x16e: {  	v2 =	vmin.f32 v2, $1.953125000e+00;
	v9 =	vmin.f32 v9, $1.953125000e+00;
	v14 =	vmul.f32 v13, v1  }
0x16f: {  	[tilespmem:s22+$0x10000] =	vst v4;
	v2 =	vmul.f32 v2, v5;
	v59 =	vmul.f32 v9, v1  }
0x170: {  	vm9 =	vgt.s32 v3, $0x0;
	v15 =	vmul.f32 v15, v5;
	v1 =	vmul.f32 v20, v1;
	[tilespmem:s23+$0x13800] =	vst v14  }
0x171: {  	vm8 =	vgt.s32 v53, $0x0;
	v3 =	vnsel vm9, $0x0, v3;
	v62 =	vmul.f32 v9, v2;
	[tilespmem:s23+$0x14000] =	vst v59  }
0x172: {  	v4 =	vnsel vm8, $0x0, v53;
	v3 =	vmin.u32 v3, $0x1FF;
	v54 =	vmul.f32 v20, v15;
	[tilespmem:s23+$0x14800] =	vst v1  }
0x173: {  	v43 =	vadd.s32 $0x1, v38;
	v11 =	vshll.u32 v38, $0x9;
	v55 =	vmul.f32 v13, v15;
	[tilespmem:s23+$0x15800] =	vst v62  }
0x174: {  	v56 =	vadd.s32 $0x1, v40;
	v58 =	vadd.s32 $0x2, v40;
	v57 =	vmul.f32 v9, v15;
	[tilespmem:s23+$0x17800] =	vst v54  }
0x175: {  	vm11 =	vlt.u32 v7, v3;
	v50 =	vshll.u32 v43, $0x9;
	v13 =	vmul.f32 v13, v2;
	[tilespmem:s23+$0x16800] =	vst v55  }
0x176: {  	v61 =	vadd.s32 $0x400, v11;
	v2 =	vmul.f32 v20, v2;
	v1 =	vmin.u32 v4, $0x1FF;
	[tilespmem:s23+$0x17000] =	vst v57  }
0x177: {  	vm12 =	vgt.u32 v3, v56;
	v60 =	vor.u32 v40, v50;
	[tilespmem:s23+$0x15000] =	vst v13;
	vm10 =	vlt.u32 v6, v1  }
0x178: {  	[tilespmem:s23+$0x16000] =	vst v2;
	vm14 =	vgt.u32 v1, v43;
	v1 =	vor.u32 v40, v61;
	v2 =	vnsel vm10, $0xFFFFFFFF, v60  }
0x179: {  	v63 =	vadd.s32 v56, v50;
	vm13 =	vmand vm10, vm11;
	v1 =	vnsel vm14, $0xFFFFFFFF, v1;
	[tilespmem:s23+$0x10800] =	vst v2  }
0x17a: {  	v3 =	vadd.s32 v58, v50;
	vm0 =	vmand vm10, vm12;
	v4 =	vnsel vm13, $0xFFFFFFFF, v63;
	[tilespmem:s23+$0x12000] =	vst v1  }
0x17b: {  	vm15 =	vmand vm14, vm11;
	v2 =	vnsel vm0, $0xFFFFFFFF, v3;
	v3 =	vadd.s32 v56, v61;
	[tilespmem:s23+$0x11000] =	vst v4  }
0x17c: {  	s25 =	sadd.s32 $0x1, s25;
	v1 =	vadd.s32 v11, v56;
	[tilespmem:s23+$0x11800] =	vst v2;
	v3 =	vnsel vm15, $0xFFFFFFFF, v3  }
0x17d: {  	p0 =	sne.s32 s25, $0x8;
	vm3 =	vmand vm14, vm12;
	v2 =	vadd.s32 v58, v61;
	v1 =	vnsel vm11, $0xFFFFFFFF, v1;
	[tilespmem:s23+$0x12800] =	vst v3  }
.Ltmp3:
0x17e: {  	v2 =	vnsel vm3, $0xFFFFFFFF, v2;
	[tilespmem:s23+$0xF800] =	vst v1;
	(pc) =	sbr.rel @p0 .LBB2_4-.Ltmp3, $4  }
0x17f: {  	v3 =	vadd.s32 v11, v58;
	v1 =	vor.u32 v40, v11;
	[tilespmem:s23+$0x13000] =	vst v2  }
0x180: {  	v2 =	vnsel vm12, $0xFFFFFFFF, v3;
	[tilespmem:s23+$0xF000] =	vst v1  }
0x181: {  	[tilespmem:s23+$0x10000] =	vst v2;
	(ifvalue) =	ssetifvalue $0xFFFFFFFF  }
0x182: {  	[spmem:s1] =	stream.indirect.scatter.add.f32 [tilespmem:s21], [sflag:$0x4], $0x1, s20, s12, $0x40b8;
	[tilespmem:$0x1C800] =	vst v63  }
0x183: {  	s2 =	simm.s32 $0x3  }
0x184: {  	_ =	swait.ge [sflag:s2], $0x4800  }
0x185: {  	[sflag:s2] =	ssyncset.done $0x0  }
0x186: {  	s23 =	simm.s32 $0x4;
	[sflag:s2] =	ssyncadd.s32 $0xFFFFB800  }
0x187: {  	_ =	swait.ge [sflag:s23], $0x4800  }
0x188: {  	[sflag:s23] =	ssyncset.done $0x0  }
0x189: {  	[sflag:s23] =	ssyncadd.s32 $0xFFFFB800  }
0x18a: {  	s25 =	stileid.u32;
	s26 =	simm.s32 $0x10;
	[bflag:$0x0] =	sbarrier.arrive $0xFFFF  }
0x18b: {  	s2 =	sshll.u32 s25, $0x6;
	s25 =	simm.s32 $0x20;
	s23 =	rddreg [dreg:$0x9]  }
0x18c: {  	s2 =	sor.u32 $0x1C05, s2;
	s22 =	rddreg [dreg:$0x10];
	s16 =	sshrl.u32 s23, $0x3  }
0x18d: {  	[hbm:s22@s25], [sflag:s2] =	dma.strided [spmem:s16@s26], $0x800, s15, $0x10   }
0x18e: {  	_ =	swait.ge [sflag:s31], $0x800  }
0x18f: {  	s24 =	sadd.s32 $0x1, s24;
	s26 =	rddreg [dreg:$0x12]  }
0x190: {  	p0 =	sne.s32 s24, s26  }
.Ltmp4:
0x191: {  	_ = 	snop;
	(pc) =	sbr.rel @p0 .LBB2_1-.Ltmp4, $3  }
0x192: {  	_ =	sdelay $0x1  }
0x193: {  	[sflag:s31] =	ssyncset.done $0x0  }
0x194: {  	[sflag:s31] =	ssyncadd.s32 $0xFFFFF800  }
0x195: {  	_ =	sfence.sel $0x180000  }
0x196: {  	[bflag:$0x0] =	sbarrier.arrive $0xFFFF  }
0x197: {  	_ =	strace $0x90000047  }
0x198: {  	s0 =	stileid.u32;
	[bflag:$0x2] =	sbarrier.arrive $0xFFFF  }
0x199: {  	p0 =	sne.s32 s0, $0x0;
	s0 =	rddreg [dreg:$0x3]  }
0x19a: {  	s0 =	sadd.s32 @!p0 $0x100000, s0  }
0x19b: {  	[sflag:s0] =	ssyncadd.tile.s32 @!p0 $0x1;
	_ =	shalt  }
.Lfunc_end2:
_tile_overlayer_lowered:
.L_overlay_start_2:
0x19c: {  	(tag) =	ssettag $0x2  }
0x19d: {  	s0 =	rddreg [dreg:$0x0];
	s2 =	stileid.u32  }
0x19e: {  	s1 =	rddreg [dreg:$0x1];
	p0 =	sne.s32 s2, $0x0  }
0x19f: {  	s3 =	rddreg [dreg:$0x2];
	[bflag:$0x3] =	sbarrier.arrive $0xFFFF;
	s2 =	simm.s32 @!p0 $0x1C05  }
0x1a0: {  	[timem:s3], [sflag:s2] =	dma.local @!p0 [hbm:s0], s1  }
0x1a1: {  	s0 =	simm.s32 @!p0 $0x5  }
0x1a2: {  	_ =	swait.ge @!p0 [sflag:s0], s1  }
0x1a3: {  	s1 =	ssub.s32 @!p0 $0x0, s1;
	[sflag:s0] =	ssyncset.done @!p0 $0x0  }
0x1a4: {  	[sflag:s0] =	ssyncadd.s32 @!p0 s1  }
0x1a5: {  	[bflag:$0x3] =	sbarrier.arrive $0xFFFF  }
0x1a6: {  	_ =	shalt  }

// kernel: kernel.7.cloned.1.call-start
scs
__scs_entry_jumppad:
0x0: {  	(pc) =	sbr.rel $0x88, $3  }
0x1: {  	(tag) =	ssettag $0x0;
	lr =	simm.s32 $0x1  }
0x2: {  	[smem:$0x3F9D] =	sst lr;
	_ =	strace $0xD0000000  }
0x3: {  	_ = 	snop  }
0x4: {  	_ = 	snop  }
0x5: {  	_ = 	snop  }
0x6: {  	_ = 	snop  }
0x7: {  	_ = 	snop  }
__scs_overlays_trampoline_lowered:
0x8: {  	[smem:$0x3FAC] =	sst s0  }
0x9: {  	[smem:$0x3FAD] =	sst s1  }
0xa: {  	[smem:$0x3FAE] =	sst s2  }
0xb: {  	[smem:$0x3FAF] =	sst s3  }
0xc: {  	[smem:$0x3FB0] =	sst s4  }
0xd: {  	[smem:$0x3FB1] =	sst s5  }
0xe: {  	[smem:$0x3FB2] =	sst s6  }
0xf: {  	[smem:$0x3FB3] =	sst s7  }
0x10: {  	[smem:$0x3FB4] =	sst s8  }
0x11: {  	[smem:$0x3FB5] =	sst s9;
	s0 =	simm.s32 @!p0 $0x0  }
0x12: {  	s1 =	sld [smem:$0x3F9B];
	s0 =	simm.s32 @p0 $0x1  }
0x13: {  	[smem:$0x3FB6] =	sst s0;
	s0 =	simm.s32 @!p1 $0x0  }
0x14: {  	s2 =	sld [smem:$0x3F9A];
	s0 =	simm.s32 @p1 $0x1  }
0x15: {  	[smem:$0x3FB7] =	sst s0;
	s0 =	simm.s32 @!p2 $0x0  }
0x16: {  	s3 =	sld [smem:$0x3FDB];
	s0 =	simm.s32 @p2 $0x1  }
0x17: {  	s4 =	simm.s32 $0x1BF5;
	[smem:$0x3FB9] =	sst s0  }
0x18: {  	s0 =	sld [smem:$0x3F9C];
	_ =	swait.ge [sflag:s4], $0x0  }
0x19: {  	s7 =	sld [smem:$0x3F9D]  }
0x1a: {  	s8 =	sadd.s32 $0xFFFFE003, lr  }
0x1b: {  	s9 =	sadd.s32 $0xFFFFFEF7, lr;
	s5 =	simm.s32 $0xFFFFFFFF;
	p2 =	slt.u32 s8, $0xFFFFF086  }
0x1c: {  	p1 =	slt.u32 s9, $0xF7A;
	s5 =	simm.s32 @!p2 $0x0  }
0x1d: {  	s5 =	simm.s32 @p1 $0x1;
	p0 =	seq.s32 s7, s2  }
0x1e: {  	s7 =	smul.u32 @!p0 $0xF7A, s2;
	p2 =	seq.s32 @!p0 s5, $0x0  }
0x1f: {  	s9 =	smul.u32 $0xF7A, s1;
	s8 =	simm.s32 @!p0 $0x1BF5;
	p2 =	por !p2, p0  }
0x20: {  	[sflag:s8] =	ssyncset.s32 @!p0 $0xFFFFF086;
	s6 =	sadd.s32 @!p0 s3, s7;
	s7 =	simm.s32 @!p0 $0x108  }
0x21: {  	s3 =	sadd.s32 s3, s9;
	s6 =	sadd.s32 @!p0 $0x88, s6;
	s7 =	simm.s32 @p2 $0x1082  }
0x22: {  	[simem:s7], [sflag:s8] =	dma.local @!p0 [hbm:s6], $0xF7A  }
0x23: {  	s9 =	sor.u32 $0xD0000000, s2;
	s6 =	simm.s32 $0x108;
	_ =	swait.ge @!p0 [sflag:s8], $0x0  }
0x24: {  	s3 =	sadd.s32 $0x88, s3;
	s6 =	simm.s32 @!p1 $0x1082;
	[sflag:s4] =	ssyncset.s32 $0xFFFFF086  }
0x25: {  	[simem:s6], [sflag:s4] =	dma.local [hbm:s3], $0xF7A  }
0x26: {  	[smem:$0x3F9D] =	sst s1;
	(tag) =	ssettag s2;
	_ =	strace s9  }
0x27: {  	s1 =	sld [smem:$0x3FAD]  }
0x28: {  	s2 =	sld [smem:$0x3FAE]  }
0x29: {  	s4 =	sld [smem:$0x3FB0]  }
0x2a: {  	p0 =	seq.s32 s5, $0x0;
	s5 =	sld [smem:$0x3FB1]  }
0x2b: {  	s6 =	sld [smem:$0x3FB2]  }
0x2c: {  	s7 =	sld [smem:$0x3FB3]  }
0x2d: {  	s3 =	simm.s32 $0x108;
	s8 =	sld [smem:$0x3FB4]  }
0x2e: {  	s3 =	simm.s32 @!p0 $0x1082;
	s9 =	sld [smem:$0x3FB5]  }
0x2f: {  	lr =	sadd.s32 s0, s3;
	s0 =	sld [smem:$0x3FAC]  }
0x30: {  	s3 =	sld [smem:$0x3FAF]  }
0x31: {  	[smem:$0x3FB8] =	sst s10  }
0x32: {  	s10 =	sld [smem:$0x3FB6];
	_ =	sdelay $0x3  }
0x33: {  	p0 =	seq.s32 s10, $0x1;
	s10 =	sld [smem:$0x3FB8];
	_ =	sdelay $0x3  }
0x34: {  	[smem:$0x3FB8] =	sst s10  }
0x35: {  	s10 =	sld [smem:$0x3FB7];
	_ =	sdelay $0x3  }
0x36: {  	p1 =	seq.s32 s10, $0x1;
	s10 =	sld [smem:$0x3FB8];
	_ =	sdelay $0x3  }
0x37: {  	[smem:$0x3FB8] =	sst s10  }
0x38: {  	s10 =	sld [smem:$0x3FB9]  }
0x39: {  	_ = 	snop;
	(pc) =	sbr.ind lr, $3  }
0x3a: {  	_ = 	snop  }
0x3b: {  	_ = 	snop  }
0x3c: {  	p2 =	seq.s32 s10, $0x1;
	s10 =	sld [smem:$0x3FB8]  }
0x3d: {  	_ =	shalt  }
0x3e: {  	_ =	shalt  }
0x3f: {  	_ =	shalt  }
0x40: {  	_ =	shalt  }
0x41: {  	_ =	shalt  }
0x42: {  	_ =	shalt  }
0x43: {  	_ =	shalt  }
0x44: {  	_ =	shalt  }
0x45: {  	_ =	shalt  }
0x46: {  	_ =	shalt  }
0x47: {  	_ =	shalt  }
0x48: {  	_ =	shalt  }
0x49: {  	_ =	shalt  }
0x4a: {  	_ =	shalt  }
0x4b: {  	_ =	shalt  }
0x4c: {  	_ =	shalt  }
0x4d: {  	_ =	shalt  }
0x4e: {  	_ =	shalt  }
0x4f: {  	_ =	shalt  }
0x50: {  	_ =	shalt  }
0x51: {  	_ =	shalt  }
0x52: {  	_ =	shalt  }
0x53: {  	_ =	shalt  }
0x54: {  	_ =	shalt  }
0x55: {  	_ =	shalt  }
0x56: {  	_ =	shalt  }
0x57: {  	_ =	shalt  }
0x58: {  	_ =	shalt  }
0x59: {  	_ =	shalt  }
0x5a: {  	_ =	shalt  }
0x5b: {  	_ =	shalt  }
0x5c: {  	_ =	shalt  }
0x5d: {  	_ =	shalt  }
0x5e: {  	_ =	shalt  }
0x5f: {  	_ =	shalt  }
0x60: {  	_ =	shalt  }
0x61: {  	_ =	shalt  }
0x62: {  	_ =	shalt  }
0x63: {  	_ =	shalt  }
0x64: {  	_ =	shalt  }
0x65: {  	_ =	shalt  }
0x66: {  	_ =	shalt  }
0x67: {  	_ =	shalt  }
0x68: {  	_ =	shalt  }
0x69: {  	_ =	shalt  }
0x6a: {  	_ =	shalt  }
0x6b: {  	_ =	shalt  }
0x6c: {  	_ =	shalt  }
0x6d: {  	_ =	shalt  }
0x6e: {  	_ =	shalt  }
0x6f: {  	_ =	shalt  }
0x70: {  	_ =	shalt  }
0x71: {  	_ =	shalt  }
0x72: {  	_ =	shalt  }
0x73: {  	_ =	shalt  }
0x74: {  	_ =	shalt  }
0x75: {  	_ =	shalt  }
0x76: {  	_ =	shalt  }
0x77: {  	_ =	shalt  }
0x78: {  	_ =	shalt  }
0x79: {  	_ =	shalt  }
0x7a: {  	_ =	shalt  }
0x7b: {  	_ =	shalt  }
0x7c: {  	_ =	shalt  }
0x7d: {  	_ =	shalt  }
0x7e: {  	_ =	shalt  }
0x7f: {  	_ =	shalt  }
0x80: {  	_ =	shalt  }
0x81: {  	_ =	shalt  }
0x82: {  	_ =	shalt  }
0x83: {  	_ =	shalt  }
0x84: {  	_ =	shalt  }
0x85: {  	_ =	shalt  }
0x86: {  	_ =	shalt  }
0x87: {  	_ =	shalt  }
.Lfunc_end0:
.L_simem_size_0:
called_computation.1_lowered:
.L_overlay_start_0:
0x88: {  	s2 =	sld [smem:$0x3FD9]  }
0x89: {  	s3 =	sld [smem:$0x3FFE];
	_ =	sdelay $0x1  }
0x8a: {  	s1 =	srdreg.scid  }
0x8b: {  	s0 =	sand.u32 $0x1, s1  }
0x8c: {  	s17 =	sshll.u32 s0, $0xA;
	s2 =	sadd.s32 s3, s2  }
0x8d: {  	s2 =	sadd.s32 s2, s17  }
0x8e: {  	[smem:$0x3FC4] =	sst s2  }
0x8f: {  	_ = 	snop  }
0x90: {  	s2 =	sld [smem:$0x3FD0];
	(tm) =	ssettm $0x1  }
0x91: {  	s18 =	sld [smem:$0x3FFB];
	_ =	sdelay $0x3  }
0x92: {  	_ =	strace s18  }
0x93: {  	s3 =	sld [smem:$0x3FFC];
	_ =	sdelay $0x3  }
0x94: {  	_ =	strace s3  }
0x95: {  	s3 =	sld [smem:$0x3FFD];
	_ =	sdelay $0x3  }
0x96: {  	_ =	strace s3  }
0x97: {  	_ =	strace $0x8FFFFFFF  }
0x98: {  	s19 =	sld [smem:$0x3FDB];
	_ =	sdelay $0x1  }
0x99: {  	s4 =	simm.s32 $_scs_section_size  }
0x9a: {  	s5 =	simm.s32 $_size__tile_overlayer_lowered;
	s6 =	simm.s32 $_tile_overlayer_lowered  }
0x9b: {  	s22 =	simm.s32 $0x1BFF;
	s21 =	sshll.u32 s6, $0x1;
	s3 =	sadd.s32 s4, s19  }
0x9c: {  	s7 =	simm.s32 $0x0;
	s20 =	sshll.u32 s5, $0x1;
	s5 =	sadd.s32 s21, s3  }
0x9d: {  	[timem:s7], [sflag:s22] =	dma.local [hbm:s5], s20  }
0x9e: {  	_ =	swait.ge [sflag:s22], s20  }
0x9f: {  	s4 =	ssub.s32 $0x0, s20;
	[sflag:s22] =	ssyncset.done $0x0  }
0xa0: {  	[sflag:s22] =	ssyncadd.s32 s4;
	_ =	sdelay $0x1  }
0xa1: {  	s23 =	simm.s32 $0x1B8B  }
0xa2: {  	_ =	swait.ge [sflag:s23], $0x1  }
0xa3: {  	[sflag:s23] =	ssyncset.done $0x0  }
0xa4: {  	s25 =	simm.s32 $0x1B8E;
	s24 =	sld [smem:$0x3FFE];
	[sflag:s23] =	ssyncadd.s32 $0xFFFFFFFF  }
0xa5: {  	s26 =	simm.s32 $execute0_lowered;
	[smem:$0x3FD2] =	sst s25  }
0xa6: {  	s5 =	sshll.u32 s26, $0x1;
	_ =	strace $0x80000049;
	[dreg:$0x1] =	wrdreg $0xFFFFFFFF  }
0xa7: {  	s28 =	simm.s32 $_size_execute0_lowered;
	s3 =	sadd.s32 s3, s5;
	[dreg:$0x0] =	wrdreg $0x0  }
0xa8: {  	s5 =	sshll.u32 s28, $0x1;
	[dreg:$0x2] =	wrdreg s3  }
0xa9: {  	[dreg:$0x3] =	wrdreg s5  }
0xaa: {  	[dreg:$0x4] =	wrdreg $0xC0  }
0xab: {  	_ =	task [dreg:s7], $0x5FFFF  }
0xac: {  	[dreg:$0x1] =	wrdreg $0xFFFFFFFF  }
0xad: {  	[dreg:$0x0] =	wrdreg $0x60  }
0xae: {  	[dreg:$0x2] =	wrdreg s2  }
0xaf: {  	[dreg:$0x3] =	wrdreg s24  }
0xb0: {  	[dreg:$0x4] =	wrdreg $0x180000  }
0xb1: {  	[dreg:$0x5] =	wrdreg $0x9  }
0xb2: {  	_ =	task.clear_ibuf [dreg:s7], $0x6FFFF;
	_ =	strace $0x90000049  }
0xb3: {  	s29 =	simm.s32 $0x9;
	_ =	strace $0x8000004B  }
0xb4: {  	_ =	swait.ge [sflag:s29], $0x1  }
0xb5: {  	[sflag:s29] =	ssyncadd.s32 $0xFFFFFFFF  }
0xb6: {  	_ =	strace $0x9000004B  }
0xb7: {  	_ =	sfence  }
0xb8: {  	s30 =	sld [smem:$0x0];
	_ =	sdelay $0x2  }
0xb9: {  	s31 =	sshll.u32 s1, $0xD;
	s1 =	sshrl.u32 s1, $0x2  }
0xba: {  	s3 =	sand.u32 $0x4000, s31;
	s1 =	sadd.s32 s1, s30  }
0xbb: {  	s0 =	sor.u32 s3, s0;
	s1 =	sshll.u32 s1, $0x11  }
0xbc: {  	s0 =	sor.u32 s1, s0  }
0xbd: {  	s0 =	sadd.s32 $0x8F2B, s0  }
0xbe: {  	[sflag:s0] =	ssyncadd.remote.s32 $0x1  }
0xbf: {  	_ =	sfence.sel $0xFFFF  }
0xc0: {  	[dreg:$0x0] =	wrdreg $0xFFFFFFFF;
	(pc) =	sbr.abs _section_cstart, $3  }
0xc1: {  	[dreg:$0x1] =	wrdreg $0xFFFFFFFF  }
0xc2: {  	_ =	task.clear_ibuf [dreg:s7], $0x2FFFF;
	_ =	strace $0x9FFFFFFF  }
0xc3: {  	(tm) =	ssettm $0x7FFFFFFF  }
tec
execute0_lowered:
.L_overlay_start_1:
0x0: {  	(tag) =	ssettag $0x1  }
0x1: {  	s0 =	rddreg [dreg:$0x0]  }
0x2: {  	s1 =	srdreg.scid;
	s8 =	rddreg [dreg:$0x1]  }
0x3: {  	s2 =	rddreg [dreg:$0x2];
	s18 =	stileid.u32  }
0x4: {  	s3 =	simm.s32 $0x0;
	s30 =	simm.s32 $0x2;
	s1 =	sand.u32 $0x1, s1  }
0x5: {  	[smem:$0x7FF] =	sst s3;
	s10 =	sshll.u32 s18, $0x7;
	s5 =	sadd.s32 $0x114000, s8  }
0x6: {  	s6 =	sadd.s32 $0xE2000, s8;
	s24 =	sshll.u32 s18, $0xC;
	s14 =	sadd.s32 $0x10, s0  }
0x7: {  	s4 =	sshll.u32 s1, $0x4;
	_ =	strace $0x8000004A;
	s11 =	sand.u32 $0x380, s10  }
0x8: {  	s1 =	ssub.s32 $0x2, s1;
	s15 =	sor.u32 $0x20, s10;
	s16 =	sadd.s32 s0, s24  }
0x9: {  	s29 =	sor.u32 $0x40, s10;
	s10 =	sor.u32 $0x60, s10;
	s9 =	sor.u32 s18, s4  }
0xa: {  	s12 =	sshrl.u32 s1, $0x1;
	[dreg:$0x5] =	wrdreg s16;
	s25 =	sshll.u32 s15, $0x5  }
0xb: {  	s31 =	sshll.u32 s29, $0x5;
	s17 =	sshll.u32 s10, $0x5;
	s15 =	sshll.u32 s15, $0x7  }
0xc: {  	s18 =	sshll.u32 s18, $0xE;
	s21 =	sshll.u32 s29, $0x7;
	s22 =	sshll.u32 s10, $0x7  }
0xd: {  	s16 =	simm.s32 $0x7;
	s10 =	simm.s32 $0x0;
	s4 =	sshrl.u32 s9, $0x3  }
0xe: {  	s1 =	ssub.s32 s1, s12;
	s12 =	sadd.s32 s24, s14;
	s26 =	sadd.s32 s0, s25  }
0xf: {  	s19 =	sadd.s32 s0, s31;
	s0 =	sadd.s32 s0, s17;
	[dreg:$0x6] =	wrdreg s12  }
0x10: {  	s24 =	sadd.s32 s22, s2;
	s7 =	smul.u32 $0x32000, s4;
	[dreg:$0x7] =	wrdreg s26  }
0x11: {  	s4 =	sadd.s32 $0x3600, s8;
	s12 =	sadd.s32 s25, s14;
	[dreg:$0x9] =	wrdreg s19  }
0x12: {  	[dreg:$0xb] =	wrdreg s0;
	s19 =	smul.u32 $0x6400, s9;
	s9 =	sadd.s32 s18, s2  }
0x13: {  	s0 =	sadd.s32 s15, s2;
	[dreg:$0x13] =	wrdreg s24;
	s29 =	smax.u32 s1, $0x1  }
0x14: {  	s1 =	simm.s32 $0x400;
	s15 =	simm.s32 $0x3000;
	[dreg:$0x8] =	wrdreg s12  }
0x15: {  	s18 =	simm.s32 $0x9;
	s24 =	simm.s32 $0x2D00;
	[dreg:$0x10] =	wrdreg s9  }
0x16: {  	s12 =	sadd.s32 s31, s14;
	[dreg:$0x11] =	wrdreg s0;
	s0 =	sadd.s32 s21, s2  }
0x17: {  	[dreg:$0x15] =	wrdreg s29;
	s21 =	simm.s32 $0x8;
	s11 =	sor.u32 s11, s7  }
0x18: {  	s7 =	sadd.s32 $0xFB000, s8;
	s8 =	sadd.s32 $0x1C600, s8;
	[dreg:$0xa] =	wrdreg s12  }
0x19: {  	s12 =	sadd.s32 s17, s14;
	[dreg:$0x12] =	wrdreg s0;
	s31 =	sadd.s32 $0xFFFFFB00, s19  }
0x1a: {  	s13 =	sshrl.u32 s11, $0x3;
	[dreg:$0xc] =	wrdreg s12;
	s26 =	sadd.s32 $0x2800, s11  }
0x1b: {  	s28 =	sadd.s32 $0x5000, s11;
	[dreg:$0x16] =	wrdreg s31;
	s23 =	sadd.s32 s4, s13  }
0x1c: {  	s12 =	simm.s32 $0x100;
	s14 =	sadd.s32 s5, s13;
	[dreg:$0x4] =	wrdreg s23  }
0x1d: {  	s17 =	sadd.s32 s6, s13;
	s20 =	sadd.s32 s7, s13;
	[dreg:$0xd] =	wrdreg s14  }
0x1e: {  	s13 =	simm.s32 $0x1000;
	[dreg:$0xe] =	wrdreg s17;
	s23 =	sshrl.u32 s19, $0x3  }
0x1f: {  	[dreg:$0xf] =	wrdreg s20;
	s14 =	simm.s32 $0x2000;
	s25 =	sadd.s32 s8, s23  }
0x20: {  	s17 =	simm.s32 $0x3;
	s20 =	simm.s32 $0x4;
	s0 =	sadd.s32 $0xBE0, s25  }
0x21: {  	v0 =	vimm.f32 $0.0e+00;
	s23 =	simm.s32 $0x1;
	[dreg:$0x14] =	wrdreg s0;
	s0 =	simm.s32 $0x80  }
.LBB2_1:
0x22: {  	[dreg:$0x17] =	wrdreg s10  }
0x23: {  	s9 =	rddreg [dreg:$0x4];
	s11 =	simm.s32 $0x4000  }
0x24: {  	[tilespmem:s11], [sflag:$0x1] =	stream.strided.gather [hbm4b:s9+s0], $0x500, s1, s0, $0x38;
	[tilespmem:$0x1C000] =	vst v63  }
0x25: {  	s22 =	rddreg [dreg:$0xd];
	s25 =	simm.s32 $0x4500  }
0x26: {  	[tilespmem:s25], [sflag:$0x1] =	stream.strided.gather [hbm4b:s22+s0], $0x500, s1, s0, $0x38;
	[tilespmem:$0x1C000] =	vst v63  }
0x27: {  	s29 =	rddreg [dreg:$0xe];
	s31 =	simm.s32 $0x4A00  }
0x28: {  	[tilespmem:s31], [sflag:$0x1] =	stream.strided.gather [hbm4b:s29+s0], $0x500, s1, s0, $0x38;
	[tilespmem:$0x1C000] =	vst v63  }
0x29: {  	s10 =	rddreg [dreg:$0xf];
	s11 =	simm.s32 $0x4F00  }
0x2a: {  	[tilespmem:s11], [sflag:$0x1] =	stream.strided.gather [hbm4b:s10+s0], $0x500, s1, s0, $0x38;
	[tilespmem:$0x1C000] =	vst v63  }
0x2b: {  	s22 =	rddreg [dreg:$0x5]  }
0x2c: {  	[tilespmem:s3], [sflag:$0x7] =	stream.strided.gather [hbm4b:s22+s0], $0x1000, s12, s0, $0x38;
	[tilespmem:$0x1C000] =	vst v63  }
0x2d: {  	s25 =	rddreg [dreg:$0x6]  }
0x2e: {  	[tilespmem:s13], [sflag:$0x7] =	stream.strided.gather [hbm4b:s25+s0], $0x1000, s12, s0, $0x38;
	[tilespmem:$0x1C000] =	vst v63  }
0x2f: {  	s29 =	rddreg [dreg:$0x7]  }
0x30: {  	[tilespmem:s14], [sflag:$0x8] =	stream.strided.gather [hbm4b:s29+s0], $0x1000, s12, s0, $0x38;
	[tilespmem:$0x1C000] =	vst v63  }
0x31: {  	s31 =	rddreg [dreg:$0x8]  }
0x32: {  	[tilespmem:s15], [sflag:$0x8] =	stream.strided.gather [hbm4b:s31+s0], $0x1000, s12, s0, $0x38;
	[tilespmem:$0x1C000] =	vst v63  }
0x33: {  	_ =	swait.ge [sflag:s16], $0x1000  }
0x34: {  	[sflag:s16] =	ssyncset.done $0x0  }
0x35: {  	[sflag:s16] =	ssyncadd.s32 $0xFFFFF000  }
0x36: {  	_ =	swait.ge [sflag:s16], $0x1000  }
0x37: {  	[sflag:s16] =	ssyncset.done $0x0  }
0x38: {  	s9 =	simm.s32 $0x0;
	[sflag:s16] =	ssyncadd.s32 $0xFFFFF000  }
0x39: {  	s10 =	simm.s32 $0x40;
	v1 =	vld [tilespmem:s9+$0x1000]  }
.LBB2_2:
0x3a: {  	p0 =	sne.s32 s10, $0x3FC0;
	v2 =	vld [tilespmem:s9+$0x0];
	_ =	sdelay $0x4  }
0x3b: {  	v1 =	vadd.f32 v1, v2;
	_ =	sdelay $0x1  }
.Ltmp0:
0x3c: {  	v1 =	vmul.f32 $6.553599980e-02, v1;
	(pc) =	sbr.rel @p0 .LBB2_2-.Ltmp0, $4  }
0x3d: {  	_ = 	snop  }
0x3e: {  	v1 =	vmax.f32 v1, $5.000000000e-01  }
0x3f: {  	s11 =	sshra.s32 s10, $0x2;
	v2 =	vmin.f32 v1, $2.000000000e+00  }
0x40: {  	s10 =	sadd.s32 $0x40, s10;
	v1 =	vld [tilespmem:s11+$0x1000];
	[tilespmem:s9+$0x0] =	vst v2;
	s9 =	smov.u32 s11  }
0x41: {  	v2 =	vld [tilespmem:s9+$0x0];
	_ =	sdelay $0x4  }
0x42: {  	v1 =	vadd.f32 v1, v2;
	_ =	sdelay $0x1  }
0x43: {  	v1 =	vmul.f32 $6.553599980e-02, v1;
	_ =	sdelay $0x1  }
0x44: {  	v1 =	vmax.f32 v1, $5.000000000e-01  }
0x45: {  	v1 =	vmin.f32 v1, $2.000000000e+00  }
0x46: {  	s25 =	simm.s32 $0x0;
	s10 =	rddreg [dreg:$0x10];
	[tilespmem:s9+$0x0] =	vst v1  }
0x47: {  	[spmem:s10] =	stream.linear.scatter [tilespmem:s25], [sflag:$0x9], $0x1000, $0x38;
	[tilespmem:$0x1C000] =	vst v63  }
0x48: {  	_ =	swait.ge [sflag:s18], $0x1000  }
0x49: {  	[sflag:s18] =	ssyncset.done $0x0  }
0x4a: {  	s29 =	rddreg [dreg:$0x9];
	[sflag:s18] =	ssyncadd.s32 $0xFFFFF000  }
0x4b: {  	[tilespmem:s25], [sflag:$0x7] =	stream.strided.gather [hbm4b:s29+s0], $0x1000, s12, s0, $0x38;
	[tilespmem:$0x1C000] =	vst v63  }
0x4c: {  	s31 =	rddreg [dreg:$0xa]  }
0x4d: {  	[tilespmem:s13], [sflag:$0x7] =	stream.strided.gather [hbm4b:s31+s0], $0x1000, s12, s0, $0x38;
	[tilespmem:$0x1C000] =	vst v63  }
0x4e: {  	_ =	swait.ge [sflag:s21], $0x1000  }
0x4f: {  	[sflag:s21] =	ssyncset.done $0x0  }
0x50: {  	[sflag:s21] =	ssyncadd.s32 $0xFFFFF000  }
0x51: {  	_ =	swait.ge [sflag:s21], $0x1000  }
0x52: {  	[sflag:s21] =	ssyncset.done $0x0  }
0x53: {  	s9 =	simm.s32 $0x0;
	[sflag:s21] =	ssyncadd.s32 $0xFFFFF000  }
0x54: {  	s10 =	simm.s32 $0x40;
	v1 =	vld [tilespmem:s9+$0x3000]  }
.LBB2_4:
0x55: {  	p0 =	sne.s32 s10, $0x3FC0;
	v2 =	vld [tilespmem:s9+$0x2000];
	_ =	sdelay $0x4  }
0x56: {  	v1 =	vadd.f32 v1, v2;
	_ =	sdelay $0x1  }
.Ltmp1:
0x57: {  	v1 =	vmul.f32 $6.553599980e-02, v1;
	(pc) =	sbr.rel @p0 .LBB2_4-.Ltmp1, $4  }
0x58: {  	_ = 	snop  }
0x59: {  	v1 =	vmax.f32 v1, $5.000000000e-01  }
0x5a: {  	s11 =	sshra.s32 s10, $0x2;
	v2 =	vmin.f32 v1, $2.000000000e+00  }
0x5b: {  	s10 =	sadd.s32 $0x40, s10;
	v1 =	vld [tilespmem:s11+$0x3000];
	[tilespmem:s9+$0x2000] =	vst v2;
	s9 =	smov.u32 s11  }
0x5c: {  	v2 =	vld [tilespmem:s9+$0x2000];
	_ =	sdelay $0x4  }
0x5d: {  	v1 =	vadd.f32 v1, v2;
	_ =	sdelay $0x1  }
0x5e: {  	v1 =	vmul.f32 $6.553599980e-02, v1;
	_ =	sdelay $0x1  }
0x5f: {  	v1 =	vmax.f32 v1, $5.000000000e-01  }
0x60: {  	v1 =	vmin.f32 v1, $2.000000000e+00  }
0x61: {  	s25 =	rddreg [dreg:$0x11];
	[tilespmem:s9+$0x2000] =	vst v1  }
0x62: {  	[spmem:s25] =	stream.linear.scatter [tilespmem:s14], [sflag:$0x9], $0x1000, $0x38;
	[tilespmem:$0x1C000] =	vst v63  }
0x63: {  	_ =	swait.ge [sflag:s18], $0x1000  }
0x64: {  	[sflag:s18] =	ssyncset.done $0x0  }
0x65: {  	s29 =	rddreg [dreg:$0xb];
	[sflag:s18] =	ssyncadd.s32 $0xFFFFF000  }
0x66: {  	[tilespmem:s14], [sflag:$0x8] =	stream.strided.gather [hbm4b:s29+s0], $0x1000, s12, s0, $0x38;
	[tilespmem:$0x1C000] =	vst v63  }
0x67: {  	s31 =	rddreg [dreg:$0xc]  }
0x68: {  	[tilespmem:s15], [sflag:$0x8] =	stream.strided.gather [hbm4b:s31+s0], $0x1000, s12, s0, $0x38;
	[tilespmem:$0x1C000] =	vst v63  }
0x69: {  	_ =	swait.ge [sflag:s16], $0x1000  }
0x6a: {  	[sflag:s16] =	ssyncset.done $0x0  }
0x6b: {  	[sflag:s16] =	ssyncadd.s32 $0xFFFFF000  }
0x6c: {  	_ =	swait.ge [sflag:s16], $0x1000  }
0x6d: {  	[sflag:s16] =	ssyncset.done $0x0  }
0x6e: {  	s9 =	simm.s32 $0x0;
	[sflag:s16] =	ssyncadd.s32 $0xFFFFF000  }
0x6f: {  	s10 =	simm.s32 $0x40;
	v1 =	vld [tilespmem:s9+$0x1000]  }
.LBB2_6:
0x70: {  	p0 =	sne.s32 s10, $0x3FC0;
	v2 =	vld [tilespmem:s9+$0x0];
	_ =	sdelay $0x4  }
0x71: {  	v1 =	vadd.f32 v1, v2;
	_ =	sdelay $0x1  }
.Ltmp2:
0x72: {  	v1 =	vmul.f32 $6.553599980e-02, v1;
	(pc) =	sbr.rel @p0 .LBB2_6-.Ltmp2, $4  }
0x73: {  	_ = 	snop  }
0x74: {  	v1 =	vmax.f32 v1, $5.000000000e-01  }
0x75: {  	s11 =	sshra.s32 s10, $0x2;
	v2 =	vmin.f32 v1, $2.000000000e+00  }
0x76: {  	s10 =	sadd.s32 $0x40, s10;
	v1 =	vld [tilespmem:s11+$0x1000];
	[tilespmem:s9+$0x0] =	vst v2;
	s9 =	smov.u32 s11  }
0x77: {  	v2 =	vld [tilespmem:s9+$0x0];
	_ =	sdelay $0x4  }
0x78: {  	v1 =	vadd.f32 v1, v2;
	_ =	sdelay $0x1  }
0x79: {  	v1 =	vmul.f32 $6.553599980e-02, v1;
	_ =	sdelay $0x1  }
0x7a: {  	v1 =	vmax.f32 v1, $5.000000000e-01  }
0x7b: {  	v1 =	vmin.f32 v1, $2.000000000e+00  }
0x7c: {  	s31 =	simm.s32 $0x0;
	s10 =	rddreg [dreg:$0x12];
	[tilespmem:s9+$0x0] =	vst v1  }
0x7d: {  	[spmem:s10] =	stream.linear.scatter [tilespmem:s31], [sflag:$0x9], $0x1000, $0x38;
	[tilespmem:$0x1C000] =	vst v63  }
0x7e: {  	_ =	swait.ge [sflag:s18], $0x1000  }
0x7f: {  	[sflag:s18] =	ssyncset.done $0x0  }
0x80: {  	[sflag:s18] =	ssyncadd.s32 $0xFFFFF000  }
0x81: {  	_ =	swait.ge [sflag:s21], $0x1000  }
0x82: {  	[sflag:s21] =	ssyncset.done $0x0  }
0x83: {  	[sflag:s21] =	ssyncadd.s32 $0xFFFFF000  }
0x84: {  	_ =	swait.ge [sflag:s21], $0x1000  }
0x85: {  	[sflag:s21] =	ssyncset.done $0x0  }
0x86: {  	s9 =	simm.s32 $0x0;
	[sflag:s21] =	ssyncadd.s32 $0xFFFFF000  }
0x87: {  	s10 =	simm.s32 $0x40;
	v1 =	vld [tilespmem:s9+$0x3000]  }
.LBB2_8:
0x88: {  	p0 =	sne.s32 s10, $0x3FC0;
	v2 =	vld [tilespmem:s9+$0x2000];
	_ =	sdelay $0x4  }
0x89: {  	v1 =	vadd.f32 v1, v2;
	_ =	sdelay $0x1  }
.Ltmp3:
0x8a: {  	v1 =	vmul.f32 $6.553599980e-02, v1;
	(pc) =	sbr.rel @p0 .LBB2_8-.Ltmp3, $4  }
0x8b: {  	_ = 	snop  }
0x8c: {  	v1 =	vmax.f32 v1, $5.000000000e-01  }
0x8d: {  	s11 =	sshra.s32 s10, $0x2;
	v2 =	vmin.f32 v1, $2.000000000e+00  }
0x8e: {  	s10 =	sadd.s32 $0x40, s10;
	v1 =	vld [tilespmem:s11+$0x3000];
	[tilespmem:s9+$0x2000] =	vst v2;
	s9 =	smov.u32 s11  }
0x8f: {  	v2 =	vld [tilespmem:s9+$0x2000];
	_ =	sdelay $0x4  }
0x90: {  	v1 =	vadd.f32 v1, v2;
	_ =	sdelay $0x1  }
0x91: {  	v1 =	vmul.f32 $6.553599980e-02, v1;
	_ =	sdelay $0x1  }
0x92: {  	v1 =	vmax.f32 v1, $5.000000000e-01  }
0x93: {  	v1 =	vmin.f32 v1, $2.000000000e+00  }
0x94: {  	s31 =	rddreg [dreg:$0x13];
	[tilespmem:s9+$0x2000] =	vst v1  }
0x95: {  	[spmem:s31] =	stream.linear.scatter [tilespmem:s14], [sflag:$0x9], $0x1000, $0x38;
	[tilespmem:$0x1C000] =	vst v63  }
0x96: {  	_ =	swait.ge [sflag:s18], $0x1000  }
0x97: {  	[sflag:s18] =	ssyncset.done $0x0  }
0x98: {  	s10 =	simm.s32 $0x0;
	s9 =	simm.s32 $0x40;
	[sflag:s18] =	ssyncadd.s32 $0xFFFFF000  }
.LBB2_10:
0x99: {  	p0 =	sne.s32 s9, $0xB3C0;
	[tilespmem:s10+$0xC200] =	vst v0;
	s11 =	smov.u32 s9;
	s9 =	sadd.s32 $0x40, s9  }
.Ltmp4:
0x9a: {  	[tilespmem:s10+$0x14E00] =	vst v0;
	(pc) =	sbr.rel @p0 .LBB2_10-.Ltmp4, $2  }
0x9b: {  	_ =	sdelay $0x2  }
0x9c: {  	s10 =	sshra.s32 s11, $0x2  }
0x9d: {  	[tilespmem:s10+$0xC200] =	vst v0  }
0x9e: {  	[tilespmem:s10+$0x14E00] =	vst v0  }
0x9f: {  	s9 =	simm.s32 $0x0;
	[bflag:$0x0] =	sbarrier.arrive $0xFFFF  }
.LBB2_12:
0xa0: {  	s11 =	smul.u32 $0x5000, s9;
	_ =	sdelay $0x1  }
0xa1: {  	s10 =	sadd.s32 s11, s26  }
0xa2: {  	s10 =	sshrl.u32 s10, $0x3  }
0xa3: {  	s13 =	simm.s32 $0x5400;
	s12 =	sadd.s32 s4, s10  }
0xa4: {  	[tilespmem:s13], [sflag:$0x2] =	stream.strided.gather [hbm4b:s12+s0], $0x500, s1, s0, $0x38;
	[tilespmem:$0x1C000] =	vst v63  }
0xa5: {  	s15 =	simm.s32 $0x5900;
	s14 =	sadd.s32 s5, s10  }
0xa6: {  	[tilespmem:s15], [sflag:$0x2] =	stream.strided.gather [hbm4b:s14+s0], $0x500, s1, s0, $0x38;
	[tilespmem:$0x1C000] =	vst v63  }
0xa7: {  	s18 =	simm.s32 $0x5E00;
	s16 =	sadd.s32 s6, s10  }
0xa8: {  	[tilespmem:s18], [sflag:$0x2] =	stream.strided.gather [hbm4b:s16+s0], $0x500, s1, s0, $0x38;
	[tilespmem:$0x1C000] =	vst v63  }
0xa9: {  	s21 =	simm.s32 $0x6300;
	s10 =	sadd.s32 s7, s10  }
0xaa: {  	[tilespmem:s21], [sflag:$0x2] =	stream.strided.gather [hbm4b:s10+s0], $0x500, s1, s0, $0x38;
	[tilespmem:$0x1C000] =	vst v63  }
0xab: {  	_ =	swait.ge [sflag:s23], $0x500  }
0xac: {  	[sflag:s23] =	ssyncset.done $0x0  }
0xad: {  	[sflag:s23] =	ssyncadd.s32 $0xFFFFFB00  }
0xae: {  	_ =	swait.ge [sflag:s23], $0x500  }
0xaf: {  	[sflag:s23] =	ssyncset.done $0x0  }
0xb0: {  	[sflag:s23] =	ssyncadd.s32 $0xFFFFFB00  }
0xb1: {  	_ =	swait.ge [sflag:s23], $0x500  }
0xb2: {  	[sflag:s23] =	ssyncset.done $0x0  }
0xb3: {  	[sflag:s23] =	ssyncadd.s32 $0xFFFFFB00  }
0xb4: {  	_ =	swait.ge [sflag:s23], $0x500  }
0xb5: {  	[sflag:s23] =	ssyncset.done $0x0  }
0xb6: {  	s14 =	simm.s32 $0x4000;
	[sflag:s23] =	ssyncadd.s32 $0xFFFFFB00  }
0xb7: {  	s22 =	simm.s32 $0x4500;
	v3 =	vld [tilespmem:s14+$0x0]  }
0xb8: {  	v13 =	vld [tilespmem:s22+$0x0];
	_ =	sdelay $0x1  }
0xb9: {  	s25 =	simm.s32 $0x4F00  }
0xba: {  	v1 =	vld [tilespmem:s25+$0x0]  }
0xbb: {  	v2 =	vmul.f32 $5.120000240e-01, v3  }
0xbc: {  	v4 =	vmul.f32 $5.120000240e-01, v13  }
0xbd: {  	v2 =	vtrunc.f32 v2  }
0xbe: {  	v4 =	vtrunc.f32 v4;
	v2 =	vcvt.f32.s32 v2  }
0xbf: {  	v7 =	vadd.f32 v1, v13;
	v1 =	vcvt.f32.s32 v4  }
0xc0: {  	s31 =	simm.s32 $0x4A00;
	vm0 =	vgt.s32 v2, $0x0  }
0xc1: {  	v5 =	vld [tilespmem:s31+$0x0];
	v4 =	vmul.f32 $5.120000240e-01, v7;
	v6 =	vnsel vm0, $0x0, v2;
	vm0 =	vgt.s32 v1, $0x0  }
0xc2: {  	v10 =	vmin.u32 v6, $0x1FF;
	v14 =	vnsel vm0, $0x0, v1  }
0xc3: {  	v1 =	vtrunc.f32 v4;
	v2 =	vcvt.s32.f32 v10;
	v4 =	vmin.u32 v14, $0x1FF  }
0xc4: {  	v9 =	vcvt.f32.s32 v1;
	v11 =	vcvt.s32.f32 v4  }
0xc5: {  	v8 =	vadd.s32 $0x1, v10;
	v1 =	vadd.s32 $0x2, v4;
	v12 =	vmul.f32 $1.953125000e+00, v2  }
0xc6: {  	v2 =	vadd.f32 v5, v3;
	vm0 =	vgt.s32 v9, $0x0;
	v15 =	vmul.f32 $1.953125000e+00, v11  }
0xc7: {  	v11 =	vadd.f32 $1.953125000e+00, v12;
	v5 =	vmax.f32 v3, v12;
	v3 =	vnsel vm0, $0x0, v9  }
0xc8: {  	s29 =	simm.s32 $0x4510;
	s13 =	simm.s32 $0x4F10;
	s12 =	simm.s32 $0x6800;
	v9 =	vadd.s32 $0x1, v4;
	v16 =	vmin.u32 v3, $0x1FF;
	v12 =	vadd.f32 $1.953125000e+00, v15  }
0xc9: {  	s15 =	simm.s32 $0x4A10;
	s16 =	simm.s32 $0x9500;
	s10 =	simm.s32 $0x9500;
	v13 =	vmax.f32 v13, v15;
	v3 =	vadd.f32 $1.953125000e+00, v11;
	v17 =	vmin.f32 v2, v11  }
0xca: {  	s21 =	simm.s32 $0x0;
	s22 =	simm.s32 $0x6800;
	s25 =	simm.s32 $0x10;
	vm0 =	vgt.u32 v16, v9;
	vm1 =	vlt.u32 v14, v16;
	v5 =	vsub.f32 v17, v5  }
.LBB2_13:
0xcb: {  	v14 =	vmul.f32 $5.120000240e-01, v2;
	v15 =	vadd.f32 $1.953125000e+00, v12;
	v16 =	vsub.f32 v7, v12;
	s16 =	sadd.s32 $0x10, s16;
	s22 =	sadd.s32 $0x10, s22;
	s14 =	sadd.s32 $0x10, s14  }
0xcc: {  	p0 =	sne.s32 s25, $0x4F0;
	v11 =	vsub.f32 v2, v11;
	v12 =	vmin.f32 v7, v12;
	v10 =	vshll.u32 v10, $0x9;
	s18 =	smov.u32 s25;
	s25 =	sadd.s32 $0x10, s25  }
0xcd: {  	v12 =	vsub.f32 v12, v13;
	v13 =	vadd.s32 v10, v9;
	v14 =	vtrunc.f32 v14  }
0xce: {  	v17 =	vadd.s32 v10, v1;
	v11 =	vmin.f32 v11, $1.953125000e+00;
	v16 =	vmin.f32 v16, $1.953125000e+00  }
0xcf: {  	v19 =	vadd.s32 $0x400, v10;
	v14 =	vcvt.f32.s32 v14;
	v18 =	vmul.f32 v12, v11  }
0xd0: {  	v20 =	vshll.u32 v8, $0x9;
	v10 =	vor.u32 v4, v10;
	v21 =	vor.u32 v4, v19  }
0xd1: {  	v7 =	vsub.f32 v7, v15;
	v4 =	vor.u32 v4, v20;
	v15 =	vadd.s32 v9, v20  }
0xd2: {  	v13 =	vnsel vm1, $0xFFFFFFFF, v13;
	v9 =	vadd.s32 v9, v19;
	vm2 =	vgt.s32 v14, $0x0  }
0xd3: {  	v22 =	vmul.f32 v12, v5;
	v23 =	vmul.f32 v16, v11;
	v14 =	vnsel vm2, $0x0, v14  }
0xd4: {  	v11 =	vmul.f32 v7, v11;
	v14 =	vmin.u32 v14, $0x1FF;
	[tilespmem:s12+$0x0] =	vst v10;
	v10 =	vnsel vm0, $0xFFFFFFFF, v17  }
0xd5: {  	s31 =	sand.u32 $0x7F0, s21;
	s21 =	smov.u32 s18;
	vm4 =	vlt.u32 v6, v14;
	vm2 =	vgt.u32 v14, v8;
	v6 =	vadd.s32 v1, v20;
	[tilespmem:s10+$0x0] =	vst v22  }
0xd6: {  	vm5 =	vmand vm4, vm1;
	vm6 =	vmand vm4, vm0;
	vm3 =	vmand vm2, vm1;
	[tilespmem:s31+$0x6D00] =	vst v13  }
0xd7: {  	v8 =	vmul.f32 v16, v5;
	v13 =	vnsel vm5, $0x0, v23;
	[tilespmem:s31+$0x7200] =	vst v10;
	v10 =	vnsel vm5, $0xFFFFFFFF, v15  }
0xd8: {  	v6 =	vnsel vm6, $0xFFFFFFFF, v6;
	v9 =	vnsel vm3, $0xFFFFFFFF, v9;
	[tilespmem:s31+$0x7C00] =	vst v10;
	v10 =	vnsel vm6, $0x0, v11  }
0xd9: {  	v4 =	vnsel vm4, $0xFFFFFFFF, v4;
	v8 =	vnsel vm1, $0x0, v8;
	v11 =	vnsel vm4, $0x0, v18;
	[tilespmem:s31+$0xAE00] =	vst v10  }
0xda: {  	v5 =	vmul.f32 v7, v5;
	vm1 =	vmand vm2, vm0;
	v10 =	vnsel vm2, $0xFFFFFFFF, v21;
	[tilespmem:s31+$0xA400] =	vst v11  }
0xdb: {  	v1 =	vadd.s32 v1, v19;
	[tilespmem:s31+$0x8600] =	vst v10  }
0xdc: {  	v2 =	vsub.f32 v2, v3;
	v3 =	vnsel vm0, $0x0, v5;
	[tilespmem:s31+$0x8100] =	vst v6  }
0xdd: {  	[tilespmem:s31+$0x9F00] =	vst v3  }
0xde: {  	v5 =	vmul.f32 v16, v2;
	v3 =	vmul.f32 v12, v2;
	[tilespmem:s31+$0x8B00] =	vst v9  }
0xdf: {  	v2 =	vmul.f32 v7, v2;
	[tilespmem:s31+$0xA900] =	vst v13  }
0xe0: {  	v3 =	vnsel vm2, $0x0, v3;
	[tilespmem:s31+$0x7700] =	vst v4;
	v4 =	vnsel vm3, $0x0, v5  }
0xe1: {  	[tilespmem:s31+$0xB300] =	vst v3  }
0xe2: {  	[tilespmem:s31+$0xB800] =	vst v4  }
0xe3: {  	v1 =	vnsel vm1, $0xFFFFFFFF, v1;
	[tilespmem:s31+$0x9A00] =	vst v8  }
0xe4: {  	[tilespmem:s12+$0x2800] =	vst v1;
	v1 =	vnsel vm1, $0x0, v2;
	s12 =	smov.u32 s22  }
0xe5: {  	[tilespmem:s10+$0x2800] =	vst v1;
	s10 =	smov.u32 s16  }
0xe6: {  	v3 =	vld [tilespmem:s14+$0x0]  }
0xe7: {  	v13 =	vld [tilespmem:s29+$0x0]  }
0xe8: {  	v2 =	vld [tilespmem:s15+$0x0]  }
0xe9: {  	v1 =	vld [tilespmem:s13+$0x0];
	_ =	sdelay $0x1  }
0xea: {  	v4 =	vmul.f32 $5.120000240e-01, v3  }
0xeb: {  	v5 =	vmul.f32 $5.120000240e-01, v13  }
0xec: {  	v4 =	vtrunc.f32 v4  }
0xed: {  	v7 =	vadd.f32 v1, v13;
	v1 =	vcvt.f32.s32 v4;
	v4 =	vtrunc.f32 v5  }
0xee: {  	v4 =	vcvt.f32.s32 v4  }
0xef: {  	vm0 =	vgt.s32 v1, $0x0;
	v5 =	vmul.f32 $5.120000240e-01, v7  }
0xf0: {  	v6 =	vnsel vm0, $0x0, v1;
	vm0 =	vgt.s32 v4, $0x0  }
0xf1: {  	v10 =	vmin.u32 v6, $0x1FF;
	v14 =	vnsel vm0, $0x0, v4;
	v1 =	vtrunc.f32 v5  }
0xf2: {  	v5 =	vcvt.s32.f32 v10;
	v4 =	vmin.u32 v14, $0x1FF  }
0xf3: {  	v9 =	vcvt.f32.s32 v1;
	v11 =	vcvt.s32.f32 v4  }
0xf4: {  	v8 =	vadd.s32 $0x1, v10;
	v1 =	vadd.s32 $0x2, v4;
	v5 =	vmul.f32 $1.953125000e+00, v5  }
.Ltmp5:
0xf5: {  	v2 =	vadd.f32 v2, v3;
	vm0 =	vgt.s32 v9, $0x0;
	v15 =	vmul.f32 $1.953125000e+00, v11;
	(pc) =	sbr.rel @p0 .LBB2_13-.Ltmp5, $4  }
0xf6: {  	v11 =	vadd.f32 $1.953125000e+00, v5;
	v5 =	vmax.f32 v3, v5;
	v3 =	vnsel vm0, $0x0, v9  }
0xf7: {  	v9 =	vadd.s32 $0x1, v4;
	v16 =	vmin.u32 v3, $0x1FF;
	v12 =	vadd.f32 $1.953125000e+00, v15  }
0xf8: {  	v3 =	vadd.f32 $1.953125000e+00, v11;
	v17 =	vmin.f32 v2, v11;
	vm0 =	vgt.u32 v16, v9  }
0xf9: {  	s29 =	sadd.s32 $0x10, s29;
	s15 =	sadd.s32 $0x10, s15;
	s13 =	sadd.s32 $0x10, s13;
	v13 =	vmax.f32 v13, v15;
	vm1 =	vlt.u32 v14, v16;
	v5 =	vsub.f32 v17, v5  }
0xfa: {  	v14 =	vmul.f32 $5.120000240e-01, v2;
	v15 =	vadd.f32 $1.953125000e+00, v12;
	v11 =	vsub.f32 v2, v11  }
0xfb: {  	v16 =	vmin.f32 v7, v12;
	v10 =	vshll.u32 v10, $0x9;
	v42 =	vsub.f32 v7, v12  }
0xfc: {  	v20 =	vshll.u32 v8, $0x9;
	v2 =	vsub.f32 v2, v3;
	v13 =	vsub.f32 v16, v13  }
0xfd: {  	v43 =	vadd.s32 v10, v9;
	v17 =	vadd.s32 v10, v1;
	v14 =	vtrunc.f32 v14  }
0xfe: {  	v18 =	vor.u32 v4, v10;
	v14 =	vcvt.f32.s32 v14;
	v19 =	vmul.f32 v13, v5  }
0xff: {  	v11 =	vmin.f32 v11, $1.953125000e+00;
	v44 =	vsub.f32 v7, v15;
	[tilespmem:s12+$0x0] =	vst v18;
	v12 =	vmin.f32 v42, $1.953125000e+00  }
0x100: {  	s13 =	sand.u32 $0x7F0, s21;
	v16 =	vnsel vm1, $0xFFFFFFFF, v43;
	v60 =	vmul.f32 v12, v5;
	vm2 =	vgt.s32 v14, $0x0;
	[tilespmem:s10+$0x0] =	vst v19  }
0x101: {  	v46 =	vnsel vm0, $0xFFFFFFFF, v17;
	v54 =	vmul.f32 v44, v5;
	v14 =	vnsel vm2, $0x0, v14;
	[tilespmem:s13+$0x6D00] =	vst v16  }
0x102: {  	v48 =	vmul.f32 v13, v11;
	v62 =	vnsel vm1, $0x0, v60;
	[tilespmem:s13+$0x7200] =	vst v46;
	v14 =	vmin.u32 v14, $0x1FF  }
0x103: {  	v10 =	vadd.s32 $0x400, v10;
	v3 =	vnsel vm0, $0x0, v54;
	[tilespmem:s13+$0x9A00] =	vst v62;
	vm13 =	vlt.u32 v6, v14  }
0x104: {  	v51 =	vor.u32 v4, v10;
	[tilespmem:s13+$0x9F00] =	vst v3;
	vm5 =	vgt.u32 v14, v8;
	v52 =	vnsel vm13, $0x0, v48  }
0x105: {  	v45 =	vadd.s32 v9, v20;
	v3 =	vor.u32 v4, v20;
	v55 =	vnsel vm5, $0xFFFFFFFF, v51;
	[tilespmem:s13+$0xA400] =	vst v52  }
0x106: {  	v47 =	vmul.f32 v44, v11;
	vm3 =	vmand vm13, vm1;
	v3 =	vnsel vm13, $0xFFFFFFFF, v3;
	[tilespmem:s13+$0x8600] =	vst v55  }
0x107: {  	vm4 =	vmand vm13, vm0;
	v49 =	vnsel vm3, $0xFFFFFFFF, v45;
	[tilespmem:s13+$0x7700] =	vst v3  }
0x108: {  	v53 =	vadd.s32 v1, v20;
	v56 =	vadd.s32 v9, v10;
	v50 =	vnsel vm4, $0x0, v47;
	[tilespmem:s13+$0x7C00] =	vst v49  }
0x109: {  	v11 =	vmul.f32 v12, v11;
	vm14 =	vmand vm5, vm1;
	v6 =	vnsel vm4, $0xFFFFFFFF, v53;
	[tilespmem:s13+$0xAE00] =	vst v50  }
0x10a: {  	v59 =	vmul.f32 v13, v2;
	v57 =	vnsel vm14, $0xFFFFFFFF, v56;
	[tilespmem:s13+$0x8100] =	vst v6  }
0x10b: {  	v61 =	vmul.f32 v12, v2;
	v58 =	vnsel vm3, $0x0, v11;
	[tilespmem:s13+$0x8B00] =	vst v57  }
0x10c: {  	v1 =	vadd.s32 v1, v10;
	v3 =	vnsel vm5, $0x0, v59;
	[tilespmem:s13+$0xA900] =	vst v58  }
0x10d: {  	p0 =	seq.s32 s9, $0x0;
	v2 =	vmul.f32 v44, v2;
	vm15 =	vmand vm5, vm0;
	v63 =	vnsel vm14, $0x0, v61;
	[tilespmem:s13+$0xB300] =	vst v3  }
.Ltmp6:
0x10e: {  	v1 =	vnsel vm15, $0xFFFFFFFF, v1;
	[tilespmem:s13+$0xB800] =	vst v63;
	(pc) =	sbr.rel @p0 .LBB2_18-.Ltmp6, $4  }
0x10f: {  	[tilespmem:s12+$0x2800] =	vst v1;
	v1 =	vnsel vm15, $0x0, v2  }
0x110: {  	s29 =	simm.s32 $0x6800;
	[tilespmem:s10+$0x2800] =	vst v1;
	(ifvalue) =	ssetifvalue $0xFFFFFFFF  }
0x111: {  	s31 =	simm.s32 $0xC200;
	s10 =	smul.u32 $0xA00, s9;
	(ifvalue) =	ssetifvalue $0xFFFFFFFF  }
0x112: {  	[tilespmem:s31], [sflag:$0x3] =	stream.indirect.gather [spmem:s2], $0x1, s29, s24, $0x40b8;
	[tilespmem:$0x1C000] =	vst v63  }
0x113: {  	_ =	swait.ge [sflag:s20], $0x2D00  }
0x114: {  	p1 =	seq.s32 s9, $0x1;
	[sflag:s20] =	ssyncset.done $0x0  }
0x115: {  	s12 =	simm.s32 @!p1 $0x6;
	[sflag:s20] =	ssyncadd.s32 $0xFFFFD300  }
0x116: {  	_ =	swait.ge @!p1 [sflag:s12], $0x500  }
0x117: {  	[sflag:s12] =	ssyncset.done @!p1 $0x0  }
0x118: {  	s31 =	simm.s32 $0x17600;
	[sflag:s12] =	ssyncadd.s32 @!p1 $0xFFFFFB00  }
0x119: {  	s13 =	simm.s32 $0x0;
	s14 =	simm.s32 $0x14900;
	v1 =	vld [tilespmem:s31+$0xFFFFD800]  }
0x11a: {  	s13 =	sand.u32 $0x7F0, s13;
	v2 =	vld [tilespmem:s14+$0xFFFFD800]  }
0x11b: {  	v3 =	vld [tilespmem:s13+$0x12600]  }
0x11c: {  	v4 =	vld [tilespmem:s13+$0x15300]  }
0x11d: {  	v5 =	vld [tilespmem:s13+$0x12B00]  }
0x11e: {  	v6 =	vld [tilespmem:s13+$0x15800]  }
0x11f: {  	v7 =	vld [tilespmem:s13+$0x13000]  }
0x120: {  	v8 =	vld [tilespmem:s13+$0x15D00]  }
0x121: {  	v1 =	vmul.f32 v1, v2;
	v2 =	vmul.f32 v4, v3;
	v3 =	vld [tilespmem:s13+$0x13500]  }
0x122: {  	v4 =	vld [tilespmem:s13+$0x16200]  }
0x123: {  	v60 =	vld [tilespmem:s13+$0x16700];
	v1 =	vadd.f32 v2, v1;
	v2 =	vmul.f32 v6, v5  }
0x124: {  	v5 =	vld [tilespmem:s13+$0x13A00]  }
0x125: {  	v61 =	vld [tilespmem:s13+$0x13F00];
	v1 =	vadd.f32 v2, v1;
	v2 =	vmul.f32 v8, v7  }
0x126: {  	v62 =	vld [tilespmem:s13+$0x16C00]  }
0x127: {  	v1 =	vadd.f32 v2, v1;
	v2 =	vmul.f32 v4, v3;
	v3 =	vld [tilespmem:s13+$0x14400]  }
0x128: {  	v4 =	vld [tilespmem:s13+$0x17100]  }
0x129: {  	v63 =	vld [tilespmem:s31+$0x0];
	v1 =	vadd.f32 v2, v1;
	v2 =	vmul.f32 v60, v5  }
0x12a: {  	v5 =	vld [tilespmem:s14+$0x0]  }
0x12b: {  	v1 =	vadd.f32 v2, v1;
	v2 =	vmul.f32 v62, v61;
	_ =	sdelay $0x1  }
0x12c: {  	v1 =	vadd.f32 v2, v1;
	v2 =	vmul.f32 v4, v3;
	_ =	sdelay $0x1  }
0x12d: {  	v1 =	vadd.f32 v2, v1;
	v2 =	vmul.f32 v63, v5;
	_ =	sdelay $0x1  }
0x12e: {  	v1 =	vadd.f32 v2, v1  }
0x12f: {  	s12 =	simm.s32 $0x17B00  }
0x130: {  	s13 =	simm.s32 $0x17610;
	[tilespmem:s12+$0x0] =	vst v1  }
0x131: {  	s15 =	simm.s32 $0x10;
	s14 =	simm.s32 $0x14910;
	v1 =	vld [tilespmem:s13+$0xFFFFD800]  }
0x132: {  	s16 =	sand.u32 $0x7F0, s15;
	v2 =	vld [tilespmem:s14+$0xFFFFD800]  }
0x133: {  	s15 =	simm.s32 $0x20;
	v3 =	vld [tilespmem:s16+$0x12600]  }
.LBB2_16:
0x134: {  	p1 =	sne.s32 s15, $0x4F0;
	v4 =	vld [tilespmem:s16+$0x15300]  }
0x135: {  	v5 =	vld [tilespmem:s16+$0x12B00]  }
0x136: {  	v6 =	vld [tilespmem:s16+$0x15800]  }
0x137: {  	v7 =	vld [tilespmem:s16+$0x13000]  }
0x138: {  	v8 =	vld [tilespmem:s16+$0x15D00]  }
0x139: {  	v1 =	vmul.f32 v1, v2;
	v2 =	vmul.f32 v4, v3;
	v3 =	vld [tilespmem:s16+$0x13500]  }
0x13a: {  	v4 =	vld [tilespmem:s16+$0x16200]  }
0x13b: {  	v1 =	vadd.f32 v2, v1;
	v2 =	vmul.f32 v6, v5;
	v5 =	vld [tilespmem:s16+$0x13A00]  }
0x13c: {  	v6 =	vld [tilespmem:s16+$0x16700]  }
0x13d: {  	v1 =	vadd.f32 v2, v1;
	v2 =	vmul.f32 v8, v7;
	v7 =	vld [tilespmem:s16+$0x13F00]  }
0x13e: {  	v8 =	vld [tilespmem:s16+$0x16C00]  }
0x13f: {  	v1 =	vadd.f32 v2, v1;
	v2 =	vmul.f32 v4, v3;
	v3 =	vld [tilespmem:s16+$0x14400]  }
0x140: {  	v4 =	vld [tilespmem:s16+$0x17100]  }
0x141: {  	v1 =	vadd.f32 v2, v1;
	v2 =	vmul.f32 v6, v5;
	v5 =	vld [tilespmem:s14+$0x0]  }
0x142: {  	v6 =	vld [tilespmem:s13+$0x0]  }
0x143: {  	v1 =	vadd.f32 v2, v1;
	v2 =	vmul.f32 v8, v7;
	_ =	sdelay $0x1  }
0x144: {  	v1 =	vadd.f32 v2, v1;
	v2 =	vmul.f32 v4, v3;
	_ =	sdelay $0x1  }
0x145: {  	v1 =	vadd.f32 v2, v1;
	v2 =	vmul.f32 v6, v5;
	_ =	sdelay $0x1  }
0x146: {  	v1 =	vadd.f32 v2, v1  }
.Ltmp7:
0x147: {  	s12 =	sadd.s32 $0x10, s12;
	(pc) =	sbr.rel @p1 .LBB2_16-.Ltmp7, $4  }
0x148: {  	s13 =	sadd.s32 $0x10, s13;
	[tilespmem:s12+$0x0] =	vst v1  }
0x149: {  	s14 =	sadd.s32 $0x10, s14;
	v1 =	vld [tilespmem:s13+$0xFFFFD800]  }
0x14a: {  	s16 =	sand.u32 $0x7F0, s15;
	v2 =	vld [tilespmem:s14+$0xFFFFD800]  }
0x14b: {  	s15 =	sadd.s32 $0x10, s15;
	v3 =	vld [tilespmem:s16+$0x12600]  }
0x14c: {  	v4 =	vld [tilespmem:s16+$0x15300]  }
0x14d: {  	v5 =	vld [tilespmem:s16+$0x12B00]  }
0x14e: {  	v6 =	vld [tilespmem:s16+$0x15800]  }
0x14f: {  	v7 =	vld [tilespmem:s16+$0x13000]  }
0x150: {  	v8 =	vld [tilespmem:s16+$0x15D00]  }
0x151: {  	v56 =	vld [tilespmem:s16+$0x16200];
	v1 =	vmul.f32 v1, v2;
	v2 =	vmul.f32 v4, v3  }
0x152: {  	v3 =	vld [tilespmem:s16+$0x13500]  }
0x153: {  	v57 =	vld [tilespmem:s16+$0x13A00];
	v1 =	vadd.f32 v2, v1;
	v2 =	vmul.f32 v6, v5  }
0x154: {  	v58 =	vld [tilespmem:s16+$0x16700]  }
0x155: {  	v59 =	vld [tilespmem:s16+$0x13F00];
	v1 =	vadd.f32 v2, v1;
	v2 =	vmul.f32 v8, v7  }
0x156: {  	v60 =	vld [tilespmem:s16+$0x16C00]  }
0x157: {  	v61 =	vld [tilespmem:s16+$0x17100];
	v1 =	vadd.f32 v2, v1;
	v2 =	vmul.f32 v56, v3  }
0x158: {  	v3 =	vld [tilespmem:s16+$0x14400]  }
0x159: {  	v62 =	vld [tilespmem:s14+$0x0];
	v1 =	vadd.f32 v2, v1;
	v2 =	vmul.f32 v58, v57  }
0x15a: {  	v63 =	vld [tilespmem:s13+$0x0]  }
0x15b: {  	v1 =	vadd.f32 v2, v1;
	v2 =	vmul.f32 v60, v59;
	_ =	sdelay $0x1  }
0x15c: {  	v1 =	vadd.f32 v2, v1;
	v2 =	vmul.f32 v61, v3;
	_ =	sdelay $0x1  }
0x15d: {  	p1 =	seq.s32 s9, $0x9;
	v1 =	vadd.f32 v2, v1;
	v2 =	vmul.f32 v63, v62  }
.Ltmp8:
0x15e: {  	s25 =	rddreg [dreg:$0x16];
	(pc) =	sbr.rel @p1 .LBB2_19-.Ltmp8, $4  }
0x15f: {  	s13 =	sadd.s32 s10, s25;
	v1 =	vadd.f32 v2, v1  }
0x160: {  	s12 =	sadd.s32 $0x10, s12;
	s13 =	sshrl.u32 s13, $0x3  }
0x161: {  	s31 =	simm.s32 $0x17B00;
	s29 =	sadd.s32 s8, s13;
	[tilespmem:s12+$0x0] =	vst v1  }
0x162: {  	[hbm4b:s29+s3] =	stream.linear.scatter [tilespmem:s31], [sflag:$0x6], $0x500, $0x38;
	[tilespmem:$0x1C000] =	vst v63  }
.LBB2_18:
0x163: {  	s11 =	sadd.s32 s11, s28  }
0x164: {  	s11 =	sshrl.u32 s11, $0x3  }
0x165: {  	s13 =	simm.s32 $0x4000;
	s12 =	sadd.s32 s4, s11  }
0x166: {  	[tilespmem:s13], [sflag:$0x1] =	stream.strided.gather [hbm4b:s12+s0], $0x500, s1, s0, $0x38;
	[tilespmem:$0x1C000] =	vst v63  }
0x167: {  	s22 =	simm.s32 $0x4500;
	s21 =	sadd.s32 s5, s11  }
0x168: {  	[tilespmem:s22], [sflag:$0x1] =	stream.strided.gather [hbm4b:s21+s0], $0x500, s1, s0, $0x38;
	[tilespmem:$0x1C000] =	vst v63  }
0x169: {  	s29 =	simm.s32 $0x4A00;
	s25 =	sadd.s32 s6, s11  }
0x16a: {  	[tilespmem:s29], [sflag:$0x1] =	stream.strided.gather [hbm4b:s25+s0], $0x500, s1, s0, $0x38;
	[tilespmem:$0x1C000] =	vst v63  }
0x16b: {  	s31 =	simm.s32 $0x4F00;
	s11 =	sadd.s32 s7, s11  }
0x16c: {  	[tilespmem:s31], [sflag:$0x1] =	stream.strided.gather [hbm4b:s11+s0], $0x500, s1, s0, $0x38;
	[tilespmem:$0x1C000] =	vst v63  }
.LBB2_19:
0x16d: {  	_ =	swait.ge [sflag:s30], $0x500  }
0x16e: {  	[sflag:s30] =	ssyncset.done $0x0  }
0x16f: {  	[sflag:s30] =	ssyncadd.s32 $0xFFFFFB00  }
0x170: {  	_ =	swait.ge [sflag:s30], $0x500  }
0x171: {  	[sflag:s30] =	ssyncset.done $0x0  }
0x172: {  	[sflag:s30] =	ssyncadd.s32 $0xFFFFFB00  }
0x173: {  	_ =	swait.ge [sflag:s30], $0x500  }
0x174: {  	[sflag:s30] =	ssyncset.done $0x0  }
0x175: {  	[sflag:s30] =	ssyncadd.s32 $0xFFFFFB00  }
0x176: {  	_ =	swait.ge [sflag:s30], $0x500  }
0x177: {  	[sflag:s30] =	ssyncset.done $0x0  }
0x178: {  	s14 =	simm.s32 $0x5400;
	[sflag:s30] =	ssyncadd.s32 $0xFFFFFB00  }
0x179: {  	s11 =	simm.s32 $0x5900;
	v3 =	vld [tilespmem:s14+$0x0]  }
0x17a: {  	v13 =	vld [tilespmem:s11+$0x0];
	_ =	sdelay $0x1  }
0x17b: {  	s25 =	simm.s32 $0x6300  }
0x17c: {  	v1 =	vld [tilespmem:s25+$0x0]  }
0x17d: {  	v2 =	vmul.f32 $5.120000240e-01, v3  }
0x17e: {  	v4 =	vmul.f32 $5.120000240e-01, v13  }
0x17f: {  	v2 =	vtrunc.f32 v2  }
0x180: {  	v4 =	vtrunc.f32 v4;
	v2 =	vcvt.f32.s32 v2  }
0x181: {  	v7 =	vadd.f32 v1, v13;
	v1 =	vcvt.f32.s32 v4  }
0x182: {  	s31 =	simm.s32 $0x5E00;
	vm0 =	vgt.s32 v2, $0x0  }
0x183: {  	v5 =	vld [tilespmem:s31+$0x0];
	v4 =	vmul.f32 $5.120000240e-01, v7;
	v6 =	vnsel vm0, $0x0, v2;
	vm0 =	vgt.s32 v1, $0x0  }
0x184: {  	v10 =	vmin.u32 v6, $0x1FF;
	v14 =	vnsel vm0, $0x0, v1  }
0x185: {  	v1 =	vtrunc.f32 v4;
	v2 =	vcvt.s32.f32 v10;
	v4 =	vmin.u32 v14, $0x1FF  }
0x186: {  	v9 =	vcvt.f32.s32 v1;
	v11 =	vcvt.s32.f32 v4  }
0x187: {  	v8 =	vadd.s32 $0x1, v10;
	v1 =	vadd.s32 $0x2, v4;
	v12 =	vmul.f32 $1.953125000e+00, v2  }
0x188: {  	v2 =	vadd.f32 v5, v3;
	vm0 =	vgt.s32 v9, $0x0;
	v15 =	vmul.f32 $1.953125000e+00, v11  }
0x189: {  	v11 =	vadd.f32 $1.953125000e+00, v12;
	v5 =	vmax.f32 v3, v12;
	v3 =	vnsel vm0, $0x0, v9  }
0x18a: {  	s21 =	simm.s32 $0x0;
	s16 =	simm.s32 $0x12100;
	s22 =	simm.s32 $0xF400;
	v9 =	vadd.s32 $0x1, v4;
	v16 =	vmin.u32 v3, $0x1FF;
	v12 =	vadd.f32 $1.953125000e+00, v15  }
0x18b: {  	s15 =	simm.s32 $0x5910;
	s13 =	simm.s32 $0x5E10;
	s29 =	simm.s32 $0x6310;
	v13 =	vmax.f32 v13, v15;
	v3 =	vadd.f32 $1.953125000e+00, v11;
	v17 =	vmin.f32 v2, v11  }
0x18c: {  	s12 =	simm.s32 $0xF400;
	s25 =	simm.s32 $0x10;
	s11 =	simm.s32 $0x12100;
	vm0 =	vgt.u32 v16, v9;
	vm1 =	vlt.u32 v14, v16;
	v5 =	vsub.f32 v17, v5  }
.LBB2_20:
0x18d: {  	v14 =	vmul.f32 $5.120000240e-01, v2;
	v15 =	vadd.f32 $1.953125000e+00, v12;
	v16 =	vsub.f32 v7, v12;
	s16 =	sadd.s32 $0x10, s16;
	s22 =	sadd.s32 $0x10, s22;
	s14 =	sadd.s32 $0x10, s14  }
0x18e: {  	p1 =	sne.s32 s25, $0x4F0;
	v11 =	vsub.f32 v2, v11;
	v12 =	vmin.f32 v7, v12;
	v10 =	vshll.u32 v10, $0x9;
	s18 =	smov.u32 s25;
	s25 =	sadd.s32 $0x10, s25  }
0x18f: {  	v12 =	vsub.f32 v12, v13;
	v13 =	vadd.s32 v10, v9;
	v14 =	vtrunc.f32 v14  }
0x190: {  	v17 =	vadd.s32 v10, v1;
	v11 =	vmin.f32 v11, $1.953125000e+00;
	v16 =	vmin.f32 v16, $1.953125000e+00  }
0x191: {  	v19 =	vadd.s32 $0x400, v10;
	v14 =	vcvt.f32.s32 v14;
	v18 =	vmul.f32 v12, v11  }
0x192: {  	v20 =	vshll.u32 v8, $0x9;
	v10 =	vor.u32 v4, v10;
	v21 =	vor.u32 v4, v19  }
0x193: {  	v7 =	vsub.f32 v7, v15;
	v4 =	vor.u32 v4, v20;
	v15 =	vadd.s32 v9, v20  }
0x194: {  	v13 =	vnsel vm1, $0xFFFFFFFF, v13;
	v9 =	vadd.s32 v9, v19;
	vm2 =	vgt.s32 v14, $0x0  }
0x195: {  	v22 =	vmul.f32 v12, v5;
	v23 =	vmul.f32 v16, v11;
	v14 =	vnsel vm2, $0x0, v14  }
0x196: {  	v11 =	vmul.f32 v7, v11;
	v14 =	vmin.u32 v14, $0x1FF;
	[tilespmem:s12+$0x0] =	vst v10;
	v10 =	vnsel vm0, $0xFFFFFFFF, v17  }
0x197: {  	s31 =	sand.u32 $0x7F0, s21;
	s21 =	smov.u32 s18;
	vm4 =	vlt.u32 v6, v14;
	vm2 =	vgt.u32 v14, v8;
	v6 =	vadd.s32 v1, v20;
	[tilespmem:s11+$0x0] =	vst v22  }
0x198: {  	vm5 =	vmand vm4, vm1;
	vm6 =	vmand vm4, vm0;
	vm3 =	vmand vm2, vm1;
	[tilespmem:s31+$0xF900] =	vst v13  }
0x199: {  	v8 =	vmul.f32 v16, v5;
	v13 =	vnsel vm5, $0x0, v23;
	[tilespmem:s31+$0xFE00] =	vst v10;
	v10 =	vnsel vm5, $0xFFFFFFFF, v15  }
0x19a: {  	v6 =	vnsel vm6, $0xFFFFFFFF, v6;
	v9 =	vnsel vm3, $0xFFFFFFFF, v9;
	[tilespmem:s31+$0x10800] =	vst v10;
	v10 =	vnsel vm6, $0x0, v11  }
0x19b: {  	v4 =	vnsel vm4, $0xFFFFFFFF, v4;
	v8 =	vnsel vm1, $0x0, v8;
	v11 =	vnsel vm4, $0x0, v18;
	[tilespmem:s31+$0x13A00] =	vst v10  }
0x19c: {  	v5 =	vmul.f32 v7, v5;
	vm1 =	vmand vm2, vm0;
	v10 =	vnsel vm2, $0xFFFFFFFF, v21;
	[tilespmem:s31+$0x13000] =	vst v11  }
0x19d: {  	v1 =	vadd.s32 v1, v19;
	[tilespmem:s31+$0x11200] =	vst v10  }
0x19e: {  	v2 =	vsub.f32 v2, v3;
	v3 =	vnsel vm0, $0x0, v5;
	[tilespmem:s31+$0x10D00] =	vst v6  }
0x19f: {  	[tilespmem:s31+$0x12B00] =	vst v3  }
0x1a0: {  	v5 =	vmul.f32 v16, v2;
	v3 =	vmul.f32 v12, v2;
	[tilespmem:s31+$0x11700] =	vst v9  }
0x1a1: {  	v2 =	vmul.f32 v7, v2;
	[tilespmem:s31+$0x13500] =	vst v13  }
0x1a2: {  	v3 =	vnsel vm2, $0x0, v3;
	[tilespmem:s31+$0x10300] =	vst v4;
	v4 =	vnsel vm3, $0x0, v5  }
0x1a3: {  	[tilespmem:s31+$0x13F00] =	vst v3  }
0x1a4: {  	[tilespmem:s31+$0x14400] =	vst v4  }
0x1a5: {  	v1 =	vnsel vm1, $0xFFFFFFFF, v1;
	[tilespmem:s31+$0x12600] =	vst v8  }
0x1a6: {  	[tilespmem:s12+$0x2800] =	vst v1;
	v1 =	vnsel vm1, $0x0, v2;
	s12 =	smov.u32 s22  }
0x1a7: {  	[tilespmem:s11+$0x2800] =	vst v1;
	s11 =	smov.u32 s16  }
0x1a8: {  	v3 =	vld [tilespmem:s14+$0x0]  }
0x1a9: {  	v13 =	vld [tilespmem:s15+$0x0]  }
0x1aa: {  	v2 =	vld [tilespmem:s13+$0x0]  }
0x1ab: {  	v1 =	vld [tilespmem:s29+$0x0];
	_ =	sdelay $0x1  }
0x1ac: {  	v4 =	vmul.f32 $5.120000240e-01, v3  }
0x1ad: {  	v5 =	vmul.f32 $5.120000240e-01, v13  }
0x1ae: {  	v4 =	vtrunc.f32 v4  }
0x1af: {  	v7 =	vadd.f32 v1, v13;
	v1 =	vcvt.f32.s32 v4;
	v4 =	vtrunc.f32 v5  }
0x1b0: {  	v4 =	vcvt.f32.s32 v4  }
0x1b1: {  	vm0 =	vgt.s32 v1, $0x0;
	v5 =	vmul.f32 $5.120000240e-01, v7  }
0x1b2: {  	v6 =	vnsel vm0, $0x0, v1;
	vm0 =	vgt.s32 v4, $0x0  }
0x1b3: {  	v10 =	vmin.u32 v6, $0x1FF;
	v14 =	vnsel vm0, $0x0, v4;
	v1 =	vtrunc.f32 v5  }
0x1b4: {  	v5 =	vcvt.s32.f32 v10;
	v4 =	vmin.u32 v14, $0x1FF  }
0x1b5: {  	v9 =	vcvt.f32.s32 v1;
	v11 =	vcvt.s32.f32 v4  }
0x1b6: {  	v8 =	vadd.s32 $0x1, v10;
	v1 =	vadd.s32 $0x2, v4;
	v5 =	vmul.f32 $1.953125000e+00, v5  }
.Ltmp9:
0x1b7: {  	v2 =	vadd.f32 v2, v3;
	vm0 =	vgt.s32 v9, $0x0;
	v15 =	vmul.f32 $1.953125000e+00, v11;
	(pc) =	sbr.rel @p1 .LBB2_20-.Ltmp9, $4  }
0x1b8: {  	v11 =	vadd.f32 $1.953125000e+00, v5;
	v5 =	vmax.f32 v3, v5;
	v3 =	vnsel vm0, $0x0, v9  }
0x1b9: {  	v9 =	vadd.s32 $0x1, v4;
	v16 =	vmin.u32 v3, $0x1FF;
	v12 =	vadd.f32 $1.953125000e+00, v15  }
0x1ba: {  	v3 =	vadd.f32 $1.953125000e+00, v11;
	v17 =	vmin.f32 v2, v11;
	vm0 =	vgt.u32 v16, v9  }
0x1bb: {  	s15 =	sadd.s32 $0x10, s15;
	s13 =	sadd.s32 $0x10, s13;
	s29 =	sadd.s32 $0x10, s29;
	v13 =	vmax.f32 v13, v15;
	vm1 =	vlt.u32 v14, v16;
	v5 =	vsub.f32 v17, v5  }
0x1bc: {  	v14 =	vmul.f32 $5.120000240e-01, v2;
	v15 =	vadd.f32 $1.953125000e+00, v12;
	v11 =	vsub.f32 v2, v11  }
0x1bd: {  	v16 =	vmin.f32 v7, v12;
	v10 =	vshll.u32 v10, $0x9;
	v39 =	vsub.f32 v7, v12  }
0x1be: {  	v20 =	vshll.u32 v8, $0x9;
	v13 =	vsub.f32 v16, v13;
	v14 =	vtrunc.f32 v14  }
0x1bf: {  	v2 =	vsub.f32 v2, v3;
	v40 =	vadd.s32 v10, v9;
	v14 =	vcvt.f32.s32 v14  }
0x1c0: {  	v18 =	vor.u32 v4, v10;
	v41 =	vsub.f32 v7, v15;
	v19 =	vmul.f32 v13, v5  }
0x1c1: {  	v17 =	vadd.s32 v10, v1;
	v11 =	vmin.f32 v11, $1.953125000e+00;
	[tilespmem:s12+$0x0] =	vst v18;
	vm2 =	vgt.s32 v14, $0x0  }
0x1c2: {  	s13 =	sand.u32 $0x7F0, s21;
	v16 =	vnsel vm1, $0xFFFFFFFF, v40;
	v51 =	vmul.f32 v41, v5;
	[tilespmem:s11+$0x0] =	vst v19;
	v14 =	vnsel vm2, $0x0, v14  }
0x1c3: {  	v43 =	vnsel vm0, $0xFFFFFFFF, v17;
	v45 =	vmul.f32 v13, v11;
	[tilespmem:s13+$0xF900] =	vst v16;
	v14 =	vmin.u32 v14, $0x1FF  }
0x1c4: {  	v10 =	vadd.s32 $0x400, v10;
	[tilespmem:s13+$0xFE00] =	vst v43;
	v3 =	vnsel vm0, $0x0, v51;
	vm13 =	vlt.u32 v6, v14  }
0x1c5: {  	v48 =	vor.u32 v4, v10;
	[tilespmem:s13+$0x12B00] =	vst v3;
	vm5 =	vgt.u32 v14, v8;
	v49 =	vnsel vm13, $0x0, v45  }
0x1c6: {  	v42 =	vadd.s32 v9, v20;
	v3 =	vor.u32 v4, v20;
	v52 =	vnsel vm5, $0xFFFFFFFF, v48;
	[tilespmem:s13+$0x13000] =	vst v49  }
0x1c7: {  	v44 =	vmul.f32 v41, v11;
	vm3 =	vmand vm13, vm1;
	v3 =	vnsel vm13, $0xFFFFFFFF, v3;
	[tilespmem:s13+$0x11200] =	vst v52  }
0x1c8: {  	v50 =	vadd.s32 v1, v20;
	vm4 =	vmand vm13, vm0;
	v46 =	vnsel vm3, $0xFFFFFFFF, v42;
	[tilespmem:s13+$0x10300] =	vst v3  }
0x1c9: {  	v12 =	vmin.f32 v39, $1.953125000e+00;
	v53 =	vadd.s32 v9, v10;
	v47 =	vnsel vm4, $0x0, v44;
	[tilespmem:s13+$0x10800] =	vst v46  }
0x1ca: {  	v11 =	vmul.f32 v12, v11;
	vm14 =	vmand vm5, vm1;
	v6 =	vnsel vm4, $0xFFFFFFFF, v50;
	[tilespmem:s13+$0x13A00] =	vst v47  }
0x1cb: {  	v55 =	vmul.f32 v13, v2;
	v54 =	vnsel vm14, $0xFFFFFFFF, v53;
	[tilespmem:s13+$0x10D00] =	vst v6  }
0x1cc: {  	v56 =	vmul.f32 v12, v2;
	v5 =	vmul.f32 v12, v5;
	v4 =	vnsel vm3, $0x0, v11;
	[tilespmem:s13+$0x11700] =	vst v54  }
0x1cd: {  	v3 =	vnsel vm5, $0x0, v55;
	[tilespmem:s13+$0x13500] =	vst v4  }
0x1ce: {  	v4 =	vnsel vm1, $0x0, v5;
	v5 =	vnsel vm14, $0x0, v56;
	[tilespmem:s13+$0x13F00] =	vst v3  }
0x1cf: {  	v1 =	vadd.s32 v1, v10;
	v2 =	vmul.f32 v41, v2;
	vm15 =	vmand vm5, vm0;
	[tilespmem:s13+$0x14400] =	vst v5  }
0x1d0: {  	v1 =	vnsel vm15, $0xFFFFFFFF, v1;
	[tilespmem:s13+$0x12600] =	vst v4  }
0x1d1: {  	[tilespmem:s12+$0x2800] =	vst v1;
	v1 =	vnsel vm15, $0x0, v2  }
0x1d2: {  	[tilespmem:s11+$0x2800] =	vst v1;
	(ifvalue) =	ssetifvalue $0xFFFFFFFF  }
0x1d3: {  	s21 =	simm.s32 $0xF400;
	s22 =	simm.s32 $0x14E00;
	(ifvalue) =	ssetifvalue $0xFFFFFFFF  }
0x1d4: {  	[tilespmem:s22], [sflag:$0x4] =	stream.indirect.gather [spmem:s2], $0x1, s21, s24, $0x40b8;
	[tilespmem:$0x1C000] =	vst v63  }
0x1d5: {  	_ =	swait.ge [sflag:s17], $0x2D00  }
0x1d6: {  	[sflag:s17] =	ssyncset.done $0x0  }
0x1d7: {  	s11 =	simm.s32 @!p0 $0x5;
	[sflag:s17] =	ssyncadd.s32 $0xFFFFD300  }
0x1d8: {  	_ =	swait.ge @!p0 [sflag:s11], $0x500  }
0x1d9: {  	[sflag:s11] =	ssyncset.done @!p0 $0x0  }
0x1da: {  	s25 =	simm.s32 $0xEA00;
	[sflag:s11] =	ssyncadd.s32 @!p0 $0xFFFFFB00  }
0x1db: {  	s29 =	simm.s32 $0x0;
	s31 =	simm.s32 $0xBD00;
	v1 =	vld [tilespmem:s25+$0xFFFFD800]  }
0x1dc: {  	s12 =	sand.u32 $0x7F0, s29;
	v2 =	vld [tilespmem:s31+$0xFFFFD800]  }
0x1dd: {  	v3 =	vld [tilespmem:s12+$0x9A00]  }
0x1de: {  	v4 =	vld [tilespmem:s12+$0xC700]  }
0x1df: {  	v5 =	vld [tilespmem:s12+$0x9F00]  }
0x1e0: {  	v57 =	vld [tilespmem:s12+$0xCC00]  }
0x1e1: {  	v58 =	vld [tilespmem:s12+$0xA400]  }
0x1e2: {  	v59 =	vld [tilespmem:s12+$0xD100]  }
0x1e3: {  	v1 =	vmul.f32 v1, v2;
	v2 =	vmul.f32 v4, v3;
	v3 =	vld [tilespmem:s12+$0xA900]  }
0x1e4: {  	v4 =	vld [tilespmem:s12+$0xD600]  }
0x1e5: {  	v60 =	vld [tilespmem:s12+$0xDB00];
	v1 =	vadd.f32 v2, v1;
	v2 =	vmul.f32 v57, v5  }
0x1e6: {  	v5 =	vld [tilespmem:s12+$0xAE00]  }
0x1e7: {  	v61 =	vld [tilespmem:s12+$0xB300];
	v1 =	vadd.f32 v2, v1;
	v2 =	vmul.f32 v59, v58  }
0x1e8: {  	v62 =	vld [tilespmem:s12+$0xE000]  }
0x1e9: {  	v1 =	vadd.f32 v2, v1;
	v2 =	vmul.f32 v4, v3;
	v3 =	vld [tilespmem:s12+$0xB800]  }
0x1ea: {  	v4 =	vld [tilespmem:s12+$0xE500]  }
0x1eb: {  	v63 =	vld [tilespmem:s25+$0x0];
	v1 =	vadd.f32 v2, v1;
	v2 =	vmul.f32 v60, v5  }
0x1ec: {  	v5 =	vld [tilespmem:s31+$0x0]  }
0x1ed: {  	v1 =	vadd.f32 v2, v1;
	v2 =	vmul.f32 v62, v61;
	_ =	sdelay $0x1  }
0x1ee: {  	v1 =	vadd.f32 v2, v1;
	v2 =	vmul.f32 v4, v3;
	_ =	sdelay $0x1  }
0x1ef: {  	v1 =	vadd.f32 v2, v1;
	v2 =	vmul.f32 v63, v5;
	_ =	sdelay $0x1  }
0x1f0: {  	v1 =	vadd.f32 v2, v1  }
0x1f1: {  	s11 =	simm.s32 $0xEF00  }
0x1f2: {  	s12 =	simm.s32 $0xEA10;
	[tilespmem:s11+$0x0] =	vst v1  }
0x1f3: {  	s14 =	simm.s32 $0x10;
	s13 =	simm.s32 $0xBD10;
	v1 =	vld [tilespmem:s12+$0xFFFFD800]  }
0x1f4: {  	s15 =	sand.u32 $0x7F0, s14;
	v2 =	vld [tilespmem:s13+$0xFFFFD800]  }
0x1f5: {  	s14 =	simm.s32 $0x20;
	v3 =	vld [tilespmem:s15+$0x9A00]  }
.LBB2_22:
0x1f6: {  	p0 =	sne.s32 s14, $0x4F0;
	v4 =	vld [tilespmem:s15+$0xC700]  }
0x1f7: {  	v5 =	vld [tilespmem:s15+$0x9F00]  }
0x1f8: {  	v6 =	vld [tilespmem:s15+$0xCC00]  }
0x1f9: {  	v7 =	vld [tilespmem:s15+$0xA400]  }
0x1fa: {  	v8 =	vld [tilespmem:s15+$0xD100]  }
0x1fb: {  	v1 =	vmul.f32 v1, v2;
	v2 =	vmul.f32 v4, v3;
	v3 =	vld [tilespmem:s15+$0xA900]  }
0x1fc: {  	v4 =	vld [tilespmem:s15+$0xD600]  }
0x1fd: {  	v1 =	vadd.f32 v2, v1;
	v2 =	vmul.f32 v6, v5;
	v5 =	vld [tilespmem:s15+$0xAE00]  }
0x1fe: {  	v6 =	vld [tilespmem:s15+$0xDB00]  }
0x1ff: {  	v1 =	vadd.f32 v2, v1;
	v2 =	vmul.f32 v8, v7;
	v7 =	vld [tilespmem:s15+$0xB300]  }
0x200: {  	v8 =	vld [tilespmem:s15+$0xE000]  }
0x201: {  	v1 =	vadd.f32 v2, v1;
	v2 =	vmul.f32 v4, v3;
	v3 =	vld [tilespmem:s15+$0xB800]  }
0x202: {  	v4 =	vld [tilespmem:s15+$0xE500]  }
0x203: {  	v1 =	vadd.f32 v2, v1;
	v2 =	vmul.f32 v6, v5;
	v5 =	vld [tilespmem:s13+$0x0]  }
0x204: {  	v6 =	vld [tilespmem:s12+$0x0]  }
0x205: {  	v1 =	vadd.f32 v2, v1;
	v2 =	vmul.f32 v8, v7;
	_ =	sdelay $0x1  }
0x206: {  	v1 =	vadd.f32 v2, v1;
	v2 =	vmul.f32 v4, v3;
	_ =	sdelay $0x1  }
0x207: {  	v1 =	vadd.f32 v2, v1;
	v2 =	vmul.f32 v6, v5;
	_ =	sdelay $0x1  }
0x208: {  	v1 =	vadd.f32 v2, v1  }
.Ltmp10:
0x209: {  	s11 =	sadd.s32 $0x10, s11;
	(pc) =	sbr.rel @p0 .LBB2_22-.Ltmp10, $4  }
0x20a: {  	s12 =	sadd.s32 $0x10, s12;
	[tilespmem:s11+$0x0] =	vst v1  }
0x20b: {  	s13 =	sadd.s32 $0x10, s13;
	v1 =	vld [tilespmem:s12+$0xFFFFD800]  }
0x20c: {  	s15 =	sand.u32 $0x7F0, s14;
	v2 =	vld [tilespmem:s13+$0xFFFFD800]  }
0x20d: {  	s14 =	sadd.s32 $0x10, s14;
	v3 =	vld [tilespmem:s15+$0x9A00]  }
0x20e: {  	v4 =	vld [tilespmem:s15+$0xC700]  }
0x20f: {  	v5 =	vld [tilespmem:s15+$0x9F00]  }
0x210: {  	v6 =	vld [tilespmem:s15+$0xCC00]  }
0x211: {  	v7 =	vld [tilespmem:s15+$0xA400]  }
0x212: {  	v8 =	vld [tilespmem:s15+$0xD100]  }
0x213: {  	v56 =	vld [tilespmem:s15+$0xD600];
	v1 =	vmul.f32 v1, v2;
	v2 =	vmul.f32 v4, v3  }
0x214: {  	v3 =	vld [tilespmem:s15+$0xA900]  }
0x215: {  	v57 =	vld [tilespmem:s15+$0xAE00];
	v1 =	vadd.f32 v2, v1;
	v2 =	vmul.f32 v6, v5  }
0x216: {  	v58 =	vld [tilespmem:s15+$0xDB00]  }
0x217: {  	v59 =	vld [tilespmem:s15+$0xB300];
	v1 =	vadd.f32 v2, v1;
	v2 =	vmul.f32 v8, v7  }
0x218: {  	v60 =	vld [tilespmem:s15+$0xE000]  }
0x219: {  	v61 =	vld [tilespmem:s15+$0xE500];
	v1 =	vadd.f32 v2, v1;
	v2 =	vmul.f32 v56, v3  }
0x21a: {  	v3 =	vld [tilespmem:s15+$0xB800]  }
0x21b: {  	v62 =	vld [tilespmem:s13+$0x0];
	v1 =	vadd.f32 v2, v1;
	v2 =	vmul.f32 v58, v57  }
0x21c: {  	v63 =	vld [tilespmem:s12+$0x0]  }
0x21d: {  	v1 =	vadd.f32 v2, v1;
	v2 =	vmul.f32 v60, v59;
	_ =	sdelay $0x1  }
0x21e: {  	v1 =	vadd.f32 v2, v1;
	v2 =	vmul.f32 v61, v3  }
0x21f: {  	s9 =	sadd.s32 $0x1, s9  }
0x220: {  	p0 =	sne.s32 s9, $0xA;
	v1 =	vadd.f32 v2, v1;
	v2 =	vmul.f32 v63, v62  }
.Ltmp11:
0x221: {  	_ = 	snop;
	(pc) =	sbr.rel @p0 .LBB2_12-.Ltmp11, $4  }
0x222: {  	s10 =	sadd.s32 s19, s10;
	v1 =	vadd.f32 v2, v1  }
0x223: {  	s11 =	sadd.s32 $0x10, s11;
	s10 =	sshrl.u32 s10, $0x3  }
0x224: {  	s31 =	simm.s32 $0xEF00;
	s10 =	sadd.s32 s8, s10;
	[tilespmem:s11+$0x0] =	vst v1  }
0x225: {  	[hbm4b:s10+s3] =	stream.linear.scatter [tilespmem:s31], [sflag:$0x5], $0x500, $0x38;
	[tilespmem:$0x1C000] =	vst v63  }
0x226: {  	_ =	swait.ge [sflag:s20], $0x2D00  }
0x227: {  	[sflag:s20] =	ssyncset.done $0x0  }
0x228: {  	s14 =	simm.s32 $0x6;
	[sflag:s20] =	ssyncadd.s32 $0xFFFFD300  }
0x229: {  	_ =	swait.ge [sflag:s14], $0x500  }
0x22a: {  	[sflag:s14] =	ssyncset.done $0x0  }
0x22b: {  	s9 =	simm.s32 $0x17600;
	[sflag:s14] =	ssyncadd.s32 $0xFFFFFB00  }
0x22c: {  	s10 =	simm.s32 $0x0;
	s11 =	simm.s32 $0x14900;
	v1 =	vld [tilespmem:s9+$0xFFFFD800]  }
0x22d: {  	s10 =	sand.u32 $0x7F0, s10;
	v2 =	vld [tilespmem:s11+$0xFFFFD800]  }
0x22e: {  	v3 =	vld [tilespmem:s10+$0x12600]  }
0x22f: {  	v4 =	vld [tilespmem:s10+$0x15300]  }
0x230: {  	v5 =	vld [tilespmem:s10+$0x12B00]  }
0x231: {  	v6 =	vld [tilespmem:s10+$0x15800]  }
0x232: {  	v7 =	vld [tilespmem:s10+$0x13000]  }
0x233: {  	v8 =	vld [tilespmem:s10+$0x15D00]  }
0x234: {  	v1 =	vmul.f32 v1, v2;
	v2 =	vmul.f32 v4, v3;
	v3 =	vld [tilespmem:s10+$0x13500]  }
0x235: {  	v4 =	vld [tilespmem:s10+$0x16200]  }
0x236: {  	v60 =	vld [tilespmem:s10+$0x16700];
	v1 =	vadd.f32 v2, v1;
	v2 =	vmul.f32 v6, v5  }
0x237: {  	v5 =	vld [tilespmem:s10+$0x13A00]  }
0x238: {  	v61 =	vld [tilespmem:s10+$0x13F00];
	v1 =	vadd.f32 v2, v1;
	v2 =	vmul.f32 v8, v7  }
0x239: {  	v62 =	vld [tilespmem:s10+$0x16C00]  }
0x23a: {  	v1 =	vadd.f32 v2, v1;
	v2 =	vmul.f32 v4, v3;
	v3 =	vld [tilespmem:s10+$0x14400]  }
0x23b: {  	v4 =	vld [tilespmem:s10+$0x17100]  }
0x23c: {  	v63 =	vld [tilespmem:s9+$0x0];
	v1 =	vadd.f32 v2, v1;
	v2 =	vmul.f32 v60, v5  }
0x23d: {  	v5 =	vld [tilespmem:s11+$0x0]  }
0x23e: {  	v1 =	vadd.f32 v2, v1;
	v2 =	vmul.f32 v62, v61;
	_ =	sdelay $0x1  }
0x23f: {  	v1 =	vadd.f32 v2, v1;
	v2 =	vmul.f32 v4, v3;
	_ =	sdelay $0x1  }
0x240: {  	v1 =	vadd.f32 v2, v1;
	v2 =	vmul.f32 v63, v5;
	_ =	sdelay $0x1  }
0x241: {  	v1 =	vadd.f32 v2, v1  }
0x242: {  	s9 =	simm.s32 $0x17B00  }
0x243: {  	s10 =	simm.s32 $0x17610;
	[tilespmem:s9+$0x0] =	vst v1  }
0x244: {  	s12 =	simm.s32 $0x10;
	s11 =	simm.s32 $0x14910;
	v1 =	vld [tilespmem:s10+$0xFFFFD800]  }
0x245: {  	s13 =	sand.u32 $0x7F0, s12;
	v2 =	vld [tilespmem:s11+$0xFFFFD800]  }
0x246: {  	s12 =	simm.s32 $0x20;
	v3 =	vld [tilespmem:s13+$0x12600]  }
.LBB2_25:
0x247: {  	p0 =	sne.s32 s12, $0x4F0;
	v4 =	vld [tilespmem:s13+$0x15300]  }
0x248: {  	v5 =	vld [tilespmem:s13+$0x12B00]  }
0x249: {  	v6 =	vld [tilespmem:s13+$0x15800]  }
0x24a: {  	v7 =	vld [tilespmem:s13+$0x13000]  }
0x24b: {  	v8 =	vld [tilespmem:s13+$0x15D00]  }
0x24c: {  	v1 =	vmul.f32 v1, v2;
	v2 =	vmul.f32 v4, v3;
	v3 =	vld [tilespmem:s13+$0x13500]  }
0x24d: {  	v4 =	vld [tilespmem:s13+$0x16200]  }
0x24e: {  	v1 =	vadd.f32 v2, v1;
	v2 =	vmul.f32 v6, v5;
	v5 =	vld [tilespmem:s13+$0x13A00]  }
0x24f: {  	v6 =	vld [tilespmem:s13+$0x16700]  }
0x250: {  	v1 =	vadd.f32 v2, v1;
	v2 =	vmul.f32 v8, v7;
	v7 =	vld [tilespmem:s13+$0x13F00]  }
0x251: {  	v8 =	vld [tilespmem:s13+$0x16C00]  }
0x252: {  	v1 =	vadd.f32 v2, v1;
	v2 =	vmul.f32 v4, v3;
	v3 =	vld [tilespmem:s13+$0x14400]  }
0x253: {  	v4 =	vld [tilespmem:s13+$0x17100]  }
0x254: {  	v1 =	vadd.f32 v2, v1;
	v2 =	vmul.f32 v6, v5;
	v5 =	vld [tilespmem:s11+$0x0]  }
0x255: {  	v6 =	vld [tilespmem:s10+$0x0]  }
0x256: {  	v1 =	vadd.f32 v2, v1;
	v2 =	vmul.f32 v8, v7;
	_ =	sdelay $0x1  }
0x257: {  	v1 =	vadd.f32 v2, v1;
	v2 =	vmul.f32 v4, v3;
	_ =	sdelay $0x1  }
0x258: {  	v1 =	vadd.f32 v2, v1;
	v2 =	vmul.f32 v6, v5;
	_ =	sdelay $0x1  }
0x259: {  	v1 =	vadd.f32 v2, v1  }
.Ltmp12:
0x25a: {  	s9 =	sadd.s32 $0x10, s9;
	(pc) =	sbr.rel @p0 .LBB2_25-.Ltmp12, $4  }
0x25b: {  	s10 =	sadd.s32 $0x10, s10;
	[tilespmem:s9+$0x0] =	vst v1  }
0x25c: {  	s11 =	sadd.s32 $0x10, s11;
	v1 =	vld [tilespmem:s10+$0xFFFFD800]  }
0x25d: {  	s13 =	sand.u32 $0x7F0, s12;
	v2 =	vld [tilespmem:s11+$0xFFFFD800]  }
0x25e: {  	s12 =	sadd.s32 $0x10, s12;
	v3 =	vld [tilespmem:s13+$0x12600]  }
0x25f: {  	v4 =	vld [tilespmem:s13+$0x15300]  }
0x260: {  	v5 =	vld [tilespmem:s13+$0x12B00]  }
0x261: {  	v6 =	vld [tilespmem:s13+$0x15800]  }
0x262: {  	v7 =	vld [tilespmem:s13+$0x13000]  }
0x263: {  	v8 =	vld [tilespmem:s13+$0x15D00]  }
0x264: {  	v56 =	vld [tilespmem:s13+$0x16200];
	v1 =	vmul.f32 v1, v2;
	v2 =	vmul.f32 v4, v3  }
0x265: {  	v3 =	vld [tilespmem:s13+$0x13500]  }
0x266: {  	v57 =	vld [tilespmem:s13+$0x13A00];
	v1 =	vadd.f32 v2, v1;
	v2 =	vmul.f32 v6, v5  }
0x267: {  	v58 =	vld [tilespmem:s13+$0x16700]  }
0x268: {  	v59 =	vld [tilespmem:s13+$0x13F00];
	v1 =	vadd.f32 v2, v1;
	v2 =	vmul.f32 v8, v7  }
0x269: {  	v60 =	vld [tilespmem:s13+$0x16C00]  }
0x26a: {  	v61 =	vld [tilespmem:s13+$0x17100];
	v1 =	vadd.f32 v2, v1;
	v2 =	vmul.f32 v56, v3  }
0x26b: {  	v3 =	vld [tilespmem:s13+$0x14400]  }
0x26c: {  	v62 =	vld [tilespmem:s11+$0x0];
	v1 =	vadd.f32 v2, v1;
	v2 =	vmul.f32 v58, v57  }
0x26d: {  	v63 =	vld [tilespmem:s10+$0x0]  }
0x26e: {  	v1 =	vadd.f32 v2, v1;
	v2 =	vmul.f32 v60, v59;
	_ =	sdelay $0x1  }
0x26f: {  	v1 =	vadd.f32 v2, v1;
	v2 =	vmul.f32 v61, v3;
	_ =	sdelay $0x1  }
0x270: {  	v1 =	vadd.f32 v2, v1;
	v2 =	vmul.f32 v63, v62;
	_ =	sdelay $0x1  }
0x271: {  	v1 =	vadd.f32 v2, v1  }
0x272: {  	s9 =	sadd.s32 $0x10, s9  }
0x273: {  	s21 =	rddreg [dreg:$0x14];
	s22 =	simm.s32 $0x17B00;
	s25 =	simm.s32 $0x5;
	[tilespmem:s9+$0x0] =	vst v1  }
0x274: {  	[hbm4b:s21+s3] =	stream.linear.scatter [tilespmem:s22], [sflag:$0x6], $0x500, $0x38;
	[tilespmem:$0x1C000] =	vst v63  }
0x275: {  	_ =	swait.ge [sflag:s25], $0x500  }
0x276: {  	[sflag:s25] =	ssyncset.done $0x0  }
0x277: {  	[sflag:s25] =	ssyncadd.s32 $0xFFFFFB00  }
0x278: {  	_ =	swait.ge [sflag:s14], $0x500  }
0x279: {  	s29 =	rddreg [dreg:$0x17]  }
0x27a: {  	s31 =	rddreg [dreg:$0x15];
	s10 =	sadd.s32 $0x1, s29  }
0x27b: {  	p0 =	sne.s32 s10, s31  }
.Ltmp13:
0x27c: {  	_ = 	snop;
	(pc) =	sbr.rel @p0 .LBB2_1-.Ltmp13, $4  }
0x27d: {  	_ = 	snop  }
0x27e: {  	s12 =	simm.s32 $0x100;
	s15 =	simm.s32 $0x3000;
	s16 =	simm.s32 $0x7  }
0x27f: {  	s18 =	simm.s32 $0x9;
	s13 =	simm.s32 $0x1000;
	[sflag:s14] =	ssyncset.done $0x0  }
0x280: {  	s21 =	simm.s32 $0x8;
	[sflag:s14] =	ssyncadd.s32 $0xFFFFFB00;
	s14 =	simm.s32 $0x2000  }
0x281: {  	_ =	sfence.sel $0x180000  }
0x282: {  	[bflag:$0x0] =	sbarrier.arrive $0xFFFF  }
0x283: {  	_ =	strace $0x9000004A  }
0x284: {  	s0 =	stileid.u32;
	[bflag:$0x2] =	sbarrier.arrive $0xFFFF  }
0x285: {  	p0 =	sne.s32 s0, $0x0;
	s0 =	rddreg [dreg:$0x3]  }
0x286: {  	s0 =	sadd.s32 @!p0 $0x100000, s0  }
0x287: {  	[sflag:s0] =	ssyncadd.tile.s32 @!p0 $0x1;
	_ =	shalt  }
.Lfunc_end2:
_tile_overlayer_lowered:
.L_overlay_start_2:
0x288: {  	(tag) =	ssettag $0x2  }
0x289: {  	s0 =	rddreg [dreg:$0x0];
	s2 =	stileid.u32  }
0x28a: {  	s1 =	rddreg [dreg:$0x1];
	p0 =	sne.s32 s2, $0x0  }
0x28b: {  	s3 =	rddreg [dreg:$0x2];
	[bflag:$0x3] =	sbarrier.arrive $0xFFFF;
	s2 =	simm.s32 @!p0 $0x1C09  }
0x28c: {  	[timem:s3], [sflag:s2] =	dma.local @!p0 [hbm:s0], s1  }
0x28d: {  	s0 =	simm.s32 @!p0 $0x9  }
0x28e: {  	_ =	swait.ge @!p0 [sflag:s0], s1  }
0x28f: {  	s1 =	ssub.s32 @!p0 $0x0, s1;
	[sflag:s0] =	ssyncset.done @!p0 $0x0  }
0x290: {  	[sflag:s0] =	ssyncadd.s32 @!p0 s1  }
0x291: {  	[bflag:$0x3] =	sbarrier.arrive $0xFFFF  }
0x292: {  	_ =	shalt  }

</sc_bundles>
